<compile_context>
chip_gen: v7x
topology: tpu7x:2x2x1
jax: 0.10.2.dev20260603
libtpu: 0.0.44.dev20260713+nightly
codegen_flags: <defaults>
</compile_context>

<pallas_src>
import functools

import jax
import jax.numpy as jnp
import numpy as np
from jax import lax
from jax.experimental import pallas as pl
from jax.experimental.pallas import tpu as pltpu
from jax.experimental.pallas import tpu_sc as plsc

N = 10000
E = 160000
C = 10
DL = 16
RL = 6
K_PROP = 10

NT = 16
CW = 128
CH = 80
EPT = CH * CW
NPT = N // NT
NACC = N + 16
NS = 12
GA = 6

_LOG_SCALE = 0.5 * DL * np.log(4.0 * np.pi)
_LOG2PI = np.log(2.0 * np.pi)


def _encoder_body(y_ref, x_ref, W1_ref, b1_ref, W2T_ref, b2T_ref, z0T_ref,
                  a_ref, b_ref, out_ref, logpc_scr):
    blk = x_ref.shape[0]

    @pl.when(pl.program_id(0) == 0)
    def _():
        y = y_ref[...]
        col = lax.broadcasted_iota(jnp.int32, (1, 128), 1)
        row = jnp.zeros((1, 128), jnp.float32)
        for c in range(C):
            cnt = jnp.sum(jnp.where(y == c, 1.0, 0.0))
            row = row + jnp.where(col == c, cnt, 0.0)
        logpc_scr[...] = jnp.where(col < C,
                                   jnp.log(row * (1.0 / float(N))), 0.0)

    h = jnp.maximum(
        jnp.dot(x_ref[...], W1_ref[...], preferred_element_type=jnp.float32)
        + b1_ref[...], 0.0)
    zT = lax.dot_general(W2T_ref[...], h, (((1,), (1,)), ((), ())),
                         preferred_element_type=jnp.float32) + b2T_ref[...]
    a_sp = jax.nn.softplus(a_ref[...])
    b_sp = jax.nn.softplus(b_ref[...])
    rows = []
    for c in range(C):
        zc = zT
        ldet = jnp.zeros((1, blk), jnp.float32)
        for l in range(RL):
            j = c * RL + l
            alpha = a_sp[:, j:j + 1]
            beta = b_sp[:, j:j + 1] - alpha
            z0 = z0T_ref[:, j:j + 1]
            diff = zc - z0
            r = jnp.sqrt(jnp.sum(diff * diff, axis=0, keepdims=True) + 1e-12)
            hh = 1.0 / (alpha + r)
            bh = beta * hh
            zc = zc + bh * diff
            ldet = ldet + (DL - 1) * jnp.log1p(bh) \
                + jnp.log1p(bh - beta * hh * hh * r)
        logq = -0.5 * (DL * _LOG2PI
                       + jnp.sum(zc * zc, axis=0, keepdims=True)) + ldet
        lp = logpc_scr[:, c:c + 1]
        rows.append(jnp.exp(jnp.clip(logq + lp + _LOG_SCALE, -30.0, 30.0)))
    out_ref[...] = jnp.concatenate(
        rows + [jnp.zeros((DL - C, blk), jnp.float32)], axis=0)


@functools.cache
def _make_appnp_sc():
    mesh = plsc.VectorSubcoreMesh(core_axis_name="c", subcore_axis_name="s",
                                  num_cores=1, num_subcores=NT)
    return pl.kernel(
        _appnp_body,
        out_type=[jax.ShapeDtypeStruct((N, DL), jnp.float32),
                  jax.ShapeDtypeStruct((NACC, DL), jnp.float32)],
        mesh=mesh,
        scratch_types=[
            pltpu.VMEM((CH, CW), jnp.int32),
            pltpu.VMEM((CH, CW), jnp.int32),
            pltpu.VMEM((NS, CW, DL), jnp.float32),
            pltpu.VMEM((NPT, DL), jnp.float32),
            pltpu.VMEM((NPT, DL), jnp.float32),
            pltpu.VMEM((NPT, DL), jnp.float32),
            pltpu.VMEM((NPT, DL), jnp.float32),
            pltpu.VMEM((NPT, DL), jnp.float32),
            pltpu.VMEM((NPT, DL), jnp.float32),
            pltpu.VMEM((NPT, DL), jnp.float32),
            pltpu.VMEM((CW, DL), jnp.float32),
            pltpu.VMEM_SHARED((NACC, DL), jnp.float32),
            pltpu.SemaphoreType.DMA((NS,)),
            pltpu.SemaphoreType.DMA((NS,)),
        ],
        compiler_params=pltpu.CompilerParams(use_tc_tiling_on_sc=False,
                                             needs_layout_passes=False),
    )


def _appnp_body(src_hbm, dst_hbm, x0_hbm, soft_hbm, g_hbm,
                idx_s, idx_d, gbuf, accv, gv, u9v, v0v, dinvv, x0v, zv, onesv,
                acc_s, gsem, ssem):
    wid = lax.axis_index("s")
    base = wid * NPT

    pltpu.sync_copy(src_hbm.at[wid], idx_s)
    pltpu.sync_copy(dst_hbm.at[wid], idx_d)
    pltpu.sync_copy(x0_hbm.at[pl.ds(base, NPT)], x0v)

    ones16 = jnp.ones((DL,), jnp.float32)
    zero16 = jnp.zeros((DL,), jnp.float32)

    @pl.loop(0, CW)
    def _(i):
        onesv[i] = ones16

    @pl.loop(0, NPT)
    def _(i):
        zv[i] = zero16

    pltpu.sync_copy(zv, acc_s.at[pl.ds(base, NPT)])

    @pl.when(wid == 0)
    def _():
        pltpu.sync_copy(zv.at[pl.ds(0, 16)], acc_s.at[pl.ds(N, 16)])
        pltpu.sync_copy(zv.at[pl.ds(0, 16)], g_hbm.at[pl.ds(N, 16)])

    plsc.subcore_barrier()

    @pl.loop(0, CH)
    def _(c):
        s = lax.rem(c, NS)

        @pl.when(c >= NS)
        def _():
            pltpu.make_async_copy(onesv, acc_s.at[idx_d.at[0]],
                                  ssem.at[s]).wait()

        pltpu.async_copy(onesv, acc_s.at[idx_d.at[c]], ssem.at[s], add=True)

    for s in range(NS):
        pltpu.make_async_copy(onesv, acc_s.at[idx_d.at[0]], ssem.at[s]).wait()

    plsc.subcore_barrier()

    pltpu.sync_copy(acc_s.at[pl.ds(base, NPT)], accv)
    magic = jnp.full((DL,), 0x5F3759DF, jnp.int32)

    @pl.loop(0, NPT)
    def _(i):
        deg = accv[i] + 1.0
        yi = lax.bitcast_convert_type(
            magic - lax.shift_right_arithmetic(
                lax.bitcast_convert_type(deg, jnp.int32), 1), jnp.float32)
        yi = yi * (1.5 - 0.5 * deg * yi * yi)
        yi = yi * (1.5 - 0.5 * deg * yi * yi)
        yi = yi * (1.5 - 0.5 * deg * yi * yi)
        g0 = yi * x0v[i]
        gv[i] = g0
        u9v[i] = 0.9 * (yi * yi)
        v0v[i] = 0.1 * g0
        dinvv[i] = yi

    pltpu.sync_copy(zv, acc_s.at[pl.ds(base, NPT)])
    pltpu.sync_copy(gv, g_hbm.at[pl.ds(base, NPT)])
    plsc.subcore_barrier()

    def edge_pass():
        for s in range(GA):
            pltpu.async_copy(g_hbm.at[idx_s.at[s]], gbuf.at[s], gsem.at[s])

        @pl.loop(0, CH)
        def _(cc):
            nxt = cc + GA
            s_n = lax.rem(nxt, NS)

            @pl.when(nxt < CH)
            def _():
                @pl.when(nxt >= NS)
                def _():
                    pltpu.make_async_copy(gbuf.at[s_n],
                                          acc_s.at[idx_d.at[nxt - NS]],
                                          ssem.at[s_n]).wait()

                pltpu.async_copy(g_hbm.at[idx_s.at[nxt]], gbuf.at[s_n],
                                 gsem.at[s_n])

            s = lax.rem(cc, NS)
            pltpu.make_async_copy(g_hbm.at[idx_s.at[cc]], gbuf.at[s],
                                  gsem.at[s]).wait()
            pltpu.async_copy(gbuf.at[s], acc_s.at[idx_d.at[cc]], ssem.at[s],
                             add=True)

        for s in range(NS):
            pltpu.make_async_copy(gbuf.at[s], acc_s.at[idx_d.at[0]],
                                  ssem.at[s]).wait()

    @pl.loop(0, K_PROP - 1)
    def _(k):
        edge_pass()
        plsc.subcore_barrier()
        pltpu.sync_copy(acc_s.at[pl.ds(base, NPT)], accv)
        pltpu.sync_copy(zv, acc_s.at[pl.ds(base, NPT)])

        @pl.loop(0, NPT)
        def _(i):
            gv[i] = u9v[i] * (accv[i] + gv[i]) + v0v[i]

        pltpu.sync_copy(gv, g_hbm.at[pl.ds(base, NPT)])
        plsc.subcore_barrier()

    edge_pass()
    plsc.subcore_barrier()
    pltpu.sync_copy(acc_s.at[pl.ds(base, NPT)], accv)

    @pl.loop(0, NPT)
    def _(i):
        h = 0.9 * dinvv[i] * (accv[i] + gv[i]) + 0.1 * x0v[i]
        tot = float(C) + jnp.sum(h)
        accv[i] = (1.0 + h) / tot

    pltpu.sync_copy(accv, soft_hbm.at[pl.ds(base, NPT)])


def kernel(x, edge_index, y, W1, b1, W2, b2, flow_z0, flow_alpha_raw,
           flow_beta_raw):
    ypad = jnp.concatenate(
        [y.astype(jnp.int32), jnp.full((80 * 128 - N,), C, jnp.int32)]
    ).reshape(80, 128)

    BLK = 1024
    NENC = 10 * BLK
    xpad = jnp.concatenate([x, jnp.zeros((NENC - N, 256), jnp.float32)], 0)
    z0T = flow_z0.reshape(C * RL, DL).T
    z0T = jnp.concatenate([z0T, jnp.zeros((DL, 64 - C * RL), jnp.float32)], 1)
    ar = jnp.concatenate([flow_alpha_raw.reshape(1, C * RL),
                          jnp.zeros((1, 64 - C * RL), jnp.float32)], 1)
    br = jnp.concatenate([flow_beta_raw.reshape(1, C * RL),
                          jnp.zeros((1, 64 - C * RL), jnp.float32)], 1)
    x0T = pl.pallas_call(
        _encoder_body,
        grid=(NENC // BLK,),
        in_specs=[
            pl.BlockSpec((80, 128), lambda i: (0, 0)),
            pl.BlockSpec((BLK, 256), lambda i: (i, 0)),
            pl.BlockSpec((256, 64), lambda i: (0, 0)),
            pl.BlockSpec((1, 64), lambda i: (0, 0)),
            pl.BlockSpec((DL, 64), lambda i: (0, 0)),
            pl.BlockSpec((DL, 1), lambda i: (0, 0)),
            pl.BlockSpec((DL, 64), lambda i: (0, 0)),
            pl.BlockSpec((1, 64), lambda i: (0, 0)),
            pl.BlockSpec((1, 64), lambda i: (0, 0)),
        ],
        out_specs=pl.BlockSpec((DL, BLK), lambda i: (0, i)),
        out_shape=jax.ShapeDtypeStruct((DL, NENC), jnp.float32),
        scratch_shapes=[pltpu.VMEM((1, 128), jnp.float32)],
    )(ypad, xpad, W1, b1.reshape(1, 64), W2.T, b2.reshape(DL, 1), z0T, ar, br)
    x0 = x0T.T[:N]

    src = edge_index[0].astype(jnp.int32)
    dst = edge_index[1].astype(jnp.int32)
    pad = NT * EPT - E
    src_pad = jnp.concatenate([src, jnp.zeros((pad,), jnp.int32)]
                              ).reshape(NT, CH, CW)
    dst_pad = jnp.concatenate([dst, jnp.full((pad,), N, jnp.int32)]
                              ).reshape(NT, CH, CW)

    soft16, _ = _make_appnp_sc()(src_pad, dst_pad, x0)
    return soft16[:, :C]

# --- scband reference (transcript-rebuilt; emitter-appended) ---
"""Pipeline reference for scband-gpn-14302241095850 (READ-ONLY COPY).

The authoritative reference and input builder live on the scoring server;
editing this copy changes nothing except your own understanding.
"""

import jax, jax.numpy as jnp
import numpy as np

N_NODES = 10000
N_EDGES = 160000
D_FEAT = 256
D_HIDDEN = 64
D_LATENT = 16
N_CLASSES = 10
RADIAL_LAYERS = 6
K_PROP = 10
ALPHA_TELEPORT = 0.1


def setup_inputs(seed: int = 0):
    key = jax.random.key(seed)
    ks = jax.random.split(key, 10)
    x = jax.random.normal(ks[0], (N_NODES, D_FEAT), dtype=jnp.float32)
    edge_index = jax.random.randint(ks[1], (2, N_EDGES), 0, N_NODES)
    y = jax.random.randint(ks[2], (N_NODES,), 0, N_CLASSES)
    W1 = jax.random.normal(ks[3], (D_FEAT, D_HIDDEN), dtype=jnp.float32) * (1.0 / np.sqrt(D_FEAT))
    b1 = jnp.zeros((D_HIDDEN,), dtype=jnp.float32)
    W2 = jax.random.normal(ks[4], (D_HIDDEN, D_LATENT), dtype=jnp.float32) * (1.0 / np.sqrt(D_HIDDEN))
    b2 = jnp.zeros((D_LATENT,), dtype=jnp.float32)
    flow_z0 = jax.random.normal(ks[5], (N_CLASSES, RADIAL_LAYERS, D_LATENT), dtype=jnp.float32) * 0.1
    flow_alpha_raw = jax.random.normal(ks[6], (N_CLASSES, RADIAL_LAYERS), dtype=jnp.float32) * 0.1
    flow_beta_raw = jax.random.normal(ks[7], (N_CLASSES, RADIAL_LAYERS), dtype=jnp.float32) * 0.1
    return {"x": x, "edge_index": edge_index, "y": y, "W1": W1, "b1": b1, "W2": W2, "b2": b2,
            "flow_z0": flow_z0, "flow_alpha_raw": flow_alpha_raw, "flow_beta_raw": flow_beta_raw}


def _radial_flow_logprob(z, z0_c, a_raw_c, b_raw_c):
    # batched radial normalizing flow density for one class: data -> base direction
    d = z.shape[-1]
    logdet_sum = jnp.zeros(z.shape[0], dtype=z.dtype)
    for l in range(RADIAL_LAYERS):
        alpha = jax.nn.softplus(a_raw_c[l])
        beta = -alpha + jax.nn.softplus(b_raw_c[l])  # beta > -alpha ensures invertibility
        diff = z - z0_c[l]
        r = jnp.sqrt(jnp.sum(diff * diff, axis=-1) + 1e-12)
        h = 1.0 / (alpha + r)
        bh = beta * h
        z = z + bh[:, None] * diff
        h_prime = -h * h
        logdet = (d - 1) * jnp.log1p(bh) + jnp.log1p(bh + beta * h_prime * r)
        logdet_sum = logdet_sum + logdet
    log_base = -0.5 * (d * np.log(2.0 * np.pi) + jnp.sum(z * z, axis=-1))
    return log_base + logdet_sum


def _appnp(x0, src, dst, n):
    # APPNP with sym normalization: x^{k+1} = (1-a) D^-1/2 A D^-1/2 x^k + a x^0
    deg = jax.ops.segment_sum(jnp.ones(src.shape[0], dtype=x0.dtype), dst, num_segments=n)
    dinv = jnp.where(deg > 0, 1.0 / jnp.sqrt(deg), 0.0)
    w = dinv[src] * dinv[dst]
    h = x0
    for _ in range(K_PROP):
        msg = h[src] * w[:, None]
        agg = jax.ops.segment_sum(msg, dst, num_segments=n)
        h = (1.0 - ALPHA_TELEPORT) * agg + ALPHA_TELEPORT * x0
    return h


def reference(x, edge_index, y, W1, b1, W2, b2, flow_z0, flow_alpha_raw, flow_beta_raw):
    n = x.shape[0]
    # input encoder: Linear + ReLU (dropout = identity at inference)
    h = jax.nn.relu(x @ W1 + b1)
    z = h @ W2 + b2
    # class prior probabilities from labels (get_class_probalities)
    counts = jnp.bincount(y, length=N_CLASSES).astype(jnp.float32)
    p_c = counts / counts.sum()
    # batched per-class radial normalizing flow density -> [N, C]
    log_q = jax.vmap(_radial_flow_logprob, in_axes=(None, 0, 0, 0))(z, flow_z0, flow_alpha_raw, flow_beta_raw).T
    log_q_ft_per_class = log_q + jnp.log(p_c)[None, :]
    # evidence scaling ('latent-new'): 0.5 * dim_latent * log(4*pi), clamp [-30, 30]
    log_scale = 0.5 * D_LATENT * np.log(4.0 * np.pi)
    beta_ft = jnp.exp(jnp.clip(log_q_ft_per_class + log_scale, -30.0, 30.0))
    # APPNP propagation with self loops
    loop = jnp.arange(n)
    src = jnp.concatenate([edge_index[0], loop])
    dst = jnp.concatenate([edge_index[1], loop])
    beta = _appnp(beta_ft, src, dst, n)
    alpha = 1.0 + beta
    soft = alpha / alpha.sum(-1, keepdims=True)
    return soft

if __name__ == "__main__":
    import jax
    _d = setup_inputs()
    print(jax.jit(kernel)(*tuple(_d.values())))

</pallas_src>

<mosaic_0001>
#map = affine_map<(d0, d1) -> (0, 0, 0)>
#map1 = affine_map<(d0, d1) -> (0, 0)>
module attributes {stable_mosaic.version = 14 : i64} {
  func.func @_appnp_body(%arg0: i32, %arg1: i32, %arg2: memref<16x80x128xi32, #tpu.memory_space<hbm>>, %arg3: memref<16x80x128xi32, #tpu.memory_space<hbm>>, %arg4: memref<10000x16xf32, #tpu.memory_space<hbm>>, %arg5: memref<10000x16xf32, #tpu.memory_space<hbm>>, %arg6: memref<10016x16xf32, #tpu.memory_space<hbm>>, %arg7: memref<80x128xi32, #tpu.memory_space<vmem>>, %arg8: memref<80x128xi32, #tpu.memory_space<vmem>>, %arg9: memref<12x128x16xf32, #tpu.memory_space<vmem>>, %arg10: memref<625x16xf32, #tpu.memory_space<vmem>>, %arg11: memref<625x16xf32, #tpu.memory_space<vmem>>, %arg12: memref<625x16xf32, #tpu.memory_space<vmem>>, %arg13: memref<625x16xf32, #tpu.memory_space<vmem>>, %arg14: memref<625x16xf32, #tpu.memory_space<vmem>>, %arg15: memref<625x16xf32, #tpu.memory_space<vmem>>, %arg16: memref<625x16xf32, #tpu.memory_space<vmem>>, %arg17: memref<128x16xf32, #tpu.memory_space<vmem>>, %arg18: memref<10016x16xf32, #tpu.memory_space<vmem_shared>>, %arg19: memref<12x!tpu.dma_semaphore, #tpu.memory_space<semaphore_mem>>, %arg20: memref<12x!tpu.dma_semaphore, #tpu.memory_space<semaphore_mem>>) attributes {dimension_semantics = [#tpu.dimension_semantics<core_parallel>, #tpu.dimension_semantics<subcore_parallel>], iteration_bounds = array<i64: 1, 16>, scalar_prefetch = 0 : i64, scratch_operands = 14 : i64, tpu.core_type = #tpu.core_type<sc_vector_subcore>, window_params = [{transform_indices = #map}, {transform_indices = #map}, {transform_indices = #map1}, {transform_indices = #map1}, {transform_indices = #map1}]} {
    %mul3A = arith.constant 625 : i32
    %mul3A_0 = arith.muli %arg1, %mul3A : i32
    "tpu.region"() ({
      %run_scoped3A = tpu.sem_alloc : memref<!tpu.dma_semaphore, #tpu.memory_space<semaphore_mem>>
      %dma_start3A_433 = arith.constant 0 : i32
      %dma_start3A_434 = arith.constant 0 : i32
      %dma_start3A_435 = tpu.memref_slice %arg2[%arg1, %dma_start3A_433, %dma_start3A_434] : memref<16x80x128xi32, #tpu.memory_space<hbm>> -> memref<1x80x128xi32, #tpu.memory_space<hbm>>
      %dma_start3A_436 = tpu.memref_squeeze %dma_start3A_435 : memref<1x80x128xi32, #tpu.memory_space<hbm>> -> memref<80x128xi32, #tpu.memory_space<hbm>>
      %dma_start3A_437 = arith.constant 0 : i32
      %dma_start3A_438 = arith.constant 0 : i32
      %dma_start3A_439 = tpu.memref_slice %arg2[%arg1, %dma_start3A_437, %dma_start3A_438] : memref<16x80x128xi32, #tpu.memory_space<hbm>> -> memref<1x80x128xi32, #tpu.memory_space<hbm>>
      %dma_start3A_440 = tpu.memref_squeeze %dma_start3A_439 : memref<1x80x128xi32, #tpu.memory_space<hbm>> -> memref<80x128xi32, #tpu.memory_space<hbm>>
      tpu.enqueue_dma source(%dma_start3A_440 : memref<80x128xi32, #tpu.memory_space<hbm>>) target(%arg7 : memref<80x128xi32, #tpu.memory_space<vmem>>) target_semaphore(%run_scoped3A : memref<!tpu.dma_semaphore, #tpu.memory_space<semaphore_mem>>)
      %dma_wait3A_441 = arith.constant 0 : i32
      %dma_wait3A_442 = arith.constant 0 : i32
      %dma_wait3A_443 = tpu.memref_slice %arg2[%arg1, %dma_wait3A_441, %dma_wait3A_442] : memref<16x80x128xi32, #tpu.memory_space<hbm>> -> memref<1x80x128xi32, #tpu.memory_space<hbm>>
      %dma_wait3A_444 = tpu.memref_squeeze %dma_wait3A_443 : memref<1x80x128xi32, #tpu.memory_space<hbm>> -> memref<80x128xi32, #tpu.memory_space<hbm>>
      %dma_wait3A_445 = arith.constant 0 : i32
      %dma_wait3A_446 = arith.constant 0 : i32
      %dma_wait3A_447 = tpu.memref_slice %arg2[%arg1, %dma_wait3A_445, %dma_wait3A_446] : memref<16x80x128xi32, #tpu.memory_space<hbm>> -> memref<1x80x128xi32, #tpu.memory_space<hbm>>
      %dma_wait3A_448 = tpu.memref_squeeze %dma_wait3A_447 : memref<1x80x128xi32, #tpu.memory_space<hbm>> -> memref<80x128xi32, #tpu.memory_space<hbm>>
      tpu.wait_dma2 semaphore(%run_scoped3A : memref<!tpu.dma_semaphore, #tpu.memory_space<semaphore_mem>>) src(%dma_wait3A_448 : memref<80x128xi32, #tpu.memory_space<hbm>>) dst(%arg7 : memref<80x128xi32, #tpu.memory_space<vmem>>)
      tpu.yield
    }) : () -> ()
    "tpu.region"() ({
      %run_scoped3A = tpu.sem_alloc : memref<!tpu.dma_semaphore, #tpu.memory_space<semaphore_mem>>
      %dma_start3A_433 = arith.constant 0 : i32
      %dma_start3A_434 = arith.constant 0 : i32
      %dma_start3A_435 = tpu.memref_slice %arg3[%arg1, %dma_start3A_433, %dma_start3A_434] : memref<16x80x128xi32, #tpu.memory_space<hbm>> -> memref<1x80x128xi32, #tpu.memory_space<hbm>>
      %dma_start3A_436 = tpu.memref_squeeze %dma_start3A_435 : memref<1x80x128xi32, #tpu.memory_space<hbm>> -> memref<80x128xi32, #tpu.memory_space<hbm>>
      %dma_start3A_437 = arith.constant 0 : i32
      %dma_start3A_438 = arith.constant 0 : i32
      %dma_start3A_439 = tpu.memref_slice %arg3[%arg1, %dma_start3A_437, %dma_start3A_438] : memref<16x80x128xi32, #tpu.memory_space<hbm>> -> memref<1x80x128xi32, #tpu.memory_space<hbm>>
      %dma_start3A_440 = tpu.memref_squeeze %dma_start3A_439 : memref<1x80x128xi32, #tpu.memory_space<hbm>> -> memref<80x128xi32, #tpu.memory_space<hbm>>
      tpu.enqueue_dma source(%dma_start3A_440 : memref<80x128xi32, #tpu.memory_space<hbm>>) target(%arg8 : memref<80x128xi32, #tpu.memory_space<vmem>>) target_semaphore(%run_scoped3A : memref<!tpu.dma_semaphore, #tpu.memory_space<semaphore_mem>>)
      %dma_wait3A_441 = arith.constant 0 : i32
      %dma_wait3A_442 = arith.constant 0 : i32
      %dma_wait3A_443 = tpu.memref_slice %arg3[%arg1, %dma_wait3A_441, %dma_wait3A_442] : memref<16x80x128xi32, #tpu.memory_space<hbm>> -> memref<1x80x128xi32, #tpu.memory_space<hbm>>
      %dma_wait3A_444 = tpu.memref_squeeze %dma_wait3A_443 : memref<1x80x128xi32, #tpu.memory_space<hbm>> -> memref<80x128xi32, #tpu.memory_space<hbm>>
      %dma_wait3A_445 = arith.constant 0 : i32
      %dma_wait3A_446 = arith.constant 0 : i32
      %dma_wait3A_447 = tpu.memref_slice %arg3[%arg1, %dma_wait3A_445, %dma_wait3A_446] : memref<16x80x128xi32, #tpu.memory_space<hbm>> -> memref<1x80x128xi32, #tpu.memory_space<hbm>>
      %dma_wait3A_448 = tpu.memref_squeeze %dma_wait3A_447 : memref<1x80x128xi32, #tpu.memory_space<hbm>> -> memref<80x128xi32, #tpu.memory_space<hbm>>
      tpu.wait_dma2 semaphore(%run_scoped3A : memref<!tpu.dma_semaphore, #tpu.memory_space<semaphore_mem>>) src(%dma_wait3A_448 : memref<80x128xi32, #tpu.memory_space<hbm>>) dst(%arg8 : memref<80x128xi32, #tpu.memory_space<vmem>>)
      tpu.yield
    }) : () -> ()
    "tpu.region"() ({
      %run_scoped3A = tpu.sem_alloc : memref<!tpu.dma_semaphore, #tpu.memory_space<semaphore_mem>>
      %dma_start3A_433 = arith.constant 0 : i32
      %dma_start3A_434 = tpu.memref_slice %arg4[%mul3A_0, %dma_start3A_433] : memref<10000x16xf32, #tpu.memory_space<hbm>> -> memref<625x16xf32, #tpu.memory_space<hbm>>
      %dma_start3A_435 = arith.constant 0 : i32
      %dma_start3A_436 = tpu.memref_slice %arg4[%mul3A_0, %dma_start3A_435] : memref<10000x16xf32, #tpu.memory_space<hbm>> -> memref<625x16xf32, #tpu.memory_space<hbm>>
      tpu.enqueue_dma source(%dma_start3A_436 : memref<625x16xf32, #tpu.memory_space<hbm>>) target(%arg15 : memref<625x16xf32, #tpu.memory_space<vmem>>) target_semaphore(%run_scoped3A : memref<!tpu.dma_semaphore, #tpu.memory_space<semaphore_mem>>)
      %dma_wait3A_437 = arith.constant 0 : i32
      %dma_wait3A_438 = tpu.memref_slice %arg4[%mul3A_0, %dma_wait3A_437] : memref<10000x16xf32, #tpu.memory_space<hbm>> -> memref<625x16xf32, #tpu.memory_space<hbm>>
      %dma_wait3A_439 = arith.constant 0 : i32
      %dma_wait3A_440 = tpu.memref_slice %arg4[%mul3A_0, %dma_wait3A_439] : memref<10000x16xf32, #tpu.memory_space<hbm>> -> memref<625x16xf32, #tpu.memory_space<hbm>>
      tpu.wait_dma2 semaphore(%run_scoped3A : memref<!tpu.dma_semaphore, #tpu.memory_space<semaphore_mem>>) src(%dma_wait3A_440 : memref<625x16xf32, #tpu.memory_space<hbm>>) dst(%arg15 : memref<625x16xf32, #tpu.memory_space<vmem>>)
      tpu.yield
    }) : () -> ()
    %broadcast_in_dim3A = arith.constant 1.000000e+00 : f32
    %broadcast_in_dim3A_1 = vector.broadcast %broadcast_in_dim3A : f32 to vector<16xf32>
    %broadcast_in_dim3A_2 = arith.constant 0.000000e+00 : f32
    %broadcast_in_dim3A_3 = vector.broadcast %broadcast_in_dim3A_2 : f32 to vector<16xf32>
    %scan3A = arith.constant 0 : i32
    %scan3A_4 = arith.constant 128 : i32
    %scan3A_5 = arith.addi %scan3A, %scan3A_4 : i32
    %scan3A_6 = arith.constant 1 : i32
    scf.for %scan3A_433 = %scan3A to %scan3A_5 step %scan3A_6  : i32 {
      %mul3A_434 = arith.constant 1 : i32
      %mul3A_435 = arith.muli %scan3A_433, %mul3A_434 : i32
      %add3A = arith.constant 0 : i32
      %add3A_436 = arith.addi %add3A, %mul3A_435 : i32
      %swap3A = arith.index_cast %add3A_436 : i32 to index
      %swap3A_437 = arith.constant 0 : index
      %swap3A_438 = tpu.vector_load %arg17[%swap3A, %swap3A_437] {strides = array<i32>} : memref<128x16xf32, #tpu.memory_space<vmem>>, vector<16xf32>,
      tpu.vector_store %arg17[%swap3A, %swap3A_437], %broadcast_in_dim3A_1 {strides = array<i32>} : memref<128x16xf32, #tpu.memory_space<vmem>>, vector<16xf32>,
    }
    %scan3A_7 = arith.constant 128 : i32
    %scan3A_8 = arith.constant 0 : i32
    %scan3A_9 = arith.constant 625 : i32
    %scan3A_10 = arith.addi %scan3A_8, %scan3A_9 : i32
    %scan3A_11 = arith.constant 1 : i32
    scf.for %scan3A_433 = %scan3A_8 to %scan3A_10 step %scan3A_11  : i32 {
      %mul3A_434 = arith.constant 1 : i32
      %mul3A_435 = arith.muli %scan3A_433, %mul3A_434 : i32
      %add3A = arith.constant 0 : i32
      %add3A_436 = arith.addi %add3A, %mul3A_435 : i32
      %swap3A = arith.index_cast %add3A_436 : i32 to index
      %swap3A_437 = arith.constant 0 : index
      %swap3A_438 = tpu.vector_load %arg16[%swap3A, %swap3A_437] {strides = array<i32>} : memref<625x16xf32, #tpu.memory_space<vmem>>, vector<16xf32>,
      tpu.vector_store %arg16[%swap3A, %swap3A_437], %broadcast_in_dim3A_3 {strides = array<i32>} : memref<625x16xf32, #tpu.memory_space<vmem>>, vector<16xf32>,
    }
    %scan3A_12 = arith.constant 625 : i32
    "tpu.region"() ({
      %run_scoped3A = tpu.sem_alloc : memref<!tpu.dma_semaphore, #tpu.memory_space<semaphore_mem>>
      %dma_start3A_433 = arith.constant 0 : i32
      %dma_start3A_434 = tpu.memref_slice %arg18[%mul3A_0, %dma_start3A_433] : memref<10016x16xf32, #tpu.memory_space<vmem_shared>> -> memref<625x16xf32, #tpu.memory_space<vmem_shared>>
      %dma_start3A_435 = arith.constant 0 : i32
      %dma_start3A_436 = tpu.memref_slice %arg18[%mul3A_0, %dma_start3A_435] : memref<10016x16xf32, #tpu.memory_space<vmem_shared>> -> memref<625x16xf32, #tpu.memory_space<vmem_shared>>
      tpu.enqueue_dma source(%arg16 : memref<625x16xf32, #tpu.memory_space<vmem>>) target(%dma_start3A_436 : memref<625x16xf32, #tpu.memory_space<vmem_shared>>) target_semaphore(%run_scoped3A : memref<!tpu.dma_semaphore, #tpu.memory_space<semaphore_mem>>)
      %dma_wait3A_437 = arith.constant 0 : i32
      %dma_wait3A_438 = tpu.memref_slice %arg18[%mul3A_0, %dma_wait3A_437] : memref<10016x16xf32, #tpu.memory_space<vmem_shared>> -> memref<625x16xf32, #tpu.memory_space<vmem_shared>>
      %dma_wait3A_439 = arith.constant 0 : i32
      %dma_wait3A_440 = tpu.memref_slice %arg18[%mul3A_0, %dma_wait3A_439] : memref<10016x16xf32, #tpu.memory_space<vmem_shared>> -> memref<625x16xf32, #tpu.memory_space<vmem_shared>>
      tpu.wait_dma2 semaphore(%run_scoped3A : memref<!tpu.dma_semaphore, #tpu.memory_space<semaphore_mem>>) src(%arg16 : memref<625x16xf32, #tpu.memory_space<vmem>>) dst(%dma_wait3A_440 : memref<625x16xf32, #tpu.memory_space<vmem_shared>>)
      tpu.yield
    }) : () -> ()
    %eq3A = arith.constant 0 : i32
    %eq3A_13 = arith.cmpi eq, %arg1, %eq3A : i32
    %convert_element_type3A = arith.extui %eq3A_13 : i1 to i32
    %cond3A = arith.constant 0 : i32
    %cond3A_14 = arith.cmpi ne, %convert_element_type3A, %cond3A : i32
    scf.if %cond3A_14 {
      "tpu.region"() ({
        %run_scoped3A = tpu.sem_alloc : memref<!tpu.dma_semaphore, #tpu.memory_space<semaphore_mem>>
        %dma_start3A_433 = arith.constant 0 : i32
        %dma_start3A_434 = arith.constant 0 : i32
        %dma_start3A_435 = tpu.memref_slice %arg16[%dma_start3A_433, %dma_start3A_434] : memref<625x16xf32, #tpu.memory_space<vmem>> -> memref<16x16xf32, #tpu.memory_space<vmem>>
        %dma_start3A_436 = arith.constant 10000 : i32
        %dma_start3A_437 = arith.constant 0 : i32
        %dma_start3A_438 = tpu.memref_slice %arg18[%dma_start3A_436, %dma_start3A_437] : memref<10016x16xf32, #tpu.memory_space<vmem_shared>> -> memref<16x16xf32, #tpu.memory_space<vmem_shared>>
        %dma_start3A_439 = arith.constant 10000 : i32
        %dma_start3A_440 = arith.constant 0 : i32
        %dma_start3A_441 = tpu.memref_slice %arg18[%dma_start3A_439, %dma_start3A_440] : memref<10016x16xf32, #tpu.memory_space<vmem_shared>> -> memref<16x16xf32, #tpu.memory_space<vmem_shared>>
        %dma_start3A_442 = arith.constant 0 : i32
        %dma_start3A_443 = arith.constant 0 : i32
        %dma_start3A_444 = tpu.memref_slice %arg16[%dma_start3A_442, %dma_start3A_443] : memref<625x16xf32, #tpu.memory_space<vmem>> -> memref<16x16xf32, #tpu.memory_space<vmem>>
        tpu.enqueue_dma source(%dma_start3A_444 : memref<16x16xf32, #tpu.memory_space<vmem>>) target(%dma_start3A_441 : memref<16x16xf32, #tpu.memory_space<vmem_shared>>) target_semaphore(%run_scoped3A : memref<!tpu.dma_semaphore, #tpu.memory_space<semaphore_mem>>)
        %dma_wait3A_445 = arith.constant 0 : i32
        %dma_wait3A_446 = arith.constant 0 : i32
        %dma_wait3A_447 = tpu.memref_slice %arg16[%dma_wait3A_445, %dma_wait3A_446] : memref<625x16xf32, #tpu.memory_space<vmem>> -> memref<16x16xf32, #tpu.memory_space<vmem>>
        %dma_wait3A_448 = arith.constant 10000 : i32
        %dma_wait3A_449 = arith.constant 0 : i32
        %dma_wait3A_450 = tpu.memref_slice %arg18[%dma_wait3A_448, %dma_wait3A_449] : memref<10016x16xf32, #tpu.memory_space<vmem_shared>> -> memref<16x16xf32, #tpu.memory_space<vmem_shared>>
        %dma_wait3A_451 = arith.constant 10000 : i32
        %dma_wait3A_452 = arith.constant 0 : i32
        %dma_wait3A_453 = tpu.memref_slice %arg18[%dma_wait3A_451, %dma_wait3A_452] : memref<10016x16xf32, #tpu.memory_space<vmem_shared>> -> memref<16x16xf32, #tpu.memory_space<vmem_shared>>
        %dma_wait3A_454 = arith.constant 0 : i32
        %dma_wait3A_455 = arith.constant 0 : i32
        %dma_wait3A_456 = tpu.memref_slice %arg16[%dma_wait3A_454, %dma_wait3A_455] : memref<625x16xf32, #tpu.memory_space<vmem>> -> memref<16x16xf32, #tpu.memory_space<vmem>>
        tpu.wait_dma2 semaphore(%run_scoped3A : memref<!tpu.dma_semaphore, #tpu.memory_space<semaphore_mem>>) src(%dma_wait3A_456 : memref<16x16xf32, #tpu.memory_space<vmem>>) dst(%dma_wait3A_453 : memref<16x16xf32, #tpu.memory_space<vmem_shared>>)
        tpu.yield
      }) : () -> ()
      "tpu.region"() ({
        %run_scoped3A = tpu.sem_alloc : memref<!tpu.dma_semaphore, #tpu.memory_space<semaphore_mem>>
        %dma_start3A_433 = arith.constant 0 : i32
        %dma_start3A_434 = arith.constant 0 : i32
        %dma_start3A_435 = tpu.memref_slice %arg16[%dma_start3A_433, %dma_start3A_434] : memref<625x16xf32, #tpu.memory_space<vmem>> -> memref<16x16xf32, #tpu.memory_space<vmem>>
        %dma_start3A_436 = arith.constant 10000 : i32
        %dma_start3A_437 = arith.constant 0 : i32
        %dma_start3A_438 = tpu.memref_slice %arg6[%dma_start3A_436, %dma_start3A_437] : memref<10016x16xf32, #tpu.memory_space<hbm>> -> memref<16x16xf32, #tpu.memory_space<hbm>>
        %dma_start3A_439 = arith.constant 10000 : i32
        %dma_start3A_440 = arith.constant 0 : i32
        %dma_start3A_441 = tpu.memref_slice %arg6[%dma_start3A_439, %dma_start3A_440] : memref<10016x16xf32, #tpu.memory_space<hbm>> -> memref<16x16xf32, #tpu.memory_space<hbm>>
        %dma_start3A_442 = arith.constant 0 : i32
        %dma_start3A_443 = arith.constant 0 : i32
        %dma_start3A_444 = tpu.memref_slice %arg16[%dma_start3A_442, %dma_start3A_443] : memref<625x16xf32, #tpu.memory_space<vmem>> -> memref<16x16xf32, #tpu.memory_space<vmem>>
        tpu.enqueue_dma source(%dma_start3A_444 : memref<16x16xf32, #tpu.memory_space<vmem>>) target(%dma_start3A_441 : memref<16x16xf32, #tpu.memory_space<hbm>>) target_semaphore(%run_scoped3A : memref<!tpu.dma_semaphore, #tpu.memory_space<semaphore_mem>>)
        %dma_wait3A_445 = arith.constant 0 : i32
        %dma_wait3A_446 = arith.constant 0 : i32
        %dma_wait3A_447 = tpu.memref_slice %arg16[%dma_wait3A_445, %dma_wait3A_446] : memref<625x16xf32, #tpu.memory_space<vmem>> -> memref<16x16xf32, #tpu.memory_space<vmem>>
        %dma_wait3A_448 = arith.constant 10000 : i32
        %dma_wait3A_449 = arith.constant 0 : i32
        %dma_wait3A_450 = tpu.memref_slice %arg6[%dma_wait3A_448, %dma_wait3A_449] : memref<10016x16xf32, #tpu.memory_space<hbm>> -> memref<16x16xf32, #tpu.memory_space<hbm>>
        %dma_wait3A_451 = arith.constant 10000 : i32
        %dma_wait3A_452 = arith.constant 0 : i32
        %dma_wait3A_453 = tpu.memref_slice %arg6[%dma_wait3A_451, %dma_wait3A_452] : memref<10016x16xf32, #tpu.memory_space<hbm>> -> memref<16x16xf32, #tpu.memory_space<hbm>>
        %dma_wait3A_454 = arith.constant 0 : i32
        %dma_wait3A_455 = arith.constant 0 : i32
        %dma_wait3A_456 = tpu.memref_slice %arg16[%dma_wait3A_454, %dma_wait3A_455] : memref<625x16xf32, #tpu.memory_space<vmem>> -> memref<16x16xf32, #tpu.memory_space<vmem>>
        tpu.wait_dma2 semaphore(%run_scoped3A : memref<!tpu.dma_semaphore, #tpu.memory_space<semaphore_mem>>) src(%dma_wait3A_456 : memref<16x16xf32, #tpu.memory_space<vmem>>) dst(%dma_wait3A_453 : memref<16x16xf32, #tpu.memory_space<hbm>>)
        tpu.yield
      }) : () -> ()
    } else {
    }
    %barrier3A = arith.constant 0 : index
    tpu.barrier barrier_id(%barrier3A)
    %scan3A_15 = arith.constant 0 : i32
    %scan3A_16 = arith.constant 80 : i32
    %scan3A_17 = arith.addi %scan3A_15, %scan3A_16 : i32
    %scan3A_18 = arith.constant 1 : i32
    scf.for %scan3A_433 = %scan3A_15 to %scan3A_17 step %scan3A_18  : i32 {
      %mul3A_434 = arith.constant 1 : i32
      %mul3A_435 = arith.muli %scan3A_433, %mul3A_434 : i32
      %add3A = arith.constant 0 : i32
      %add3A_436 = arith.addi %add3A, %mul3A_435 : i32
      %rem3A = arith.constant 12 : i32
      %rem3A_437 = arith.remsi %add3A_436, %rem3A : i32
      %ge3A = arith.constant 12 : i32
      %ge3A_438 = arith.cmpi sge, %add3A_436, %ge3A : i32
      %convert_element_type3A_439 = arith.extui %ge3A_438 : i1 to i32
      %cond3A_440 = arith.constant 0 : i32
      %cond3A_441 = arith.cmpi ne, %convert_element_type3A_439, %cond3A_440 : i32
      scf.if %cond3A_441 {
        %dma_wait3A_450 = arith.constant 0 : i32
        %dma_wait3A_451 = arith.constant 0 : i32
        %dma_wait3A_452 = tpu.memref_slice %arg8[%dma_wait3A_450, %dma_wait3A_451] : memref<80x128xi32, #tpu.memory_space<vmem>> -> memref<1x128xi32, #tpu.memory_space<vmem>>
        %dma_wait3A_453 = tpu.memref_squeeze %dma_wait3A_452 : memref<1x128xi32, #tpu.memory_space<vmem>> -> memref<128xi32, #tpu.memory_space<vmem>>
        %dma_wait3A_454 = arith.constant 0 : i32
        %dma_wait3A_455 = arith.constant 0 : i32
        %dma_wait3A_456 = tpu.memref_slice %arg18[%dma_wait3A_454, %dma_wait3A_455] : memref<10016x16xf32, #tpu.memory_space<vmem_shared>> -> memref<10016x16xf32, #tpu.memory_space<vmem_shared>>
        %dma_wait3A_457 = tpu.memref_slice %arg20[%rem3A_437] : memref<12x!tpu.dma_semaphore, #tpu.memory_space<semaphore_mem>> -> memref<1x!tpu.dma_semaphore, #tpu.memory_space<semaphore_mem>>
        %dma_wait3A_458 = tpu.memref_squeeze %dma_wait3A_457 : memref<1x!tpu.dma_semaphore, #tpu.memory_space<semaphore_mem>> -> memref<!tpu.dma_semaphore, #tpu.memory_space<semaphore_mem>>
        tpu.wait_indirect_dma semaphore(%dma_wait3A_458 : memref<!tpu.dma_semaphore, #tpu.memory_space<semaphore_mem>>) src(%arg17 : memref<128x16xf32, #tpu.memory_space<vmem>>) dst(%dma_wait3A_456 : memref<10016x16xf32, #tpu.memory_space<vmem_shared>>)
      } else {
      }
      %dma_start3A_442 = arith.constant 0 : i32
      %dma_start3A_443 = tpu.memref_slice %arg8[%add3A_436, %dma_start3A_442] : memref<80x128xi32, #tpu.memory_space<vmem>> -> memref<1x128xi32, #tpu.memory_space<vmem>>
      %dma_start3A_444 = tpu.memref_squeeze %dma_start3A_443 : memref<1x128xi32, #tpu.memory_space<vmem>> -> memref<128xi32, #tpu.memory_space<vmem>>
      %dma_start3A_445 = arith.constant 0 : i32
      %dma_start3A_446 = arith.constant 0 : i32
      %dma_start3A_447 = tpu.memref_slice %arg18[%dma_start3A_445, %dma_start3A_446] : memref<10016x16xf32, #tpu.memory_space<vmem_shared>> -> memref<10016x16xf32, #tpu.memory_space<vmem_shared>>
      %dma_start3A_448 = tpu.memref_slice %arg20[%rem3A_437] : memref<12x!tpu.dma_semaphore, #tpu.memory_space<semaphore_mem>> -> memref<1x!tpu.dma_semaphore, #tpu.memory_space<semaphore_mem>>
      %dma_start3A_449 = tpu.memref_squeeze %dma_start3A_448 : memref<1x!tpu.dma_semaphore, #tpu.memory_space<semaphore_mem>> -> memref<!tpu.dma_semaphore, #tpu.memory_space<semaphore_mem>>
      tpu.enqueue_indirect_dma source(%arg17 : memref<128x16xf32, #tpu.memory_space<vmem>>) target(%dma_start3A_447 : memref<10016x16xf32, #tpu.memory_space<vmem_shared>>) offsets(%dma_start3A_444 : memref<128xi32, #tpu.memory_space<vmem>>) semaphore(%dma_start3A_449 : memref<!tpu.dma_semaphore, #tpu.memory_space<semaphore_mem>>) {add = true}
    }
    %scan3A_19 = arith.constant 80 : i32
    %dma_wait3A = arith.constant 0 : i32
    %dma_wait3A_20 = arith.constant 0 : i32
    %dma_wait3A_21 = arith.constant 0 : i32
    %dma_wait3A_22 = tpu.memref_slice %arg8[%dma_wait3A, %dma_wait3A_21] : memref<80x128xi32, #tpu.memory_space<vmem>> -> memref<1x128xi32, #tpu.memory_space<vmem>>
    %dma_wait3A_23 = tpu.memref_squeeze %dma_wait3A_22 : memref<1x128xi32, #tpu.memory_space<vmem>> -> memref<128xi32, #tpu.memory_space<vmem>>
    %dma_wait3A_24 = arith.constant 0 : i32
    %dma_wait3A_25 = arith.constant 0 : i32
    %dma_wait3A_26 = tpu.memref_slice %arg18[%dma_wait3A_24, %dma_wait3A_25] : memref<10016x16xf32, #tpu.memory_space<vmem_shared>> -> memref<10016x16xf32, #tpu.memory_space<vmem_shared>>
    %dma_wait3A_27 = tpu.memref_slice %arg20[%dma_wait3A_20] : memref<12x!tpu.dma_semaphore, #tpu.memory_space<semaphore_mem>> -> memref<1x!tpu.dma_semaphore, #tpu.memory_space<semaphore_mem>>
    %dma_wait3A_28 = tpu.memref_squeeze %dma_wait3A_27 : memref<1x!tpu.dma_semaphore, #tpu.memory_space<semaphore_mem>> -> memref<!tpu.dma_semaphore, #tpu.memory_space<semaphore_mem>>
    tpu.wait_indirect_dma semaphore(%dma_wait3A_28 : memref<!tpu.dma_semaphore, #tpu.memory_space<semaphore_mem>>) src(%arg17 : memref<128x16xf32, #tpu.memory_space<vmem>>) dst(%dma_wait3A_26 : memref<10016x16xf32, #tpu.memory_space<vmem_shared>>)
    %dma_wait3A_29 = arith.constant 0 : i32
    %dma_wait3A_30 = arith.constant 1 : i32
    %dma_wait3A_31 = arith.constant 0 : i32
    %dma_wait3A_32 = tpu.memref_slice %arg8[%dma_wait3A_29, %dma_wait3A_31] : memref<80x128xi32, #tpu.memory_space<vmem>> -> memref<1x128xi32, #tpu.memory_space<vmem>>
    %dma_wait3A_33 = tpu.memref_squeeze %dma_wait3A_32 : memref<1x128xi32, #tpu.memory_space<vmem>> -> memref<128xi32, #tpu.memory_space<vmem>>
    %dma_wait3A_34 = arith.constant 0 : i32
    %dma_wait3A_35 = arith.constant 0 : i32
    %dma_wait3A_36 = tpu.memref_slice %arg18[%dma_wait3A_34, %dma_wait3A_35] : memref<10016x16xf32, #tpu.memory_space<vmem_shared>> -> memref<10016x16xf32, #tpu.memory_space<vmem_shared>>
    %dma_wait3A_37 = tpu.memref_slice %arg20[%dma_wait3A_30] : memref<12x!tpu.dma_semaphore, #tpu.memory_space<semaphore_mem>> -> memref<1x!tpu.dma_semaphore, #tpu.memory_space<semaphore_mem>>
    %dma_wait3A_38 = tpu.memref_squeeze %dma_wait3A_37 : memref<1x!tpu.dma_semaphore, #tpu.memory_space<semaphore_mem>> -> memref<!tpu.dma_semaphore, #tpu.memory_space<semaphore_mem>>
    tpu.wait_indirect_dma semaphore(%dma_wait3A_38 : memref<!tpu.dma_semaphore, #tpu.memory_space<semaphore_mem>>) src(%arg17 : memref<128x16xf32, #tpu.memory_space<vmem>>) dst(%dma_wait3A_36 : memref<10016x16xf32, #tpu.memory_space<vmem_shared>>)
    %dma_wait3A_39 = arith.constant 0 : i32
    %dma_wait3A_40 = arith.constant 2 : i32
    %dma_wait3A_41 = arith.constant 0 : i32
    %dma_wait3A_42 = tpu.memref_slice %arg8[%dma_wait3A_39, %dma_wait3A_41] : memref<80x128xi32, #tpu.memory_space<vmem>> -> memref<1x128xi32, #tpu.memory_space<vmem>>
    %dma_wait3A_43 = tpu.memref_squeeze %dma_wait3A_42 : memref<1x128xi32, #tpu.memory_space<vmem>> -> memref<128xi32, #tpu.memory_space<vmem>>
    %dma_wait3A_44 = arith.constant 0 : i32
    %dma_wait3A_45 = arith.constant 0 : i32
    %dma_wait3A_46 = tpu.memref_slice %arg18[%dma_wait3A_44, %dma_wait3A_45] : memref<10016x16xf32, #tpu.memory_space<vmem_shared>> -> memref<10016x16xf32, #tpu.memory_space<vmem_shared>>
    %dma_wait3A_47 = tpu.memref_slice %arg20[%dma_wait3A_40] : memref<12x!tpu.dma_semaphore, #tpu.memory_space<semaphore_mem>> -> memref<1x!tpu.dma_semaphore, #tpu.memory_space<semaphore_mem>>
    %dma_wait3A_48 = tpu.memref_squeeze %dma_wait3A_47 : memref<1x!tpu.dma_semaphore, #tpu.memory_space<semaphore_mem>> -> memref<!tpu.dma_semaphore, #tpu.memory_space<semaphore_mem>>
    tpu.wait_indirect_dma semaphore(%dma_wait3A_48 : memref<!tpu.dma_semaphore, #tpu.memory_space<semaphore_mem>>) src(%arg17 : memref<128x16xf32, #tpu.memory_space<vmem>>) dst(%dma_wait3A_46 : memref<10016x16xf32, #tpu.memory_space<vmem_shared>>)
    %dma_wait3A_49 = arith.constant 0 : i32
    %dma_wait3A_50 = arith.constant 3 : i32
    %dma_wait3A_51 = arith.constant 0 : i32
    %dma_wait3A_52 = tpu.memref_slice %arg8[%dma_wait3A_49, %dma_wait3A_51] : memref<80x128xi32, #tpu.memory_space<vmem>> -> memref<1x128xi32, #tpu.memory_space<vmem>>
    %dma_wait3A_53 = tpu.memref_squeeze %dma_wait3A_52 : memref<1x128xi32, #tpu.memory_space<vmem>> -> memref<128xi32, #tpu.memory_space<vmem>>
    %dma_wait3A_54 = arith.constant 0 : i32
    %dma_wait3A_55 = arith.constant 0 : i32
    %dma_wait3A_56 = tpu.memref_slice %arg18[%dma_wait3A_54, %dma_wait3A_55] : memref<10016x16xf32, #tpu.memory_space<vmem_shared>> -> memref<10016x16xf32, #tpu.memory_space<vmem_shared>>
    %dma_wait3A_57 = tpu.memref_slice %arg20[%dma_wait3A_50] : memref<12x!tpu.dma_semaphore, #tpu.memory_space<semaphore_mem>> -> memref<1x!tpu.dma_semaphore, #tpu.memory_space<semaphore_mem>>
    %dma_wait3A_58 = tpu.memref_squeeze %dma_wait3A_57 : memref<1x!tpu.dma_semaphore, #tpu.memory_space<semaphore_mem>> -> memref<!tpu.dma_semaphore, #tpu.memory_space<semaphore_mem>>
    tpu.wait_indirect_dma semaphore(%dma_wait3A_58 : memref<!tpu.dma_semaphore, #tpu.memory_space<semaphore_mem>>) src(%arg17 : memref<128x16xf32, #tpu.memory_space<vmem>>) dst(%dma_wait3A_56 : memref<10016x16xf32, #tpu.memory_space<vmem_shared>>)
    %dma_wait3A_59 = arith.constant 0 : i32
    %dma_wait3A_60 = arith.constant 4 : i32
    %dma_wait3A_61 = arith.constant 0 : i32
    %dma_wait3A_62 = tpu.memref_slice %arg8[%dma_wait3A_59, %dma_wait3A_61] : memref<80x128xi32, #tpu.memory_space<vmem>> -> memref<1x128xi32, #tpu.memory_space<vmem>>
    %dma_wait3A_63 = tpu.memref_squeeze %dma_wait3A_62 : memref<1x128xi32, #tpu.memory_space<vmem>> -> memref<128xi32, #tpu.memory_space<vmem>>
    %dma_wait3A_64 = arith.constant 0 : i32
    %dma_wait3A_65 = arith.constant 0 : i32
    %dma_wait3A_66 = tpu.memref_slice %arg18[%dma_wait3A_64, %dma_wait3A_65] : memref<10016x16xf32, #tpu.memory_space<vmem_shared>> -> memref<10016x16xf32, #tpu.memory_space<vmem_shared>>
    %dma_wait3A_67 = tpu.memref_slice %arg20[%dma_wait3A_60] : memref<12x!tpu.dma_semaphore, #tpu.memory_space<semaphore_mem>> -> memref<1x!tpu.dma_semaphore, #tpu.memory_space<semaphore_mem>>
    %dma_wait3A_68 = tpu.memref_squeeze %dma_wait3A_67 : memref<1x!tpu.dma_semaphore, #tpu.memory_space<semaphore_mem>> -> memref<!tpu.dma_semaphore, #tpu.memory_space<semaphore_mem>>
    tpu.wait_indirect_dma semaphore(%dma_wait3A_68 : memref<!tpu.dma_semaphore, #tpu.memory_space<semaphore_mem>>) src(%arg17 : memref<128x16xf32, #tpu.memory_space<vmem>>) dst(%dma_wait3A_66 : memref<10016x16xf32, #tpu.memory_space<vmem_shared>>)
    %dma_wait3A_69 = arith.constant 0 : i32
    %dma_wait3A_70 = arith.constant 5 : i32
    %dma_wait3A_71 = arith.constant 0 : i32
    %dma_wait3A_72 = tpu.memref_slice %arg8[%dma_wait3A_69, %dma_wait3A_71] : memref<80x128xi32, #tpu.memory_space<vmem>> -> memref<1x128xi32, #tpu.memory_space<vmem>>
    %dma_wait3A_73 = tpu.memref_squeeze %dma_wait3A_72 : memref<1x128xi32, #tpu.memory_space<vmem>> -> memref<128xi32, #tpu.memory_space<vmem>>
    %dma_wait3A_74 = arith.constant 0 : i32
    %dma_wait3A_75 = arith.constant 0 : i32
    %dma_wait3A_76 = tpu.memref_slice %arg18[%dma_wait3A_74, %dma_wait3A_75] : memref<10016x16xf32, #tpu.memory_space<vmem_shared>> -> memref<10016x16xf32, #tpu.memory_space<vmem_shared>>
    %dma_wait3A_77 = tpu.memref_slice %arg20[%dma_wait3A_70] : memref<12x!tpu.dma_semaphore, #tpu.memory_space<semaphore_mem>> -> memref<1x!tpu.dma_semaphore, #tpu.memory_space<semaphore_mem>>
    %dma_wait3A_78 = tpu.memref_squeeze %dma_wait3A_77 : memref<1x!tpu.dma_semaphore, #tpu.memory_space<semaphore_mem>> -> memref<!tpu.dma_semaphore, #tpu.memory_space<semaphore_mem>>
    tpu.wait_indirect_dma semaphore(%dma_wait3A_78 : memref<!tpu.dma_semaphore, #tpu.memory_space<semaphore_mem>>) src(%arg17 : memref<128x16xf32, #tpu.memory_space<vmem>>) dst(%dma_wait3A_76 : memref<10016x16xf32, #tpu.memory_space<vmem_shared>>)
    %dma_wait3A_79 = arith.constant 0 : i32
    %dma_wait3A_80 = arith.constant 6 : i32
    %dma_wait3A_81 = arith.constant 0 : i32
    %dma_wait3A_82 = tpu.memref_slice %arg8[%dma_wait3A_79, %dma_wait3A_81] : memref<80x128xi32, #tpu.memory_space<vmem>> -> memref<1x128xi32, #tpu.memory_space<vmem>>
    %dma_wait3A_83 = tpu.memref_squeeze %dma_wait3A_82 : memref<1x128xi32, #tpu.memory_space<vmem>> -> memref<128xi32, #tpu.memory_space<vmem>>
    %dma_wait3A_84 = arith.constant 0 : i32
    %dma_wait3A_85 = arith.constant 0 : i32
    %dma_wait3A_86 = tpu.memref_slice %arg18[%dma_wait3A_84, %dma_wait3A_85] : memref<10016x16xf32, #tpu.memory_space<vmem_shared>> -> memref<10016x16xf32, #tpu.memory_space<vmem_shared>>
    %dma_wait3A_87 = tpu.memref_slice %arg20[%dma_wait3A_80] : memref<12x!tpu.dma_semaphore, #tpu.memory_space<semaphore_mem>> -> memref<1x!tpu.dma_semaphore, #tpu.memory_space<semaphore_mem>>
    %dma_wait3A_88 = tpu.memref_squeeze %dma_wait3A_87 : memref<1x!tpu.dma_semaphore, #tpu.memory_space<semaphore_mem>> -> memref<!tpu.dma_semaphore, #tpu.memory_space<semaphore_mem>>
    tpu.wait_indirect_dma semaphore(%dma_wait3A_88 : memref<!tpu.dma_semaphore, #tpu.memory_space<semaphore_mem>>) src(%arg17 : memref<128x16xf32, #tpu.memory_space<vmem>>) dst(%dma_wait3A_86 : memref<10016x16xf32, #tpu.memory_space<vmem_shared>>)
    %dma_wait3A_89 = arith.constant 0 : i32
    %dma_wait3A_90 = arith.constant 7 : i32
    %dma_wait3A_91 = arith.constant 0 : i32
    %dma_wait3A_92 = tpu.memref_slice %arg8[%dma_wait3A_89, %dma_wait3A_91] : memref<80x128xi32, #tpu.memory_space<vmem>> -> memref<1x128xi32, #tpu.memory_space<vmem>>
    %dma_wait3A_93 = tpu.memref_squeeze %dma_wait3A_92 : memref<1x128xi32, #tpu.memory_space<vmem>> -> memref<128xi32, #tpu.memory_space<vmem>>
    %dma_wait3A_94 = arith.constant 0 : i32
    %dma_wait3A_95 = arith.constant 0 : i32
    %dma_wait3A_96 = tpu.memref_slice %arg18[%dma_wait3A_94, %dma_wait3A_95] : memref<10016x16xf32, #tpu.memory_space<vmem_shared>> -> memref<10016x16xf32, #tpu.memory_space<vmem_shared>>
    %dma_wait3A_97 = tpu.memref_slice %arg20[%dma_wait3A_90] : memref<12x!tpu.dma_semaphore, #tpu.memory_space<semaphore_mem>> -> memref<1x!tpu.dma_semaphore, #tpu.memory_space<semaphore_mem>>
    %dma_wait3A_98 = tpu.memref_squeeze %dma_wait3A_97 : memref<1x!tpu.dma_semaphore, #tpu.memory_space<semaphore_mem>> -> memref<!tpu.dma_semaphore, #tpu.memory_space<semaphore_mem>>
    tpu.wait_indirect_dma semaphore(%dma_wait3A_98 : memref<!tpu.dma_semaphore, #tpu.memory_space<semaphore_mem>>) src(%arg17 : memref<128x16xf32, #tpu.memory_space<vmem>>) dst(%dma_wait3A_96 : memref<10016x16xf32, #tpu.memory_space<vmem_shared>>)
    %dma_wait3A_99 = arith.constant 0 : i32
    %dma_wait3A_100 = arith.constant 8 : i32
    %dma_wait3A_101 = arith.constant 0 : i32
    %dma_wait3A_102 = tpu.memref_slice %arg8[%dma_wait3A_99, %dma_wait3A_101] : memref<80x128xi32, #tpu.memory_space<vmem>> -> memref<1x128xi32, #tpu.memory_space<vmem>>
    %dma_wait3A_103 = tpu.memref_squeeze %dma_wait3A_102 : memref<1x128xi32, #tpu.memory_space<vmem>> -> memref<128xi32, #tpu.memory_space<vmem>>
    %dma_wait3A_104 = arith.constant 0 : i32
    %dma_wait3A_105 = arith.constant 0 : i32
    %dma_wait3A_106 = tpu.memref_slice %arg18[%dma_wait3A_104, %dma_wait3A_105] : memref<10016x16xf32, #tpu.memory_space<vmem_shared>> -> memref<10016x16xf32, #tpu.memory_space<vmem_shared>>
    %dma_wait3A_107 = tpu.memref_slice %arg20[%dma_wait3A_100] : memref<12x!tpu.dma_semaphore, #tpu.memory_space<semaphore_mem>> -> memref<1x!tpu.dma_semaphore, #tpu.memory_space<semaphore_mem>>
    %dma_wait3A_108 = tpu.memref_squeeze %dma_wait3A_107 : memref<1x!tpu.dma_semaphore, #tpu.memory_space<semaphore_mem>> -> memref<!tpu.dma_semaphore, #tpu.memory_space<semaphore_mem>>
    tpu.wait_indirect_dma semaphore(%dma_wait3A_108 : memref<!tpu.dma_semaphore, #tpu.memory_space<semaphore_mem>>) src(%arg17 : memref<128x16xf32, #tpu.memory_space<vmem>>) dst(%dma_wait3A_106 : memref<10016x16xf32, #tpu.memory_space<vmem_shared>>)
    %dma_wait3A_109 = arith.constant 0 : i32
    %dma_wait3A_110 = arith.constant 9 : i32
    %dma_wait3A_111 = arith.constant 0 : i32
    %dma_wait3A_112 = tpu.memref_slice %arg8[%dma_wait3A_109, %dma_wait3A_111] : memref<80x128xi32, #tpu.memory_space<vmem>> -> memref<1x128xi32, #tpu.memory_space<vmem>>
    %dma_wait3A_113 = tpu.memref_squeeze %dma_wait3A_112 : memref<1x128xi32, #tpu.memory_space<vmem>> -> memref<128xi32, #tpu.memory_space<vmem>>
    %dma_wait3A_114 = arith.constant 0 : i32
    %dma_wait3A_115 = arith.constant 0 : i32
    %dma_wait3A_116 = tpu.memref_slice %arg18[%dma_wait3A_114, %dma_wait3A_115] : memref<10016x16xf32, #tpu.memory_space<vmem_shared>> -> memref<10016x16xf32, #tpu.memory_space<vmem_shared>>
    %dma_wait3A_117 = tpu.memref_slice %arg20[%dma_wait3A_110] : memref<12x!tpu.dma_semaphore, #tpu.memory_space<semaphore_mem>> -> memref<1x!tpu.dma_semaphore, #tpu.memory_space<semaphore_mem>>
    %dma_wait3A_118 = tpu.memref_squeeze %dma_wait3A_117 : memref<1x!tpu.dma_semaphore, #tpu.memory_space<semaphore_mem>> -> memref<!tpu.dma_semaphore, #tpu.memory_space<semaphore_mem>>
    tpu.wait_indirect_dma semaphore(%dma_wait3A_118 : memref<!tpu.dma_semaphore, #tpu.memory_space<semaphore_mem>>) src(%arg17 : memref<128x16xf32, #tpu.memory_space<vmem>>) dst(%dma_wait3A_116 : memref<10016x16xf32, #tpu.memory_space<vmem_shared>>)
    %dma_wait3A_119 = arith.constant 0 : i32
    %dma_wait3A_120 = arith.constant 10 : i32
    %dma_wait3A_121 = arith.constant 0 : i32
    %dma_wait3A_122 = tpu.memref_slice %arg8[%dma_wait3A_119, %dma_wait3A_121] : memref<80x128xi32, #tpu.memory_space<vmem>> -> memref<1x128xi32, #tpu.memory_space<vmem>>
    %dma_wait3A_123 = tpu.memref_squeeze %dma_wait3A_122 : memref<1x128xi32, #tpu.memory_space<vmem>> -> memref<128xi32, #tpu.memory_space<vmem>>
    %dma_wait3A_124 = arith.constant 0 : i32
    %dma_wait3A_125 = arith.constant 0 : i32
    %dma_wait3A_126 = tpu.memref_slice %arg18[%dma_wait3A_124, %dma_wait3A_125] : memref<10016x16xf32, #tpu.memory_space<vmem_shared>> -> memref<10016x16xf32, #tpu.memory_space<vmem_shared>>
    %dma_wait3A_127 = tpu.memref_slice %arg20[%dma_wait3A_120] : memref<12x!tpu.dma_semaphore, #tpu.memory_space<semaphore_mem>> -> memref<1x!tpu.dma_semaphore, #tpu.memory_space<semaphore_mem>>
    %dma_wait3A_128 = tpu.memref_squeeze %dma_wait3A_127 : memref<1x!tpu.dma_semaphore, #tpu.memory_space<semaphore_mem>> -> memref<!tpu.dma_semaphore, #tpu.memory_space<semaphore_mem>>
    tpu.wait_indirect_dma semaphore(%dma_wait3A_128 : memref<!tpu.dma_semaphore, #tpu.memory_space<semaphore_mem>>) src(%arg17 : memref<128x16xf32, #tpu.memory_space<vmem>>) dst(%dma_wait3A_126 : memref<10016x16xf32, #tpu.memory_space<vmem_shared>>)
    %dma_wait3A_129 = arith.constant 0 : i32
    %dma_wait3A_130 = arith.constant 11 : i32
    %dma_wait3A_131 = arith.constant 0 : i32
    %dma_wait3A_132 = tpu.memref_slice %arg8[%dma_wait3A_129, %dma_wait3A_131] : memref<80x128xi32, #tpu.memory_space<vmem>> -> memref<1x128xi32, #tpu.memory_space<vmem>>
    %dma_wait3A_133 = tpu.memref_squeeze %dma_wait3A_132 : memref<1x128xi32, #tpu.memory_space<vmem>> -> memref<128xi32, #tpu.memory_space<vmem>>
    %dma_wait3A_134 = arith.constant 0 : i32
    %dma_wait3A_135 = arith.constant 0 : i32
    %dma_wait3A_136 = tpu.memref_slice %arg18[%dma_wait3A_134, %dma_wait3A_135] : memref<10016x16xf32, #tpu.memory_space<vmem_shared>> -> memref<10016x16xf32, #tpu.memory_space<vmem_shared>>
    %dma_wait3A_137 = tpu.memref_slice %arg20[%dma_wait3A_130] : memref<12x!tpu.dma_semaphore, #tpu.memory_space<semaphore_mem>> -> memref<1x!tpu.dma_semaphore, #tpu.memory_space<semaphore_mem>>
    %dma_wait3A_138 = tpu.memref_squeeze %dma_wait3A_137 : memref<1x!tpu.dma_semaphore, #tpu.memory_space<semaphore_mem>> -> memref<!tpu.dma_semaphore, #tpu.memory_space<semaphore_mem>>
    tpu.wait_indirect_dma semaphore(%dma_wait3A_138 : memref<!tpu.dma_semaphore, #tpu.memory_space<semaphore_mem>>) src(%arg17 : memref<128x16xf32, #tpu.memory_space<vmem>>) dst(%dma_wait3A_136 : memref<10016x16xf32, #tpu.memory_space<vmem_shared>>)
    %barrier3A_139 = arith.constant 0 : index
    tpu.barrier barrier_id(%barrier3A_139)
    "tpu.region"() ({
      %run_scoped3A = tpu.sem_alloc : memref<!tpu.dma_semaphore, #tpu.memory_space<semaphore_mem>>
      %dma_start3A_433 = arith.constant 0 : i32
      %dma_start3A_434 = tpu.memref_slice %arg18[%mul3A_0, %dma_start3A_433] : memref<10016x16xf32, #tpu.memory_space<vmem_shared>> -> memref<625x16xf32, #tpu.memory_space<vmem_shared>>
      %dma_start3A_435 = arith.constant 0 : i32
      %dma_start3A_436 = tpu.memref_slice %arg18[%mul3A_0, %dma_start3A_435] : memref<10016x16xf32, #tpu.memory_space<vmem_shared>> -> memref<625x16xf32, #tpu.memory_space<vmem_shared>>
      tpu.enqueue_dma source(%dma_start3A_436 : memref<625x16xf32, #tpu.memory_space<vmem_shared>>) target(%arg10 : memref<625x16xf32, #tpu.memory_space<vmem>>) target_semaphore(%run_scoped3A : memref<!tpu.dma_semaphore, #tpu.memory_space<semaphore_mem>>)
      %dma_wait3A_437 = arith.constant 0 : i32
      %dma_wait3A_438 = tpu.memref_slice %arg18[%mul3A_0, %dma_wait3A_437] : memref<10016x16xf32, #tpu.memory_space<vmem_shared>> -> memref<625x16xf32, #tpu.memory_space<vmem_shared>>
      %dma_wait3A_439 = arith.constant 0 : i32
      %dma_wait3A_440 = tpu.memref_slice %arg18[%mul3A_0, %dma_wait3A_439] : memref<10016x16xf32, #tpu.memory_space<vmem_shared>> -> memref<625x16xf32, #tpu.memory_space<vmem_shared>>
      tpu.wait_dma2 semaphore(%run_scoped3A : memref<!tpu.dma_semaphore, #tpu.memory_space<semaphore_mem>>) src(%dma_wait3A_440 : memref<625x16xf32, #tpu.memory_space<vmem_shared>>) dst(%arg10 : memref<625x16xf32, #tpu.memory_space<vmem>>)
      tpu.yield
    }) : () -> ()
    %broadcast_in_dim3A_140 = arith.constant 1597463007 : i32
    %broadcast_in_dim3A_141 = vector.broadcast %broadcast_in_dim3A_140 : i32 to vector<16xi32>
    %scan3A_142 = arith.constant 0 : i32
    %scan3A_143 = arith.constant 625 : i32
    %scan3A_144 = arith.addi %scan3A_142, %scan3A_143 : i32
    %scan3A_145 = arith.constant 1 : i32
    scf.for %scan3A_433 = %scan3A_142 to %scan3A_144 step %scan3A_145  : i32 {
      %mul3A_434 = arith.constant 1 : i32
      %mul3A_435 = arith.muli %scan3A_433, %mul3A_434 : i32
      %add3A = arith.constant 0 : i32
      %add3A_436 = arith.addi %add3A, %mul3A_435 : i32
      %get3A = arith.index_cast %add3A_436 : i32 to index
      %get3A_437 = arith.constant 0 : index
      %get3A_438 = tpu.vector_load %arg10[%get3A, %get3A_437] {strides = array<i32>} : memref<625x16xf32, #tpu.memory_space<vmem>>, vector<16xf32>,
      %add3A_439 = arith.constant 1.000000e+00 : f32
      %add3A_440 = vector.broadcast %add3A_439 : f32 to vector<16xf32>
      %add3A_441 = arith.addf %get3A_438, %add3A_440 : vector<16xf32>
      %bitcast_convert_type3A = tpu.bitcast %add3A_441 : vector<16xf32> -> vector<16xi32>
      %shift_right_arithmetic3A = arith.constant 1 : i32
      %shift_right_arithmetic3A_442 = vector.broadcast %shift_right_arithmetic3A : i32 to vector<16xi32>
      %shift_right_arithmetic3A_443 = arith.shrsi %bitcast_convert_type3A, %shift_right_arithmetic3A_442 : vector<16xi32>
      %sub3A = arith.subi %broadcast_in_dim3A_141, %shift_right_arithmetic3A_443 : vector<16xi32>
      %bitcast_convert_type3A_444 = tpu.bitcast %sub3A : vector<16xi32> -> vector<16xf32>
      %mul3A_445 = arith.constant 5.000000e-01 : f32
      %mul3A_446 = vector.broadcast %mul3A_445 : f32 to vector<16xf32>
      %mul3A_447 = arith.mulf %mul3A_446, %add3A_441 : vector<16xf32>
      %mul3A_448 = arith.mulf %mul3A_447, %bitcast_convert_type3A_444 : vector<16xf32>
      %mul3A_449 = arith.mulf %mul3A_448, %bitcast_convert_type3A_444 : vector<16xf32>
      %sub3A_450 = arith.constant 1.500000e+00 : f32
      %sub3A_451 = vector.broadcast %sub3A_450 : f32 to vector<16xf32>
      %sub3A_452 = arith.subf %sub3A_451, %mul3A_449 : vector<16xf32>
      %mul3A_453 = arith.mulf %bitcast_convert_type3A_444, %sub3A_452 : vector<16xf32>
      %mul3A_454 = arith.constant 5.000000e-01 : f32
      %mul3A_455 = vector.broadcast %mul3A_454 : f32 to vector<16xf32>
      %mul3A_456 = arith.mulf %mul3A_455, %add3A_441 : vector<16xf32>
      %mul3A_457 = arith.mulf %mul3A_456, %mul3A_453 : vector<16xf32>
      %mul3A_458 = arith.mulf %mul3A_457, %mul3A_453 : vector<16xf32>
      %sub3A_459 = arith.constant 1.500000e+00 : f32
      %sub3A_460 = vector.broadcast %sub3A_459 : f32 to vector<16xf32>
      %sub3A_461 = arith.subf %sub3A_460, %mul3A_458 : vector<16xf32>
      %mul3A_462 = arith.mulf %mul3A_453, %sub3A_461 : vector<16xf32>
      %mul3A_463 = arith.constant 5.000000e-01 : f32
      %mul3A_464 = vector.broadcast %mul3A_463 : f32 to vector<16xf32>
      %mul3A_465 = arith.mulf %mul3A_464, %add3A_441 : vector<16xf32>
      %mul3A_466 = arith.mulf %mul3A_465, %mul3A_462 : vector<16xf32>
      %mul3A_467 = arith.mulf %mul3A_466, %mul3A_462 : vector<16xf32>
      %sub3A_468 = arith.constant 1.500000e+00 : f32
      %sub3A_469 = vector.broadcast %sub3A_468 : f32 to vector<16xf32>
      %sub3A_470 = arith.subf %sub3A_469, %mul3A_467 : vector<16xf32>
      %mul3A_471 = arith.mulf %mul3A_462, %sub3A_470 : vector<16xf32>
      %get3A_472 = arith.index_cast %add3A_436 : i32 to index
      %get3A_473 = arith.constant 0 : index
      %get3A_474 = tpu.vector_load %arg15[%get3A_472, %get3A_473] {strides = array<i32>} : memref<625x16xf32, #tpu.memory_space<vmem>>, vector<16xf32>,
      %mul3A_475 = arith.mulf %mul3A_471, %get3A_474 : vector<16xf32>
      %swap3A = arith.index_cast %add3A_436 : i32 to index
      %swap3A_476 = arith.constant 0 : index
      %swap3A_477 = tpu.vector_load %arg11[%swap3A, %swap3A_476] {strides = array<i32>} : memref<625x16xf32, #tpu.memory_space<vmem>>, vector<16xf32>,
      tpu.vector_store %arg11[%swap3A, %swap3A_476], %mul3A_475 {strides = array<i32>} : memref<625x16xf32, #tpu.memory_space<vmem>>, vector<16xf32>,
      %mul3A_478 = arith.mulf %mul3A_471, %mul3A_471 : vector<16xf32>
      %mul3A_479 = arith.constant 0.899999976 : f32
      %mul3A_480 = vector.broadcast %mul3A_479 : f32 to vector<16xf32>
      %mul3A_481 = arith.mulf %mul3A_480, %mul3A_478 : vector<16xf32>
      %swap3A_482 = arith.index_cast %add3A_436 : i32 to index
      %swap3A_483 = arith.constant 0 : index
      %swap3A_484 = tpu.vector_load %arg12[%swap3A_482, %swap3A_483] {strides = array<i32>} : memref<625x16xf32, #tpu.memory_space<vmem>>, vector<16xf32>,
      tpu.vector_store %arg12[%swap3A_482, %swap3A_483], %mul3A_481 {strides = array<i32>} : memref<625x16xf32, #tpu.memory_space<vmem>>, vector<16xf32>,
      %mul3A_485 = arith.constant 1.000000e-01 : f32
      %mul3A_486 = vector.broadcast %mul3A_485 : f32 to vector<16xf32>
      %mul3A_487 = arith.mulf %mul3A_486, %mul3A_475 : vector<16xf32>
      %swap3A_488 = arith.index_cast %add3A_436 : i32 to index
      %swap3A_489 = arith.constant 0 : index
      %swap3A_490 = tpu.vector_load %arg13[%swap3A_488, %swap3A_489] {strides = array<i32>} : memref<625x16xf32, #tpu.memory_space<vmem>>, vector<16xf32>,
      tpu.vector_store %arg13[%swap3A_488, %swap3A_489], %mul3A_487 {strides = array<i32>} : memref<625x16xf32, #tpu.memory_space<vmem>>, vector<16xf32>,
      %swap3A_491 = arith.index_cast %add3A_436 : i32 to index
      %swap3A_492 = arith.constant 0 : index
      %swap3A_493 = tpu.vector_load %arg14[%swap3A_491, %swap3A_492] {strides = array<i32>} : memref<625x16xf32, #tpu.memory_space<vmem>>, vector<16xf32>,
      tpu.vector_store %arg14[%swap3A_491, %swap3A_492], %mul3A_471 {strides = array<i32>} : memref<625x16xf32, #tpu.memory_space<vmem>>, vector<16xf32>,
    }
    %scan3A_146 = arith.constant 625 : i32
    "tpu.region"() ({
      %run_scoped3A = tpu.sem_alloc : memref<!tpu.dma_semaphore, #tpu.memory_space<semaphore_mem>>
      %dma_start3A_433 = arith.constant 0 : i32
      %dma_start3A_434 = tpu.memref_slice %arg18[%mul3A_0, %dma_start3A_433] : memref<10016x16xf32, #tpu.memory_space<vmem_shared>> -> memref<625x16xf32, #tpu.memory_space<vmem_shared>>
      %dma_start3A_435 = arith.constant 0 : i32
      %dma_start3A_436 = tpu.memref_slice %arg18[%mul3A_0, %dma_start3A_435] : memref<10016x16xf32, #tpu.memory_space<vmem_shared>> -> memref<625x16xf32, #tpu.memory_space<vmem_shared>>
      tpu.enqueue_dma source(%arg16 : memref<625x16xf32, #tpu.memory_space<vmem>>) target(%dma_start3A_436 : memref<625x16xf32, #tpu.memory_space<vmem_shared>>) target_semaphore(%run_scoped3A : memref<!tpu.dma_semaphore, #tpu.memory_space<semaphore_mem>>)
      %dma_wait3A_437 = arith.constant 0 : i32
      %dma_wait3A_438 = tpu.memref_slice %arg18[%mul3A_0, %dma_wait3A_437] : memref<10016x16xf32, #tpu.memory_space<vmem_shared>> -> memref<625x16xf32, #tpu.memory_space<vmem_shared>>
      %dma_wait3A_439 = arith.constant 0 : i32
      %dma_wait3A_440 = tpu.memref_slice %arg18[%mul3A_0, %dma_wait3A_439] : memref<10016x16xf32, #tpu.memory_space<vmem_shared>> -> memref<625x16xf32, #tpu.memory_space<vmem_shared>>
      tpu.wait_dma2 semaphore(%run_scoped3A : memref<!tpu.dma_semaphore, #tpu.memory_space<semaphore_mem>>) src(%arg16 : memref<625x16xf32, #tpu.memory_space<vmem>>) dst(%dma_wait3A_440 : memref<625x16xf32, #tpu.memory_space<vmem_shared>>)
      tpu.yield
    }) : () -> ()
    "tpu.region"() ({
      %run_scoped3A = tpu.sem_alloc : memref<!tpu.dma_semaphore, #tpu.memory_space<semaphore_mem>>
      %dma_start3A_433 = arith.constant 0 : i32
      %dma_start3A_434 = tpu.memref_slice %arg6[%mul3A_0, %dma_start3A_433] : memref<10016x16xf32, #tpu.memory_space<hbm>> -> memref<625x16xf32, #tpu.memory_space<hbm>>
      %dma_start3A_435 = arith.constant 0 : i32
      %dma_start3A_436 = tpu.memref_slice %arg6[%mul3A_0, %dma_start3A_435] : memref<10016x16xf32, #tpu.memory_space<hbm>> -> memref<625x16xf32, #tpu.memory_space<hbm>>
      tpu.enqueue_dma source(%arg11 : memref<625x16xf32, #tpu.memory_space<vmem>>) target(%dma_start3A_436 : memref<625x16xf32, #tpu.memory_space<hbm>>) target_semaphore(%run_scoped3A : memref<!tpu.dma_semaphore, #tpu.memory_space<semaphore_mem>>)
      %dma_wait3A_437 = arith.constant 0 : i32
      %dma_wait3A_438 = tpu.memref_slice %arg6[%mul3A_0, %dma_wait3A_437] : memref<10016x16xf32, #tpu.memory_space<hbm>> -> memref<625x16xf32, #tpu.memory_space<hbm>>
      %dma_wait3A_439 = arith.constant 0 : i32
      %dma_wait3A_440 = tpu.memref_slice %arg6[%mul3A_0, %dma_wait3A_439] : memref<10016x16xf32, #tpu.memory_space<hbm>> -> memref<625x16xf32, #tpu.memory_space<hbm>>
      tpu.wait_dma2 semaphore(%run_scoped3A : memref<!tpu.dma_semaphore, #tpu.memory_space<semaphore_mem>>) src(%arg11 : memref<625x16xf32, #tpu.memory_space<vmem>>) dst(%dma_wait3A_440 : memref<625x16xf32, #tpu.memory_space<hbm>>)
      tpu.yield
    }) : () -> ()
    %barrier3A_147 = arith.constant 0 : index
    tpu.barrier barrier_id(%barrier3A_147)
    %scan3A_148 = arith.constant 0 : i32
    %scan3A_149 = arith.constant 9 : i32
    %scan3A_150 = arith.addi %scan3A_148, %scan3A_149 : i32
    %scan3A_151 = arith.constant 1 : i32
    scf.for %scan3A_433 = %scan3A_148 to %scan3A_150 step %scan3A_151  : i32 {
      %mul3A_434 = arith.constant 1 : i32
      %mul3A_435 = arith.muli %scan3A_433, %mul3A_434 : i32
      %add3A = arith.constant 0 : i32
      %add3A_436 = arith.addi %add3A, %mul3A_435 : i32
      %dma_start3A_437 = arith.constant 0 : i32
      %dma_start3A_438 = arith.constant 0 : i32
      %dma_start3A_439 = arith.constant 0 : i32
      %dma_start3A_440 = arith.constant 0 : i32
      %dma_start3A_441 = arith.constant 0 : i32
      %dma_start3A_442 = tpu.memref_slice %arg9[%dma_start3A_438, %dma_start3A_440, %dma_start3A_441] : memref<12x128x16xf32, #tpu.memory_space<vmem>> -> memref<1x128x16xf32, #tpu.memory_space<vmem>>
      %dma_start3A_443 = tpu.memref_squeeze %dma_start3A_442 : memref<1x128x16xf32, #tpu.memory_space<vmem>> -> memref<128x16xf32, #tpu.memory_space<vmem>>
      %dma_start3A_444 = arith.constant 0 : i32
      %dma_start3A_445 = tpu.memref_slice %arg7[%dma_start3A_437, %dma_start3A_444] : memref<80x128xi32, #tpu.memory_space<vmem>> -> memref<1x128xi32, #tpu.memory_space<vmem>>
      %dma_start3A_446 = tpu.memref_squeeze %dma_start3A_445 : memref<1x128xi32, #tpu.memory_space<vmem>> -> memref<128xi32, #tpu.memory_space<vmem>>
      %dma_start3A_447 = arith.constant 0 : i32
      %dma_start3A_448 = arith.constant 0 : i32
      %dma_start3A_449 = tpu.memref_slice %arg6[%dma_start3A_447, %dma_start3A_448] : memref<10016x16xf32, #tpu.memory_space<hbm>> -> memref<10016x16xf32, #tpu.memory_space<hbm>>
      %dma_start3A_450 = tpu.memref_slice %arg19[%dma_start3A_439] : memref<12x!tpu.dma_semaphore, #tpu.memory_space<semaphore_mem>> -> memref<1x!tpu.dma_semaphore, #tpu.memory_space<semaphore_mem>>
      %dma_start3A_451 = tpu.memref_squeeze %dma_start3A_450 : memref<1x!tpu.dma_semaphore, #tpu.memory_space<semaphore_mem>> -> memref<!tpu.dma_semaphore, #tpu.memory_space<semaphore_mem>>
      tpu.enqueue_indirect_dma source(%dma_start3A_449 : memref<10016x16xf32, #tpu.memory_space<hbm>>) target(%dma_start3A_443 : memref<128x16xf32, #tpu.memory_space<vmem>>) offsets(%dma_start3A_446 : memref<128xi32, #tpu.memory_space<vmem>>) semaphore(%dma_start3A_451 : memref<!tpu.dma_semaphore, #tpu.memory_space<semaphore_mem>>)
      %dma_start3A_452 = arith.constant 1 : i32
      %dma_start3A_453 = arith.constant 1 : i32
      %dma_start3A_454 = arith.constant 1 : i32
      %dma_start3A_455 = arith.constant 0 : i32
      %dma_start3A_456 = arith.constant 0 : i32
      %dma_start3A_457 = tpu.memref_slice %arg9[%dma_start3A_453, %dma_start3A_455, %dma_start3A_456] : memref<12x128x16xf32, #tpu.memory_space<vmem>> -> memref<1x128x16xf32, #tpu.memory_space<vmem>>
      %dma_start3A_458 = tpu.memref_squeeze %dma_start3A_457 : memref<1x128x16xf32, #tpu.memory_space<vmem>> -> memref<128x16xf32, #tpu.memory_space<vmem>>
      %dma_start3A_459 = arith.constant 0 : i32
      %dma_start3A_460 = tpu.memref_slice %arg7[%dma_start3A_452, %dma_start3A_459] : memref<80x128xi32, #tpu.memory_space<vmem>> -> memref<1x128xi32, #tpu.memory_space<vmem>>
      %dma_start3A_461 = tpu.memref_squeeze %dma_start3A_460 : memref<1x128xi32, #tpu.memory_space<vmem>> -> memref<128xi32, #tpu.memory_space<vmem>>
      %dma_start3A_462 = arith.constant 0 : i32
      %dma_start3A_463 = arith.constant 0 : i32
      %dma_start3A_464 = tpu.memref_slice %arg6[%dma_start3A_462, %dma_start3A_463] : memref<10016x16xf32, #tpu.memory_space<hbm>> -> memref<10016x16xf32, #tpu.memory_space<hbm>>
      %dma_start3A_465 = tpu.memref_slice %arg19[%dma_start3A_454] : memref<12x!tpu.dma_semaphore, #tpu.memory_space<semaphore_mem>> -> memref<1x!tpu.dma_semaphore, #tpu.memory_space<semaphore_mem>>
      %dma_start3A_466 = tpu.memref_squeeze %dma_start3A_465 : memref<1x!tpu.dma_semaphore, #tpu.memory_space<semaphore_mem>> -> memref<!tpu.dma_semaphore, #tpu.memory_space<semaphore_mem>>
      tpu.enqueue_indirect_dma source(%dma_start3A_464 : memref<10016x16xf32, #tpu.memory_space<hbm>>) target(%dma_start3A_458 : memref<128x16xf32, #tpu.memory_space<vmem>>) offsets(%dma_start3A_461 : memref<128xi32, #tpu.memory_space<vmem>>) semaphore(%dma_start3A_466 : memref<!tpu.dma_semaphore, #tpu.memory_space<semaphore_mem>>)
      %dma_start3A_467 = arith.constant 2 : i32
      %dma_start3A_468 = arith.constant 2 : i32
      %dma_start3A_469 = arith.constant 2 : i32
      %dma_start3A_470 = arith.constant 0 : i32
      %dma_start3A_471 = arith.constant 0 : i32
      %dma_start3A_472 = tpu.memref_slice %arg9[%dma_start3A_468, %dma_start3A_470, %dma_start3A_471] : memref<12x128x16xf32, #tpu.memory_space<vmem>> -> memref<1x128x16xf32, #tpu.memory_space<vmem>>
      %dma_start3A_473 = tpu.memref_squeeze %dma_start3A_472 : memref<1x128x16xf32, #tpu.memory_space<vmem>> -> memref<128x16xf32, #tpu.memory_space<vmem>>
      %dma_start3A_474 = arith.constant 0 : i32
      %dma_start3A_475 = tpu.memref_slice %arg7[%dma_start3A_467, %dma_start3A_474] : memref<80x128xi32, #tpu.memory_space<vmem>> -> memref<1x128xi32, #tpu.memory_space<vmem>>
      %dma_start3A_476 = tpu.memref_squeeze %dma_start3A_475 : memref<1x128xi32, #tpu.memory_space<vmem>> -> memref<128xi32, #tpu.memory_space<vmem>>
      %dma_start3A_477 = arith.constant 0 : i32
      %dma_start3A_478 = arith.constant 0 : i32
      %dma_start3A_479 = tpu.memref_slice %arg6[%dma_start3A_477, %dma_start3A_478] : memref<10016x16xf32, #tpu.memory_space<hbm>> -> memref<10016x16xf32, #tpu.memory_space<hbm>>
      %dma_start3A_480 = tpu.memref_slice %arg19[%dma_start3A_469] : memref<12x!tpu.dma_semaphore, #tpu.memory_space<semaphore_mem>> -> memref<1x!tpu.dma_semaphore, #tpu.memory_space<semaphore_mem>>
      %dma_start3A_481 = tpu.memref_squeeze %dma_start3A_480 : memref<1x!tpu.dma_semaphore, #tpu.memory_space<semaphore_mem>> -> memref<!tpu.dma_semaphore, #tpu.memory_space<semaphore_mem>>
      tpu.enqueue_indirect_dma source(%dma_start3A_479 : memref<10016x16xf32, #tpu.memory_space<hbm>>) target(%dma_start3A_473 : memref<128x16xf32, #tpu.memory_space<vmem>>) offsets(%dma_start3A_476 : memref<128xi32, #tpu.memory_space<vmem>>) semaphore(%dma_start3A_481 : memref<!tpu.dma_semaphore, #tpu.memory_space<semaphore_mem>>)
      %dma_start3A_482 = arith.constant 3 : i32
      %dma_start3A_483 = arith.constant 3 : i32
      %dma_start3A_484 = arith.constant 3 : i32
      %dma_start3A_485 = arith.constant 0 : i32
      %dma_start3A_486 = arith.constant 0 : i32
      %dma_start3A_487 = tpu.memref_slice %arg9[%dma_start3A_483, %dma_start3A_485, %dma_start3A_486] : memref<12x128x16xf32, #tpu.memory_space<vmem>> -> memref<1x128x16xf32, #tpu.memory_space<vmem>>
      %dma_start3A_488 = tpu.memref_squeeze %dma_start3A_487 : memref<1x128x16xf32, #tpu.memory_space<vmem>> -> memref<128x16xf32, #tpu.memory_space<vmem>>
      %dma_start3A_489 = arith.constant 0 : i32
      %dma_start3A_490 = tpu.memref_slice %arg7[%dma_start3A_482, %dma_start3A_489] : memref<80x128xi32, #tpu.memory_space<vmem>> -> memref<1x128xi32, #tpu.memory_space<vmem>>
      %dma_start3A_491 = tpu.memref_squeeze %dma_start3A_490 : memref<1x128xi32, #tpu.memory_space<vmem>> -> memref<128xi32, #tpu.memory_space<vmem>>
      %dma_start3A_492 = arith.constant 0 : i32
      %dma_start3A_493 = arith.constant 0 : i32
      %dma_start3A_494 = tpu.memref_slice %arg6[%dma_start3A_492, %dma_start3A_493] : memref<10016x16xf32, #tpu.memory_space<hbm>> -> memref<10016x16xf32, #tpu.memory_space<hbm>>
      %dma_start3A_495 = tpu.memref_slice %arg19[%dma_start3A_484] : memref<12x!tpu.dma_semaphore, #tpu.memory_space<semaphore_mem>> -> memref<1x!tpu.dma_semaphore, #tpu.memory_space<semaphore_mem>>
      %dma_start3A_496 = tpu.memref_squeeze %dma_start3A_495 : memref<1x!tpu.dma_semaphore, #tpu.memory_space<semaphore_mem>> -> memref<!tpu.dma_semaphore, #tpu.memory_space<semaphore_mem>>
      tpu.enqueue_indirect_dma source(%dma_start3A_494 : memref<10016x16xf32, #tpu.memory_space<hbm>>) target(%dma_start3A_488 : memref<128x16xf32, #tpu.memory_space<vmem>>) offsets(%dma_start3A_491 : memref<128xi32, #tpu.memory_space<vmem>>) semaphore(%dma_start3A_496 : memref<!tpu.dma_semaphore, #tpu.memory_space<semaphore_mem>>)
      %dma_start3A_497 = arith.constant 4 : i32
      %dma_start3A_498 = arith.constant 4 : i32
      %dma_start3A_499 = arith.constant 4 : i32
      %dma_start3A_500 = arith.constant 0 : i32
      %dma_start3A_501 = arith.constant 0 : i32
      %dma_start3A_502 = tpu.memref_slice %arg9[%dma_start3A_498, %dma_start3A_500, %dma_start3A_501] : memref<12x128x16xf32, #tpu.memory_space<vmem>> -> memref<1x128x16xf32, #tpu.memory_space<vmem>>
      %dma_start3A_503 = tpu.memref_squeeze %dma_start3A_502 : memref<1x128x16xf32, #tpu.memory_space<vmem>> -> memref<128x16xf32, #tpu.memory_space<vmem>>
      %dma_start3A_504 = arith.constant 0 : i32
      %dma_start3A_505 = tpu.memref_slice %arg7[%dma_start3A_497, %dma_start3A_504] : memref<80x128xi32, #tpu.memory_space<vmem>> -> memref<1x128xi32, #tpu.memory_space<vmem>>
      %dma_start3A_506 = tpu.memref_squeeze %dma_start3A_505 : memref<1x128xi32, #tpu.memory_space<vmem>> -> memref<128xi32, #tpu.memory_space<vmem>>
      %dma_start3A_507 = arith.constant 0 : i32
      %dma_start3A_508 = arith.constant 0 : i32
      %dma_start3A_509 = tpu.memref_slice %arg6[%dma_start3A_507, %dma_start3A_508] : memref<10016x16xf32, #tpu.memory_space<hbm>> -> memref<10016x16xf32, #tpu.memory_space<hbm>>
      %dma_start3A_510 = tpu.memref_slice %arg19[%dma_start3A_499] : memref<12x!tpu.dma_semaphore, #tpu.memory_space<semaphore_mem>> -> memref<1x!tpu.dma_semaphore, #tpu.memory_space<semaphore_mem>>
      %dma_start3A_511 = tpu.memref_squeeze %dma_start3A_510 : memref<1x!tpu.dma_semaphore, #tpu.memory_space<semaphore_mem>> -> memref<!tpu.dma_semaphore, #tpu.memory_space<semaphore_mem>>
      tpu.enqueue_indirect_dma source(%dma_start3A_509 : memref<10016x16xf32, #tpu.memory_space<hbm>>) target(%dma_start3A_503 : memref<128x16xf32, #tpu.memory_space<vmem>>) offsets(%dma_start3A_506 : memref<128xi32, #tpu.memory_space<vmem>>) semaphore(%dma_start3A_511 : memref<!tpu.dma_semaphore, #tpu.memory_space<semaphore_mem>>)
      %dma_start3A_512 = arith.constant 5 : i32
      %dma_start3A_513 = arith.constant 5 : i32
      %dma_start3A_514 = arith.constant 5 : i32
      %dma_start3A_515 = arith.constant 0 : i32
      %dma_start3A_516 = arith.constant 0 : i32
      %dma_start3A_517 = tpu.memref_slice %arg9[%dma_start3A_513, %dma_start3A_515, %dma_start3A_516] : memref<12x128x16xf32, #tpu.memory_space<vmem>> -> memref<1x128x16xf32, #tpu.memory_space<vmem>>
      %dma_start3A_518 = tpu.memref_squeeze %dma_start3A_517 : memref<1x128x16xf32, #tpu.memory_space<vmem>> -> memref<128x16xf32, #tpu.memory_space<vmem>>
      %dma_start3A_519 = arith.constant 0 : i32
      %dma_start3A_520 = tpu.memref_slice %arg7[%dma_start3A_512, %dma_start3A_519] : memref<80x128xi32, #tpu.memory_space<vmem>> -> memref<1x128xi32, #tpu.memory_space<vmem>>
      %dma_start3A_521 = tpu.memref_squeeze %dma_start3A_520 : memref<1x128xi32, #tpu.memory_space<vmem>> -> memref<128xi32, #tpu.memory_space<vmem>>
      %dma_start3A_522 = arith.constant 0 : i32
      %dma_start3A_523 = arith.constant 0 : i32
      %dma_start3A_524 = tpu.memref_slice %arg6[%dma_start3A_522, %dma_start3A_523] : memref<10016x16xf32, #tpu.memory_space<hbm>> -> memref<10016x16xf32, #tpu.memory_space<hbm>>
      %dma_start3A_525 = tpu.memref_slice %arg19[%dma_start3A_514] : memref<12x!tpu.dma_semaphore, #tpu.memory_space<semaphore_mem>> -> memref<1x!tpu.dma_semaphore, #tpu.memory_space<semaphore_mem>>
      %dma_start3A_526 = tpu.memref_squeeze %dma_start3A_525 : memref<1x!tpu.dma_semaphore, #tpu.memory_space<semaphore_mem>> -> memref<!tpu.dma_semaphore, #tpu.memory_space<semaphore_mem>>
      tpu.enqueue_indirect_dma source(%dma_start3A_524 : memref<10016x16xf32, #tpu.memory_space<hbm>>) target(%dma_start3A_518 : memref<128x16xf32, #tpu.memory_space<vmem>>) offsets(%dma_start3A_521 : memref<128xi32, #tpu.memory_space<vmem>>) semaphore(%dma_start3A_526 : memref<!tpu.dma_semaphore, #tpu.memory_space<semaphore_mem>>)
      %scan3A_527 = arith.constant 0 : i32
      %scan3A_528 = arith.constant 80 : i32
      %scan3A_529 = arith.addi %scan3A_527, %scan3A_528 : i32
      %scan3A_530 = arith.constant 1 : i32
      scf.for %scan3A_719 = %scan3A_527 to %scan3A_529 step %scan3A_530  : i32 {
        %mul3A_720 = arith.constant 1 : i32
        %mul3A_721 = arith.muli %scan3A_719, %mul3A_720 : i32
        %add3A_722 = arith.constant 0 : i32
        %add3A_723 = arith.addi %add3A_722, %mul3A_721 : i32
        %add3A_724 = arith.constant 6 : i32
        %add3A_725 = arith.addi %add3A_723, %add3A_724 : i32
        %rem3A = arith.constant 12 : i32
        %rem3A_726 = arith.remsi %add3A_725, %rem3A : i32
        %lt3A = arith.constant 80 : i32
        %lt3A_727 = arith.cmpi slt, %add3A_725, %lt3A : i32
        %convert_element_type3A_728 = arith.extui %lt3A_727 : i1 to i32
        %cond3A_729 = arith.constant 0 : i32
        %cond3A_730 = arith.cmpi ne, %convert_element_type3A_728, %cond3A_729 : i32
        scf.if %cond3A_730 {
          %ge3A = arith.constant 12 : i32
          %ge3A_757 = arith.cmpi sge, %add3A_725, %ge3A : i32
          %convert_element_type3A_758 = arith.extui %ge3A_757 : i1 to i32
          %cond3A_759 = arith.constant 0 : i32
          %cond3A_760 = arith.cmpi ne, %convert_element_type3A_758, %cond3A_759 : i32
          scf.if %cond3A_760 {
            %sub3A = arith.constant 12 : i32
            %sub3A_773 = arith.subi %add3A_725, %sub3A : i32
            %dma_wait3A_774 = arith.constant 0 : i32
            %dma_wait3A_775 = arith.constant 0 : i32
            %dma_wait3A_776 = tpu.memref_slice %arg9[%rem3A_726, %dma_wait3A_774, %dma_wait3A_775] : memref<12x128x16xf32, #tpu.memory_space<vmem>> -> memref<1x128x16xf32, #tpu.memory_space<vmem>>
            %dma_wait3A_777 = tpu.memref_squeeze %dma_wait3A_776 : memref<1x128x16xf32, #tpu.memory_space<vmem>> -> memref<128x16xf32, #tpu.memory_space<vmem>>
            %dma_wait3A_778 = arith.constant 0 : i32
            %dma_wait3A_779 = tpu.memref_slice %arg8[%sub3A_773, %dma_wait3A_778] : memref<80x128xi32, #tpu.memory_space<vmem>> -> memref<1x128xi32, #tpu.memory_space<vmem>>
            %dma_wait3A_780 = tpu.memref_squeeze %dma_wait3A_779 : memref<1x128xi32, #tpu.memory_space<vmem>> -> memref<128xi32, #tpu.memory_space<vmem>>
            %dma_wait3A_781 = arith.constant 0 : i32
            %dma_wait3A_782 = arith.constant 0 : i32
            %dma_wait3A_783 = tpu.memref_slice %arg18[%dma_wait3A_781, %dma_wait3A_782] : memref<10016x16xf32, #tpu.memory_space<vmem_shared>> -> memref<10016x16xf32, #tpu.memory_space<vmem_shared>>
            %dma_wait3A_784 = tpu.memref_slice %arg20[%rem3A_726] : memref<12x!tpu.dma_semaphore, #tpu.memory_space<semaphore_mem>> -> memref<1x!tpu.dma_semaphore, #tpu.memory_space<semaphore_mem>>
            %dma_wait3A_785 = tpu.memref_squeeze %dma_wait3A_784 : memref<1x!tpu.dma_semaphore, #tpu.memory_space<semaphore_mem>> -> memref<!tpu.dma_semaphore, #tpu.memory_space<semaphore_mem>>
            tpu.wait_indirect_dma semaphore(%dma_wait3A_785 : memref<!tpu.dma_semaphore, #tpu.memory_space<semaphore_mem>>) src(%dma_wait3A_777 : memref<128x16xf32, #tpu.memory_space<vmem>>) dst(%dma_wait3A_783 : memref<10016x16xf32, #tpu.memory_space<vmem_shared>>)
          } else {
          }
          %dma_start3A_761 = arith.constant 0 : i32
          %dma_start3A_762 = arith.constant 0 : i32
          %dma_start3A_763 = tpu.memref_slice %arg9[%rem3A_726, %dma_start3A_761, %dma_start3A_762] : memref<12x128x16xf32, #tpu.memory_space<vmem>> -> memref<1x128x16xf32, #tpu.memory_space<vmem>>
          %dma_start3A_764 = tpu.memref_squeeze %dma_start3A_763 : memref<1x128x16xf32, #tpu.memory_space<vmem>> -> memref<128x16xf32, #tpu.memory_space<vmem>>
          %dma_start3A_765 = arith.constant 0 : i32
          %dma_start3A_766 = tpu.memref_slice %arg7[%add3A_725, %dma_start3A_765] : memref<80x128xi32, #tpu.memory_space<vmem>> -> memref<1x128xi32, #tpu.memory_space<vmem>>
          %dma_start3A_767 = tpu.memref_squeeze %dma_start3A_766 : memref<1x128xi32, #tpu.memory_space<vmem>> -> memref<128xi32, #tpu.memory_space<vmem>>
          %dma_start3A_768 = arith.constant 0 : i32
          %dma_start3A_769 = arith.constant 0 : i32
          %dma_start3A_770 = tpu.memref_slice %arg6[%dma_start3A_768, %dma_start3A_769] : memref<10016x16xf32, #tpu.memory_space<hbm>> -> memref<10016x16xf32, #tpu.memory_space<hbm>>
          %dma_start3A_771 = tpu.memref_slice %arg19[%rem3A_726] : memref<12x!tpu.dma_semaphore, #tpu.memory_space<semaphore_mem>> -> memref<1x!tpu.dma_semaphore, #tpu.memory_space<semaphore_mem>>
          %dma_start3A_772 = tpu.memref_squeeze %dma_start3A_771 : memref<1x!tpu.dma_semaphore, #tpu.memory_space<semaphore_mem>> -> memref<!tpu.dma_semaphore, #tpu.memory_space<semaphore_mem>>
          tpu.enqueue_indirect_dma source(%dma_start3A_770 : memref<10016x16xf32, #tpu.memory_space<hbm>>) target(%dma_start3A_764 : memref<128x16xf32, #tpu.memory_space<vmem>>) offsets(%dma_start3A_767 : memref<128xi32, #tpu.memory_space<vmem>>) semaphore(%dma_start3A_772 : memref<!tpu.dma_semaphore, #tpu.memory_space<semaphore_mem>>)
        } else {
        }
        %rem3A_731 = arith.constant 12 : i32
        %rem3A_732 = arith.remsi %add3A_723, %rem3A_731 : i32
        %dma_wait3A_733 = arith.constant 0 : i32
        %dma_wait3A_734 = arith.constant 0 : i32
        %dma_wait3A_735 = tpu.memref_slice %arg9[%rem3A_732, %dma_wait3A_733, %dma_wait3A_734] : memref<12x128x16xf32, #tpu.memory_space<vmem>> -> memref<1x128x16xf32, #tpu.memory_space<vmem>>
        %dma_wait3A_736 = tpu.memref_squeeze %dma_wait3A_735 : memref<1x128x16xf32, #tpu.memory_space<vmem>> -> memref<128x16xf32, #tpu.memory_space<vmem>>
        %dma_wait3A_737 = arith.constant 0 : i32
        %dma_wait3A_738 = tpu.memref_slice %arg7[%add3A_723, %dma_wait3A_737] : memref<80x128xi32, #tpu.memory_space<vmem>> -> memref<1x128xi32, #tpu.memory_space<vmem>>
        %dma_wait3A_739 = tpu.memref_squeeze %dma_wait3A_738 : memref<1x128xi32, #tpu.memory_space<vmem>> -> memref<128xi32, #tpu.memory_space<vmem>>
        %dma_wait3A_740 = arith.constant 0 : i32
        %dma_wait3A_741 = arith.constant 0 : i32
        %dma_wait3A_742 = tpu.memref_slice %arg6[%dma_wait3A_740, %dma_wait3A_741] : memref<10016x16xf32, #tpu.memory_space<hbm>> -> memref<10016x16xf32, #tpu.memory_space<hbm>>
        %dma_wait3A_743 = tpu.memref_slice %arg19[%rem3A_732] : memref<12x!tpu.dma_semaphore, #tpu.memory_space<semaphore_mem>> -> memref<1x!tpu.dma_semaphore, #tpu.memory_space<semaphore_mem>>
        %dma_wait3A_744 = tpu.memref_squeeze %dma_wait3A_743 : memref<1x!tpu.dma_semaphore, #tpu.memory_space<semaphore_mem>> -> memref<!tpu.dma_semaphore, #tpu.memory_space<semaphore_mem>>
        tpu.wait_indirect_dma semaphore(%dma_wait3A_744 : memref<!tpu.dma_semaphore, #tpu.memory_space<semaphore_mem>>) src(%dma_wait3A_742 : memref<10016x16xf32, #tpu.memory_space<hbm>>) dst(%dma_wait3A_736 : memref<128x16xf32, #tpu.memory_space<vmem>>)
        %dma_start3A_745 = arith.constant 0 : i32
        %dma_start3A_746 = arith.constant 0 : i32
        %dma_start3A_747 = tpu.memref_slice %arg9[%rem3A_732, %dma_start3A_745, %dma_start3A_746] : memref<12x128x16xf32, #tpu.memory_space<vmem>> -> memref<1x128x16xf32, #tpu.memory_space<vmem>>
        %dma_start3A_748 = tpu.memref_squeeze %dma_start3A_747 : memref<1x128x16xf32, #tpu.memory_space<vmem>> -> memref<128x16xf32, #tpu.memory_space<vmem>>
        %dma_start3A_749 = arith.constant 0 : i32
        %dma_start3A_750 = tpu.memref_slice %arg8[%add3A_723, %dma_start3A_749] : memref<80x128xi32, #tpu.memory_space<vmem>> -> memref<1x128xi32, #tpu.memory_space<vmem>>
        %dma_start3A_751 = tpu.memref_squeeze %dma_start3A_750 : memref<1x128xi32, #tpu.memory_space<vmem>> -> memref<128xi32, #tpu.memory_space<vmem>>
        %dma_start3A_752 = arith.constant 0 : i32
        %dma_start3A_753 = arith.constant 0 : i32
        %dma_start3A_754 = tpu.memref_slice %arg18[%dma_start3A_752, %dma_start3A_753] : memref<10016x16xf32, #tpu.memory_space<vmem_shared>> -> memref<10016x16xf32, #tpu.memory_space<vmem_shared>>
        %dma_start3A_755 = tpu.memref_slice %arg20[%rem3A_732] : memref<12x!tpu.dma_semaphore, #tpu.memory_space<semaphore_mem>> -> memref<1x!tpu.dma_semaphore, #tpu.memory_space<semaphore_mem>>
        %dma_start3A_756 = tpu.memref_squeeze %dma_start3A_755 : memref<1x!tpu.dma_semaphore, #tpu.memory_space<semaphore_mem>> -> memref<!tpu.dma_semaphore, #tpu.memory_space<semaphore_mem>>
        tpu.enqueue_indirect_dma source(%dma_start3A_748 : memref<128x16xf32, #tpu.memory_space<vmem>>) target(%dma_start3A_754 : memref<10016x16xf32, #tpu.memory_space<vmem_shared>>) offsets(%dma_start3A_751 : memref<128xi32, #tpu.memory_space<vmem>>) semaphore(%dma_start3A_756 : memref<!tpu.dma_semaphore, #tpu.memory_space<semaphore_mem>>) {add = true}
      }
      %scan3A_531 = arith.constant 80 : i32
      %dma_wait3A_532 = arith.constant 0 : i32
      %dma_wait3A_533 = arith.constant 0 : i32
      %dma_wait3A_534 = arith.constant 0 : i32
      %dma_wait3A_535 = arith.constant 0 : i32
      %dma_wait3A_536 = arith.constant 0 : i32
      %dma_wait3A_537 = tpu.memref_slice %arg9[%dma_wait3A_532, %dma_wait3A_535, %dma_wait3A_536] : memref<12x128x16xf32, #tpu.memory_space<vmem>> -> memref<1x128x16xf32, #tpu.memory_space<vmem>>
      %dma_wait3A_538 = tpu.memref_squeeze %dma_wait3A_537 : memref<1x128x16xf32, #tpu.memory_space<vmem>> -> memref<128x16xf32, #tpu.memory_space<vmem>>
      %dma_wait3A_539 = arith.constant 0 : i32
      %dma_wait3A_540 = tpu.memref_slice %arg8[%dma_wait3A_533, %dma_wait3A_539] : memref<80x128xi32, #tpu.memory_space<vmem>> -> memref<1x128xi32, #tpu.memory_space<vmem>>
      %dma_wait3A_541 = tpu.memref_squeeze %dma_wait3A_540 : memref<1x128xi32, #tpu.memory_space<vmem>> -> memref<128xi32, #tpu.memory_space<vmem>>
      %dma_wait3A_542 = arith.constant 0 : i32
      %dma_wait3A_543 = arith.constant 0 : i32
      %dma_wait3A_544 = tpu.memref_slice %arg18[%dma_wait3A_542, %dma_wait3A_543] : memref<10016x16xf32, #tpu.memory_space<vmem_shared>> -> memref<10016x16xf32, #tpu.memory_space<vmem_shared>>
      %dma_wait3A_545 = tpu.memref_slice %arg20[%dma_wait3A_534] : memref<12x!tpu.dma_semaphore, #tpu.memory_space<semaphore_mem>> -> memref<1x!tpu.dma_semaphore, #tpu.memory_space<semaphore_mem>>
      %dma_wait3A_546 = tpu.memref_squeeze %dma_wait3A_545 : memref<1x!tpu.dma_semaphore, #tpu.memory_space<semaphore_mem>> -> memref<!tpu.dma_semaphore, #tpu.memory_space<semaphore_mem>>
      tpu.wait_indirect_dma semaphore(%dma_wait3A_546 : memref<!tpu.dma_semaphore, #tpu.memory_space<semaphore_mem>>) src(%dma_wait3A_538 : memref<128x16xf32, #tpu.memory_space<vmem>>) dst(%dma_wait3A_544 : memref<10016x16xf32, #tpu.memory_space<vmem_shared>>)
      %dma_wait3A_547 = arith.constant 1 : i32
      %dma_wait3A_548 = arith.constant 0 : i32
      %dma_wait3A_549 = arith.constant 1 : i32
      %dma_wait3A_550 = arith.constant 0 : i32
      %dma_wait3A_551 = arith.constant 0 : i32
      %dma_wait3A_552 = tpu.memref_slice %arg9[%dma_wait3A_547, %dma_wait3A_550, %dma_wait3A_551] : memref<12x128x16xf32, #tpu.memory_space<vmem>> -> memref<1x128x16xf32, #tpu.memory_space<vmem>>
      %dma_wait3A_553 = tpu.memref_squeeze %dma_wait3A_552 : memref<1x128x16xf32, #tpu.memory_space<vmem>> -> memref<128x16xf32, #tpu.memory_space<vmem>>
      %dma_wait3A_554 = arith.constant 0 : i32
      %dma_wait3A_555 = tpu.memref_slice %arg8[%dma_wait3A_548, %dma_wait3A_554] : memref<80x128xi32, #tpu.memory_space<vmem>> -> memref<1x128xi32, #tpu.memory_space<vmem>>
      %dma_wait3A_556 = tpu.memref_squeeze %dma_wait3A_555 : memref<1x128xi32, #tpu.memory_space<vmem>> -> memref<128xi32, #tpu.memory_space<vmem>>
      %dma_wait3A_557 = arith.constant 0 : i32
      %dma_wait3A_558 = arith.constant 0 : i32
      %dma_wait3A_559 = tpu.memref_slice %arg18[%dma_wait3A_557, %dma_wait3A_558] : memref<10016x16xf32, #tpu.memory_space<vmem_shared>> -> memref<10016x16xf32, #tpu.memory_space<vmem_shared>>
      %dma_wait3A_560 = tpu.memref_slice %arg20[%dma_wait3A_549] : memref<12x!tpu.dma_semaphore, #tpu.memory_space<semaphore_mem>> -> memref<1x!tpu.dma_semaphore, #tpu.memory_space<semaphore_mem>>
      %dma_wait3A_561 = tpu.memref_squeeze %dma_wait3A_560 : memref<1x!tpu.dma_semaphore, #tpu.memory_space<semaphore_mem>> -> memref<!tpu.dma_semaphore, #tpu.memory_space<semaphore_mem>>
      tpu.wait_indirect_dma semaphore(%dma_wait3A_561 : memref<!tpu.dma_semaphore, #tpu.memory_space<semaphore_mem>>) src(%dma_wait3A_553 : memref<128x16xf32, #tpu.memory_space<vmem>>) dst(%dma_wait3A_559 : memref<10016x16xf32, #tpu.memory_space<vmem_shared>>)
      %dma_wait3A_562 = arith.constant 2 : i32
      %dma_wait3A_563 = arith.constant 0 : i32
      %dma_wait3A_564 = arith.constant 2 : i32
      %dma_wait3A_565 = arith.constant 0 : i32
      %dma_wait3A_566 = arith.constant 0 : i32
      %dma_wait3A_567 = tpu.memref_slice %arg9[%dma_wait3A_562, %dma_wait3A_565, %dma_wait3A_566] : memref<12x128x16xf32, #tpu.memory_space<vmem>> -> memref<1x128x16xf32, #tpu.memory_space<vmem>>
      %dma_wait3A_568 = tpu.memref_squeeze %dma_wait3A_567 : memref<1x128x16xf32, #tpu.memory_space<vmem>> -> memref<128x16xf32, #tpu.memory_space<vmem>>
      %dma_wait3A_569 = arith.constant 0 : i32
      %dma_wait3A_570 = tpu.memref_slice %arg8[%dma_wait3A_563, %dma_wait3A_569] : memref<80x128xi32, #tpu.memory_space<vmem>> -> memref<1x128xi32, #tpu.memory_space<vmem>>
      %dma_wait3A_571 = tpu.memref_squeeze %dma_wait3A_570 : memref<1x128xi32, #tpu.memory_space<vmem>> -> memref<128xi32, #tpu.memory_space<vmem>>
      %dma_wait3A_572 = arith.constant 0 : i32
      %dma_wait3A_573 = arith.constant 0 : i32
      %dma_wait3A_574 = tpu.memref_slice %arg18[%dma_wait3A_572, %dma_wait3A_573] : memref<10016x16xf32, #tpu.memory_space<vmem_shared>> -> memref<10016x16xf32, #tpu.memory_space<vmem_shared>>
      %dma_wait3A_575 = tpu.memref_slice %arg20[%dma_wait3A_564] : memref<12x!tpu.dma_semaphore, #tpu.memory_space<semaphore_mem>> -> memref<1x!tpu.dma_semaphore, #tpu.memory_space<semaphore_mem>>
      %dma_wait3A_576 = tpu.memref_squeeze %dma_wait3A_575 : memref<1x!tpu.dma_semaphore, #tpu.memory_space<semaphore_mem>> -> memref<!tpu.dma_semaphore, #tpu.memory_space<semaphore_mem>>
      tpu.wait_indirect_dma semaphore(%dma_wait3A_576 : memref<!tpu.dma_semaphore, #tpu.memory_space<semaphore_mem>>) src(%dma_wait3A_568 : memref<128x16xf32, #tpu.memory_space<vmem>>) dst(%dma_wait3A_574 : memref<10016x16xf32, #tpu.memory_space<vmem_shared>>)
      %dma_wait3A_577 = arith.constant 3 : i32
      %dma_wait3A_578 = arith.constant 0 : i32
      %dma_wait3A_579 = arith.constant 3 : i32
      %dma_wait3A_580 = arith.constant 0 : i32
      %dma_wait3A_581 = arith.constant 0 : i32
      %dma_wait3A_582 = tpu.memref_slice %arg9[%dma_wait3A_577, %dma_wait3A_580, %dma_wait3A_581] : memref<12x128x16xf32, #tpu.memory_space<vmem>> -> memref<1x128x16xf32, #tpu.memory_space<vmem>>
      %dma_wait3A_583 = tpu.memref_squeeze %dma_wait3A_582 : memref<1x128x16xf32, #tpu.memory_space<vmem>> -> memref<128x16xf32, #tpu.memory_space<vmem>>
      %dma_wait3A_584 = arith.constant 0 : i32
      %dma_wait3A_585 = tpu.memref_slice %arg8[%dma_wait3A_578, %dma_wait3A_584] : memref<80x128xi32, #tpu.memory_space<vmem>> -> memref<1x128xi32, #tpu.memory_space<vmem>>
      %dma_wait3A_586 = tpu.memref_squeeze %dma_wait3A_585 : memref<1x128xi32, #tpu.memory_space<vmem>> -> memref<128xi32, #tpu.memory_space<vmem>>
      %dma_wait3A_587 = arith.constant 0 : i32
      %dma_wait3A_588 = arith.constant 0 : i32
      %dma_wait3A_589 = tpu.memref_slice %arg18[%dma_wait3A_587, %dma_wait3A_588] : memref<10016x16xf32, #tpu.memory_space<vmem_shared>> -> memref<10016x16xf32, #tpu.memory_space<vmem_shared>>
      %dma_wait3A_590 = tpu.memref_slice %arg20[%dma_wait3A_579] : memref<12x!tpu.dma_semaphore, #tpu.memory_space<semaphore_mem>> -> memref<1x!tpu.dma_semaphore, #tpu.memory_space<semaphore_mem>>
      %dma_wait3A_591 = tpu.memref_squeeze %dma_wait3A_590 : memref<1x!tpu.dma_semaphore, #tpu.memory_space<semaphore_mem>> -> memref<!tpu.dma_semaphore, #tpu.memory_space<semaphore_mem>>
      tpu.wait_indirect_dma semaphore(%dma_wait3A_591 : memref<!tpu.dma_semaphore, #tpu.memory_space<semaphore_mem>>) src(%dma_wait3A_583 : memref<128x16xf32, #tpu.memory_space<vmem>>) dst(%dma_wait3A_589 : memref<10016x16xf32, #tpu.memory_space<vmem_shared>>)
      %dma_wait3A_592 = arith.constant 4 : i32
      %dma_wait3A_593 = arith.constant 0 : i32
      %dma_wait3A_594 = arith.constant 4 : i32
      %dma_wait3A_595 = arith.constant 0 : i32
      %dma_wait3A_596 = arith.constant 0 : i32
      %dma_wait3A_597 = tpu.memref_slice %arg9[%dma_wait3A_592, %dma_wait3A_595, %dma_wait3A_596] : memref<12x128x16xf32, #tpu.memory_space<vmem>> -> memref<1x128x16xf32, #tpu.memory_space<vmem>>
      %dma_wait3A_598 = tpu.memref_squeeze %dma_wait3A_597 : memref<1x128x16xf32, #tpu.memory_space<vmem>> -> memref<128x16xf32, #tpu.memory_space<vmem>>
      %dma_wait3A_599 = arith.constant 0 : i32
      %dma_wait3A_600 = tpu.memref_slice %arg8[%dma_wait3A_593, %dma_wait3A_599] : memref<80x128xi32, #tpu.memory_space<vmem>> -> memref<1x128xi32, #tpu.memory_space<vmem>>
      %dma_wait3A_601 = tpu.memref_squeeze %dma_wait3A_600 : memref<1x128xi32, #tpu.memory_space<vmem>> -> memref<128xi32, #tpu.memory_space<vmem>>
      %dma_wait3A_602 = arith.constant 0 : i32
      %dma_wait3A_603 = arith.constant 0 : i32
      %dma_wait3A_604 = tpu.memref_slice %arg18[%dma_wait3A_602, %dma_wait3A_603] : memref<10016x16xf32, #tpu.memory_space<vmem_shared>> -> memref<10016x16xf32, #tpu.memory_space<vmem_shared>>
      %dma_wait3A_605 = tpu.memref_slice %arg20[%dma_wait3A_594] : memref<12x!tpu.dma_semaphore, #tpu.memory_space<semaphore_mem>> -> memref<1x!tpu.dma_semaphore, #tpu.memory_space<semaphore_mem>>
      %dma_wait3A_606 = tpu.memref_squeeze %dma_wait3A_605 : memref<1x!tpu.dma_semaphore, #tpu.memory_space<semaphore_mem>> -> memref<!tpu.dma_semaphore, #tpu.memory_space<semaphore_mem>>
      tpu.wait_indirect_dma semaphore(%dma_wait3A_606 : memref<!tpu.dma_semaphore, #tpu.memory_space<semaphore_mem>>) src(%dma_wait3A_598 : memref<128x16xf32, #tpu.memory_space<vmem>>) dst(%dma_wait3A_604 : memref<10016x16xf32, #tpu.memory_space<vmem_shared>>)
      %dma_wait3A_607 = arith.constant 5 : i32
      %dma_wait3A_608 = arith.constant 0 : i32
      %dma_wait3A_609 = arith.constant 5 : i32
      %dma_wait3A_610 = arith.constant 0 : i32
      %dma_wait3A_611 = arith.constant 0 : i32
      %dma_wait3A_612 = tpu.memref_slice %arg9[%dma_wait3A_607, %dma_wait3A_610, %dma_wait3A_611] : memref<12x128x16xf32, #tpu.memory_space<vmem>> -> memref<1x128x16xf32, #tpu.memory_space<vmem>>
      %dma_wait3A_613 = tpu.memref_squeeze %dma_wait3A_612 : memref<1x128x16xf32, #tpu.memory_space<vmem>> -> memref<128x16xf32, #tpu.memory_space<vmem>>
      %dma_wait3A_614 = arith.constant 0 : i32
      %dma_wait3A_615 = tpu.memref_slice %arg8[%dma_wait3A_608, %dma_wait3A_614] : memref<80x128xi32, #tpu.memory_space<vmem>> -> memref<1x128xi32, #tpu.memory_space<vmem>>
      %dma_wait3A_616 = tpu.memref_squeeze %dma_wait3A_615 : memref<1x128xi32, #tpu.memory_space<vmem>> -> memref<128xi32, #tpu.memory_space<vmem>>
      %dma_wait3A_617 = arith.constant 0 : i32
      %dma_wait3A_618 = arith.constant 0 : i32
      %dma_wait3A_619 = tpu.memref_slice %arg18[%dma_wait3A_617, %dma_wait3A_618] : memref<10016x16xf32, #tpu.memory_space<vmem_shared>> -> memref<10016x16xf32, #tpu.memory_space<vmem_shared>>
      %dma_wait3A_620 = tpu.memref_slice %arg20[%dma_wait3A_609] : memref<12x!tpu.dma_semaphore, #tpu.memory_space<semaphore_mem>> -> memref<1x!tpu.dma_semaphore, #tpu.memory_space<semaphore_mem>>
      %dma_wait3A_621 = tpu.memref_squeeze %dma_wait3A_620 : memref<1x!tpu.dma_semaphore, #tpu.memory_space<semaphore_mem>> -> memref<!tpu.dma_semaphore, #tpu.memory_space<semaphore_mem>>
      tpu.wait_indirect_dma semaphore(%dma_wait3A_621 : memref<!tpu.dma_semaphore, #tpu.memory_space<semaphore_mem>>) src(%dma_wait3A_613 : memref<128x16xf32, #tpu.memory_space<vmem>>) dst(%dma_wait3A_619 : memref<10016x16xf32, #tpu.memory_space<vmem_shared>>)
      %dma_wait3A_622 = arith.constant 6 : i32
      %dma_wait3A_623 = arith.constant 0 : i32
      %dma_wait3A_624 = arith.constant 6 : i32
      %dma_wait3A_625 = arith.constant 0 : i32
      %dma_wait3A_626 = arith.constant 0 : i32
      %dma_wait3A_627 = tpu.memref_slice %arg9[%dma_wait3A_622, %dma_wait3A_625, %dma_wait3A_626] : memref<12x128x16xf32, #tpu.memory_space<vmem>> -> memref<1x128x16xf32, #tpu.memory_space<vmem>>
      %dma_wait3A_628 = tpu.memref_squeeze %dma_wait3A_627 : memref<1x128x16xf32, #tpu.memory_space<vmem>> -> memref<128x16xf32, #tpu.memory_space<vmem>>
      %dma_wait3A_629 = arith.constant 0 : i32
      %dma_wait3A_630 = tpu.memref_slice %arg8[%dma_wait3A_623, %dma_wait3A_629] : memref<80x128xi32, #tpu.memory_space<vmem>> -> memref<1x128xi32, #tpu.memory_space<vmem>>
      %dma_wait3A_631 = tpu.memref_squeeze %dma_wait3A_630 : memref<1x128xi32, #tpu.memory_space<vmem>> -> memref<128xi32, #tpu.memory_space<vmem>>
      %dma_wait3A_632 = arith.constant 0 : i32
      %dma_wait3A_633 = arith.constant 0 : i32
      %dma_wait3A_634 = tpu.memref_slice %arg18[%dma_wait3A_632, %dma_wait3A_633] : memref<10016x16xf32, #tpu.memory_space<vmem_shared>> -> memref<10016x16xf32, #tpu.memory_space<vmem_shared>>
      %dma_wait3A_635 = tpu.memref_slice %arg20[%dma_wait3A_624] : memref<12x!tpu.dma_semaphore, #tpu.memory_space<semaphore_mem>> -> memref<1x!tpu.dma_semaphore, #tpu.memory_space<semaphore_mem>>
      %dma_wait3A_636 = tpu.memref_squeeze %dma_wait3A_635 : memref<1x!tpu.dma_semaphore, #tpu.memory_space<semaphore_mem>> -> memref<!tpu.dma_semaphore, #tpu.memory_space<semaphore_mem>>
      tpu.wait_indirect_dma semaphore(%dma_wait3A_636 : memref<!tpu.dma_semaphore, #tpu.memory_space<semaphore_mem>>) src(%dma_wait3A_628 : memref<128x16xf32, #tpu.memory_space<vmem>>) dst(%dma_wait3A_634 : memref<10016x16xf32, #tpu.memory_space<vmem_shared>>)
      %dma_wait3A_637 = arith.constant 7 : i32
      %dma_wait3A_638 = arith.constant 0 : i32
      %dma_wait3A_639 = arith.constant 7 : i32
      %dma_wait3A_640 = arith.constant 0 : i32
      %dma_wait3A_641 = arith.constant 0 : i32
      %dma_wait3A_642 = tpu.memref_slice %arg9[%dma_wait3A_637, %dma_wait3A_640, %dma_wait3A_641] : memref<12x128x16xf32, #tpu.memory_space<vmem>> -> memref<1x128x16xf32, #tpu.memory_space<vmem>>
      %dma_wait3A_643 = tpu.memref_squeeze %dma_wait3A_642 : memref<1x128x16xf32, #tpu.memory_space<vmem>> -> memref<128x16xf32, #tpu.memory_space<vmem>>
      %dma_wait3A_644 = arith.constant 0 : i32
      %dma_wait3A_645 = tpu.memref_slice %arg8[%dma_wait3A_638, %dma_wait3A_644] : memref<80x128xi32, #tpu.memory_space<vmem>> -> memref<1x128xi32, #tpu.memory_space<vmem>>
      %dma_wait3A_646 = tpu.memref_squeeze %dma_wait3A_645 : memref<1x128xi32, #tpu.memory_space<vmem>> -> memref<128xi32, #tpu.memory_space<vmem>>
      %dma_wait3A_647 = arith.constant 0 : i32
      %dma_wait3A_648 = arith.constant 0 : i32
      %dma_wait3A_649 = tpu.memref_slice %arg18[%dma_wait3A_647, %dma_wait3A_648] : memref<10016x16xf32, #tpu.memory_space<vmem_shared>> -> memref<10016x16xf32, #tpu.memory_space<vmem_shared>>
      %dma_wait3A_650 = tpu.memref_slice %arg20[%dma_wait3A_639] : memref<12x!tpu.dma_semaphore, #tpu.memory_space<semaphore_mem>> -> memref<1x!tpu.dma_semaphore, #tpu.memory_space<semaphore_mem>>
      %dma_wait3A_651 = tpu.memref_squeeze %dma_wait3A_650 : memref<1x!tpu.dma_semaphore, #tpu.memory_space<semaphore_mem>> -> memref<!tpu.dma_semaphore, #tpu.memory_space<semaphore_mem>>
      tpu.wait_indirect_dma semaphore(%dma_wait3A_651 : memref<!tpu.dma_semaphore, #tpu.memory_space<semaphore_mem>>) src(%dma_wait3A_643 : memref<128x16xf32, #tpu.memory_space<vmem>>) dst(%dma_wait3A_649 : memref<10016x16xf32, #tpu.memory_space<vmem_shared>>)
      %dma_wait3A_652 = arith.constant 8 : i32
      %dma_wait3A_653 = arith.constant 0 : i32
      %dma_wait3A_654 = arith.constant 8 : i32
      %dma_wait3A_655 = arith.constant 0 : i32
      %dma_wait3A_656 = arith.constant 0 : i32
      %dma_wait3A_657 = tpu.memref_slice %arg9[%dma_wait3A_652, %dma_wait3A_655, %dma_wait3A_656] : memref<12x128x16xf32, #tpu.memory_space<vmem>> -> memref<1x128x16xf32, #tpu.memory_space<vmem>>
      %dma_wait3A_658 = tpu.memref_squeeze %dma_wait3A_657 : memref<1x128x16xf32, #tpu.memory_space<vmem>> -> memref<128x16xf32, #tpu.memory_space<vmem>>
      %dma_wait3A_659 = arith.constant 0 : i32
      %dma_wait3A_660 = tpu.memref_slice %arg8[%dma_wait3A_653, %dma_wait3A_659] : memref<80x128xi32, #tpu.memory_space<vmem>> -> memref<1x128xi32, #tpu.memory_space<vmem>>
      %dma_wait3A_661 = tpu.memref_squeeze %dma_wait3A_660 : memref<1x128xi32, #tpu.memory_space<vmem>> -> memref<128xi32, #tpu.memory_space<vmem>>
      %dma_wait3A_662 = arith.constant 0 : i32
      %dma_wait3A_663 = arith.constant 0 : i32
      %dma_wait3A_664 = tpu.memref_slice %arg18[%dma_wait3A_662, %dma_wait3A_663] : memref<10016x16xf32, #tpu.memory_space<vmem_shared>> -> memref<10016x16xf32, #tpu.memory_space<vmem_shared>>
      %dma_wait3A_665 = tpu.memref_slice %arg20[%dma_wait3A_654] : memref<12x!tpu.dma_semaphore, #tpu.memory_space<semaphore_mem>> -> memref<1x!tpu.dma_semaphore, #tpu.memory_space<semaphore_mem>>
      %dma_wait3A_666 = tpu.memref_squeeze %dma_wait3A_665 : memref<1x!tpu.dma_semaphore, #tpu.memory_space<semaphore_mem>> -> memref<!tpu.dma_semaphore, #tpu.memory_space<semaphore_mem>>
      tpu.wait_indirect_dma semaphore(%dma_wait3A_666 : memref<!tpu.dma_semaphore, #tpu.memory_space<semaphore_mem>>) src(%dma_wait3A_658 : memref<128x16xf32, #tpu.memory_space<vmem>>) dst(%dma_wait3A_664 : memref<10016x16xf32, #tpu.memory_space<vmem_shared>>)
      %dma_wait3A_667 = arith.constant 9 : i32
      %dma_wait3A_668 = arith.constant 0 : i32
      %dma_wait3A_669 = arith.constant 9 : i32
      %dma_wait3A_670 = arith.constant 0 : i32
      %dma_wait3A_671 = arith.constant 0 : i32
      %dma_wait3A_672 = tpu.memref_slice %arg9[%dma_wait3A_667, %dma_wait3A_670, %dma_wait3A_671] : memref<12x128x16xf32, #tpu.memory_space<vmem>> -> memref<1x128x16xf32, #tpu.memory_space<vmem>>
      %dma_wait3A_673 = tpu.memref_squeeze %dma_wait3A_672 : memref<1x128x16xf32, #tpu.memory_space<vmem>> -> memref<128x16xf32, #tpu.memory_space<vmem>>
      %dma_wait3A_674 = arith.constant 0 : i32
      %dma_wait3A_675 = tpu.memref_slice %arg8[%dma_wait3A_668, %dma_wait3A_674] : memref<80x128xi32, #tpu.memory_space<vmem>> -> memref<1x128xi32, #tpu.memory_space<vmem>>
      %dma_wait3A_676 = tpu.memref_squeeze %dma_wait3A_675 : memref<1x128xi32, #tpu.memory_space<vmem>> -> memref<128xi32, #tpu.memory_space<vmem>>
      %dma_wait3A_677 = arith.constant 0 : i32
      %dma_wait3A_678 = arith.constant 0 : i32
      %dma_wait3A_679 = tpu.memref_slice %arg18[%dma_wait3A_677, %dma_wait3A_678] : memref<10016x16xf32, #tpu.memory_space<vmem_shared>> -> memref<10016x16xf32, #tpu.memory_space<vmem_shared>>
      %dma_wait3A_680 = tpu.memref_slice %arg20[%dma_wait3A_669] : memref<12x!tpu.dma_semaphore, #tpu.memory_space<semaphore_mem>> -> memref<1x!tpu.dma_semaphore, #tpu.memory_space<semaphore_mem>>
      %dma_wait3A_681 = tpu.memref_squeeze %dma_wait3A_680 : memref<1x!tpu.dma_semaphore, #tpu.memory_space<semaphore_mem>> -> memref<!tpu.dma_semaphore, #tpu.memory_space<semaphore_mem>>
      tpu.wait_indirect_dma semaphore(%dma_wait3A_681 : memref<!tpu.dma_semaphore, #tpu.memory_space<semaphore_mem>>) src(%dma_wait3A_673 : memref<128x16xf32, #tpu.memory_space<vmem>>) dst(%dma_wait3A_679 : memref<10016x16xf32, #tpu.memory_space<vmem_shared>>)
      %dma_wait3A_682 = arith.constant 10 : i32
      %dma_wait3A_683 = arith.constant 0 : i32
      %dma_wait3A_684 = arith.constant 10 : i32
      %dma_wait3A_685 = arith.constant 0 : i32
      %dma_wait3A_686 = arith.constant 0 : i32
      %dma_wait3A_687 = tpu.memref_slice %arg9[%dma_wait3A_682, %dma_wait3A_685, %dma_wait3A_686] : memref<12x128x16xf32, #tpu.memory_space<vmem>> -> memref<1x128x16xf32, #tpu.memory_space<vmem>>
      %dma_wait3A_688 = tpu.memref_squeeze %dma_wait3A_687 : memref<1x128x16xf32, #tpu.memory_space<vmem>> -> memref<128x16xf32, #tpu.memory_space<vmem>>
      %dma_wait3A_689 = arith.constant 0 : i32
      %dma_wait3A_690 = tpu.memref_slice %arg8[%dma_wait3A_683, %dma_wait3A_689] : memref<80x128xi32, #tpu.memory_space<vmem>> -> memref<1x128xi32, #tpu.memory_space<vmem>>
      %dma_wait3A_691 = tpu.memref_squeeze %dma_wait3A_690 : memref<1x128xi32, #tpu.memory_space<vmem>> -> memref<128xi32, #tpu.memory_space<vmem>>
      %dma_wait3A_692 = arith.constant 0 : i32
      %dma_wait3A_693 = arith.constant 0 : i32
      %dma_wait3A_694 = tpu.memref_slice %arg18[%dma_wait3A_692, %dma_wait3A_693] : memref<10016x16xf32, #tpu.memory_space<vmem_shared>> -> memref<10016x16xf32, #tpu.memory_space<vmem_shared>>
      %dma_wait3A_695 = tpu.memref_slice %arg20[%dma_wait3A_684] : memref<12x!tpu.dma_semaphore, #tpu.memory_space<semaphore_mem>> -> memref<1x!tpu.dma_semaphore, #tpu.memory_space<semaphore_mem>>
      %dma_wait3A_696 = tpu.memref_squeeze %dma_wait3A_695 : memref<1x!tpu.dma_semaphore, #tpu.memory_space<semaphore_mem>> -> memref<!tpu.dma_semaphore, #tpu.memory_space<semaphore_mem>>
      tpu.wait_indirect_dma semaphore(%dma_wait3A_696 : memref<!tpu.dma_semaphore, #tpu.memory_space<semaphore_mem>>) src(%dma_wait3A_688 : memref<128x16xf32, #tpu.memory_space<vmem>>) dst(%dma_wait3A_694 : memref<10016x16xf32, #tpu.memory_space<vmem_shared>>)
      %dma_wait3A_697 = arith.constant 11 : i32
      %dma_wait3A_698 = arith.constant 0 : i32
      %dma_wait3A_699 = arith.constant 11 : i32
      %dma_wait3A_700 = arith.constant 0 : i32
      %dma_wait3A_701 = arith.constant 0 : i32
      %dma_wait3A_702 = tpu.memref_slice %arg9[%dma_wait3A_697, %dma_wait3A_700, %dma_wait3A_701] : memref<12x128x16xf32, #tpu.memory_space<vmem>> -> memref<1x128x16xf32, #tpu.memory_space<vmem>>
      %dma_wait3A_703 = tpu.memref_squeeze %dma_wait3A_702 : memref<1x128x16xf32, #tpu.memory_space<vmem>> -> memref<128x16xf32, #tpu.memory_space<vmem>>
      %dma_wait3A_704 = arith.constant 0 : i32
      %dma_wait3A_705 = tpu.memref_slice %arg8[%dma_wait3A_698, %dma_wait3A_704] : memref<80x128xi32, #tpu.memory_space<vmem>> -> memref<1x128xi32, #tpu.memory_space<vmem>>
      %dma_wait3A_706 = tpu.memref_squeeze %dma_wait3A_705 : memref<1x128xi32, #tpu.memory_space<vmem>> -> memref<128xi32, #tpu.memory_space<vmem>>
      %dma_wait3A_707 = arith.constant 0 : i32
      %dma_wait3A_708 = arith.constant 0 : i32
      %dma_wait3A_709 = tpu.memref_slice %arg18[%dma_wait3A_707, %dma_wait3A_708] : memref<10016x16xf32, #tpu.memory_space<vmem_shared>> -> memref<10016x16xf32, #tpu.memory_space<vmem_shared>>
      %dma_wait3A_710 = tpu.memref_slice %arg20[%dma_wait3A_699] : memref<12x!tpu.dma_semaphore, #tpu.memory_space<semaphore_mem>> -> memref<1x!tpu.dma_semaphore, #tpu.memory_space<semaphore_mem>>
      %dma_wait3A_711 = tpu.memref_squeeze %dma_wait3A_710 : memref<1x!tpu.dma_semaphore, #tpu.memory_space<semaphore_mem>> -> memref<!tpu.dma_semaphore, #tpu.memory_space<semaphore_mem>>
      tpu.wait_indirect_dma semaphore(%dma_wait3A_711 : memref<!tpu.dma_semaphore, #tpu.memory_space<semaphore_mem>>) src(%dma_wait3A_703 : memref<128x16xf32, #tpu.memory_space<vmem>>) dst(%dma_wait3A_709 : memref<10016x16xf32, #tpu.memory_space<vmem_shared>>)
      %barrier3A_712 = arith.constant 0 : index
      tpu.barrier barrier_id(%barrier3A_712)
      "tpu.region"() ({
        %run_scoped3A = tpu.sem_alloc : memref<!tpu.dma_semaphore, #tpu.memory_space<semaphore_mem>>
        %dma_start3A_719 = arith.constant 0 : i32
        %dma_start3A_720 = tpu.memref_slice %arg18[%mul3A_0, %dma_start3A_719] : memref<10016x16xf32, #tpu.memory_space<vmem_shared>> -> memref<625x16xf32, #tpu.memory_space<vmem_shared>>
        %dma_start3A_721 = arith.constant 0 : i32
        %dma_start3A_722 = tpu.memref_slice %arg18[%mul3A_0, %dma_start3A_721] : memref<10016x16xf32, #tpu.memory_space<vmem_shared>> -> memref<625x16xf32, #tpu.memory_space<vmem_shared>>
        tpu.enqueue_dma source(%dma_start3A_722 : memref<625x16xf32, #tpu.memory_space<vmem_shared>>) target(%arg10 : memref<625x16xf32, #tpu.memory_space<vmem>>) target_semaphore(%run_scoped3A : memref<!tpu.dma_semaphore, #tpu.memory_space<semaphore_mem>>)
        %dma_wait3A_723 = arith.constant 0 : i32
        %dma_wait3A_724 = tpu.memref_slice %arg18[%mul3A_0, %dma_wait3A_723] : memref<10016x16xf32, #tpu.memory_space<vmem_shared>> -> memref<625x16xf32, #tpu.memory_space<vmem_shared>>
        %dma_wait3A_725 = arith.constant 0 : i32
        %dma_wait3A_726 = tpu.memref_slice %arg18[%mul3A_0, %dma_wait3A_725] : memref<10016x16xf32, #tpu.memory_space<vmem_shared>> -> memref<625x16xf32, #tpu.memory_space<vmem_shared>>
        tpu.wait_dma2 semaphore(%run_scoped3A : memref<!tpu.dma_semaphore, #tpu.memory_space<semaphore_mem>>) src(%dma_wait3A_726 : memref<625x16xf32, #tpu.memory_space<vmem_shared>>) dst(%arg10 : memref<625x16xf32, #tpu.memory_space<vmem>>)
        tpu.yield
      }) : () -> ()
      "tpu.region"() ({
        %run_scoped3A = tpu.sem_alloc : memref<!tpu.dma_semaphore, #tpu.memory_space<semaphore_mem>>
        %dma_start3A_719 = arith.constant 0 : i32
        %dma_start3A_720 = tpu.memref_slice %arg18[%mul3A_0, %dma_start3A_719] : memref<10016x16xf32, #tpu.memory_space<vmem_shared>> -> memref<625x16xf32, #tpu.memory_space<vmem_shared>>
        %dma_start3A_721 = arith.constant 0 : i32
        %dma_start3A_722 = tpu.memref_slice %arg18[%mul3A_0, %dma_start3A_721] : memref<10016x16xf32, #tpu.memory_space<vmem_shared>> -> memref<625x16xf32, #tpu.memory_space<vmem_shared>>
        tpu.enqueue_dma source(%arg16 : memref<625x16xf32, #tpu.memory_space<vmem>>) target(%dma_start3A_722 : memref<625x16xf32, #tpu.memory_space<vmem_shared>>) target_semaphore(%run_scoped3A : memref<!tpu.dma_semaphore, #tpu.memory_space<semaphore_mem>>)
        %dma_wait3A_723 = arith.constant 0 : i32
        %dma_wait3A_724 = tpu.memref_slice %arg18[%mul3A_0, %dma_wait3A_723] : memref<10016x16xf32, #tpu.memory_space<vmem_shared>> -> memref<625x16xf32, #tpu.memory_space<vmem_shared>>
        %dma_wait3A_725 = arith.constant 0 : i32
        %dma_wait3A_726 = tpu.memref_slice %arg18[%mul3A_0, %dma_wait3A_725] : memref<10016x16xf32, #tpu.memory_space<vmem_shared>> -> memref<625x16xf32, #tpu.memory_space<vmem_shared>>
        tpu.wait_dma2 semaphore(%run_scoped3A : memref<!tpu.dma_semaphore, #tpu.memory_space<semaphore_mem>>) src(%arg16 : memref<625x16xf32, #tpu.memory_space<vmem>>) dst(%dma_wait3A_726 : memref<625x16xf32, #tpu.memory_space<vmem_shared>>)
        tpu.yield
      }) : () -> ()
      %scan3A_713 = arith.constant 0 : i32
      %scan3A_714 = arith.constant 625 : i32
      %scan3A_715 = arith.addi %scan3A_713, %scan3A_714 : i32
      %scan3A_716 = arith.constant 1 : i32
      scf.for %scan3A_719 = %scan3A_713 to %scan3A_715 step %scan3A_716  : i32 {
        %mul3A_720 = arith.constant 1 : i32
        %mul3A_721 = arith.muli %scan3A_719, %mul3A_720 : i32
        %add3A_722 = arith.constant 0 : i32
        %add3A_723 = arith.addi %add3A_722, %mul3A_721 : i32
        %get3A = arith.index_cast %add3A_723 : i32 to index
        %get3A_724 = arith.constant 0 : index
        %get3A_725 = tpu.vector_load %arg12[%get3A, %get3A_724] {strides = array<i32>} : memref<625x16xf32, #tpu.memory_space<vmem>>, vector<16xf32>,
        %get3A_726 = arith.index_cast %add3A_723 : i32 to index
        %get3A_727 = arith.constant 0 : index
        %get3A_728 = tpu.vector_load %arg10[%get3A_726, %get3A_727] {strides = array<i32>} : memref<625x16xf32, #tpu.memory_space<vmem>>, vector<16xf32>,
        %get3A_729 = arith.index_cast %add3A_723 : i32 to index
        %get3A_730 = arith.constant 0 : index
        %get3A_731 = tpu.vector_load %arg11[%get3A_729, %get3A_730] {strides = array<i32>} : memref<625x16xf32, #tpu.memory_space<vmem>>, vector<16xf32>,
        %add3A_732 = arith.addf %get3A_728, %get3A_731 : vector<16xf32>
        %mul3A_733 = arith.mulf %get3A_725, %add3A_732 : vector<16xf32>
        %get3A_734 = arith.index_cast %add3A_723 : i32 to index
        %get3A_735 = arith.constant 0 : index
        %get3A_736 = tpu.vector_load %arg13[%get3A_734, %get3A_735] {strides = array<i32>} : memref<625x16xf32, #tpu.memory_space<vmem>>, vector<16xf32>,
        %add3A_737 = arith.addf %mul3A_733, %get3A_736 : vector<16xf32>
        %swap3A = arith.index_cast %add3A_723 : i32 to index
        %swap3A_738 = arith.constant 0 : index
        %swap3A_739 = tpu.vector_load %arg11[%swap3A, %swap3A_738] {strides = array<i32>} : memref<625x16xf32, #tpu.memory_space<vmem>>, vector<16xf32>,
        tpu.vector_store %arg11[%swap3A, %swap3A_738], %add3A_737 {strides = array<i32>} : memref<625x16xf32, #tpu.memory_space<vmem>>, vector<16xf32>,
      }
      %scan3A_717 = arith.constant 625 : i32
      "tpu.region"() ({
        %run_scoped3A = tpu.sem_alloc : memref<!tpu.dma_semaphore, #tpu.memory_space<semaphore_mem>>
        %dma_start3A_719 = arith.constant 0 : i32
        %dma_start3A_720 = tpu.memref_slice %arg6[%mul3A_0, %dma_start3A_719] : memref<10016x16xf32, #tpu.memory_space<hbm>> -> memref<625x16xf32, #tpu.memory_space<hbm>>
        %dma_start3A_721 = arith.constant 0 : i32
        %dma_start3A_722 = tpu.memref_slice %arg6[%mul3A_0, %dma_start3A_721] : memref<10016x16xf32, #tpu.memory_space<hbm>> -> memref<625x16xf32, #tpu.memory_space<hbm>>
        tpu.enqueue_dma source(%arg11 : memref<625x16xf32, #tpu.memory_space<vmem>>) target(%dma_start3A_722 : memref<625x16xf32, #tpu.memory_space<hbm>>) target_semaphore(%run_scoped3A : memref<!tpu.dma_semaphore, #tpu.memory_space<semaphore_mem>>)
        %dma_wait3A_723 = arith.constant 0 : i32
        %dma_wait3A_724 = tpu.memref_slice %arg6[%mul3A_0, %dma_wait3A_723] : memref<10016x16xf32, #tpu.memory_space<hbm>> -> memref<625x16xf32, #tpu.memory_space<hbm>>
        %dma_wait3A_725 = arith.constant 0 : i32
        %dma_wait3A_726 = tpu.memref_slice %arg6[%mul3A_0, %dma_wait3A_725] : memref<10016x16xf32, #tpu.memory_space<hbm>> -> memref<625x16xf32, #tpu.memory_space<hbm>>
        tpu.wait_dma2 semaphore(%run_scoped3A : memref<!tpu.dma_semaphore, #tpu.memory_space<semaphore_mem>>) src(%arg11 : memref<625x16xf32, #tpu.memory_space<vmem>>) dst(%dma_wait3A_726 : memref<625x16xf32, #tpu.memory_space<hbm>>)
        tpu.yield
      }) : () -> ()
      %barrier3A_718 = arith.constant 0 : index
      tpu.barrier barrier_id(%barrier3A_718)
    }
    %scan3A_152 = arith.constant 9 : i32
    %dma_start3A = arith.constant 0 : i32
    %dma_start3A_153 = arith.constant 0 : i32
    %dma_start3A_154 = arith.constant 0 : i32
    %dma_start3A_155 = arith.constant 0 : i32
    %dma_start3A_156 = arith.constant 0 : i32
    %dma_start3A_157 = tpu.memref_slice %arg9[%dma_start3A_153, %dma_start3A_155, %dma_start3A_156] : memref<12x128x16xf32, #tpu.memory_space<vmem>> -> memref<1x128x16xf32, #tpu.memory_space<vmem>>
    %dma_start3A_158 = tpu.memref_squeeze %dma_start3A_157 : memref<1x128x16xf32, #tpu.memory_space<vmem>> -> memref<128x16xf32, #tpu.memory_space<vmem>>
    %dma_start3A_159 = arith.constant 0 : i32
    %dma_start3A_160 = tpu.memref_slice %arg7[%dma_start3A, %dma_start3A_159] : memref<80x128xi32, #tpu.memory_space<vmem>> -> memref<1x128xi32, #tpu.memory_space<vmem>>
    %dma_start3A_161 = tpu.memref_squeeze %dma_start3A_160 : memref<1x128xi32, #tpu.memory_space<vmem>> -> memref<128xi32, #tpu.memory_space<vmem>>
    %dma_start3A_162 = arith.constant 0 : i32
    %dma_start3A_163 = arith.constant 0 : i32
    %dma_start3A_164 = tpu.memref_slice %arg6[%dma_start3A_162, %dma_start3A_163] : memref<10016x16xf32, #tpu.memory_space<hbm>> -> memref<10016x16xf32, #tpu.memory_space<hbm>>
    %dma_start3A_165 = tpu.memref_slice %arg19[%dma_start3A_154] : memref<12x!tpu.dma_semaphore, #tpu.memory_space<semaphore_mem>> -> memref<1x!tpu.dma_semaphore, #tpu.memory_space<semaphore_mem>>
    %dma_start3A_166 = tpu.memref_squeeze %dma_start3A_165 : memref<1x!tpu.dma_semaphore, #tpu.memory_space<semaphore_mem>> -> memref<!tpu.dma_semaphore, #tpu.memory_space<semaphore_mem>>
    tpu.enqueue_indirect_dma source(%dma_start3A_164 : memref<10016x16xf32, #tpu.memory_space<hbm>>) target(%dma_start3A_158 : memref<128x16xf32, #tpu.memory_space<vmem>>) offsets(%dma_start3A_161 : memref<128xi32, #tpu.memory_space<vmem>>) semaphore(%dma_start3A_166 : memref<!tpu.dma_semaphore, #tpu.memory_space<semaphore_mem>>)
    %dma_start3A_167 = arith.constant 1 : i32
    %dma_start3A_168 = arith.constant 1 : i32
    %dma_start3A_169 = arith.constant 1 : i32
    %dma_start3A_170 = arith.constant 0 : i32
    %dma_start3A_171 = arith.constant 0 : i32
    %dma_start3A_172 = tpu.memref_slice %arg9[%dma_start3A_168, %dma_start3A_170, %dma_start3A_171] : memref<12x128x16xf32, #tpu.memory_space<vmem>> -> memref<1x128x16xf32, #tpu.memory_space<vmem>>
    %dma_start3A_173 = tpu.memref_squeeze %dma_start3A_172 : memref<1x128x16xf32, #tpu.memory_space<vmem>> -> memref<128x16xf32, #tpu.memory_space<vmem>>
    %dma_start3A_174 = arith.constant 0 : i32
    %dma_start3A_175 = tpu.memref_slice %arg7[%dma_start3A_167, %dma_start3A_174] : memref<80x128xi32, #tpu.memory_space<vmem>> -> memref<1x128xi32, #tpu.memory_space<vmem>>
    %dma_start3A_176 = tpu.memref_squeeze %dma_start3A_175 : memref<1x128xi32, #tpu.memory_space<vmem>> -> memref<128xi32, #tpu.memory_space<vmem>>
    %dma_start3A_177 = arith.constant 0 : i32
    %dma_start3A_178 = arith.constant 0 : i32
    %dma_start3A_179 = tpu.memref_slice %arg6[%dma_start3A_177, %dma_start3A_178] : memref<10016x16xf32, #tpu.memory_space<hbm>> -> memref<10016x16xf32, #tpu.memory_space<hbm>>
    %dma_start3A_180 = tpu.memref_slice %arg19[%dma_start3A_169] : memref<12x!tpu.dma_semaphore, #tpu.memory_space<semaphore_mem>> -> memref<1x!tpu.dma_semaphore, #tpu.memory_space<semaphore_mem>>
    %dma_start3A_181 = tpu.memref_squeeze %dma_start3A_180 : memref<1x!tpu.dma_semaphore, #tpu.memory_space<semaphore_mem>> -> memref<!tpu.dma_semaphore, #tpu.memory_space<semaphore_mem>>
    tpu.enqueue_indirect_dma source(%dma_start3A_179 : memref<10016x16xf32, #tpu.memory_space<hbm>>) target(%dma_start3A_173 : memref<128x16xf32, #tpu.memory_space<vmem>>) offsets(%dma_start3A_176 : memref<128xi32, #tpu.memory_space<vmem>>) semaphore(%dma_start3A_181 : memref<!tpu.dma_semaphore, #tpu.memory_space<semaphore_mem>>)
    %dma_start3A_182 = arith.constant 2 : i32
    %dma_start3A_183 = arith.constant 2 : i32
    %dma_start3A_184 = arith.constant 2 : i32
    %dma_start3A_185 = arith.constant 0 : i32
    %dma_start3A_186 = arith.constant 0 : i32
    %dma_start3A_187 = tpu.memref_slice %arg9[%dma_start3A_183, %dma_start3A_185, %dma_start3A_186] : memref<12x128x16xf32, #tpu.memory_space<vmem>> -> memref<1x128x16xf32, #tpu.memory_space<vmem>>
    %dma_start3A_188 = tpu.memref_squeeze %dma_start3A_187 : memref<1x128x16xf32, #tpu.memory_space<vmem>> -> memref<128x16xf32, #tpu.memory_space<vmem>>
    %dma_start3A_189 = arith.constant 0 : i32
    %dma_start3A_190 = tpu.memref_slice %arg7[%dma_start3A_182, %dma_start3A_189] : memref<80x128xi32, #tpu.memory_space<vmem>> -> memref<1x128xi32, #tpu.memory_space<vmem>>
    %dma_start3A_191 = tpu.memref_squeeze %dma_start3A_190 : memref<1x128xi32, #tpu.memory_space<vmem>> -> memref<128xi32, #tpu.memory_space<vmem>>
    %dma_start3A_192 = arith.constant 0 : i32
    %dma_start3A_193 = arith.constant 0 : i32
    %dma_start3A_194 = tpu.memref_slice %arg6[%dma_start3A_192, %dma_start3A_193] : memref<10016x16xf32, #tpu.memory_space<hbm>> -> memref<10016x16xf32, #tpu.memory_space<hbm>>
    %dma_start3A_195 = tpu.memref_slice %arg19[%dma_start3A_184] : memref<12x!tpu.dma_semaphore, #tpu.memory_space<semaphore_mem>> -> memref<1x!tpu.dma_semaphore, #tpu.memory_space<semaphore_mem>>
    %dma_start3A_196 = tpu.memref_squeeze %dma_start3A_195 : memref<1x!tpu.dma_semaphore, #tpu.memory_space<semaphore_mem>> -> memref<!tpu.dma_semaphore, #tpu.memory_space<semaphore_mem>>
    tpu.enqueue_indirect_dma source(%dma_start3A_194 : memref<10016x16xf32, #tpu.memory_space<hbm>>) target(%dma_start3A_188 : memref<128x16xf32, #tpu.memory_space<vmem>>) offsets(%dma_start3A_191 : memref<128xi32, #tpu.memory_space<vmem>>) semaphore(%dma_start3A_196 : memref<!tpu.dma_semaphore, #tpu.memory_space<semaphore_mem>>)
    %dma_start3A_197 = arith.constant 3 : i32
    %dma_start3A_198 = arith.constant 3 : i32
    %dma_start3A_199 = arith.constant 3 : i32
    %dma_start3A_200 = arith.constant 0 : i32
    %dma_start3A_201 = arith.constant 0 : i32
    %dma_start3A_202 = tpu.memref_slice %arg9[%dma_start3A_198, %dma_start3A_200, %dma_start3A_201] : memref<12x128x16xf32, #tpu.memory_space<vmem>> -> memref<1x128x16xf32, #tpu.memory_space<vmem>>
    %dma_start3A_203 = tpu.memref_squeeze %dma_start3A_202 : memref<1x128x16xf32, #tpu.memory_space<vmem>> -> memref<128x16xf32, #tpu.memory_space<vmem>>
    %dma_start3A_204 = arith.constant 0 : i32
    %dma_start3A_205 = tpu.memref_slice %arg7[%dma_start3A_197, %dma_start3A_204] : memref<80x128xi32, #tpu.memory_space<vmem>> -> memref<1x128xi32, #tpu.memory_space<vmem>>
    %dma_start3A_206 = tpu.memref_squeeze %dma_start3A_205 : memref<1x128xi32, #tpu.memory_space<vmem>> -> memref<128xi32, #tpu.memory_space<vmem>>
    %dma_start3A_207 = arith.constant 0 : i32
    %dma_start3A_208 = arith.constant 0 : i32
    %dma_start3A_209 = tpu.memref_slice %arg6[%dma_start3A_207, %dma_start3A_208] : memref<10016x16xf32, #tpu.memory_space<hbm>> -> memref<10016x16xf32, #tpu.memory_space<hbm>>
    %dma_start3A_210 = tpu.memref_slice %arg19[%dma_start3A_199] : memref<12x!tpu.dma_semaphore, #tpu.memory_space<semaphore_mem>> -> memref<1x!tpu.dma_semaphore, #tpu.memory_space<semaphore_mem>>
    %dma_start3A_211 = tpu.memref_squeeze %dma_start3A_210 : memref<1x!tpu.dma_semaphore, #tpu.memory_space<semaphore_mem>> -> memref<!tpu.dma_semaphore, #tpu.memory_space<semaphore_mem>>
    tpu.enqueue_indirect_dma source(%dma_start3A_209 : memref<10016x16xf32, #tpu.memory_space<hbm>>) target(%dma_start3A_203 : memref<128x16xf32, #tpu.memory_space<vmem>>) offsets(%dma_start3A_206 : memref<128xi32, #tpu.memory_space<vmem>>) semaphore(%dma_start3A_211 : memref<!tpu.dma_semaphore, #tpu.memory_space<semaphore_mem>>)
    %dma_start3A_212 = arith.constant 4 : i32
    %dma_start3A_213 = arith.constant 4 : i32
    %dma_start3A_214 = arith.constant 4 : i32
    %dma_start3A_215 = arith.constant 0 : i32
    %dma_start3A_216 = arith.constant 0 : i32
    %dma_start3A_217 = tpu.memref_slice %arg9[%dma_start3A_213, %dma_start3A_215, %dma_start3A_216] : memref<12x128x16xf32, #tpu.memory_space<vmem>> -> memref<1x128x16xf32, #tpu.memory_space<vmem>>
    %dma_start3A_218 = tpu.memref_squeeze %dma_start3A_217 : memref<1x128x16xf32, #tpu.memory_space<vmem>> -> memref<128x16xf32, #tpu.memory_space<vmem>>
    %dma_start3A_219 = arith.constant 0 : i32
    %dma_start3A_220 = tpu.memref_slice %arg7[%dma_start3A_212, %dma_start3A_219] : memref<80x128xi32, #tpu.memory_space<vmem>> -> memref<1x128xi32, #tpu.memory_space<vmem>>
    %dma_start3A_221 = tpu.memref_squeeze %dma_start3A_220 : memref<1x128xi32, #tpu.memory_space<vmem>> -> memref<128xi32, #tpu.memory_space<vmem>>
    %dma_start3A_222 = arith.constant 0 : i32
    %dma_start3A_223 = arith.constant 0 : i32
    %dma_start3A_224 = tpu.memref_slice %arg6[%dma_start3A_222, %dma_start3A_223] : memref<10016x16xf32, #tpu.memory_space<hbm>> -> memref<10016x16xf32, #tpu.memory_space<hbm>>
    %dma_start3A_225 = tpu.memref_slice %arg19[%dma_start3A_214] : memref<12x!tpu.dma_semaphore, #tpu.memory_space<semaphore_mem>> -> memref<1x!tpu.dma_semaphore, #tpu.memory_space<semaphore_mem>>
    %dma_start3A_226 = tpu.memref_squeeze %dma_start3A_225 : memref<1x!tpu.dma_semaphore, #tpu.memory_space<semaphore_mem>> -> memref<!tpu.dma_semaphore, #tpu.memory_space<semaphore_mem>>
    tpu.enqueue_indirect_dma source(%dma_start3A_224 : memref<10016x16xf32, #tpu.memory_space<hbm>>) target(%dma_start3A_218 : memref<128x16xf32, #tpu.memory_space<vmem>>) offsets(%dma_start3A_221 : memref<128xi32, #tpu.memory_space<vmem>>) semaphore(%dma_start3A_226 : memref<!tpu.dma_semaphore, #tpu.memory_space<semaphore_mem>>)
    %dma_start3A_227 = arith.constant 5 : i32
    %dma_start3A_228 = arith.constant 5 : i32
    %dma_start3A_229 = arith.constant 5 : i32
    %dma_start3A_230 = arith.constant 0 : i32
    %dma_start3A_231 = arith.constant 0 : i32
    %dma_start3A_232 = tpu.memref_slice %arg9[%dma_start3A_228, %dma_start3A_230, %dma_start3A_231] : memref<12x128x16xf32, #tpu.memory_space<vmem>> -> memref<1x128x16xf32, #tpu.memory_space<vmem>>
    %dma_start3A_233 = tpu.memref_squeeze %dma_start3A_232 : memref<1x128x16xf32, #tpu.memory_space<vmem>> -> memref<128x16xf32, #tpu.memory_space<vmem>>
    %dma_start3A_234 = arith.constant 0 : i32
    %dma_start3A_235 = tpu.memref_slice %arg7[%dma_start3A_227, %dma_start3A_234] : memref<80x128xi32, #tpu.memory_space<vmem>> -> memref<1x128xi32, #tpu.memory_space<vmem>>
    %dma_start3A_236 = tpu.memref_squeeze %dma_start3A_235 : memref<1x128xi32, #tpu.memory_space<vmem>> -> memref<128xi32, #tpu.memory_space<vmem>>
    %dma_start3A_237 = arith.constant 0 : i32
    %dma_start3A_238 = arith.constant 0 : i32
    %dma_start3A_239 = tpu.memref_slice %arg6[%dma_start3A_237, %dma_start3A_238] : memref<10016x16xf32, #tpu.memory_space<hbm>> -> memref<10016x16xf32, #tpu.memory_space<hbm>>
    %dma_start3A_240 = tpu.memref_slice %arg19[%dma_start3A_229] : memref<12x!tpu.dma_semaphore, #tpu.memory_space<semaphore_mem>> -> memref<1x!tpu.dma_semaphore, #tpu.memory_space<semaphore_mem>>
    %dma_start3A_241 = tpu.memref_squeeze %dma_start3A_240 : memref<1x!tpu.dma_semaphore, #tpu.memory_space<semaphore_mem>> -> memref<!tpu.dma_semaphore, #tpu.memory_space<semaphore_mem>>
    tpu.enqueue_indirect_dma source(%dma_start3A_239 : memref<10016x16xf32, #tpu.memory_space<hbm>>) target(%dma_start3A_233 : memref<128x16xf32, #tpu.memory_space<vmem>>) offsets(%dma_start3A_236 : memref<128xi32, #tpu.memory_space<vmem>>) semaphore(%dma_start3A_241 : memref<!tpu.dma_semaphore, #tpu.memory_space<semaphore_mem>>)
    %scan3A_242 = arith.constant 0 : i32
    %scan3A_243 = arith.constant 80 : i32
    %scan3A_244 = arith.addi %scan3A_242, %scan3A_243 : i32
    %scan3A_245 = arith.constant 1 : i32
    scf.for %scan3A_433 = %scan3A_242 to %scan3A_244 step %scan3A_245  : i32 {
      %mul3A_434 = arith.constant 1 : i32
      %mul3A_435 = arith.muli %scan3A_433, %mul3A_434 : i32
      %add3A = arith.constant 0 : i32
      %add3A_436 = arith.addi %add3A, %mul3A_435 : i32
      %add3A_437 = arith.constant 6 : i32
      %add3A_438 = arith.addi %add3A_436, %add3A_437 : i32
      %rem3A = arith.constant 12 : i32
      %rem3A_439 = arith.remsi %add3A_438, %rem3A : i32
      %lt3A = arith.constant 80 : i32
      %lt3A_440 = arith.cmpi slt, %add3A_438, %lt3A : i32
      %convert_element_type3A_441 = arith.extui %lt3A_440 : i1 to i32
      %cond3A_442 = arith.constant 0 : i32
      %cond3A_443 = arith.cmpi ne, %convert_element_type3A_441, %cond3A_442 : i32
      scf.if %cond3A_443 {
        %ge3A = arith.constant 12 : i32
        %ge3A_470 = arith.cmpi sge, %add3A_438, %ge3A : i32
        %convert_element_type3A_471 = arith.extui %ge3A_470 : i1 to i32
        %cond3A_472 = arith.constant 0 : i32
        %cond3A_473 = arith.cmpi ne, %convert_element_type3A_471, %cond3A_472 : i32
        scf.if %cond3A_473 {
          %sub3A = arith.constant 12 : i32
          %sub3A_486 = arith.subi %add3A_438, %sub3A : i32
          %dma_wait3A_487 = arith.constant 0 : i32
          %dma_wait3A_488 = arith.constant 0 : i32
          %dma_wait3A_489 = tpu.memref_slice %arg9[%rem3A_439, %dma_wait3A_487, %dma_wait3A_488] : memref<12x128x16xf32, #tpu.memory_space<vmem>> -> memref<1x128x16xf32, #tpu.memory_space<vmem>>
          %dma_wait3A_490 = tpu.memref_squeeze %dma_wait3A_489 : memref<1x128x16xf32, #tpu.memory_space<vmem>> -> memref<128x16xf32, #tpu.memory_space<vmem>>
          %dma_wait3A_491 = arith.constant 0 : i32
          %dma_wait3A_492 = tpu.memref_slice %arg8[%sub3A_486, %dma_wait3A_491] : memref<80x128xi32, #tpu.memory_space<vmem>> -> memref<1x128xi32, #tpu.memory_space<vmem>>
          %dma_wait3A_493 = tpu.memref_squeeze %dma_wait3A_492 : memref<1x128xi32, #tpu.memory_space<vmem>> -> memref<128xi32, #tpu.memory_space<vmem>>
          %dma_wait3A_494 = arith.constant 0 : i32
          %dma_wait3A_495 = arith.constant 0 : i32
          %dma_wait3A_496 = tpu.memref_slice %arg18[%dma_wait3A_494, %dma_wait3A_495] : memref<10016x16xf32, #tpu.memory_space<vmem_shared>> -> memref<10016x16xf32, #tpu.memory_space<vmem_shared>>
          %dma_wait3A_497 = tpu.memref_slice %arg20[%rem3A_439] : memref<12x!tpu.dma_semaphore, #tpu.memory_space<semaphore_mem>> -> memref<1x!tpu.dma_semaphore, #tpu.memory_space<semaphore_mem>>
          %dma_wait3A_498 = tpu.memref_squeeze %dma_wait3A_497 : memref<1x!tpu.dma_semaphore, #tpu.memory_space<semaphore_mem>> -> memref<!tpu.dma_semaphore, #tpu.memory_space<semaphore_mem>>
          tpu.wait_indirect_dma semaphore(%dma_wait3A_498 : memref<!tpu.dma_semaphore, #tpu.memory_space<semaphore_mem>>) src(%dma_wait3A_490 : memref<128x16xf32, #tpu.memory_space<vmem>>) dst(%dma_wait3A_496 : memref<10016x16xf32, #tpu.memory_space<vmem_shared>>)
        } else {
        }
        %dma_start3A_474 = arith.constant 0 : i32
        %dma_start3A_475 = arith.constant 0 : i32
        %dma_start3A_476 = tpu.memref_slice %arg9[%rem3A_439, %dma_start3A_474, %dma_start3A_475] : memref<12x128x16xf32, #tpu.memory_space<vmem>> -> memref<1x128x16xf32, #tpu.memory_space<vmem>>
        %dma_start3A_477 = tpu.memref_squeeze %dma_start3A_476 : memref<1x128x16xf32, #tpu.memory_space<vmem>> -> memref<128x16xf32, #tpu.memory_space<vmem>>
        %dma_start3A_478 = arith.constant 0 : i32
        %dma_start3A_479 = tpu.memref_slice %arg7[%add3A_438, %dma_start3A_478] : memref<80x128xi32, #tpu.memory_space<vmem>> -> memref<1x128xi32, #tpu.memory_space<vmem>>
        %dma_start3A_480 = tpu.memref_squeeze %dma_start3A_479 : memref<1x128xi32, #tpu.memory_space<vmem>> -> memref<128xi32, #tpu.memory_space<vmem>>
        %dma_start3A_481 = arith.constant 0 : i32
        %dma_start3A_482 = arith.constant 0 : i32
        %dma_start3A_483 = tpu.memref_slice %arg6[%dma_start3A_481, %dma_start3A_482] : memref<10016x16xf32, #tpu.memory_space<hbm>> -> memref<10016x16xf32, #tpu.memory_space<hbm>>
        %dma_start3A_484 = tpu.memref_slice %arg19[%rem3A_439] : memref<12x!tpu.dma_semaphore, #tpu.memory_space<semaphore_mem>> -> memref<1x!tpu.dma_semaphore, #tpu.memory_space<semaphore_mem>>
        %dma_start3A_485 = tpu.memref_squeeze %dma_start3A_484 : memref<1x!tpu.dma_semaphore, #tpu.memory_space<semaphore_mem>> -> memref<!tpu.dma_semaphore, #tpu.memory_space<semaphore_mem>>
        tpu.enqueue_indirect_dma source(%dma_start3A_483 : memref<10016x16xf32, #tpu.memory_space<hbm>>) target(%dma_start3A_477 : memref<128x16xf32, #tpu.memory_space<vmem>>) offsets(%dma_start3A_480 : memref<128xi32, #tpu.memory_space<vmem>>) semaphore(%dma_start3A_485 : memref<!tpu.dma_semaphore, #tpu.memory_space<semaphore_mem>>)
      } else {
      }
      %rem3A_444 = arith.constant 12 : i32
      %rem3A_445 = arith.remsi %add3A_436, %rem3A_444 : i32
      %dma_wait3A_446 = arith.constant 0 : i32
      %dma_wait3A_447 = arith.constant 0 : i32
      %dma_wait3A_448 = tpu.memref_slice %arg9[%rem3A_445, %dma_wait3A_446, %dma_wait3A_447] : memref<12x128x16xf32, #tpu.memory_space<vmem>> -> memref<1x128x16xf32, #tpu.memory_space<vmem>>
      %dma_wait3A_449 = tpu.memref_squeeze %dma_wait3A_448 : memref<1x128x16xf32, #tpu.memory_space<vmem>> -> memref<128x16xf32, #tpu.memory_space<vmem>>
      %dma_wait3A_450 = arith.constant 0 : i32
      %dma_wait3A_451 = tpu.memref_slice %arg7[%add3A_436, %dma_wait3A_450] : memref<80x128xi32, #tpu.memory_space<vmem>> -> memref<1x128xi32, #tpu.memory_space<vmem>>
      %dma_wait3A_452 = tpu.memref_squeeze %dma_wait3A_451 : memref<1x128xi32, #tpu.memory_space<vmem>> -> memref<128xi32, #tpu.memory_space<vmem>>
      %dma_wait3A_453 = arith.constant 0 : i32
      %dma_wait3A_454 = arith.constant 0 : i32
      %dma_wait3A_455 = tpu.memref_slice %arg6[%dma_wait3A_453, %dma_wait3A_454] : memref<10016x16xf32, #tpu.memory_space<hbm>> -> memref<10016x16xf32, #tpu.memory_space<hbm>>
      %dma_wait3A_456 = tpu.memref_slice %arg19[%rem3A_445] : memref<12x!tpu.dma_semaphore, #tpu.memory_space<semaphore_mem>> -> memref<1x!tpu.dma_semaphore, #tpu.memory_space<semaphore_mem>>
      %dma_wait3A_457 = tpu.memref_squeeze %dma_wait3A_456 : memref<1x!tpu.dma_semaphore, #tpu.memory_space<semaphore_mem>> -> memref<!tpu.dma_semaphore, #tpu.memory_space<semaphore_mem>>
      tpu.wait_indirect_dma semaphore(%dma_wait3A_457 : memref<!tpu.dma_semaphore, #tpu.memory_space<semaphore_mem>>) src(%dma_wait3A_455 : memref<10016x16xf32, #tpu.memory_space<hbm>>) dst(%dma_wait3A_449 : memref<128x16xf32, #tpu.memory_space<vmem>>)
      %dma_start3A_458 = arith.constant 0 : i32
      %dma_start3A_459 = arith.constant 0 : i32
      %dma_start3A_460 = tpu.memref_slice %arg9[%rem3A_445, %dma_start3A_458, %dma_start3A_459] : memref<12x128x16xf32, #tpu.memory_space<vmem>> -> memref<1x128x16xf32, #tpu.memory_space<vmem>>
      %dma_start3A_461 = tpu.memref_squeeze %dma_start3A_460 : memref<1x128x16xf32, #tpu.memory_space<vmem>> -> memref<128x16xf32, #tpu.memory_space<vmem>>
      %dma_start3A_462 = arith.constant 0 : i32
      %dma_start3A_463 = tpu.memref_slice %arg8[%add3A_436, %dma_start3A_462] : memref<80x128xi32, #tpu.memory_space<vmem>> -> memref<1x128xi32, #tpu.memory_space<vmem>>
      %dma_start3A_464 = tpu.memref_squeeze %dma_start3A_463 : memref<1x128xi32, #tpu.memory_space<vmem>> -> memref<128xi32, #tpu.memory_space<vmem>>
      %dma_start3A_465 = arith.constant 0 : i32
      %dma_start3A_466 = arith.constant 0 : i32
      %dma_start3A_467 = tpu.memref_slice %arg18[%dma_start3A_465, %dma_start3A_466] : memref<10016x16xf32, #tpu.memory_space<vmem_shared>> -> memref<10016x16xf32, #tpu.memory_space<vmem_shared>>
      %dma_start3A_468 = tpu.memref_slice %arg20[%rem3A_445] : memref<12x!tpu.dma_semaphore, #tpu.memory_space<semaphore_mem>> -> memref<1x!tpu.dma_semaphore, #tpu.memory_space<semaphore_mem>>
      %dma_start3A_469 = tpu.memref_squeeze %dma_start3A_468 : memref<1x!tpu.dma_semaphore, #tpu.memory_space<semaphore_mem>> -> memref<!tpu.dma_semaphore, #tpu.memory_space<semaphore_mem>>
      tpu.enqueue_indirect_dma source(%dma_start3A_461 : memref<128x16xf32, #tpu.memory_space<vmem>>) target(%dma_start3A_467 : memref<10016x16xf32, #tpu.memory_space<vmem_shared>>) offsets(%dma_start3A_464 : memref<128xi32, #tpu.memory_space<vmem>>) semaphore(%dma_start3A_469 : memref<!tpu.dma_semaphore, #tpu.memory_space<semaphore_mem>>) {add = true}
    }
    %scan3A_246 = arith.constant 80 : i32
    %dma_wait3A_247 = arith.constant 0 : i32
    %dma_wait3A_248 = arith.constant 0 : i32
    %dma_wait3A_249 = arith.constant 0 : i32
    %dma_wait3A_250 = arith.constant 0 : i32
    %dma_wait3A_251 = arith.constant 0 : i32
    %dma_wait3A_252 = tpu.memref_slice %arg9[%dma_wait3A_247, %dma_wait3A_250, %dma_wait3A_251] : memref<12x128x16xf32, #tpu.memory_space<vmem>> -> memref<1x128x16xf32, #tpu.memory_space<vmem>>
    %dma_wait3A_253 = tpu.memref_squeeze %dma_wait3A_252 : memref<1x128x16xf32, #tpu.memory_space<vmem>> -> memref<128x16xf32, #tpu.memory_space<vmem>>
    %dma_wait3A_254 = arith.constant 0 : i32
    %dma_wait3A_255 = tpu.memref_slice %arg8[%dma_wait3A_248, %dma_wait3A_254] : memref<80x128xi32, #tpu.memory_space<vmem>> -> memref<1x128xi32, #tpu.memory_space<vmem>>
    %dma_wait3A_256 = tpu.memref_squeeze %dma_wait3A_255 : memref<1x128xi32, #tpu.memory_space<vmem>> -> memref<128xi32, #tpu.memory_space<vmem>>
    %dma_wait3A_257 = arith.constant 0 : i32
    %dma_wait3A_258 = arith.constant 0 : i32
    %dma_wait3A_259 = tpu.memref_slice %arg18[%dma_wait3A_257, %dma_wait3A_258] : memref<10016x16xf32, #tpu.memory_space<vmem_shared>> -> memref<10016x16xf32, #tpu.memory_space<vmem_shared>>
    %dma_wait3A_260 = tpu.memref_slice %arg20[%dma_wait3A_249] : memref<12x!tpu.dma_semaphore, #tpu.memory_space<semaphore_mem>> -> memref<1x!tpu.dma_semaphore, #tpu.memory_space<semaphore_mem>>
    %dma_wait3A_261 = tpu.memref_squeeze %dma_wait3A_260 : memref<1x!tpu.dma_semaphore, #tpu.memory_space<semaphore_mem>> -> memref<!tpu.dma_semaphore, #tpu.memory_space<semaphore_mem>>
    tpu.wait_indirect_dma semaphore(%dma_wait3A_261 : memref<!tpu.dma_semaphore, #tpu.memory_space<semaphore_mem>>) src(%dma_wait3A_253 : memref<128x16xf32, #tpu.memory_space<vmem>>) dst(%dma_wait3A_259 : memref<10016x16xf32, #tpu.memory_space<vmem_shared>>)
    %dma_wait3A_262 = arith.constant 1 : i32
    %dma_wait3A_263 = arith.constant 0 : i32
    %dma_wait3A_264 = arith.constant 1 : i32
    %dma_wait3A_265 = arith.constant 0 : i32
    %dma_wait3A_266 = arith.constant 0 : i32
    %dma_wait3A_267 = tpu.memref_slice %arg9[%dma_wait3A_262, %dma_wait3A_265, %dma_wait3A_266] : memref<12x128x16xf32, #tpu.memory_space<vmem>> -> memref<1x128x16xf32, #tpu.memory_space<vmem>>
    %dma_wait3A_268 = tpu.memref_squeeze %dma_wait3A_267 : memref<1x128x16xf32, #tpu.memory_space<vmem>> -> memref<128x16xf32, #tpu.memory_space<vmem>>
    %dma_wait3A_269 = arith.constant 0 : i32
    %dma_wait3A_270 = tpu.memref_slice %arg8[%dma_wait3A_263, %dma_wait3A_269] : memref<80x128xi32, #tpu.memory_space<vmem>> -> memref<1x128xi32, #tpu.memory_space<vmem>>
    %dma_wait3A_271 = tpu.memref_squeeze %dma_wait3A_270 : memref<1x128xi32, #tpu.memory_space<vmem>> -> memref<128xi32, #tpu.memory_space<vmem>>
    %dma_wait3A_272 = arith.constant 0 : i32
    %dma_wait3A_273 = arith.constant 0 : i32
    %dma_wait3A_274 = tpu.memref_slice %arg18[%dma_wait3A_272, %dma_wait3A_273] : memref<10016x16xf32, #tpu.memory_space<vmem_shared>> -> memref<10016x16xf32, #tpu.memory_space<vmem_shared>>
    %dma_wait3A_275 = tpu.memref_slice %arg20[%dma_wait3A_264] : memref<12x!tpu.dma_semaphore, #tpu.memory_space<semaphore_mem>> -> memref<1x!tpu.dma_semaphore, #tpu.memory_space<semaphore_mem>>
    %dma_wait3A_276 = tpu.memref_squeeze %dma_wait3A_275 : memref<1x!tpu.dma_semaphore, #tpu.memory_space<semaphore_mem>> -> memref<!tpu.dma_semaphore, #tpu.memory_space<semaphore_mem>>
    tpu.wait_indirect_dma semaphore(%dma_wait3A_276 : memref<!tpu.dma_semaphore, #tpu.memory_space<semaphore_mem>>) src(%dma_wait3A_268 : memref<128x16xf32, #tpu.memory_space<vmem>>) dst(%dma_wait3A_274 : memref<10016x16xf32, #tpu.memory_space<vmem_shared>>)
    %dma_wait3A_277 = arith.constant 2 : i32
    %dma_wait3A_278 = arith.constant 0 : i32
    %dma_wait3A_279 = arith.constant 2 : i32
    %dma_wait3A_280 = arith.constant 0 : i32
    %dma_wait3A_281 = arith.constant 0 : i32
    %dma_wait3A_282 = tpu.memref_slice %arg9[%dma_wait3A_277, %dma_wait3A_280, %dma_wait3A_281] : memref<12x128x16xf32, #tpu.memory_space<vmem>> -> memref<1x128x16xf32, #tpu.memory_space<vmem>>
    %dma_wait3A_283 = tpu.memref_squeeze %dma_wait3A_282 : memref<1x128x16xf32, #tpu.memory_space<vmem>> -> memref<128x16xf32, #tpu.memory_space<vmem>>
    %dma_wait3A_284 = arith.constant 0 : i32
    %dma_wait3A_285 = tpu.memref_slice %arg8[%dma_wait3A_278, %dma_wait3A_284] : memref<80x128xi32, #tpu.memory_space<vmem>> -> memref<1x128xi32, #tpu.memory_space<vmem>>
    %dma_wait3A_286 = tpu.memref_squeeze %dma_wait3A_285 : memref<1x128xi32, #tpu.memory_space<vmem>> -> memref<128xi32, #tpu.memory_space<vmem>>
    %dma_wait3A_287 = arith.constant 0 : i32
    %dma_wait3A_288 = arith.constant 0 : i32
    %dma_wait3A_289 = tpu.memref_slice %arg18[%dma_wait3A_287, %dma_wait3A_288] : memref<10016x16xf32, #tpu.memory_space<vmem_shared>> -> memref<10016x16xf32, #tpu.memory_space<vmem_shared>>
    %dma_wait3A_290 = tpu.memref_slice %arg20[%dma_wait3A_279] : memref<12x!tpu.dma_semaphore, #tpu.memory_space<semaphore_mem>> -> memref<1x!tpu.dma_semaphore, #tpu.memory_space<semaphore_mem>>
    %dma_wait3A_291 = tpu.memref_squeeze %dma_wait3A_290 : memref<1x!tpu.dma_semaphore, #tpu.memory_space<semaphore_mem>> -> memref<!tpu.dma_semaphore, #tpu.memory_space<semaphore_mem>>
    tpu.wait_indirect_dma semaphore(%dma_wait3A_291 : memref<!tpu.dma_semaphore, #tpu.memory_space<semaphore_mem>>) src(%dma_wait3A_283 : memref<128x16xf32, #tpu.memory_space<vmem>>) dst(%dma_wait3A_289 : memref<10016x16xf32, #tpu.memory_space<vmem_shared>>)
    %dma_wait3A_292 = arith.constant 3 : i32
    %dma_wait3A_293 = arith.constant 0 : i32
    %dma_wait3A_294 = arith.constant 3 : i32
    %dma_wait3A_295 = arith.constant 0 : i32
    %dma_wait3A_296 = arith.constant 0 : i32
    %dma_wait3A_297 = tpu.memref_slice %arg9[%dma_wait3A_292, %dma_wait3A_295, %dma_wait3A_296] : memref<12x128x16xf32, #tpu.memory_space<vmem>> -> memref<1x128x16xf32, #tpu.memory_space<vmem>>
    %dma_wait3A_298 = tpu.memref_squeeze %dma_wait3A_297 : memref<1x128x16xf32, #tpu.memory_space<vmem>> -> memref<128x16xf32, #tpu.memory_space<vmem>>
    %dma_wait3A_299 = arith.constant 0 : i32
    %dma_wait3A_300 = tpu.memref_slice %arg8[%dma_wait3A_293, %dma_wait3A_299] : memref<80x128xi32, #tpu.memory_space<vmem>> -> memref<1x128xi32, #tpu.memory_space<vmem>>
    %dma_wait3A_301 = tpu.memref_squeeze %dma_wait3A_300 : memref<1x128xi32, #tpu.memory_space<vmem>> -> memref<128xi32, #tpu.memory_space<vmem>>
    %dma_wait3A_302 = arith.constant 0 : i32
    %dma_wait3A_303 = arith.constant 0 : i32
    %dma_wait3A_304 = tpu.memref_slice %arg18[%dma_wait3A_302, %dma_wait3A_303] : memref<10016x16xf32, #tpu.memory_space<vmem_shared>> -> memref<10016x16xf32, #tpu.memory_space<vmem_shared>>
    %dma_wait3A_305 = tpu.memref_slice %arg20[%dma_wait3A_294] : memref<12x!tpu.dma_semaphore, #tpu.memory_space<semaphore_mem>> -> memref<1x!tpu.dma_semaphore, #tpu.memory_space<semaphore_mem>>
    %dma_wait3A_306 = tpu.memref_squeeze %dma_wait3A_305 : memref<1x!tpu.dma_semaphore, #tpu.memory_space<semaphore_mem>> -> memref<!tpu.dma_semaphore, #tpu.memory_space<semaphore_mem>>
    tpu.wait_indirect_dma semaphore(%dma_wait3A_306 : memref<!tpu.dma_semaphore, #tpu.memory_space<semaphore_mem>>) src(%dma_wait3A_298 : memref<128x16xf32, #tpu.memory_space<vmem>>) dst(%dma_wait3A_304 : memref<10016x16xf32, #tpu.memory_space<vmem_shared>>)
    %dma_wait3A_307 = arith.constant 4 : i32
    %dma_wait3A_308 = arith.constant 0 : i32
    %dma_wait3A_309 = arith.constant 4 : i32
    %dma_wait3A_310 = arith.constant 0 : i32
    %dma_wait3A_311 = arith.constant 0 : i32
    %dma_wait3A_312 = tpu.memref_slice %arg9[%dma_wait3A_307, %dma_wait3A_310, %dma_wait3A_311] : memref<12x128x16xf32, #tpu.memory_space<vmem>> -> memref<1x128x16xf32, #tpu.memory_space<vmem>>
    %dma_wait3A_313 = tpu.memref_squeeze %dma_wait3A_312 : memref<1x128x16xf32, #tpu.memory_space<vmem>> -> memref<128x16xf32, #tpu.memory_space<vmem>>
    %dma_wait3A_314 = arith.constant 0 : i32
    %dma_wait3A_315 = tpu.memref_slice %arg8[%dma_wait3A_308, %dma_wait3A_314] : memref<80x128xi32, #tpu.memory_space<vmem>> -> memref<1x128xi32, #tpu.memory_space<vmem>>
    %dma_wait3A_316 = tpu.memref_squeeze %dma_wait3A_315 : memref<1x128xi32, #tpu.memory_space<vmem>> -> memref<128xi32, #tpu.memory_space<vmem>>
    %dma_wait3A_317 = arith.constant 0 : i32
    %dma_wait3A_318 = arith.constant 0 : i32
    %dma_wait3A_319 = tpu.memref_slice %arg18[%dma_wait3A_317, %dma_wait3A_318] : memref<10016x16xf32, #tpu.memory_space<vmem_shared>> -> memref<10016x16xf32, #tpu.memory_space<vmem_shared>>
    %dma_wait3A_320 = tpu.memref_slice %arg20[%dma_wait3A_309] : memref<12x!tpu.dma_semaphore, #tpu.memory_space<semaphore_mem>> -> memref<1x!tpu.dma_semaphore, #tpu.memory_space<semaphore_mem>>
    %dma_wait3A_321 = tpu.memref_squeeze %dma_wait3A_320 : memref<1x!tpu.dma_semaphore, #tpu.memory_space<semaphore_mem>> -> memref<!tpu.dma_semaphore, #tpu.memory_space<semaphore_mem>>
    tpu.wait_indirect_dma semaphore(%dma_wait3A_321 : memref<!tpu.dma_semaphore, #tpu.memory_space<semaphore_mem>>) src(%dma_wait3A_313 : memref<128x16xf32, #tpu.memory_space<vmem>>) dst(%dma_wait3A_319 : memref<10016x16xf32, #tpu.memory_space<vmem_shared>>)
    %dma_wait3A_322 = arith.constant 5 : i32
    %dma_wait3A_323 = arith.constant 0 : i32
    %dma_wait3A_324 = arith.constant 5 : i32
    %dma_wait3A_325 = arith.constant 0 : i32
    %dma_wait3A_326 = arith.constant 0 : i32
    %dma_wait3A_327 = tpu.memref_slice %arg9[%dma_wait3A_322, %dma_wait3A_325, %dma_wait3A_326] : memref<12x128x16xf32, #tpu.memory_space<vmem>> -> memref<1x128x16xf32, #tpu.memory_space<vmem>>
    %dma_wait3A_328 = tpu.memref_squeeze %dma_wait3A_327 : memref<1x128x16xf32, #tpu.memory_space<vmem>> -> memref<128x16xf32, #tpu.memory_space<vmem>>
    %dma_wait3A_329 = arith.constant 0 : i32
    %dma_wait3A_330 = tpu.memref_slice %arg8[%dma_wait3A_323, %dma_wait3A_329] : memref<80x128xi32, #tpu.memory_space<vmem>> -> memref<1x128xi32, #tpu.memory_space<vmem>>
    %dma_wait3A_331 = tpu.memref_squeeze %dma_wait3A_330 : memref<1x128xi32, #tpu.memory_space<vmem>> -> memref<128xi32, #tpu.memory_space<vmem>>
    %dma_wait3A_332 = arith.constant 0 : i32
    %dma_wait3A_333 = arith.constant 0 : i32
    %dma_wait3A_334 = tpu.memref_slice %arg18[%dma_wait3A_332, %dma_wait3A_333] : memref<10016x16xf32, #tpu.memory_space<vmem_shared>> -> memref<10016x16xf32, #tpu.memory_space<vmem_shared>>
    %dma_wait3A_335 = tpu.memref_slice %arg20[%dma_wait3A_324] : memref<12x!tpu.dma_semaphore, #tpu.memory_space<semaphore_mem>> -> memref<1x!tpu.dma_semaphore, #tpu.memory_space<semaphore_mem>>
    %dma_wait3A_336 = tpu.memref_squeeze %dma_wait3A_335 : memref<1x!tpu.dma_semaphore, #tpu.memory_space<semaphore_mem>> -> memref<!tpu.dma_semaphore, #tpu.memory_space<semaphore_mem>>
    tpu.wait_indirect_dma semaphore(%dma_wait3A_336 : memref<!tpu.dma_semaphore, #tpu.memory_space<semaphore_mem>>) src(%dma_wait3A_328 : memref<128x16xf32, #tpu.memory_space<vmem>>) dst(%dma_wait3A_334 : memref<10016x16xf32, #tpu.memory_space<vmem_shared>>)
    %dma_wait3A_337 = arith.constant 6 : i32
    %dma_wait3A_338 = arith.constant 0 : i32
    %dma_wait3A_339 = arith.constant 6 : i32
    %dma_wait3A_340 = arith.constant 0 : i32
    %dma_wait3A_341 = arith.constant 0 : i32
    %dma_wait3A_342 = tpu.memref_slice %arg9[%dma_wait3A_337, %dma_wait3A_340, %dma_wait3A_341] : memref<12x128x16xf32, #tpu.memory_space<vmem>> -> memref<1x128x16xf32, #tpu.memory_space<vmem>>
    %dma_wait3A_343 = tpu.memref_squeeze %dma_wait3A_342 : memref<1x128x16xf32, #tpu.memory_space<vmem>> -> memref<128x16xf32, #tpu.memory_space<vmem>>
    %dma_wait3A_344 = arith.constant 0 : i32
    %dma_wait3A_345 = tpu.memref_slice %arg8[%dma_wait3A_338, %dma_wait3A_344] : memref<80x128xi32, #tpu.memory_space<vmem>> -> memref<1x128xi32, #tpu.memory_space<vmem>>
    %dma_wait3A_346 = tpu.memref_squeeze %dma_wait3A_345 : memref<1x128xi32, #tpu.memory_space<vmem>> -> memref<128xi32, #tpu.memory_space<vmem>>
    %dma_wait3A_347 = arith.constant 0 : i32
    %dma_wait3A_348 = arith.constant 0 : i32
    %dma_wait3A_349 = tpu.memref_slice %arg18[%dma_wait3A_347, %dma_wait3A_348] : memref<10016x16xf32, #tpu.memory_space<vmem_shared>> -> memref<10016x16xf32, #tpu.memory_space<vmem_shared>>
    %dma_wait3A_350 = tpu.memref_slice %arg20[%dma_wait3A_339] : memref<12x!tpu.dma_semaphore, #tpu.memory_space<semaphore_mem>> -> memref<1x!tpu.dma_semaphore, #tpu.memory_space<semaphore_mem>>
    %dma_wait3A_351 = tpu.memref_squeeze %dma_wait3A_350 : memref<1x!tpu.dma_semaphore, #tpu.memory_space<semaphore_mem>> -> memref<!tpu.dma_semaphore, #tpu.memory_space<semaphore_mem>>
    tpu.wait_indirect_dma semaphore(%dma_wait3A_351 : memref<!tpu.dma_semaphore, #tpu.memory_space<semaphore_mem>>) src(%dma_wait3A_343 : memref<128x16xf32, #tpu.memory_space<vmem>>) dst(%dma_wait3A_349 : memref<10016x16xf32, #tpu.memory_space<vmem_shared>>)
    %dma_wait3A_352 = arith.constant 7 : i32
    %dma_wait3A_353 = arith.constant 0 : i32
    %dma_wait3A_354 = arith.constant 7 : i32
    %dma_wait3A_355 = arith.constant 0 : i32
    %dma_wait3A_356 = arith.constant 0 : i32
    %dma_wait3A_357 = tpu.memref_slice %arg9[%dma_wait3A_352, %dma_wait3A_355, %dma_wait3A_356] : memref<12x128x16xf32, #tpu.memory_space<vmem>> -> memref<1x128x16xf32, #tpu.memory_space<vmem>>
    %dma_wait3A_358 = tpu.memref_squeeze %dma_wait3A_357 : memref<1x128x16xf32, #tpu.memory_space<vmem>> -> memref<128x16xf32, #tpu.memory_space<vmem>>
    %dma_wait3A_359 = arith.constant 0 : i32
    %dma_wait3A_360 = tpu.memref_slice %arg8[%dma_wait3A_353, %dma_wait3A_359] : memref<80x128xi32, #tpu.memory_space<vmem>> -> memref<1x128xi32, #tpu.memory_space<vmem>>
    %dma_wait3A_361 = tpu.memref_squeeze %dma_wait3A_360 : memref<1x128xi32, #tpu.memory_space<vmem>> -> memref<128xi32, #tpu.memory_space<vmem>>
    %dma_wait3A_362 = arith.constant 0 : i32
    %dma_wait3A_363 = arith.constant 0 : i32
    %dma_wait3A_364 = tpu.memref_slice %arg18[%dma_wait3A_362, %dma_wait3A_363] : memref<10016x16xf32, #tpu.memory_space<vmem_shared>> -> memref<10016x16xf32, #tpu.memory_space<vmem_shared>>
    %dma_wait3A_365 = tpu.memref_slice %arg20[%dma_wait3A_354] : memref<12x!tpu.dma_semaphore, #tpu.memory_space<semaphore_mem>> -> memref<1x!tpu.dma_semaphore, #tpu.memory_space<semaphore_mem>>
    %dma_wait3A_366 = tpu.memref_squeeze %dma_wait3A_365 : memref<1x!tpu.dma_semaphore, #tpu.memory_space<semaphore_mem>> -> memref<!tpu.dma_semaphore, #tpu.memory_space<semaphore_mem>>
    tpu.wait_indirect_dma semaphore(%dma_wait3A_366 : memref<!tpu.dma_semaphore, #tpu.memory_space<semaphore_mem>>) src(%dma_wait3A_358 : memref<128x16xf32, #tpu.memory_space<vmem>>) dst(%dma_wait3A_364 : memref<10016x16xf32, #tpu.memory_space<vmem_shared>>)
    %dma_wait3A_367 = arith.constant 8 : i32
    %dma_wait3A_368 = arith.constant 0 : i32
    %dma_wait3A_369 = arith.constant 8 : i32
    %dma_wait3A_370 = arith.constant 0 : i32
    %dma_wait3A_371 = arith.constant 0 : i32
    %dma_wait3A_372 = tpu.memref_slice %arg9[%dma_wait3A_367, %dma_wait3A_370, %dma_wait3A_371] : memref<12x128x16xf32, #tpu.memory_space<vmem>> -> memref<1x128x16xf32, #tpu.memory_space<vmem>>
    %dma_wait3A_373 = tpu.memref_squeeze %dma_wait3A_372 : memref<1x128x16xf32, #tpu.memory_space<vmem>> -> memref<128x16xf32, #tpu.memory_space<vmem>>
    %dma_wait3A_374 = arith.constant 0 : i32
    %dma_wait3A_375 = tpu.memref_slice %arg8[%dma_wait3A_368, %dma_wait3A_374] : memref<80x128xi32, #tpu.memory_space<vmem>> -> memref<1x128xi32, #tpu.memory_space<vmem>>
    %dma_wait3A_376 = tpu.memref_squeeze %dma_wait3A_375 : memref<1x128xi32, #tpu.memory_space<vmem>> -> memref<128xi32, #tpu.memory_space<vmem>>
    %dma_wait3A_377 = arith.constant 0 : i32
    %dma_wait3A_378 = arith.constant 0 : i32
    %dma_wait3A_379 = tpu.memref_slice %arg18[%dma_wait3A_377, %dma_wait3A_378] : memref<10016x16xf32, #tpu.memory_space<vmem_shared>> -> memref<10016x16xf32, #tpu.memory_space<vmem_shared>>
    %dma_wait3A_380 = tpu.memref_slice %arg20[%dma_wait3A_369] : memref<12x!tpu.dma_semaphore, #tpu.memory_space<semaphore_mem>> -> memref<1x!tpu.dma_semaphore, #tpu.memory_space<semaphore_mem>>
    %dma_wait3A_381 = tpu.memref_squeeze %dma_wait3A_380 : memref<1x!tpu.dma_semaphore, #tpu.memory_space<semaphore_mem>> -> memref<!tpu.dma_semaphore, #tpu.memory_space<semaphore_mem>>
    tpu.wait_indirect_dma semaphore(%dma_wait3A_381 : memref<!tpu.dma_semaphore, #tpu.memory_space<semaphore_mem>>) src(%dma_wait3A_373 : memref<128x16xf32, #tpu.memory_space<vmem>>) dst(%dma_wait3A_379 : memref<10016x16xf32, #tpu.memory_space<vmem_shared>>)
    %dma_wait3A_382 = arith.constant 9 : i32
    %dma_wait3A_383 = arith.constant 0 : i32
    %dma_wait3A_384 = arith.constant 9 : i32
    %dma_wait3A_385 = arith.constant 0 : i32
    %dma_wait3A_386 = arith.constant 0 : i32
    %dma_wait3A_387 = tpu.memref_slice %arg9[%dma_wait3A_382, %dma_wait3A_385, %dma_wait3A_386] : memref<12x128x16xf32, #tpu.memory_space<vmem>> -> memref<1x128x16xf32, #tpu.memory_space<vmem>>
    %dma_wait3A_388 = tpu.memref_squeeze %dma_wait3A_387 : memref<1x128x16xf32, #tpu.memory_space<vmem>> -> memref<128x16xf32, #tpu.memory_space<vmem>>
    %dma_wait3A_389 = arith.constant 0 : i32
    %dma_wait3A_390 = tpu.memref_slice %arg8[%dma_wait3A_383, %dma_wait3A_389] : memref<80x128xi32, #tpu.memory_space<vmem>> -> memref<1x128xi32, #tpu.memory_space<vmem>>
    %dma_wait3A_391 = tpu.memref_squeeze %dma_wait3A_390 : memref<1x128xi32, #tpu.memory_space<vmem>> -> memref<128xi32, #tpu.memory_space<vmem>>
    %dma_wait3A_392 = arith.constant 0 : i32
    %dma_wait3A_393 = arith.constant 0 : i32
    %dma_wait3A_394 = tpu.memref_slice %arg18[%dma_wait3A_392, %dma_wait3A_393] : memref<10016x16xf32, #tpu.memory_space<vmem_shared>> -> memref<10016x16xf32, #tpu.memory_space<vmem_shared>>
    %dma_wait3A_395 = tpu.memref_slice %arg20[%dma_wait3A_384] : memref<12x!tpu.dma_semaphore, #tpu.memory_space<semaphore_mem>> -> memref<1x!tpu.dma_semaphore, #tpu.memory_space<semaphore_mem>>
    %dma_wait3A_396 = tpu.memref_squeeze %dma_wait3A_395 : memref<1x!tpu.dma_semaphore, #tpu.memory_space<semaphore_mem>> -> memref<!tpu.dma_semaphore, #tpu.memory_space<semaphore_mem>>
    tpu.wait_indirect_dma semaphore(%dma_wait3A_396 : memref<!tpu.dma_semaphore, #tpu.memory_space<semaphore_mem>>) src(%dma_wait3A_388 : memref<128x16xf32, #tpu.memory_space<vmem>>) dst(%dma_wait3A_394 : memref<10016x16xf32, #tpu.memory_space<vmem_shared>>)
    %dma_wait3A_397 = arith.constant 10 : i32
    %dma_wait3A_398 = arith.constant 0 : i32
    %dma_wait3A_399 = arith.constant 10 : i32
    %dma_wait3A_400 = arith.constant 0 : i32
    %dma_wait3A_401 = arith.constant 0 : i32
    %dma_wait3A_402 = tpu.memref_slice %arg9[%dma_wait3A_397, %dma_wait3A_400, %dma_wait3A_401] : memref<12x128x16xf32, #tpu.memory_space<vmem>> -> memref<1x128x16xf32, #tpu.memory_space<vmem>>
    %dma_wait3A_403 = tpu.memref_squeeze %dma_wait3A_402 : memref<1x128x16xf32, #tpu.memory_space<vmem>> -> memref<128x16xf32, #tpu.memory_space<vmem>>
    %dma_wait3A_404 = arith.constant 0 : i32
    %dma_wait3A_405 = tpu.memref_slice %arg8[%dma_wait3A_398, %dma_wait3A_404] : memref<80x128xi32, #tpu.memory_space<vmem>> -> memref<1x128xi32, #tpu.memory_space<vmem>>
    %dma_wait3A_406 = tpu.memref_squeeze %dma_wait3A_405 : memref<1x128xi32, #tpu.memory_space<vmem>> -> memref<128xi32, #tpu.memory_space<vmem>>
    %dma_wait3A_407 = arith.constant 0 : i32
    %dma_wait3A_408 = arith.constant 0 : i32
    %dma_wait3A_409 = tpu.memref_slice %arg18[%dma_wait3A_407, %dma_wait3A_408] : memref<10016x16xf32, #tpu.memory_space<vmem_shared>> -> memref<10016x16xf32, #tpu.memory_space<vmem_shared>>
    %dma_wait3A_410 = tpu.memref_slice %arg20[%dma_wait3A_399] : memref<12x!tpu.dma_semaphore, #tpu.memory_space<semaphore_mem>> -> memref<1x!tpu.dma_semaphore, #tpu.memory_space<semaphore_mem>>
    %dma_wait3A_411 = tpu.memref_squeeze %dma_wait3A_410 : memref<1x!tpu.dma_semaphore, #tpu.memory_space<semaphore_mem>> -> memref<!tpu.dma_semaphore, #tpu.memory_space<semaphore_mem>>
    tpu.wait_indirect_dma semaphore(%dma_wait3A_411 : memref<!tpu.dma_semaphore, #tpu.memory_space<semaphore_mem>>) src(%dma_wait3A_403 : memref<128x16xf32, #tpu.memory_space<vmem>>) dst(%dma_wait3A_409 : memref<10016x16xf32, #tpu.memory_space<vmem_shared>>)
    %dma_wait3A_412 = arith.constant 11 : i32
    %dma_wait3A_413 = arith.constant 0 : i32
    %dma_wait3A_414 = arith.constant 11 : i32
    %dma_wait3A_415 = arith.constant 0 : i32
    %dma_wait3A_416 = arith.constant 0 : i32
    %dma_wait3A_417 = tpu.memref_slice %arg9[%dma_wait3A_412, %dma_wait3A_415, %dma_wait3A_416] : memref<12x128x16xf32, #tpu.memory_space<vmem>> -> memref<1x128x16xf32, #tpu.memory_space<vmem>>
    %dma_wait3A_418 = tpu.memref_squeeze %dma_wait3A_417 : memref<1x128x16xf32, #tpu.memory_space<vmem>> -> memref<128x16xf32, #tpu.memory_space<vmem>>
    %dma_wait3A_419 = arith.constant 0 : i32
    %dma_wait3A_420 = tpu.memref_slice %arg8[%dma_wait3A_413, %dma_wait3A_419] : memref<80x128xi32, #tpu.memory_space<vmem>> -> memref<1x128xi32, #tpu.memory_space<vmem>>
    %dma_wait3A_421 = tpu.memref_squeeze %dma_wait3A_420 : memref<1x128xi32, #tpu.memory_space<vmem>> -> memref<128xi32, #tpu.memory_space<vmem>>
    %dma_wait3A_422 = arith.constant 0 : i32
    %dma_wait3A_423 = arith.constant 0 : i32
    %dma_wait3A_424 = tpu.memref_slice %arg18[%dma_wait3A_422, %dma_wait3A_423] : memref<10016x16xf32, #tpu.memory_space<vmem_shared>> -> memref<10016x16xf32, #tpu.memory_space<vmem_shared>>
    %dma_wait3A_425 = tpu.memref_slice %arg20[%dma_wait3A_414] : memref<12x!tpu.dma_semaphore, #tpu.memory_space<semaphore_mem>> -> memref<1x!tpu.dma_semaphore, #tpu.memory_space<semaphore_mem>>
    %dma_wait3A_426 = tpu.memref_squeeze %dma_wait3A_425 : memref<1x!tpu.dma_semaphore, #tpu.memory_space<semaphore_mem>> -> memref<!tpu.dma_semaphore, #tpu.memory_space<semaphore_mem>>
    tpu.wait_indirect_dma semaphore(%dma_wait3A_426 : memref<!tpu.dma_semaphore, #tpu.memory_space<semaphore_mem>>) src(%dma_wait3A_418 : memref<128x16xf32, #tpu.memory_space<vmem>>) dst(%dma_wait3A_424 : memref<10016x16xf32, #tpu.memory_space<vmem_shared>>)
    %barrier3A_427 = arith.constant 0 : index
    tpu.barrier barrier_id(%barrier3A_427)
    "tpu.region"() ({
      %run_scoped3A = tpu.sem_alloc : memref<!tpu.dma_semaphore, #tpu.memory_space<semaphore_mem>>
      %dma_start3A_433 = arith.constant 0 : i32
      %dma_start3A_434 = tpu.memref_slice %arg18[%mul3A_0, %dma_start3A_433] : memref<10016x16xf32, #tpu.memory_space<vmem_shared>> -> memref<625x16xf32, #tpu.memory_space<vmem_shared>>
      %dma_start3A_435 = arith.constant 0 : i32
      %dma_start3A_436 = tpu.memref_slice %arg18[%mul3A_0, %dma_start3A_435] : memref<10016x16xf32, #tpu.memory_space<vmem_shared>> -> memref<625x16xf32, #tpu.memory_space<vmem_shared>>
      tpu.enqueue_dma source(%dma_start3A_436 : memref<625x16xf32, #tpu.memory_space<vmem_shared>>) target(%arg10 : memref<625x16xf32, #tpu.memory_space<vmem>>) target_semaphore(%run_scoped3A : memref<!tpu.dma_semaphore, #tpu.memory_space<semaphore_mem>>)
      %dma_wait3A_437 = arith.constant 0 : i32
      %dma_wait3A_438 = tpu.memref_slice %arg18[%mul3A_0, %dma_wait3A_437] : memref<10016x16xf32, #tpu.memory_space<vmem_shared>> -> memref<625x16xf32, #tpu.memory_space<vmem_shared>>
      %dma_wait3A_439 = arith.constant 0 : i32
      %dma_wait3A_440 = tpu.memref_slice %arg18[%mul3A_0, %dma_wait3A_439] : memref<10016x16xf32, #tpu.memory_space<vmem_shared>> -> memref<625x16xf32, #tpu.memory_space<vmem_shared>>
      tpu.wait_dma2 semaphore(%run_scoped3A : memref<!tpu.dma_semaphore, #tpu.memory_space<semaphore_mem>>) src(%dma_wait3A_440 : memref<625x16xf32, #tpu.memory_space<vmem_shared>>) dst(%arg10 : memref<625x16xf32, #tpu.memory_space<vmem>>)
      tpu.yield
    }) : () -> ()
    %scan3A_428 = arith.constant 0 : i32
    %scan3A_429 = arith.constant 625 : i32
    %scan3A_430 = arith.addi %scan3A_428, %scan3A_429 : i32
    %scan3A_431 = arith.constant 1 : i32
    scf.for %scan3A_433 = %scan3A_428 to %scan3A_430 step %scan3A_431  : i32 {
      %mul3A_434 = arith.constant 1 : i32
      %mul3A_435 = arith.muli %scan3A_433, %mul3A_434 : i32
      %add3A = arith.constant 0 : i32
      %add3A_436 = arith.addi %add3A, %mul3A_435 : i32
      %get3A = arith.index_cast %add3A_436 : i32 to index
      %get3A_437 = arith.constant 0 : index
      %get3A_438 = tpu.vector_load %arg14[%get3A, %get3A_437] {strides = array<i32>} : memref<625x16xf32, #tpu.memory_space<vmem>>, vector<16xf32>,
      %mul3A_439 = arith.constant 0.899999976 : f32
      %mul3A_440 = vector.broadcast %mul3A_439 : f32 to vector<16xf32>
      %mul3A_441 = arith.mulf %mul3A_440, %get3A_438 : vector<16xf32>
      %get3A_442 = arith.index_cast %add3A_436 : i32 to index
      %get3A_443 = arith.constant 0 : index
      %get3A_444 = tpu.vector_load %arg10[%get3A_442, %get3A_443] {strides = array<i32>} : memref<625x16xf32, #tpu.memory_space<vmem>>, vector<16xf32>,
      %get3A_445 = arith.index_cast %add3A_436 : i32 to index
      %get3A_446 = arith.constant 0 : index
      %get3A_447 = tpu.vector_load %arg11[%get3A_445, %get3A_446] {strides = array<i32>} : memref<625x16xf32, #tpu.memory_space<vmem>>, vector<16xf32>,
      %add3A_448 = arith.addf %get3A_444, %get3A_447 : vector<16xf32>
      %mul3A_449 = arith.mulf %mul3A_441, %add3A_448 : vector<16xf32>
      %get3A_450 = arith.index_cast %add3A_436 : i32 to index
      %get3A_451 = arith.constant 0 : index
      %get3A_452 = tpu.vector_load %arg15[%get3A_450, %get3A_451] {strides = array<i32>} : memref<625x16xf32, #tpu.memory_space<vmem>>, vector<16xf32>,
      %mul3A_453 = arith.constant 1.000000e-01 : f32
      %mul3A_454 = vector.broadcast %mul3A_453 : f32 to vector<16xf32>
      %mul3A_455 = arith.mulf %mul3A_454, %get3A_452 : vector<16xf32>
      %add3A_456 = arith.addf %mul3A_449, %mul3A_455 : vector<16xf32>
      %reduce_sum3A = arith.constant true
      %reduce_sum3A_457 = vector.broadcast %reduce_sum3A : i1 to vector<16xi1>
      %reduce_sum3A_458 = tpu.scan <sum>, %add3A_456 masked %reduce_sum3A_457 : vector<16xf32>, vector<16xi1> -> vector<16xf32>
      %reduce_sum3A_459 = vector.extract %reduce_sum3A_458[15] : f32 from vector<16xf32>
      %add3A_460 = arith.constant 1.000000e+01 : f32
      %add3A_461 = arith.addf %add3A_460, %reduce_sum3A_459 : f32
      %add3A_462 = arith.constant 1.000000e+00 : f32
      %add3A_463 = vector.broadcast %add3A_462 : f32 to vector<16xf32>
      %add3A_464 = arith.addf %add3A_463, %add3A_456 : vector<16xf32>
      %div3A = vector.broadcast %add3A_461 : f32 to vector<16xf32>
      %div3A_465 = arith.divf %add3A_464, %div3A : vector<16xf32>
      %swap3A = arith.index_cast %add3A_436 : i32 to index
      %swap3A_466 = arith.constant 0 : index
      %swap3A_467 = tpu.vector_load %arg10[%swap3A, %swap3A_466] {strides = array<i32>} : memref<625x16xf32, #tpu.memory_space<vmem>>, vector<16xf32>,
      tpu.vector_store %arg10[%swap3A, %swap3A_466], %div3A_465 {strides = array<i32>} : memref<625x16xf32, #tpu.memory_space<vmem>>, vector<16xf32>,
    }
    %scan3A_432 = arith.constant 625 : i32
    "tpu.region"() ({
      %run_scoped3A = tpu.sem_alloc : memref<!tpu.dma_semaphore, #tpu.memory_space<semaphore_mem>>
      %dma_start3A_433 = arith.constant 0 : i32
      %dma_start3A_434 = tpu.memref_slice %arg5[%mul3A_0, %dma_start3A_433] : memref<10000x16xf32, #tpu.memory_space<hbm>> -> memref<625x16xf32, #tpu.memory_space<hbm>>
      %dma_start3A_435 = arith.constant 0 : i32
      %dma_start3A_436 = tpu.memref_slice %arg5[%mul3A_0, %dma_start3A_435] : memref<10000x16xf32, #tpu.memory_space<hbm>> -> memref<625x16xf32, #tpu.memory_space<hbm>>
      tpu.enqueue_dma source(%arg10 : memref<625x16xf32, #tpu.memory_space<vmem>>) target(%dma_start3A_436 : memref<625x16xf32, #tpu.memory_space<hbm>>) target_semaphore(%run_scoped3A : memref<!tpu.dma_semaphore, #tpu.memory_space<semaphore_mem>>)
      %dma_wait3A_437 = arith.constant 0 : i32
      %dma_wait3A_438 = tpu.memref_slice %arg5[%mul3A_0, %dma_wait3A_437] : memref<10000x16xf32, #tpu.memory_space<hbm>> -> memref<625x16xf32, #tpu.memory_space<hbm>>
      %dma_wait3A_439 = arith.constant 0 : i32
      %dma_wait3A_440 = tpu.memref_slice %arg5[%mul3A_0, %dma_wait3A_439] : memref<10000x16xf32, #tpu.memory_space<hbm>> -> memref<625x16xf32, #tpu.memory_space<hbm>>
      tpu.wait_dma2 semaphore(%run_scoped3A : memref<!tpu.dma_semaphore, #tpu.memory_space<semaphore_mem>>) src(%arg10 : memref<625x16xf32, #tpu.memory_space<vmem>>) dst(%dma_wait3A_440 : memref<625x16xf32, #tpu.memory_space<hbm>>)
      tpu.yield
    }) : () -> ()
    return
  }
}

module attributes {stable_mosaic.version = 14 : i64} {
  func.func @_encoder_body(%arg0: i32, %arg1: memref<80x128xi32, #tpu.memory_space<vmem>>, %arg2: memref<1024x256xf32, #tpu.memory_space<vmem>>, %arg3: memref<256x64xf32, #tpu.memory_space<vmem>>, %arg4: memref<1x64xf32, #tpu.memory_space<vmem>>, %arg5: memref<16x64xf32, #tpu.memory_space<vmem>>, %arg6: memref<16x1xf32, #tpu.memory_space<vmem>>, %arg7: memref<16x64xf32, #tpu.memory_space<vmem>>, %arg8: memref<1x64xf32, #tpu.memory_space<vmem>>, %arg9: memref<1x64xf32, #tpu.memory_space<vmem>>, %arg10: memref<16x1024xf32, #tpu.memory_space<vmem>>, %arg11: memref<1x128xf32, #tpu.memory_space<vmem>>) attributes {dimension_semantics = [#tpu.dimension_semantics<arbitrary>], iteration_bounds = array<i64: 10>, scalar_prefetch = 0 : i64, scratch_operands = 1 : i64, tpu.core_type = #tpu.core_type<tc>, window_params = [{pipeline_mode = #tpu.pipeline_mode<synchronous>, transform_indices = @transform_0, window_bounds = array<i64: 80, 128>}, {transform_indices = @transform_1, window_bounds = array<i64: 1024, 256>}, {pipeline_mode = #tpu.pipeline_mode<synchronous>, transform_indices = @transform_2, window_bounds = array<i64: 256, 64>}, {pipeline_mode = #tpu.pipeline_mode<synchronous>, transform_indices = @transform_3, window_bounds = array<i64: 1, 64>}, {pipeline_mode = #tpu.pipeline_mode<synchronous>, transform_indices = @transform_4, window_bounds = array<i64: 16, 64>}, {pipeline_mode = #tpu.pipeline_mode<synchronous>, transform_indices = @transform_5, window_bounds = array<i64: 16, 1>}, {pipeline_mode = #tpu.pipeline_mode<synchronous>, transform_indices = @transform_6, window_bounds = array<i64: 16, 64>}, {pipeline_mode = #tpu.pipeline_mode<synchronous>, transform_indices = @transform_7, window_bounds = array<i64: 1, 64>}, {pipeline_mode = #tpu.pipeline_mode<synchronous>, transform_indices = @transform_8, window_bounds = array<i64: 1, 64>}, {transform_indices = @transform_9, window_bounds = array<i64: 16, 1024>}]} {
    %eq3A = arith.constant 0 : i32
    %eq3A_0 = arith.cmpi eq, %arg0, %eq3A : i32
    %convert_element_type3A = arith.extui %eq3A_0 : i1 to i32
    %cond3A = arith.constant 0 : i32
    %cond3A_1 = arith.cmpi ne, %convert_element_type3A, %cond3A : i32
    scf.if %cond3A_1 {
      %get3A_2610 = arith.constant 0 : index
      %get3A_2611 = arith.constant 0 : index
      %get3A_2612 = vector.load %arg1[%get3A_2610, %get3A_2611] : memref<80x128xi32, #tpu.memory_space<vmem>>, vector<80x128xi32>
      %iota3A = tpu.iota {dimensions = array<i32: 1>} : vector<1x128xi32>
      %broadcast_in_dim3A_2613 = arith.constant 0.000000e+00 : f32
      %broadcast_in_dim3A_2614 = vector.broadcast %broadcast_in_dim3A_2613 : f32 to vector<1x128xf32>
      %eq3A_2615 = arith.constant 0 : i32
      %eq3A_2616 = vector.broadcast %eq3A_2615 : i32 to vector<80x128xi32>
      %eq3A_2617 = arith.cmpi eq, %get3A_2612, %eq3A_2616 : vector<80x128xi32>
      %jit3A_2618 = arith.constant 1.000000e+00 : f32
      %jit3A_2619 = arith.constant 0.000000e+00 : f32
      %broadcast_in_dim3A_2620 = vector.broadcast %jit3A_2618 : f32 to vector<80x128xf32>
      %broadcast_in_dim3A_2621 = vector.broadcast %jit3A_2619 : f32 to vector<80x128xf32>
      %select_n3A_2622 = arith.select %eq3A_2617, %broadcast_in_dim3A_2620, %broadcast_in_dim3A_2621 : vector<80x128xi1>, vector<80x128xf32>
      %reduce_sum3A_2623 = vector.shape_cast %select_n3A_2622 : vector<80x128xf32> to vector<1x80x128xf32>
      %reduce_sum3A_2624 = arith.constant dense<0.000000e+00> : vector<1xf32>
      %reduce_sum3A_2625 = vector.multi_reduction <add>, %reduce_sum3A_2623, %reduce_sum3A_2624 [1, 2] : vector<1x80x128xf32> to vector<1xf32>
      %reduce_sum3A_2626 = vector.shape_cast %reduce_sum3A_2625 : vector<1xf32> to vector<1x1x1xf32>
      %reduce_sum3A_2627 = vector.extract %reduce_sum3A_2626[0, 0, 0] : f32 from vector<1x1x1xf32>
      %eq3A_2628 = arith.constant 0 : i32
      %eq3A_2629 = vector.broadcast %eq3A_2628 : i32 to vector<1x128xi32>
      %eq3A_2630 = arith.cmpi eq, %iota3A, %eq3A_2629 : vector<1x128xi32>
      %jit3A_2631 = arith.constant 0.000000e+00 : f32
      %broadcast_in_dim3A_2632 = vector.broadcast %reduce_sum3A_2627 : f32 to vector<1x128xf32>
      %broadcast_in_dim3A_2633 = vector.broadcast %jit3A_2631 : f32 to vector<1x128xf32>
      %select_n3A_2634 = arith.select %eq3A_2630, %broadcast_in_dim3A_2632, %broadcast_in_dim3A_2633 : vector<1x128xi1>, vector<1x128xf32>
      %add3A_2635 = arith.addf %broadcast_in_dim3A_2614, %select_n3A_2634 : vector<1x128xf32>
      %eq3A_2636 = arith.constant 1 : i32
      %eq3A_2637 = vector.broadcast %eq3A_2636 : i32 to vector<80x128xi32>
      %eq3A_2638 = arith.cmpi eq, %get3A_2612, %eq3A_2637 : vector<80x128xi32>
      %jit3A_2639 = arith.constant 1.000000e+00 : f32
      %jit3A_2640 = arith.constant 0.000000e+00 : f32
      %broadcast_in_dim3A_2641 = vector.broadcast %jit3A_2639 : f32 to vector<80x128xf32>
      %broadcast_in_dim3A_2642 = vector.broadcast %jit3A_2640 : f32 to vector<80x128xf32>
      %select_n3A_2643 = arith.select %eq3A_2638, %broadcast_in_dim3A_2641, %broadcast_in_dim3A_2642 : vector<80x128xi1>, vector<80x128xf32>
      %reduce_sum3A_2644 = vector.shape_cast %select_n3A_2643 : vector<80x128xf32> to vector<1x80x128xf32>
      %reduce_sum3A_2645 = arith.constant dense<0.000000e+00> : vector<1xf32>
      %reduce_sum3A_2646 = vector.multi_reduction <add>, %reduce_sum3A_2644, %reduce_sum3A_2645 [1, 2] : vector<1x80x128xf32> to vector<1xf32>
      %reduce_sum3A_2647 = vector.shape_cast %reduce_sum3A_2646 : vector<1xf32> to vector<1x1x1xf32>
      %reduce_sum3A_2648 = vector.extract %reduce_sum3A_2647[0, 0, 0] : f32 from vector<1x1x1xf32>
      %eq3A_2649 = arith.constant 1 : i32
      %eq3A_2650 = vector.broadcast %eq3A_2649 : i32 to vector<1x128xi32>
      %eq3A_2651 = arith.cmpi eq, %iota3A, %eq3A_2650 : vector<1x128xi32>
      %jit3A_2652 = arith.constant 0.000000e+00 : f32
      %broadcast_in_dim3A_2653 = vector.broadcast %reduce_sum3A_2648 : f32 to vector<1x128xf32>
      %broadcast_in_dim3A_2654 = vector.broadcast %jit3A_2652 : f32 to vector<1x128xf32>
      %select_n3A_2655 = arith.select %eq3A_2651, %broadcast_in_dim3A_2653, %broadcast_in_dim3A_2654 : vector<1x128xi1>, vector<1x128xf32>
      %add3A_2656 = arith.addf %add3A_2635, %select_n3A_2655 : vector<1x128xf32>
      %eq3A_2657 = arith.constant 2 : i32
      %eq3A_2658 = vector.broadcast %eq3A_2657 : i32 to vector<80x128xi32>
      %eq3A_2659 = arith.cmpi eq, %get3A_2612, %eq3A_2658 : vector<80x128xi32>
      %jit3A_2660 = arith.constant 1.000000e+00 : f32
      %jit3A_2661 = arith.constant 0.000000e+00 : f32
      %broadcast_in_dim3A_2662 = vector.broadcast %jit3A_2660 : f32 to vector<80x128xf32>
      %broadcast_in_dim3A_2663 = vector.broadcast %jit3A_2661 : f32 to vector<80x128xf32>
      %select_n3A_2664 = arith.select %eq3A_2659, %broadcast_in_dim3A_2662, %broadcast_in_dim3A_2663 : vector<80x128xi1>, vector<80x128xf32>
      %reduce_sum3A_2665 = vector.shape_cast %select_n3A_2664 : vector<80x128xf32> to vector<1x80x128xf32>
      %reduce_sum3A_2666 = arith.constant dense<0.000000e+00> : vector<1xf32>
      %reduce_sum3A_2667 = vector.multi_reduction <add>, %reduce_sum3A_2665, %reduce_sum3A_2666 [1, 2] : vector<1x80x128xf32> to vector<1xf32>
      %reduce_sum3A_2668 = vector.shape_cast %reduce_sum3A_2667 : vector<1xf32> to vector<1x1x1xf32>
      %reduce_sum3A_2669 = vector.extract %reduce_sum3A_2668[0, 0, 0] : f32 from vector<1x1x1xf32>
      %eq3A_2670 = arith.constant 2 : i32
      %eq3A_2671 = vector.broadcast %eq3A_2670 : i32 to vector<1x128xi32>
      %eq3A_2672 = arith.cmpi eq, %iota3A, %eq3A_2671 : vector<1x128xi32>
      %jit3A_2673 = arith.constant 0.000000e+00 : f32
      %broadcast_in_dim3A_2674 = vector.broadcast %reduce_sum3A_2669 : f32 to vector<1x128xf32>
      %broadcast_in_dim3A_2675 = vector.broadcast %jit3A_2673 : f32 to vector<1x128xf32>
      %select_n3A_2676 = arith.select %eq3A_2672, %broadcast_in_dim3A_2674, %broadcast_in_dim3A_2675 : vector<1x128xi1>, vector<1x128xf32>
      %add3A_2677 = arith.addf %add3A_2656, %select_n3A_2676 : vector<1x128xf32>
      %eq3A_2678 = arith.constant 3 : i32
      %eq3A_2679 = vector.broadcast %eq3A_2678 : i32 to vector<80x128xi32>
      %eq3A_2680 = arith.cmpi eq, %get3A_2612, %eq3A_2679 : vector<80x128xi32>
      %jit3A_2681 = arith.constant 1.000000e+00 : f32
      %jit3A_2682 = arith.constant 0.000000e+00 : f32
      %broadcast_in_dim3A_2683 = vector.broadcast %jit3A_2681 : f32 to vector<80x128xf32>
      %broadcast_in_dim3A_2684 = vector.broadcast %jit3A_2682 : f32 to vector<80x128xf32>
      %select_n3A_2685 = arith.select %eq3A_2680, %broadcast_in_dim3A_2683, %broadcast_in_dim3A_2684 : vector<80x128xi1>, vector<80x128xf32>
      %reduce_sum3A_2686 = vector.shape_cast %select_n3A_2685 : vector<80x128xf32> to vector<1x80x128xf32>
      %reduce_sum3A_2687 = arith.constant dense<0.000000e+00> : vector<1xf32>
      %reduce_sum3A_2688 = vector.multi_reduction <add>, %reduce_sum3A_2686, %reduce_sum3A_2687 [1, 2] : vector<1x80x128xf32> to vector<1xf32>
      %reduce_sum3A_2689 = vector.shape_cast %reduce_sum3A_2688 : vector<1xf32> to vector<1x1x1xf32>
      %reduce_sum3A_2690 = vector.extract %reduce_sum3A_2689[0, 0, 0] : f32 from vector<1x1x1xf32>
      %eq3A_2691 = arith.constant 3 : i32
      %eq3A_2692 = vector.broadcast %eq3A_2691 : i32 to vector<1x128xi32>
      %eq3A_2693 = arith.cmpi eq, %iota3A, %eq3A_2692 : vector<1x128xi32>
      %jit3A_2694 = arith.constant 0.000000e+00 : f32
      %broadcast_in_dim3A_2695 = vector.broadcast %reduce_sum3A_2690 : f32 to vector<1x128xf32>
      %broadcast_in_dim3A_2696 = vector.broadcast %jit3A_2694 : f32 to vector<1x128xf32>
      %select_n3A_2697 = arith.select %eq3A_2693, %broadcast_in_dim3A_2695, %broadcast_in_dim3A_2696 : vector<1x128xi1>, vector<1x128xf32>
      %add3A_2698 = arith.addf %add3A_2677, %select_n3A_2697 : vector<1x128xf32>
      %eq3A_2699 = arith.constant 4 : i32
      %eq3A_2700 = vector.broadcast %eq3A_2699 : i32 to vector<80x128xi32>
      %eq3A_2701 = arith.cmpi eq, %get3A_2612, %eq3A_2700 : vector<80x128xi32>
      %jit3A_2702 = arith.constant 1.000000e+00 : f32
      %jit3A_2703 = arith.constant 0.000000e+00 : f32
      %broadcast_in_dim3A_2704 = vector.broadcast %jit3A_2702 : f32 to vector<80x128xf32>
      %broadcast_in_dim3A_2705 = vector.broadcast %jit3A_2703 : f32 to vector<80x128xf32>
      %select_n3A_2706 = arith.select %eq3A_2701, %broadcast_in_dim3A_2704, %broadcast_in_dim3A_2705 : vector<80x128xi1>, vector<80x128xf32>
      %reduce_sum3A_2707 = vector.shape_cast %select_n3A_2706 : vector<80x128xf32> to vector<1x80x128xf32>
      %reduce_sum3A_2708 = arith.constant dense<0.000000e+00> : vector<1xf32>
      %reduce_sum3A_2709 = vector.multi_reduction <add>, %reduce_sum3A_2707, %reduce_sum3A_2708 [1, 2] : vector<1x80x128xf32> to vector<1xf32>
      %reduce_sum3A_2710 = vector.shape_cast %reduce_sum3A_2709 : vector<1xf32> to vector<1x1x1xf32>
      %reduce_sum3A_2711 = vector.extract %reduce_sum3A_2710[0, 0, 0] : f32 from vector<1x1x1xf32>
      %eq3A_2712 = arith.constant 4 : i32
      %eq3A_2713 = vector.broadcast %eq3A_2712 : i32 to vector<1x128xi32>
      %eq3A_2714 = arith.cmpi eq, %iota3A, %eq3A_2713 : vector<1x128xi32>
      %jit3A_2715 = arith.constant 0.000000e+00 : f32
      %broadcast_in_dim3A_2716 = vector.broadcast %reduce_sum3A_2711 : f32 to vector<1x128xf32>
      %broadcast_in_dim3A_2717 = vector.broadcast %jit3A_2715 : f32 to vector<1x128xf32>
      %select_n3A_2718 = arith.select %eq3A_2714, %broadcast_in_dim3A_2716, %broadcast_in_dim3A_2717 : vector<1x128xi1>, vector<1x128xf32>
      %add3A_2719 = arith.addf %add3A_2698, %select_n3A_2718 : vector<1x128xf32>
      %eq3A_2720 = arith.constant 5 : i32
      %eq3A_2721 = vector.broadcast %eq3A_2720 : i32 to vector<80x128xi32>
      %eq3A_2722 = arith.cmpi eq, %get3A_2612, %eq3A_2721 : vector<80x128xi32>
      %jit3A_2723 = arith.constant 1.000000e+00 : f32
      %jit3A_2724 = arith.constant 0.000000e+00 : f32
      %broadcast_in_dim3A_2725 = vector.broadcast %jit3A_2723 : f32 to vector<80x128xf32>
      %broadcast_in_dim3A_2726 = vector.broadcast %jit3A_2724 : f32 to vector<80x128xf32>
      %select_n3A_2727 = arith.select %eq3A_2722, %broadcast_in_dim3A_2725, %broadcast_in_dim3A_2726 : vector<80x128xi1>, vector<80x128xf32>
      %reduce_sum3A_2728 = vector.shape_cast %select_n3A_2727 : vector<80x128xf32> to vector<1x80x128xf32>
      %reduce_sum3A_2729 = arith.constant dense<0.000000e+00> : vector<1xf32>
      %reduce_sum3A_2730 = vector.multi_reduction <add>, %reduce_sum3A_2728, %reduce_sum3A_2729 [1, 2] : vector<1x80x128xf32> to vector<1xf32>
      %reduce_sum3A_2731 = vector.shape_cast %reduce_sum3A_2730 : vector<1xf32> to vector<1x1x1xf32>
      %reduce_sum3A_2732 = vector.extract %reduce_sum3A_2731[0, 0, 0] : f32 from vector<1x1x1xf32>
      %eq3A_2733 = arith.constant 5 : i32
      %eq3A_2734 = vector.broadcast %eq3A_2733 : i32 to vector<1x128xi32>
      %eq3A_2735 = arith.cmpi eq, %iota3A, %eq3A_2734 : vector<1x128xi32>
      %jit3A_2736 = arith.constant 0.000000e+00 : f32
      %broadcast_in_dim3A_2737 = vector.broadcast %reduce_sum3A_2732 : f32 to vector<1x128xf32>
      %broadcast_in_dim3A_2738 = vector.broadcast %jit3A_2736 : f32 to vector<1x128xf32>
      %select_n3A_2739 = arith.select %eq3A_2735, %broadcast_in_dim3A_2737, %broadcast_in_dim3A_2738 : vector<1x128xi1>, vector<1x128xf32>
      %add3A_2740 = arith.addf %add3A_2719, %select_n3A_2739 : vector<1x128xf32>
      %eq3A_2741 = arith.constant 6 : i32
      %eq3A_2742 = vector.broadcast %eq3A_2741 : i32 to vector<80x128xi32>
      %eq3A_2743 = arith.cmpi eq, %get3A_2612, %eq3A_2742 : vector<80x128xi32>
      %jit3A_2744 = arith.constant 1.000000e+00 : f32
      %jit3A_2745 = arith.constant 0.000000e+00 : f32
      %broadcast_in_dim3A_2746 = vector.broadcast %jit3A_2744 : f32 to vector<80x128xf32>
      %broadcast_in_dim3A_2747 = vector.broadcast %jit3A_2745 : f32 to vector<80x128xf32>
      %select_n3A_2748 = arith.select %eq3A_2743, %broadcast_in_dim3A_2746, %broadcast_in_dim3A_2747 : vector<80x128xi1>, vector<80x128xf32>
      %reduce_sum3A_2749 = vector.shape_cast %select_n3A_2748 : vector<80x128xf32> to vector<1x80x128xf32>
      %reduce_sum3A_2750 = arith.constant dense<0.000000e+00> : vector<1xf32>
      %reduce_sum3A_2751 = vector.multi_reduction <add>, %reduce_sum3A_2749, %reduce_sum3A_2750 [1, 2] : vector<1x80x128xf32> to vector<1xf32>
      %reduce_sum3A_2752 = vector.shape_cast %reduce_sum3A_2751 : vector<1xf32> to vector<1x1x1xf32>
      %reduce_sum3A_2753 = vector.extract %reduce_sum3A_2752[0, 0, 0] : f32 from vector<1x1x1xf32>
      %eq3A_2754 = arith.constant 6 : i32
      %eq3A_2755 = vector.broadcast %eq3A_2754 : i32 to vector<1x128xi32>
      %eq3A_2756 = arith.cmpi eq, %iota3A, %eq3A_2755 : vector<1x128xi32>
      %jit3A_2757 = arith.constant 0.000000e+00 : f32
      %broadcast_in_dim3A_2758 = vector.broadcast %reduce_sum3A_2753 : f32 to vector<1x128xf32>
      %broadcast_in_dim3A_2759 = vector.broadcast %jit3A_2757 : f32 to vector<1x128xf32>
      %select_n3A_2760 = arith.select %eq3A_2756, %broadcast_in_dim3A_2758, %broadcast_in_dim3A_2759 : vector<1x128xi1>, vector<1x128xf32>
      %add3A_2761 = arith.addf %add3A_2740, %select_n3A_2760 : vector<1x128xf32>
      %eq3A_2762 = arith.constant 7 : i32
      %eq3A_2763 = vector.broadcast %eq3A_2762 : i32 to vector<80x128xi32>
      %eq3A_2764 = arith.cmpi eq, %get3A_2612, %eq3A_2763 : vector<80x128xi32>
      %jit3A_2765 = arith.constant 1.000000e+00 : f32
      %jit3A_2766 = arith.constant 0.000000e+00 : f32
      %broadcast_in_dim3A_2767 = vector.broadcast %jit3A_2765 : f32 to vector<80x128xf32>
      %broadcast_in_dim3A_2768 = vector.broadcast %jit3A_2766 : f32 to vector<80x128xf32>
      %select_n3A_2769 = arith.select %eq3A_2764, %broadcast_in_dim3A_2767, %broadcast_in_dim3A_2768 : vector<80x128xi1>, vector<80x128xf32>
      %reduce_sum3A_2770 = vector.shape_cast %select_n3A_2769 : vector<80x128xf32> to vector<1x80x128xf32>
      %reduce_sum3A_2771 = arith.constant dense<0.000000e+00> : vector<1xf32>
      %reduce_sum3A_2772 = vector.multi_reduction <add>, %reduce_sum3A_2770, %reduce_sum3A_2771 [1, 2] : vector<1x80x128xf32> to vector<1xf32>
      %reduce_sum3A_2773 = vector.shape_cast %reduce_sum3A_2772 : vector<1xf32> to vector<1x1x1xf32>
      %reduce_sum3A_2774 = vector.extract %reduce_sum3A_2773[0, 0, 0] : f32 from vector<1x1x1xf32>
      %eq3A_2775 = arith.constant 7 : i32
      %eq3A_2776 = vector.broadcast %eq3A_2775 : i32 to vector<1x128xi32>
      %eq3A_2777 = arith.cmpi eq, %iota3A, %eq3A_2776 : vector<1x128xi32>
      %jit3A_2778 = arith.constant 0.000000e+00 : f32
      %broadcast_in_dim3A_2779 = vector.broadcast %reduce_sum3A_2774 : f32 to vector<1x128xf32>
      %broadcast_in_dim3A_2780 = vector.broadcast %jit3A_2778 : f32 to vector<1x128xf32>
      %select_n3A_2781 = arith.select %eq3A_2777, %broadcast_in_dim3A_2779, %broadcast_in_dim3A_2780 : vector<1x128xi1>, vector<1x128xf32>
      %add3A_2782 = arith.addf %add3A_2761, %select_n3A_2781 : vector<1x128xf32>
      %eq3A_2783 = arith.constant 8 : i32
      %eq3A_2784 = vector.broadcast %eq3A_2783 : i32 to vector<80x128xi32>
      %eq3A_2785 = arith.cmpi eq, %get3A_2612, %eq3A_2784 : vector<80x128xi32>
      %jit3A_2786 = arith.constant 1.000000e+00 : f32
      %jit3A_2787 = arith.constant 0.000000e+00 : f32
      %broadcast_in_dim3A_2788 = vector.broadcast %jit3A_2786 : f32 to vector<80x128xf32>
      %broadcast_in_dim3A_2789 = vector.broadcast %jit3A_2787 : f32 to vector<80x128xf32>
      %select_n3A_2790 = arith.select %eq3A_2785, %broadcast_in_dim3A_2788, %broadcast_in_dim3A_2789 : vector<80x128xi1>, vector<80x128xf32>
      %reduce_sum3A_2791 = vector.shape_cast %select_n3A_2790 : vector<80x128xf32> to vector<1x80x128xf32>
      %reduce_sum3A_2792 = arith.constant dense<0.000000e+00> : vector<1xf32>
      %reduce_sum3A_2793 = vector.multi_reduction <add>, %reduce_sum3A_2791, %reduce_sum3A_2792 [1, 2] : vector<1x80x128xf32> to vector<1xf32>
      %reduce_sum3A_2794 = vector.shape_cast %reduce_sum3A_2793 : vector<1xf32> to vector<1x1x1xf32>
      %reduce_sum3A_2795 = vector.extract %reduce_sum3A_2794[0, 0, 0] : f32 from vector<1x1x1xf32>
      %eq3A_2796 = arith.constant 8 : i32
      %eq3A_2797 = vector.broadcast %eq3A_2796 : i32 to vector<1x128xi32>
      %eq3A_2798 = arith.cmpi eq, %iota3A, %eq3A_2797 : vector<1x128xi32>
      %jit3A_2799 = arith.constant 0.000000e+00 : f32
      %broadcast_in_dim3A_2800 = vector.broadcast %reduce_sum3A_2795 : f32 to vector<1x128xf32>
      %broadcast_in_dim3A_2801 = vector.broadcast %jit3A_2799 : f32 to vector<1x128xf32>
      %select_n3A_2802 = arith.select %eq3A_2798, %broadcast_in_dim3A_2800, %broadcast_in_dim3A_2801 : vector<1x128xi1>, vector<1x128xf32>
      %add3A_2803 = arith.addf %add3A_2782, %select_n3A_2802 : vector<1x128xf32>
      %eq3A_2804 = arith.constant 9 : i32
      %eq3A_2805 = vector.broadcast %eq3A_2804 : i32 to vector<80x128xi32>
      %eq3A_2806 = arith.cmpi eq, %get3A_2612, %eq3A_2805 : vector<80x128xi32>
      %jit3A_2807 = arith.constant 1.000000e+00 : f32
      %jit3A_2808 = arith.constant 0.000000e+00 : f32
      %broadcast_in_dim3A_2809 = vector.broadcast %jit3A_2807 : f32 to vector<80x128xf32>
      %broadcast_in_dim3A_2810 = vector.broadcast %jit3A_2808 : f32 to vector<80x128xf32>
      %select_n3A_2811 = arith.select %eq3A_2806, %broadcast_in_dim3A_2809, %broadcast_in_dim3A_2810 : vector<80x128xi1>, vector<80x128xf32>
      %reduce_sum3A_2812 = vector.shape_cast %select_n3A_2811 : vector<80x128xf32> to vector<1x80x128xf32>
      %reduce_sum3A_2813 = arith.constant dense<0.000000e+00> : vector<1xf32>
      %reduce_sum3A_2814 = vector.multi_reduction <add>, %reduce_sum3A_2812, %reduce_sum3A_2813 [1, 2] : vector<1x80x128xf32> to vector<1xf32>
      %reduce_sum3A_2815 = vector.shape_cast %reduce_sum3A_2814 : vector<1xf32> to vector<1x1x1xf32>
      %reduce_sum3A_2816 = vector.extract %reduce_sum3A_2815[0, 0, 0] : f32 from vector<1x1x1xf32>
      %eq3A_2817 = arith.constant 9 : i32
      %eq3A_2818 = vector.broadcast %eq3A_2817 : i32 to vector<1x128xi32>
      %eq3A_2819 = arith.cmpi eq, %iota3A, %eq3A_2818 : vector<1x128xi32>
      %jit3A_2820 = arith.constant 0.000000e+00 : f32
      %broadcast_in_dim3A_2821 = vector.broadcast %reduce_sum3A_2816 : f32 to vector<1x128xf32>
      %broadcast_in_dim3A_2822 = vector.broadcast %jit3A_2820 : f32 to vector<1x128xf32>
      %select_n3A_2823 = arith.select %eq3A_2819, %broadcast_in_dim3A_2821, %broadcast_in_dim3A_2822 : vector<1x128xi1>, vector<1x128xf32>
      %add3A_2824 = arith.addf %add3A_2803, %select_n3A_2823 : vector<1x128xf32>
      %lt3A = arith.constant 10 : i32
      %lt3A_2825 = vector.broadcast %lt3A : i32 to vector<1x128xi32>
      %lt3A_2826 = arith.cmpi slt, %iota3A, %lt3A_2825 : vector<1x128xi32>
      %mul3A_2827 = arith.constant 9.99999974E-5 : f32
      %mul3A_2828 = vector.broadcast %mul3A_2827 : f32 to vector<1x128xf32>
      %mul3A_2829 = arith.mulf %add3A_2824, %mul3A_2828 : vector<1x128xf32>
      %log3A = math.log %mul3A_2829 : vector<1x128xf32>
      %jit3A_2830 = arith.constant 0.000000e+00 : f32
      %broadcast_in_dim3A_2831 = vector.broadcast %jit3A_2830 : f32 to vector<1x128xf32>
      %select_n3A_2832 = arith.select %lt3A_2826, %log3A, %broadcast_in_dim3A_2831 : vector<1x128xi1>, vector<1x128xf32>
      %swap3A_2833 = arith.constant 0 : index
      %swap3A_2834 = arith.constant 0 : index
      %swap3A_2835 = vector.load %arg11[%swap3A_2833, %swap3A_2834] : memref<1x128xf32, #tpu.memory_space<vmem>>, vector<1x128xf32>
      tpu.vector_store %arg11[%swap3A_2833, %swap3A_2834], %select_n3A_2832 {strides = array<i32>} : memref<1x128xf32, #tpu.memory_space<vmem>>, vector<1x128xf32>,
    } else {
    }
    %get3A = arith.constant 0 : index
    %get3A_2 = arith.constant 0 : index
    %get3A_3 = vector.load %arg2[%get3A, %get3A_2] : memref<1024x256xf32, #tpu.memory_space<vmem>>, vector<1024x256xf32>
    %get3A_4 = arith.constant 0 : index
    %get3A_5 = arith.constant 0 : index
    %get3A_6 = vector.load %arg3[%get3A_4, %get3A_5] : memref<256x64xf32, #tpu.memory_space<vmem>>, vector<256x64xf32>
    %dot_general3A = arith.constant dense<0.000000e+00> : vector<1024x64xf32>
    %dot_general3A_7 = tpu.matmul %get3A_3, %get3A_6, %dot_general3A {dimension_numbers = #tpu.dot_dimension_numbers<[1], [0], [0], [1], [0, 0, 1, 1], [], []>, transpose_lhs_hint = false} : vector<1024x256xf32>, vector<256x64xf32>, vector<1024x64xf32> -> vector<1024x64xf32>
    %get3A_8 = arith.constant 0 : index
    %get3A_9 = arith.constant 0 : index
    %get3A_10 = vector.load %arg4[%get3A_8, %get3A_9] : memref<1x64xf32, #tpu.memory_space<vmem>>, vector<1x64xf32>
    %add3A = vector.broadcast %get3A_10 : vector<1x64xf32> to vector<1024x64xf32>
    %add3A_11 = arith.addf %dot_general3A_7, %add3A : vector<1024x64xf32>
    %max3A = arith.constant 0.000000e+00 : f32
    %max3A_12 = vector.broadcast %max3A : f32 to vector<1024x64xf32>
    %max3A_13 = arith.maximumf %add3A_11, %max3A_12 : vector<1024x64xf32>
    %get3A_14 = arith.constant 0 : index
    %get3A_15 = arith.constant 0 : index
    %get3A_16 = vector.load %arg5[%get3A_14, %get3A_15] : memref<16x64xf32, #tpu.memory_space<vmem>>, vector<16x64xf32>
    %dot_general3A_17 = arith.constant dense<0.000000e+00> : vector<16x1024xf32>
    %dot_general3A_18 = tpu.matmul %get3A_16, %max3A_13, %dot_general3A_17 {dimension_numbers = #tpu.dot_dimension_numbers<[1], [1], [0], [0], [0, 0, 1, 0], [], []>, transpose_lhs_hint = false} : vector<16x64xf32>, vector<1024x64xf32>, vector<16x1024xf32> -> vector<16x1024xf32>
    %get3A_19 = arith.constant 0 : index
    %get3A_20 = arith.constant 0 : index
    %get3A_21 = vector.load %arg6[%get3A_19, %get3A_20] : memref<16x1xf32, #tpu.memory_space<vmem>>, vector<16x1xf32>
    %add3A_22 = vector.broadcast %get3A_21 : vector<16x1xf32> to vector<16x1024xf32>
    %add3A_23 = arith.addf %dot_general3A_18, %add3A_22 : vector<16x1024xf32>
    %get3A_24 = arith.constant 0 : index
    %get3A_25 = arith.constant 0 : index
    %get3A_26 = vector.load %arg8[%get3A_24, %get3A_25] : memref<1x64xf32, #tpu.memory_space<vmem>>, vector<1x64xf32>
    %custom_jvp_call3A = arith.constant 0.000000e+00 : f32
    %max3A_27 = vector.broadcast %custom_jvp_call3A : f32 to vector<1x64xf32>
    %max3A_28 = arith.maximumf %get3A_26, %max3A_27 : vector<1x64xf32>
    %sub3A = vector.broadcast %custom_jvp_call3A : f32 to vector<1x64xf32>
    %sub3A_29 = arith.subf %get3A_26, %sub3A : vector<1x64xf32>
    %ne3A = arith.cmpf one, %sub3A_29, %sub3A_29 : vector<1x64xf32>
    %add3A_30 = vector.broadcast %custom_jvp_call3A : f32 to vector<1x64xf32>
    %add3A_31 = arith.addf %get3A_26, %add3A_30 : vector<1x64xf32>
    %abs3A = math.absf %sub3A_29 : vector<1x64xf32>
    %neg3A = arith.constant 0.000000e+00 : f32
    %neg3A_32 = vector.broadcast %neg3A : f32 to vector<1x64xf32>
    %neg3A_33 = arith.subf %neg3A_32, %abs3A : vector<1x64xf32>
    %exp3A = math.exp %neg3A_33 : vector<1x64xf32>
    %log1p3A = math.log1p %exp3A : vector<1x64xf32>
    %add3A_34 = arith.addf %max3A_28, %log1p3A : vector<1x64xf32>
    %select_n3A = arith.select %ne3A, %add3A_31, %add3A_34 : vector<1x64xi1>, vector<1x64xf32>
    %get3A_35 = arith.constant 0 : index
    %get3A_36 = arith.constant 0 : index
    %get3A_37 = vector.load %arg9[%get3A_35, %get3A_36] : memref<1x64xf32, #tpu.memory_space<vmem>>, vector<1x64xf32>
    %custom_jvp_call3A_38 = arith.constant 0.000000e+00 : f32
    %max3A_39 = vector.broadcast %custom_jvp_call3A_38 : f32 to vector<1x64xf32>
    %max3A_40 = arith.maximumf %get3A_37, %max3A_39 : vector<1x64xf32>
    %sub3A_41 = vector.broadcast %custom_jvp_call3A_38 : f32 to vector<1x64xf32>
    %sub3A_42 = arith.subf %get3A_37, %sub3A_41 : vector<1x64xf32>
    %ne3A_43 = arith.cmpf one, %sub3A_42, %sub3A_42 : vector<1x64xf32>
    %add3A_44 = vector.broadcast %custom_jvp_call3A_38 : f32 to vector<1x64xf32>
    %add3A_45 = arith.addf %get3A_37, %add3A_44 : vector<1x64xf32>
    %abs3A_46 = math.absf %sub3A_42 : vector<1x64xf32>
    %neg3A_47 = arith.constant 0.000000e+00 : f32
    %neg3A_48 = vector.broadcast %neg3A_47 : f32 to vector<1x64xf32>
    %neg3A_49 = arith.subf %neg3A_48, %abs3A_46 : vector<1x64xf32>
    %exp3A_50 = math.exp %neg3A_49 : vector<1x64xf32>
    %log1p3A_51 = math.log1p %exp3A_50 : vector<1x64xf32>
    %add3A_52 = arith.addf %max3A_40, %log1p3A_51 : vector<1x64xf32>
    %select_n3A_53 = arith.select %ne3A_43, %add3A_45, %add3A_52 : vector<1x64xi1>, vector<1x64xf32>
    %broadcast_in_dim3A = arith.constant 0.000000e+00 : f32
    %broadcast_in_dim3A_54 = vector.broadcast %broadcast_in_dim3A : f32 to vector<1x1024xf32>
    %slice3A = vector.extract_strided_slice %select_n3A {offsets = [0, 0], sizes = [1, 1], strides = [1, 1]} : vector<1x64xf32> to vector<1x1xf32>
    %slice3A_55 = vector.extract_strided_slice %select_n3A_53 {offsets = [0, 0], sizes = [1, 1], strides = [1, 1]} : vector<1x64xf32> to vector<1x1xf32>
    %sub3A_56 = arith.subf %slice3A_55, %slice3A : vector<1x1xf32>
    %get3A_57 = arith.constant 0 : index
    %get3A_58 = arith.constant 0 : index
    %get3A_59 = vector.load %arg7[%get3A_57, %get3A_58] : memref<16x64xf32, #tpu.memory_space<vmem>>, vector<16x1xf32>
    %sub3A_60 = vector.broadcast %get3A_59 : vector<16x1xf32> to vector<16x1024xf32>
    %sub3A_61 = arith.subf %add3A_23, %sub3A_60 : vector<16x1024xf32>
    %mul3A = arith.mulf %sub3A_61, %sub3A_61 : vector<16x1024xf32>
    %reduce_sum3A = arith.constant dense<0.000000e+00> : vector<1024xf32>
    %reduce_sum3A_62 = vector.multi_reduction <add>, %mul3A, %reduce_sum3A [0] : vector<16x1024xf32> to vector<1024xf32>
    %broadcast_in_dim3A_63 = vector.shape_cast %reduce_sum3A_62 : vector<1024xf32> to vector<1x1024xf32>
    %add3A_64 = arith.constant 9.99999996E-13 : f32
    %add3A_65 = vector.broadcast %add3A_64 : f32 to vector<1x1024xf32>
    %add3A_66 = arith.addf %broadcast_in_dim3A_63, %add3A_65 : vector<1x1024xf32>
    %sqrt3A = math.sqrt %add3A_66 : vector<1x1024xf32>
    %add3A_67 = vector.broadcast %slice3A : vector<1x1xf32> to vector<1x1024xf32>
    %add3A_68 = arith.addf %add3A_67, %sqrt3A : vector<1x1024xf32>
    %div3A = arith.constant 1.000000e+00 : f32
    %div3A_69 = vector.broadcast %div3A : f32 to vector<1x1024xf32>
    %div3A_70 = arith.divf %div3A_69, %add3A_68 : vector<1x1024xf32>
    %mul3A_71 = vector.broadcast %sub3A_56 : vector<1x1xf32> to vector<1x1024xf32>
    %mul3A_72 = arith.mulf %mul3A_71, %div3A_70 : vector<1x1024xf32>
    %mul3A_73 = vector.broadcast %mul3A_72 : vector<1x1024xf32> to vector<16x1024xf32>
    %mul3A_74 = arith.mulf %mul3A_73, %sub3A_61 : vector<16x1024xf32>
    %add3A_75 = arith.addf %add3A_23, %mul3A_74 : vector<16x1024xf32>
    %log1p3A_76 = math.log1p %mul3A_72 : vector<1x1024xf32>
    %mul3A_77 = arith.constant 1.500000e+01 : f32
    %mul3A_78 = vector.broadcast %mul3A_77 : f32 to vector<1x1024xf32>
    %mul3A_79 = arith.mulf %mul3A_78, %log1p3A_76 : vector<1x1024xf32>
    %add3A_80 = arith.addf %broadcast_in_dim3A_54, %mul3A_79 : vector<1x1024xf32>
    %mul3A_81 = vector.broadcast %sub3A_56 : vector<1x1xf32> to vector<1x1024xf32>
    %mul3A_82 = arith.mulf %mul3A_81, %div3A_70 : vector<1x1024xf32>
    %mul3A_83 = arith.mulf %mul3A_82, %div3A_70 : vector<1x1024xf32>
    %mul3A_84 = arith.mulf %mul3A_83, %sqrt3A : vector<1x1024xf32>
    %sub3A_85 = arith.subf %mul3A_72, %mul3A_84 : vector<1x1024xf32>
    %log1p3A_86 = math.log1p %sub3A_85 : vector<1x1024xf32>
    %add3A_87 = arith.addf %add3A_80, %log1p3A_86 : vector<1x1024xf32>
    %slice3A_88 = vector.extract_strided_slice %select_n3A {offsets = [0, 1], sizes = [1, 1], strides = [1, 1]} : vector<1x64xf32> to vector<1x1xf32>
    %slice3A_89 = vector.extract_strided_slice %select_n3A_53 {offsets = [0, 1], sizes = [1, 1], strides = [1, 1]} : vector<1x64xf32> to vector<1x1xf32>
    %sub3A_90 = arith.subf %slice3A_89, %slice3A_88 : vector<1x1xf32>
    %get3A_91 = arith.constant 0 : index
    %get3A_92 = arith.constant 1 : index
    %get3A_93 = vector.load %arg7[%get3A_91, %get3A_92] : memref<16x64xf32, #tpu.memory_space<vmem>>, vector<16x1xf32>
    %sub3A_94 = vector.broadcast %get3A_93 : vector<16x1xf32> to vector<16x1024xf32>
    %sub3A_95 = arith.subf %add3A_75, %sub3A_94 : vector<16x1024xf32>
    %mul3A_96 = arith.mulf %sub3A_95, %sub3A_95 : vector<16x1024xf32>
    %reduce_sum3A_97 = arith.constant dense<0.000000e+00> : vector<1024xf32>
    %reduce_sum3A_98 = vector.multi_reduction <add>, %mul3A_96, %reduce_sum3A_97 [0] : vector<16x1024xf32> to vector<1024xf32>
    %broadcast_in_dim3A_99 = vector.shape_cast %reduce_sum3A_98 : vector<1024xf32> to vector<1x1024xf32>
    %add3A_100 = arith.constant 9.99999996E-13 : f32
    %add3A_101 = vector.broadcast %add3A_100 : f32 to vector<1x1024xf32>
    %add3A_102 = arith.addf %broadcast_in_dim3A_99, %add3A_101 : vector<1x1024xf32>
    %sqrt3A_103 = math.sqrt %add3A_102 : vector<1x1024xf32>
    %add3A_104 = vector.broadcast %slice3A_88 : vector<1x1xf32> to vector<1x1024xf32>
    %add3A_105 = arith.addf %add3A_104, %sqrt3A_103 : vector<1x1024xf32>
    %div3A_106 = arith.constant 1.000000e+00 : f32
    %div3A_107 = vector.broadcast %div3A_106 : f32 to vector<1x1024xf32>
    %div3A_108 = arith.divf %div3A_107, %add3A_105 : vector<1x1024xf32>
    %mul3A_109 = vector.broadcast %sub3A_90 : vector<1x1xf32> to vector<1x1024xf32>
    %mul3A_110 = arith.mulf %mul3A_109, %div3A_108 : vector<1x1024xf32>
    %mul3A_111 = vector.broadcast %mul3A_110 : vector<1x1024xf32> to vector<16x1024xf32>
    %mul3A_112 = arith.mulf %mul3A_111, %sub3A_95 : vector<16x1024xf32>
    %add3A_113 = arith.addf %add3A_75, %mul3A_112 : vector<16x1024xf32>
    %log1p3A_114 = math.log1p %mul3A_110 : vector<1x1024xf32>
    %mul3A_115 = arith.constant 1.500000e+01 : f32
    %mul3A_116 = vector.broadcast %mul3A_115 : f32 to vector<1x1024xf32>
    %mul3A_117 = arith.mulf %mul3A_116, %log1p3A_114 : vector<1x1024xf32>
    %add3A_118 = arith.addf %add3A_87, %mul3A_117 : vector<1x1024xf32>
    %mul3A_119 = vector.broadcast %sub3A_90 : vector<1x1xf32> to vector<1x1024xf32>
    %mul3A_120 = arith.mulf %mul3A_119, %div3A_108 : vector<1x1024xf32>
    %mul3A_121 = arith.mulf %mul3A_120, %div3A_108 : vector<1x1024xf32>
    %mul3A_122 = arith.mulf %mul3A_121, %sqrt3A_103 : vector<1x1024xf32>
    %sub3A_123 = arith.subf %mul3A_110, %mul3A_122 : vector<1x1024xf32>
    %log1p3A_124 = math.log1p %sub3A_123 : vector<1x1024xf32>
    %add3A_125 = arith.addf %add3A_118, %log1p3A_124 : vector<1x1024xf32>
    %slice3A_126 = vector.extract_strided_slice %select_n3A {offsets = [0, 2], sizes = [1, 1], strides = [1, 1]} : vector<1x64xf32> to vector<1x1xf32>
    %slice3A_127 = vector.extract_strided_slice %select_n3A_53 {offsets = [0, 2], sizes = [1, 1], strides = [1, 1]} : vector<1x64xf32> to vector<1x1xf32>
    %sub3A_128 = arith.subf %slice3A_127, %slice3A_126 : vector<1x1xf32>
    %get3A_129 = arith.constant 0 : index
    %get3A_130 = arith.constant 2 : index
    %get3A_131 = vector.load %arg7[%get3A_129, %get3A_130] : memref<16x64xf32, #tpu.memory_space<vmem>>, vector<16x1xf32>
    %sub3A_132 = vector.broadcast %get3A_131 : vector<16x1xf32> to vector<16x1024xf32>
    %sub3A_133 = arith.subf %add3A_113, %sub3A_132 : vector<16x1024xf32>
    %mul3A_134 = arith.mulf %sub3A_133, %sub3A_133 : vector<16x1024xf32>
    %reduce_sum3A_135 = arith.constant dense<0.000000e+00> : vector<1024xf32>
    %reduce_sum3A_136 = vector.multi_reduction <add>, %mul3A_134, %reduce_sum3A_135 [0] : vector<16x1024xf32> to vector<1024xf32>
    %broadcast_in_dim3A_137 = vector.shape_cast %reduce_sum3A_136 : vector<1024xf32> to vector<1x1024xf32>
    %add3A_138 = arith.constant 9.99999996E-13 : f32
    %add3A_139 = vector.broadcast %add3A_138 : f32 to vector<1x1024xf32>
    %add3A_140 = arith.addf %broadcast_in_dim3A_137, %add3A_139 : vector<1x1024xf32>
    %sqrt3A_141 = math.sqrt %add3A_140 : vector<1x1024xf32>
    %add3A_142 = vector.broadcast %slice3A_126 : vector<1x1xf32> to vector<1x1024xf32>
    %add3A_143 = arith.addf %add3A_142, %sqrt3A_141 : vector<1x1024xf32>
    %div3A_144 = arith.constant 1.000000e+00 : f32
    %div3A_145 = vector.broadcast %div3A_144 : f32 to vector<1x1024xf32>
    %div3A_146 = arith.divf %div3A_145, %add3A_143 : vector<1x1024xf32>
    %mul3A_147 = vector.broadcast %sub3A_128 : vector<1x1xf32> to vector<1x1024xf32>
    %mul3A_148 = arith.mulf %mul3A_147, %div3A_146 : vector<1x1024xf32>
    %mul3A_149 = vector.broadcast %mul3A_148 : vector<1x1024xf32> to vector<16x1024xf32>
    %mul3A_150 = arith.mulf %mul3A_149, %sub3A_133 : vector<16x1024xf32>
    %add3A_151 = arith.addf %add3A_113, %mul3A_150 : vector<16x1024xf32>
    %log1p3A_152 = math.log1p %mul3A_148 : vector<1x1024xf32>
    %mul3A_153 = arith.constant 1.500000e+01 : f32
    %mul3A_154 = vector.broadcast %mul3A_153 : f32 to vector<1x1024xf32>
    %mul3A_155 = arith.mulf %mul3A_154, %log1p3A_152 : vector<1x1024xf32>
    %add3A_156 = arith.addf %add3A_125, %mul3A_155 : vector<1x1024xf32>
    %mul3A_157 = vector.broadcast %sub3A_128 : vector<1x1xf32> to vector<1x1024xf32>
    %mul3A_158 = arith.mulf %mul3A_157, %div3A_146 : vector<1x1024xf32>
    %mul3A_159 = arith.mulf %mul3A_158, %div3A_146 : vector<1x1024xf32>
    %mul3A_160 = arith.mulf %mul3A_159, %sqrt3A_141 : vector<1x1024xf32>
    %sub3A_161 = arith.subf %mul3A_148, %mul3A_160 : vector<1x1024xf32>
    %log1p3A_162 = math.log1p %sub3A_161 : vector<1x1024xf32>
    %add3A_163 = arith.addf %add3A_156, %log1p3A_162 : vector<1x1024xf32>
    %slice3A_164 = vector.extract_strided_slice %select_n3A {offsets = [0, 3], sizes = [1, 1], strides = [1, 1]} : vector<1x64xf32> to vector<1x1xf32>
    %slice3A_165 = vector.extract_strided_slice %select_n3A_53 {offsets = [0, 3], sizes = [1, 1], strides = [1, 1]} : vector<1x64xf32> to vector<1x1xf32>
    %sub3A_166 = arith.subf %slice3A_165, %slice3A_164 : vector<1x1xf32>
    %get3A_167 = arith.constant 0 : index
    %get3A_168 = arith.constant 3 : index
    %get3A_169 = vector.load %arg7[%get3A_167, %get3A_168] : memref<16x64xf32, #tpu.memory_space<vmem>>, vector<16x1xf32>
    %sub3A_170 = vector.broadcast %get3A_169 : vector<16x1xf32> to vector<16x1024xf32>
    %sub3A_171 = arith.subf %add3A_151, %sub3A_170 : vector<16x1024xf32>
    %mul3A_172 = arith.mulf %sub3A_171, %sub3A_171 : vector<16x1024xf32>
    %reduce_sum3A_173 = arith.constant dense<0.000000e+00> : vector<1024xf32>
    %reduce_sum3A_174 = vector.multi_reduction <add>, %mul3A_172, %reduce_sum3A_173 [0] : vector<16x1024xf32> to vector<1024xf32>
    %broadcast_in_dim3A_175 = vector.shape_cast %reduce_sum3A_174 : vector<1024xf32> to vector<1x1024xf32>
    %add3A_176 = arith.constant 9.99999996E-13 : f32
    %add3A_177 = vector.broadcast %add3A_176 : f32 to vector<1x1024xf32>
    %add3A_178 = arith.addf %broadcast_in_dim3A_175, %add3A_177 : vector<1x1024xf32>
    %sqrt3A_179 = math.sqrt %add3A_178 : vector<1x1024xf32>
    %add3A_180 = vector.broadcast %slice3A_164 : vector<1x1xf32> to vector<1x1024xf32>
    %add3A_181 = arith.addf %add3A_180, %sqrt3A_179 : vector<1x1024xf32>
    %div3A_182 = arith.constant 1.000000e+00 : f32
    %div3A_183 = vector.broadcast %div3A_182 : f32 to vector<1x1024xf32>
    %div3A_184 = arith.divf %div3A_183, %add3A_181 : vector<1x1024xf32>
    %mul3A_185 = vector.broadcast %sub3A_166 : vector<1x1xf32> to vector<1x1024xf32>
    %mul3A_186 = arith.mulf %mul3A_185, %div3A_184 : vector<1x1024xf32>
    %mul3A_187 = vector.broadcast %mul3A_186 : vector<1x1024xf32> to vector<16x1024xf32>
    %mul3A_188 = arith.mulf %mul3A_187, %sub3A_171 : vector<16x1024xf32>
    %add3A_189 = arith.addf %add3A_151, %mul3A_188 : vector<16x1024xf32>
    %log1p3A_190 = math.log1p %mul3A_186 : vector<1x1024xf32>
    %mul3A_191 = arith.constant 1.500000e+01 : f32
    %mul3A_192 = vector.broadcast %mul3A_191 : f32 to vector<1x1024xf32>
    %mul3A_193 = arith.mulf %mul3A_192, %log1p3A_190 : vector<1x1024xf32>
    %add3A_194 = arith.addf %add3A_163, %mul3A_193 : vector<1x1024xf32>
    %mul3A_195 = vector.broadcast %sub3A_166 : vector<1x1xf32> to vector<1x1024xf32>
    %mul3A_196 = arith.mulf %mul3A_195, %div3A_184 : vector<1x1024xf32>
    %mul3A_197 = arith.mulf %mul3A_196, %div3A_184 : vector<1x1024xf32>
    %mul3A_198 = arith.mulf %mul3A_197, %sqrt3A_179 : vector<1x1024xf32>
    %sub3A_199 = arith.subf %mul3A_186, %mul3A_198 : vector<1x1024xf32>
    %log1p3A_200 = math.log1p %sub3A_199 : vector<1x1024xf32>
    %add3A_201 = arith.addf %add3A_194, %log1p3A_200 : vector<1x1024xf32>
    %slice3A_202 = vector.extract_strided_slice %select_n3A {offsets = [0, 4], sizes = [1, 1], strides = [1, 1]} : vector<1x64xf32> to vector<1x1xf32>
    %slice3A_203 = vector.extract_strided_slice %select_n3A_53 {offsets = [0, 4], sizes = [1, 1], strides = [1, 1]} : vector<1x64xf32> to vector<1x1xf32>
    %sub3A_204 = arith.subf %slice3A_203, %slice3A_202 : vector<1x1xf32>
    %get3A_205 = arith.constant 0 : index
    %get3A_206 = arith.constant 4 : index
    %get3A_207 = vector.load %arg7[%get3A_205, %get3A_206] : memref<16x64xf32, #tpu.memory_space<vmem>>, vector<16x1xf32>
    %sub3A_208 = vector.broadcast %get3A_207 : vector<16x1xf32> to vector<16x1024xf32>
    %sub3A_209 = arith.subf %add3A_189, %sub3A_208 : vector<16x1024xf32>
    %mul3A_210 = arith.mulf %sub3A_209, %sub3A_209 : vector<16x1024xf32>
    %reduce_sum3A_211 = arith.constant dense<0.000000e+00> : vector<1024xf32>
    %reduce_sum3A_212 = vector.multi_reduction <add>, %mul3A_210, %reduce_sum3A_211 [0] : vector<16x1024xf32> to vector<1024xf32>
    %broadcast_in_dim3A_213 = vector.shape_cast %reduce_sum3A_212 : vector<1024xf32> to vector<1x1024xf32>
    %add3A_214 = arith.constant 9.99999996E-13 : f32
    %add3A_215 = vector.broadcast %add3A_214 : f32 to vector<1x1024xf32>
    %add3A_216 = arith.addf %broadcast_in_dim3A_213, %add3A_215 : vector<1x1024xf32>
    %sqrt3A_217 = math.sqrt %add3A_216 : vector<1x1024xf32>
    %add3A_218 = vector.broadcast %slice3A_202 : vector<1x1xf32> to vector<1x1024xf32>
    %add3A_219 = arith.addf %add3A_218, %sqrt3A_217 : vector<1x1024xf32>
    %div3A_220 = arith.constant 1.000000e+00 : f32
    %div3A_221 = vector.broadcast %div3A_220 : f32 to vector<1x1024xf32>
    %div3A_222 = arith.divf %div3A_221, %add3A_219 : vector<1x1024xf32>
    %mul3A_223 = vector.broadcast %sub3A_204 : vector<1x1xf32> to vector<1x1024xf32>
    %mul3A_224 = arith.mulf %mul3A_223, %div3A_222 : vector<1x1024xf32>
    %mul3A_225 = vector.broadcast %mul3A_224 : vector<1x1024xf32> to vector<16x1024xf32>
    %mul3A_226 = arith.mulf %mul3A_225, %sub3A_209 : vector<16x1024xf32>
    %add3A_227 = arith.addf %add3A_189, %mul3A_226 : vector<16x1024xf32>
    %log1p3A_228 = math.log1p %mul3A_224 : vector<1x1024xf32>
    %mul3A_229 = arith.constant 1.500000e+01 : f32
    %mul3A_230 = vector.broadcast %mul3A_229 : f32 to vector<1x1024xf32>
    %mul3A_231 = arith.mulf %mul3A_230, %log1p3A_228 : vector<1x1024xf32>
    %add3A_232 = arith.addf %add3A_201, %mul3A_231 : vector<1x1024xf32>
    %mul3A_233 = vector.broadcast %sub3A_204 : vector<1x1xf32> to vector<1x1024xf32>
    %mul3A_234 = arith.mulf %mul3A_233, %div3A_222 : vector<1x1024xf32>
    %mul3A_235 = arith.mulf %mul3A_234, %div3A_222 : vector<1x1024xf32>
    %mul3A_236 = arith.mulf %mul3A_235, %sqrt3A_217 : vector<1x1024xf32>
    %sub3A_237 = arith.subf %mul3A_224, %mul3A_236 : vector<1x1024xf32>
    %log1p3A_238 = math.log1p %sub3A_237 : vector<1x1024xf32>
    %add3A_239 = arith.addf %add3A_232, %log1p3A_238 : vector<1x1024xf32>
    %slice3A_240 = vector.extract_strided_slice %select_n3A {offsets = [0, 5], sizes = [1, 1], strides = [1, 1]} : vector<1x64xf32> to vector<1x1xf32>
    %slice3A_241 = vector.extract_strided_slice %select_n3A_53 {offsets = [0, 5], sizes = [1, 1], strides = [1, 1]} : vector<1x64xf32> to vector<1x1xf32>
    %sub3A_242 = arith.subf %slice3A_241, %slice3A_240 : vector<1x1xf32>
    %get3A_243 = arith.constant 0 : index
    %get3A_244 = arith.constant 5 : index
    %get3A_245 = vector.load %arg7[%get3A_243, %get3A_244] : memref<16x64xf32, #tpu.memory_space<vmem>>, vector<16x1xf32>
    %sub3A_246 = vector.broadcast %get3A_245 : vector<16x1xf32> to vector<16x1024xf32>
    %sub3A_247 = arith.subf %add3A_227, %sub3A_246 : vector<16x1024xf32>
    %mul3A_248 = arith.mulf %sub3A_247, %sub3A_247 : vector<16x1024xf32>
    %reduce_sum3A_249 = arith.constant dense<0.000000e+00> : vector<1024xf32>
    %reduce_sum3A_250 = vector.multi_reduction <add>, %mul3A_248, %reduce_sum3A_249 [0] : vector<16x1024xf32> to vector<1024xf32>
    %broadcast_in_dim3A_251 = vector.shape_cast %reduce_sum3A_250 : vector<1024xf32> to vector<1x1024xf32>
    %add3A_252 = arith.constant 9.99999996E-13 : f32
    %add3A_253 = vector.broadcast %add3A_252 : f32 to vector<1x1024xf32>
    %add3A_254 = arith.addf %broadcast_in_dim3A_251, %add3A_253 : vector<1x1024xf32>
    %sqrt3A_255 = math.sqrt %add3A_254 : vector<1x1024xf32>
    %add3A_256 = vector.broadcast %slice3A_240 : vector<1x1xf32> to vector<1x1024xf32>
    %add3A_257 = arith.addf %add3A_256, %sqrt3A_255 : vector<1x1024xf32>
    %div3A_258 = arith.constant 1.000000e+00 : f32
    %div3A_259 = vector.broadcast %div3A_258 : f32 to vector<1x1024xf32>
    %div3A_260 = arith.divf %div3A_259, %add3A_257 : vector<1x1024xf32>
    %mul3A_261 = vector.broadcast %sub3A_242 : vector<1x1xf32> to vector<1x1024xf32>
    %mul3A_262 = arith.mulf %mul3A_261, %div3A_260 : vector<1x1024xf32>
    %mul3A_263 = vector.broadcast %mul3A_262 : vector<1x1024xf32> to vector<16x1024xf32>
    %mul3A_264 = arith.mulf %mul3A_263, %sub3A_247 : vector<16x1024xf32>
    %add3A_265 = arith.addf %add3A_227, %mul3A_264 : vector<16x1024xf32>
    %log1p3A_266 = math.log1p %mul3A_262 : vector<1x1024xf32>
    %mul3A_267 = arith.constant 1.500000e+01 : f32
    %mul3A_268 = vector.broadcast %mul3A_267 : f32 to vector<1x1024xf32>
    %mul3A_269 = arith.mulf %mul3A_268, %log1p3A_266 : vector<1x1024xf32>
    %add3A_270 = arith.addf %add3A_239, %mul3A_269 : vector<1x1024xf32>
    %mul3A_271 = vector.broadcast %sub3A_242 : vector<1x1xf32> to vector<1x1024xf32>
    %mul3A_272 = arith.mulf %mul3A_271, %div3A_260 : vector<1x1024xf32>
    %mul3A_273 = arith.mulf %mul3A_272, %div3A_260 : vector<1x1024xf32>
    %mul3A_274 = arith.mulf %mul3A_273, %sqrt3A_255 : vector<1x1024xf32>
    %sub3A_275 = arith.subf %mul3A_262, %mul3A_274 : vector<1x1024xf32>
    %log1p3A_276 = math.log1p %sub3A_275 : vector<1x1024xf32>
    %add3A_277 = arith.addf %add3A_270, %log1p3A_276 : vector<1x1024xf32>
    %mul3A_278 = arith.mulf %add3A_265, %add3A_265 : vector<16x1024xf32>
    %reduce_sum3A_279 = arith.constant dense<0.000000e+00> : vector<1024xf32>
    %reduce_sum3A_280 = vector.multi_reduction <add>, %mul3A_278, %reduce_sum3A_279 [0] : vector<16x1024xf32> to vector<1024xf32>
    %broadcast_in_dim3A_281 = vector.shape_cast %reduce_sum3A_280 : vector<1024xf32> to vector<1x1024xf32>
    %add3A_282 = arith.constant 29.4060326 : f32
    %add3A_283 = vector.broadcast %add3A_282 : f32 to vector<1x1024xf32>
    %add3A_284 = arith.addf %add3A_283, %broadcast_in_dim3A_281 : vector<1x1024xf32>
    %mul3A_285 = arith.constant -5.000000e-01 : f32
    %mul3A_286 = vector.broadcast %mul3A_285 : f32 to vector<1x1024xf32>
    %mul3A_287 = arith.mulf %mul3A_286, %add3A_284 : vector<1x1024xf32>
    %add3A_288 = arith.addf %mul3A_287, %add3A_277 : vector<1x1024xf32>
    %get3A_289 = arith.constant 0 : index
    %get3A_290 = arith.constant 0 : index
    %get3A_291 = vector.load %arg11[%get3A_289, %get3A_290] : memref<1x128xf32, #tpu.memory_space<vmem>>, vector<1x1xf32>
    %add3A_292 = vector.broadcast %get3A_291 : vector<1x1xf32> to vector<1x1024xf32>
    %add3A_293 = arith.addf %add3A_288, %add3A_292 : vector<1x1024xf32>
    %add3A_294 = arith.constant 20.2481937 : f32
    %add3A_295 = vector.broadcast %add3A_294 : f32 to vector<1x1024xf32>
    %add3A_296 = arith.addf %add3A_293, %add3A_295 : vector<1x1024xf32>
    %jit3A = arith.constant -3.000000e+01 : f32
    %jit3A_297 = arith.constant 3.000000e+01 : f32
    %max3A_298 = vector.broadcast %jit3A : f32 to vector<1x1024xf32>
    %max3A_299 = arith.maximumf %max3A_298, %add3A_296 : vector<1x1024xf32>
    %min3A = vector.broadcast %jit3A_297 : f32 to vector<1x1024xf32>
    %min3A_300 = arith.minimumf %min3A, %max3A_299 : vector<1x1024xf32>
    %exp3A_301 = math.exp %min3A_300 : vector<1x1024xf32>
    %broadcast_in_dim3A_302 = arith.constant 0.000000e+00 : f32
    %broadcast_in_dim3A_303 = vector.broadcast %broadcast_in_dim3A_302 : f32 to vector<1x1024xf32>
    %slice3A_304 = vector.extract_strided_slice %select_n3A {offsets = [0, 6], sizes = [1, 1], strides = [1, 1]} : vector<1x64xf32> to vector<1x1xf32>
    %slice3A_305 = vector.extract_strided_slice %select_n3A_53 {offsets = [0, 6], sizes = [1, 1], strides = [1, 1]} : vector<1x64xf32> to vector<1x1xf32>
    %sub3A_306 = arith.subf %slice3A_305, %slice3A_304 : vector<1x1xf32>
    %get3A_307 = arith.constant 0 : index
    %get3A_308 = arith.constant 6 : index
    %get3A_309 = vector.load %arg7[%get3A_307, %get3A_308] : memref<16x64xf32, #tpu.memory_space<vmem>>, vector<16x1xf32>
    %sub3A_310 = vector.broadcast %get3A_309 : vector<16x1xf32> to vector<16x1024xf32>
    %sub3A_311 = arith.subf %add3A_23, %sub3A_310 : vector<16x1024xf32>
    %mul3A_312 = arith.mulf %sub3A_311, %sub3A_311 : vector<16x1024xf32>
    %reduce_sum3A_313 = arith.constant dense<0.000000e+00> : vector<1024xf32>
    %reduce_sum3A_314 = vector.multi_reduction <add>, %mul3A_312, %reduce_sum3A_313 [0] : vector<16x1024xf32> to vector<1024xf32>
    %broadcast_in_dim3A_315 = vector.shape_cast %reduce_sum3A_314 : vector<1024xf32> to vector<1x1024xf32>
    %add3A_316 = arith.constant 9.99999996E-13 : f32
    %add3A_317 = vector.broadcast %add3A_316 : f32 to vector<1x1024xf32>
    %add3A_318 = arith.addf %broadcast_in_dim3A_315, %add3A_317 : vector<1x1024xf32>
    %sqrt3A_319 = math.sqrt %add3A_318 : vector<1x1024xf32>
    %add3A_320 = vector.broadcast %slice3A_304 : vector<1x1xf32> to vector<1x1024xf32>
    %add3A_321 = arith.addf %add3A_320, %sqrt3A_319 : vector<1x1024xf32>
    %div3A_322 = arith.constant 1.000000e+00 : f32
    %div3A_323 = vector.broadcast %div3A_322 : f32 to vector<1x1024xf32>
    %div3A_324 = arith.divf %div3A_323, %add3A_321 : vector<1x1024xf32>
    %mul3A_325 = vector.broadcast %sub3A_306 : vector<1x1xf32> to vector<1x1024xf32>
    %mul3A_326 = arith.mulf %mul3A_325, %div3A_324 : vector<1x1024xf32>
    %mul3A_327 = vector.broadcast %mul3A_326 : vector<1x1024xf32> to vector<16x1024xf32>
    %mul3A_328 = arith.mulf %mul3A_327, %sub3A_311 : vector<16x1024xf32>
    %add3A_329 = arith.addf %add3A_23, %mul3A_328 : vector<16x1024xf32>
    %log1p3A_330 = math.log1p %mul3A_326 : vector<1x1024xf32>
    %mul3A_331 = arith.constant 1.500000e+01 : f32
    %mul3A_332 = vector.broadcast %mul3A_331 : f32 to vector<1x1024xf32>
    %mul3A_333 = arith.mulf %mul3A_332, %log1p3A_330 : vector<1x1024xf32>
    %add3A_334 = arith.addf %broadcast_in_dim3A_303, %mul3A_333 : vector<1x1024xf32>
    %mul3A_335 = vector.broadcast %sub3A_306 : vector<1x1xf32> to vector<1x1024xf32>
    %mul3A_336 = arith.mulf %mul3A_335, %div3A_324 : vector<1x1024xf32>
    %mul3A_337 = arith.mulf %mul3A_336, %div3A_324 : vector<1x1024xf32>
    %mul3A_338 = arith.mulf %mul3A_337, %sqrt3A_319 : vector<1x1024xf32>
    %sub3A_339 = arith.subf %mul3A_326, %mul3A_338 : vector<1x1024xf32>
    %log1p3A_340 = math.log1p %sub3A_339 : vector<1x1024xf32>
    %add3A_341 = arith.addf %add3A_334, %log1p3A_340 : vector<1x1024xf32>
    %slice3A_342 = vector.extract_strided_slice %select_n3A {offsets = [0, 7], sizes = [1, 1], strides = [1, 1]} : vector<1x64xf32> to vector<1x1xf32>
    %slice3A_343 = vector.extract_strided_slice %select_n3A_53 {offsets = [0, 7], sizes = [1, 1], strides = [1, 1]} : vector<1x64xf32> to vector<1x1xf32>
    %sub3A_344 = arith.subf %slice3A_343, %slice3A_342 : vector<1x1xf32>
    %get3A_345 = arith.constant 0 : index
    %get3A_346 = arith.constant 7 : index
    %get3A_347 = vector.load %arg7[%get3A_345, %get3A_346] : memref<16x64xf32, #tpu.memory_space<vmem>>, vector<16x1xf32>
    %sub3A_348 = vector.broadcast %get3A_347 : vector<16x1xf32> to vector<16x1024xf32>
    %sub3A_349 = arith.subf %add3A_329, %sub3A_348 : vector<16x1024xf32>
    %mul3A_350 = arith.mulf %sub3A_349, %sub3A_349 : vector<16x1024xf32>
    %reduce_sum3A_351 = arith.constant dense<0.000000e+00> : vector<1024xf32>
    %reduce_sum3A_352 = vector.multi_reduction <add>, %mul3A_350, %reduce_sum3A_351 [0] : vector<16x1024xf32> to vector<1024xf32>
    %broadcast_in_dim3A_353 = vector.shape_cast %reduce_sum3A_352 : vector<1024xf32> to vector<1x1024xf32>
    %add3A_354 = arith.constant 9.99999996E-13 : f32
    %add3A_355 = vector.broadcast %add3A_354 : f32 to vector<1x1024xf32>
    %add3A_356 = arith.addf %broadcast_in_dim3A_353, %add3A_355 : vector<1x1024xf32>
    %sqrt3A_357 = math.sqrt %add3A_356 : vector<1x1024xf32>
    %add3A_358 = vector.broadcast %slice3A_342 : vector<1x1xf32> to vector<1x1024xf32>
    %add3A_359 = arith.addf %add3A_358, %sqrt3A_357 : vector<1x1024xf32>
    %div3A_360 = arith.constant 1.000000e+00 : f32
    %div3A_361 = vector.broadcast %div3A_360 : f32 to vector<1x1024xf32>
    %div3A_362 = arith.divf %div3A_361, %add3A_359 : vector<1x1024xf32>
    %mul3A_363 = vector.broadcast %sub3A_344 : vector<1x1xf32> to vector<1x1024xf32>
    %mul3A_364 = arith.mulf %mul3A_363, %div3A_362 : vector<1x1024xf32>
    %mul3A_365 = vector.broadcast %mul3A_364 : vector<1x1024xf32> to vector<16x1024xf32>
    %mul3A_366 = arith.mulf %mul3A_365, %sub3A_349 : vector<16x1024xf32>
    %add3A_367 = arith.addf %add3A_329, %mul3A_366 : vector<16x1024xf32>
    %log1p3A_368 = math.log1p %mul3A_364 : vector<1x1024xf32>
    %mul3A_369 = arith.constant 1.500000e+01 : f32
    %mul3A_370 = vector.broadcast %mul3A_369 : f32 to vector<1x1024xf32>
    %mul3A_371 = arith.mulf %mul3A_370, %log1p3A_368 : vector<1x1024xf32>
    %add3A_372 = arith.addf %add3A_341, %mul3A_371 : vector<1x1024xf32>
    %mul3A_373 = vector.broadcast %sub3A_344 : vector<1x1xf32> to vector<1x1024xf32>
    %mul3A_374 = arith.mulf %mul3A_373, %div3A_362 : vector<1x1024xf32>
    %mul3A_375 = arith.mulf %mul3A_374, %div3A_362 : vector<1x1024xf32>
    %mul3A_376 = arith.mulf %mul3A_375, %sqrt3A_357 : vector<1x1024xf32>
    %sub3A_377 = arith.subf %mul3A_364, %mul3A_376 : vector<1x1024xf32>
    %log1p3A_378 = math.log1p %sub3A_377 : vector<1x1024xf32>
    %add3A_379 = arith.addf %add3A_372, %log1p3A_378 : vector<1x1024xf32>
    %slice3A_380 = vector.extract_strided_slice %select_n3A {offsets = [0, 8], sizes = [1, 1], strides = [1, 1]} : vector<1x64xf32> to vector<1x1xf32>
    %slice3A_381 = vector.extract_strided_slice %select_n3A_53 {offsets = [0, 8], sizes = [1, 1], strides = [1, 1]} : vector<1x64xf32> to vector<1x1xf32>
    %sub3A_382 = arith.subf %slice3A_381, %slice3A_380 : vector<1x1xf32>
    %get3A_383 = arith.constant 0 : index
    %get3A_384 = arith.constant 8 : index
    %get3A_385 = vector.load %arg7[%get3A_383, %get3A_384] : memref<16x64xf32, #tpu.memory_space<vmem>>, vector<16x1xf32>
    %sub3A_386 = vector.broadcast %get3A_385 : vector<16x1xf32> to vector<16x1024xf32>
    %sub3A_387 = arith.subf %add3A_367, %sub3A_386 : vector<16x1024xf32>
    %mul3A_388 = arith.mulf %sub3A_387, %sub3A_387 : vector<16x1024xf32>
    %reduce_sum3A_389 = arith.constant dense<0.000000e+00> : vector<1024xf32>
    %reduce_sum3A_390 = vector.multi_reduction <add>, %mul3A_388, %reduce_sum3A_389 [0] : vector<16x1024xf32> to vector<1024xf32>
    %broadcast_in_dim3A_391 = vector.shape_cast %reduce_sum3A_390 : vector<1024xf32> to vector<1x1024xf32>
    %add3A_392 = arith.constant 9.99999996E-13 : f32
    %add3A_393 = vector.broadcast %add3A_392 : f32 to vector<1x1024xf32>
    %add3A_394 = arith.addf %broadcast_in_dim3A_391, %add3A_393 : vector<1x1024xf32>
    %sqrt3A_395 = math.sqrt %add3A_394 : vector<1x1024xf32>
    %add3A_396 = vector.broadcast %slice3A_380 : vector<1x1xf32> to vector<1x1024xf32>
    %add3A_397 = arith.addf %add3A_396, %sqrt3A_395 : vector<1x1024xf32>
    %div3A_398 = arith.constant 1.000000e+00 : f32
    %div3A_399 = vector.broadcast %div3A_398 : f32 to vector<1x1024xf32>
    %div3A_400 = arith.divf %div3A_399, %add3A_397 : vector<1x1024xf32>
    %mul3A_401 = vector.broadcast %sub3A_382 : vector<1x1xf32> to vector<1x1024xf32>
    %mul3A_402 = arith.mulf %mul3A_401, %div3A_400 : vector<1x1024xf32>
    %mul3A_403 = vector.broadcast %mul3A_402 : vector<1x1024xf32> to vector<16x1024xf32>
    %mul3A_404 = arith.mulf %mul3A_403, %sub3A_387 : vector<16x1024xf32>
    %add3A_405 = arith.addf %add3A_367, %mul3A_404 : vector<16x1024xf32>
    %log1p3A_406 = math.log1p %mul3A_402 : vector<1x1024xf32>
    %mul3A_407 = arith.constant 1.500000e+01 : f32
    %mul3A_408 = vector.broadcast %mul3A_407 : f32 to vector<1x1024xf32>
    %mul3A_409 = arith.mulf %mul3A_408, %log1p3A_406 : vector<1x1024xf32>
    %add3A_410 = arith.addf %add3A_379, %mul3A_409 : vector<1x1024xf32>
    %mul3A_411 = vector.broadcast %sub3A_382 : vector<1x1xf32> to vector<1x1024xf32>
    %mul3A_412 = arith.mulf %mul3A_411, %div3A_400 : vector<1x1024xf32>
    %mul3A_413 = arith.mulf %mul3A_412, %div3A_400 : vector<1x1024xf32>
    %mul3A_414 = arith.mulf %mul3A_413, %sqrt3A_395 : vector<1x1024xf32>
    %sub3A_415 = arith.subf %mul3A_402, %mul3A_414 : vector<1x1024xf32>
    %log1p3A_416 = math.log1p %sub3A_415 : vector<1x1024xf32>
    %add3A_417 = arith.addf %add3A_410, %log1p3A_416 : vector<1x1024xf32>
    %slice3A_418 = vector.extract_strided_slice %select_n3A {offsets = [0, 9], sizes = [1, 1], strides = [1, 1]} : vector<1x64xf32> to vector<1x1xf32>
    %slice3A_419 = vector.extract_strided_slice %select_n3A_53 {offsets = [0, 9], sizes = [1, 1], strides = [1, 1]} : vector<1x64xf32> to vector<1x1xf32>
    %sub3A_420 = arith.subf %slice3A_419, %slice3A_418 : vector<1x1xf32>
    %get3A_421 = arith.constant 0 : index
    %get3A_422 = arith.constant 9 : index
    %get3A_423 = vector.load %arg7[%get3A_421, %get3A_422] : memref<16x64xf32, #tpu.memory_space<vmem>>, vector<16x1xf32>
    %sub3A_424 = vector.broadcast %get3A_423 : vector<16x1xf32> to vector<16x1024xf32>
    %sub3A_425 = arith.subf %add3A_405, %sub3A_424 : vector<16x1024xf32>
    %mul3A_426 = arith.mulf %sub3A_425, %sub3A_425 : vector<16x1024xf32>
    %reduce_sum3A_427 = arith.constant dense<0.000000e+00> : vector<1024xf32>
    %reduce_sum3A_428 = vector.multi_reduction <add>, %mul3A_426, %reduce_sum3A_427 [0] : vector<16x1024xf32> to vector<1024xf32>
    %broadcast_in_dim3A_429 = vector.shape_cast %reduce_sum3A_428 : vector<1024xf32> to vector<1x1024xf32>
    %add3A_430 = arith.constant 9.99999996E-13 : f32
    %add3A_431 = vector.broadcast %add3A_430 : f32 to vector<1x1024xf32>
    %add3A_432 = arith.addf %broadcast_in_dim3A_429, %add3A_431 : vector<1x1024xf32>
    %sqrt3A_433 = math.sqrt %add3A_432 : vector<1x1024xf32>
    %add3A_434 = vector.broadcast %slice3A_418 : vector<1x1xf32> to vector<1x1024xf32>
    %add3A_435 = arith.addf %add3A_434, %sqrt3A_433 : vector<1x1024xf32>
    %div3A_436 = arith.constant 1.000000e+00 : f32
    %div3A_437 = vector.broadcast %div3A_436 : f32 to vector<1x1024xf32>
    %div3A_438 = arith.divf %div3A_437, %add3A_435 : vector<1x1024xf32>
    %mul3A_439 = vector.broadcast %sub3A_420 : vector<1x1xf32> to vector<1x1024xf32>
    %mul3A_440 = arith.mulf %mul3A_439, %div3A_438 : vector<1x1024xf32>
    %mul3A_441 = vector.broadcast %mul3A_440 : vector<1x1024xf32> to vector<16x1024xf32>
    %mul3A_442 = arith.mulf %mul3A_441, %sub3A_425 : vector<16x1024xf32>
    %add3A_443 = arith.addf %add3A_405, %mul3A_442 : vector<16x1024xf32>
    %log1p3A_444 = math.log1p %mul3A_440 : vector<1x1024xf32>
    %mul3A_445 = arith.constant 1.500000e+01 : f32
    %mul3A_446 = vector.broadcast %mul3A_445 : f32 to vector<1x1024xf32>
    %mul3A_447 = arith.mulf %mul3A_446, %log1p3A_444 : vector<1x1024xf32>
    %add3A_448 = arith.addf %add3A_417, %mul3A_447 : vector<1x1024xf32>
    %mul3A_449 = vector.broadcast %sub3A_420 : vector<1x1xf32> to vector<1x1024xf32>
    %mul3A_450 = arith.mulf %mul3A_449, %div3A_438 : vector<1x1024xf32>
    %mul3A_451 = arith.mulf %mul3A_450, %div3A_438 : vector<1x1024xf32>
    %mul3A_452 = arith.mulf %mul3A_451, %sqrt3A_433 : vector<1x1024xf32>
    %sub3A_453 = arith.subf %mul3A_440, %mul3A_452 : vector<1x1024xf32>
    %log1p3A_454 = math.log1p %sub3A_453 : vector<1x1024xf32>
    %add3A_455 = arith.addf %add3A_448, %log1p3A_454 : vector<1x1024xf32>
    %slice3A_456 = vector.extract_strided_slice %select_n3A {offsets = [0, 10], sizes = [1, 1], strides = [1, 1]} : vector<1x64xf32> to vector<1x1xf32>
    %slice3A_457 = vector.extract_strided_slice %select_n3A_53 {offsets = [0, 10], sizes = [1, 1], strides = [1, 1]} : vector<1x64xf32> to vector<1x1xf32>
    %sub3A_458 = arith.subf %slice3A_457, %slice3A_456 : vector<1x1xf32>
    %get3A_459 = arith.constant 0 : index
    %get3A_460 = arith.constant 10 : index
    %get3A_461 = vector.load %arg7[%get3A_459, %get3A_460] : memref<16x64xf32, #tpu.memory_space<vmem>>, vector<16x1xf32>
    %sub3A_462 = vector.broadcast %get3A_461 : vector<16x1xf32> to vector<16x1024xf32>
    %sub3A_463 = arith.subf %add3A_443, %sub3A_462 : vector<16x1024xf32>
    %mul3A_464 = arith.mulf %sub3A_463, %sub3A_463 : vector<16x1024xf32>
    %reduce_sum3A_465 = arith.constant dense<0.000000e+00> : vector<1024xf32>
    %reduce_sum3A_466 = vector.multi_reduction <add>, %mul3A_464, %reduce_sum3A_465 [0] : vector<16x1024xf32> to vector<1024xf32>
    %broadcast_in_dim3A_467 = vector.shape_cast %reduce_sum3A_466 : vector<1024xf32> to vector<1x1024xf32>
    %add3A_468 = arith.constant 9.99999996E-13 : f32
    %add3A_469 = vector.broadcast %add3A_468 : f32 to vector<1x1024xf32>
    %add3A_470 = arith.addf %broadcast_in_dim3A_467, %add3A_469 : vector<1x1024xf32>
    %sqrt3A_471 = math.sqrt %add3A_470 : vector<1x1024xf32>
    %add3A_472 = vector.broadcast %slice3A_456 : vector<1x1xf32> to vector<1x1024xf32>
    %add3A_473 = arith.addf %add3A_472, %sqrt3A_471 : vector<1x1024xf32>
    %div3A_474 = arith.constant 1.000000e+00 : f32
    %div3A_475 = vector.broadcast %div3A_474 : f32 to vector<1x1024xf32>
    %div3A_476 = arith.divf %div3A_475, %add3A_473 : vector<1x1024xf32>
    %mul3A_477 = vector.broadcast %sub3A_458 : vector<1x1xf32> to vector<1x1024xf32>
    %mul3A_478 = arith.mulf %mul3A_477, %div3A_476 : vector<1x1024xf32>
    %mul3A_479 = vector.broadcast %mul3A_478 : vector<1x1024xf32> to vector<16x1024xf32>
    %mul3A_480 = arith.mulf %mul3A_479, %sub3A_463 : vector<16x1024xf32>
    %add3A_481 = arith.addf %add3A_443, %mul3A_480 : vector<16x1024xf32>
    %log1p3A_482 = math.log1p %mul3A_478 : vector<1x1024xf32>
    %mul3A_483 = arith.constant 1.500000e+01 : f32
    %mul3A_484 = vector.broadcast %mul3A_483 : f32 to vector<1x1024xf32>
    %mul3A_485 = arith.mulf %mul3A_484, %log1p3A_482 : vector<1x1024xf32>
    %add3A_486 = arith.addf %add3A_455, %mul3A_485 : vector<1x1024xf32>
    %mul3A_487 = vector.broadcast %sub3A_458 : vector<1x1xf32> to vector<1x1024xf32>
    %mul3A_488 = arith.mulf %mul3A_487, %div3A_476 : vector<1x1024xf32>
    %mul3A_489 = arith.mulf %mul3A_488, %div3A_476 : vector<1x1024xf32>
    %mul3A_490 = arith.mulf %mul3A_489, %sqrt3A_471 : vector<1x1024xf32>
    %sub3A_491 = arith.subf %mul3A_478, %mul3A_490 : vector<1x1024xf32>
    %log1p3A_492 = math.log1p %sub3A_491 : vector<1x1024xf32>
    %add3A_493 = arith.addf %add3A_486, %log1p3A_492 : vector<1x1024xf32>
    %slice3A_494 = vector.extract_strided_slice %select_n3A {offsets = [0, 11], sizes = [1, 1], strides = [1, 1]} : vector<1x64xf32> to vector<1x1xf32>
    %slice3A_495 = vector.extract_strided_slice %select_n3A_53 {offsets = [0, 11], sizes = [1, 1], strides = [1, 1]} : vector<1x64xf32> to vector<1x1xf32>
    %sub3A_496 = arith.subf %slice3A_495, %slice3A_494 : vector<1x1xf32>
    %get3A_497 = arith.constant 0 : index
    %get3A_498 = arith.constant 11 : index
    %get3A_499 = vector.load %arg7[%get3A_497, %get3A_498] : memref<16x64xf32, #tpu.memory_space<vmem>>, vector<16x1xf32>
    %sub3A_500 = vector.broadcast %get3A_499 : vector<16x1xf32> to vector<16x1024xf32>
    %sub3A_501 = arith.subf %add3A_481, %sub3A_500 : vector<16x1024xf32>
    %mul3A_502 = arith.mulf %sub3A_501, %sub3A_501 : vector<16x1024xf32>
    %reduce_sum3A_503 = arith.constant dense<0.000000e+00> : vector<1024xf32>
    %reduce_sum3A_504 = vector.multi_reduction <add>, %mul3A_502, %reduce_sum3A_503 [0] : vector<16x1024xf32> to vector<1024xf32>
    %broadcast_in_dim3A_505 = vector.shape_cast %reduce_sum3A_504 : vector<1024xf32> to vector<1x1024xf32>
    %add3A_506 = arith.constant 9.99999996E-13 : f32
    %add3A_507 = vector.broadcast %add3A_506 : f32 to vector<1x1024xf32>
    %add3A_508 = arith.addf %broadcast_in_dim3A_505, %add3A_507 : vector<1x1024xf32>
    %sqrt3A_509 = math.sqrt %add3A_508 : vector<1x1024xf32>
    %add3A_510 = vector.broadcast %slice3A_494 : vector<1x1xf32> to vector<1x1024xf32>
    %add3A_511 = arith.addf %add3A_510, %sqrt3A_509 : vector<1x1024xf32>
    %div3A_512 = arith.constant 1.000000e+00 : f32
    %div3A_513 = vector.broadcast %div3A_512 : f32 to vector<1x1024xf32>
    %div3A_514 = arith.divf %div3A_513, %add3A_511 : vector<1x1024xf32>
    %mul3A_515 = vector.broadcast %sub3A_496 : vector<1x1xf32> to vector<1x1024xf32>
    %mul3A_516 = arith.mulf %mul3A_515, %div3A_514 : vector<1x1024xf32>
    %mul3A_517 = vector.broadcast %mul3A_516 : vector<1x1024xf32> to vector<16x1024xf32>
    %mul3A_518 = arith.mulf %mul3A_517, %sub3A_501 : vector<16x1024xf32>
    %add3A_519 = arith.addf %add3A_481, %mul3A_518 : vector<16x1024xf32>
    %log1p3A_520 = math.log1p %mul3A_516 : vector<1x1024xf32>
    %mul3A_521 = arith.constant 1.500000e+01 : f32
    %mul3A_522 = vector.broadcast %mul3A_521 : f32 to vector<1x1024xf32>
    %mul3A_523 = arith.mulf %mul3A_522, %log1p3A_520 : vector<1x1024xf32>
    %add3A_524 = arith.addf %add3A_493, %mul3A_523 : vector<1x1024xf32>
    %mul3A_525 = vector.broadcast %sub3A_496 : vector<1x1xf32> to vector<1x1024xf32>
    %mul3A_526 = arith.mulf %mul3A_525, %div3A_514 : vector<1x1024xf32>
    %mul3A_527 = arith.mulf %mul3A_526, %div3A_514 : vector<1x1024xf32>
    %mul3A_528 = arith.mulf %mul3A_527, %sqrt3A_509 : vector<1x1024xf32>
    %sub3A_529 = arith.subf %mul3A_516, %mul3A_528 : vector<1x1024xf32>
    %log1p3A_530 = math.log1p %sub3A_529 : vector<1x1024xf32>
    %add3A_531 = arith.addf %add3A_524, %log1p3A_530 : vector<1x1024xf32>
    %mul3A_532 = arith.mulf %add3A_519, %add3A_519 : vector<16x1024xf32>
    %reduce_sum3A_533 = arith.constant dense<0.000000e+00> : vector<1024xf32>
    %reduce_sum3A_534 = vector.multi_reduction <add>, %mul3A_532, %reduce_sum3A_533 [0] : vector<16x1024xf32> to vector<1024xf32>
    %broadcast_in_dim3A_535 = vector.shape_cast %reduce_sum3A_534 : vector<1024xf32> to vector<1x1024xf32>
    %add3A_536 = arith.constant 29.4060326 : f32
    %add3A_537 = vector.broadcast %add3A_536 : f32 to vector<1x1024xf32>
    %add3A_538 = arith.addf %add3A_537, %broadcast_in_dim3A_535 : vector<1x1024xf32>
    %mul3A_539 = arith.constant -5.000000e-01 : f32
    %mul3A_540 = vector.broadcast %mul3A_539 : f32 to vector<1x1024xf32>
    %mul3A_541 = arith.mulf %mul3A_540, %add3A_538 : vector<1x1024xf32>
    %add3A_542 = arith.addf %mul3A_541, %add3A_531 : vector<1x1024xf32>
    %get3A_543 = arith.constant 0 : index
    %get3A_544 = arith.constant 1 : index
    %get3A_545 = vector.load %arg11[%get3A_543, %get3A_544] : memref<1x128xf32, #tpu.memory_space<vmem>>, vector<1x1xf32>
    %add3A_546 = vector.broadcast %get3A_545 : vector<1x1xf32> to vector<1x1024xf32>
    %add3A_547 = arith.addf %add3A_542, %add3A_546 : vector<1x1024xf32>
    %add3A_548 = arith.constant 20.2481937 : f32
    %add3A_549 = vector.broadcast %add3A_548 : f32 to vector<1x1024xf32>
    %add3A_550 = arith.addf %add3A_547, %add3A_549 : vector<1x1024xf32>
    %jit3A_551 = arith.constant -3.000000e+01 : f32
    %jit3A_552 = arith.constant 3.000000e+01 : f32
    %max3A_553 = vector.broadcast %jit3A_551 : f32 to vector<1x1024xf32>
    %max3A_554 = arith.maximumf %max3A_553, %add3A_550 : vector<1x1024xf32>
    %min3A_555 = vector.broadcast %jit3A_552 : f32 to vector<1x1024xf32>
    %min3A_556 = arith.minimumf %min3A_555, %max3A_554 : vector<1x1024xf32>
    %exp3A_557 = math.exp %min3A_556 : vector<1x1024xf32>
    %broadcast_in_dim3A_558 = arith.constant 0.000000e+00 : f32
    %broadcast_in_dim3A_559 = vector.broadcast %broadcast_in_dim3A_558 : f32 to vector<1x1024xf32>
    %slice3A_560 = vector.extract_strided_slice %select_n3A {offsets = [0, 12], sizes = [1, 1], strides = [1, 1]} : vector<1x64xf32> to vector<1x1xf32>
    %slice3A_561 = vector.extract_strided_slice %select_n3A_53 {offsets = [0, 12], sizes = [1, 1], strides = [1, 1]} : vector<1x64xf32> to vector<1x1xf32>
    %sub3A_562 = arith.subf %slice3A_561, %slice3A_560 : vector<1x1xf32>
    %get3A_563 = arith.constant 0 : index
    %get3A_564 = arith.constant 12 : index
    %get3A_565 = vector.load %arg7[%get3A_563, %get3A_564] : memref<16x64xf32, #tpu.memory_space<vmem>>, vector<16x1xf32>
    %sub3A_566 = vector.broadcast %get3A_565 : vector<16x1xf32> to vector<16x1024xf32>
    %sub3A_567 = arith.subf %add3A_23, %sub3A_566 : vector<16x1024xf32>
    %mul3A_568 = arith.mulf %sub3A_567, %sub3A_567 : vector<16x1024xf32>
    %reduce_sum3A_569 = arith.constant dense<0.000000e+00> : vector<1024xf32>
    %reduce_sum3A_570 = vector.multi_reduction <add>, %mul3A_568, %reduce_sum3A_569 [0] : vector<16x1024xf32> to vector<1024xf32>
    %broadcast_in_dim3A_571 = vector.shape_cast %reduce_sum3A_570 : vector<1024xf32> to vector<1x1024xf32>
    %add3A_572 = arith.constant 9.99999996E-13 : f32
    %add3A_573 = vector.broadcast %add3A_572 : f32 to vector<1x1024xf32>
    %add3A_574 = arith.addf %broadcast_in_dim3A_571, %add3A_573 : vector<1x1024xf32>
    %sqrt3A_575 = math.sqrt %add3A_574 : vector<1x1024xf32>
    %add3A_576 = vector.broadcast %slice3A_560 : vector<1x1xf32> to vector<1x1024xf32>
    %add3A_577 = arith.addf %add3A_576, %sqrt3A_575 : vector<1x1024xf32>
    %div3A_578 = arith.constant 1.000000e+00 : f32
    %div3A_579 = vector.broadcast %div3A_578 : f32 to vector<1x1024xf32>
    %div3A_580 = arith.divf %div3A_579, %add3A_577 : vector<1x1024xf32>
    %mul3A_581 = vector.broadcast %sub3A_562 : vector<1x1xf32> to vector<1x1024xf32>
    %mul3A_582 = arith.mulf %mul3A_581, %div3A_580 : vector<1x1024xf32>
    %mul3A_583 = vector.broadcast %mul3A_582 : vector<1x1024xf32> to vector<16x1024xf32>
    %mul3A_584 = arith.mulf %mul3A_583, %sub3A_567 : vector<16x1024xf32>
    %add3A_585 = arith.addf %add3A_23, %mul3A_584 : vector<16x1024xf32>
    %log1p3A_586 = math.log1p %mul3A_582 : vector<1x1024xf32>
    %mul3A_587 = arith.constant 1.500000e+01 : f32
    %mul3A_588 = vector.broadcast %mul3A_587 : f32 to vector<1x1024xf32>
    %mul3A_589 = arith.mulf %mul3A_588, %log1p3A_586 : vector<1x1024xf32>
    %add3A_590 = arith.addf %broadcast_in_dim3A_559, %mul3A_589 : vector<1x1024xf32>
    %mul3A_591 = vector.broadcast %sub3A_562 : vector<1x1xf32> to vector<1x1024xf32>
    %mul3A_592 = arith.mulf %mul3A_591, %div3A_580 : vector<1x1024xf32>
    %mul3A_593 = arith.mulf %mul3A_592, %div3A_580 : vector<1x1024xf32>
    %mul3A_594 = arith.mulf %mul3A_593, %sqrt3A_575 : vector<1x1024xf32>
    %sub3A_595 = arith.subf %mul3A_582, %mul3A_594 : vector<1x1024xf32>
    %log1p3A_596 = math.log1p %sub3A_595 : vector<1x1024xf32>
    %add3A_597 = arith.addf %add3A_590, %log1p3A_596 : vector<1x1024xf32>
    %slice3A_598 = vector.extract_strided_slice %select_n3A {offsets = [0, 13], sizes = [1, 1], strides = [1, 1]} : vector<1x64xf32> to vector<1x1xf32>
    %slice3A_599 = vector.extract_strided_slice %select_n3A_53 {offsets = [0, 13], sizes = [1, 1], strides = [1, 1]} : vector<1x64xf32> to vector<1x1xf32>
    %sub3A_600 = arith.subf %slice3A_599, %slice3A_598 : vector<1x1xf32>
    %get3A_601 = arith.constant 0 : index
    %get3A_602 = arith.constant 13 : index
    %get3A_603 = vector.load %arg7[%get3A_601, %get3A_602] : memref<16x64xf32, #tpu.memory_space<vmem>>, vector<16x1xf32>
    %sub3A_604 = vector.broadcast %get3A_603 : vector<16x1xf32> to vector<16x1024xf32>
    %sub3A_605 = arith.subf %add3A_585, %sub3A_604 : vector<16x1024xf32>
    %mul3A_606 = arith.mulf %sub3A_605, %sub3A_605 : vector<16x1024xf32>
    %reduce_sum3A_607 = arith.constant dense<0.000000e+00> : vector<1024xf32>
    %reduce_sum3A_608 = vector.multi_reduction <add>, %mul3A_606, %reduce_sum3A_607 [0] : vector<16x1024xf32> to vector<1024xf32>
    %broadcast_in_dim3A_609 = vector.shape_cast %reduce_sum3A_608 : vector<1024xf32> to vector<1x1024xf32>
    %add3A_610 = arith.constant 9.99999996E-13 : f32
    %add3A_611 = vector.broadcast %add3A_610 : f32 to vector<1x1024xf32>
    %add3A_612 = arith.addf %broadcast_in_dim3A_609, %add3A_611 : vector<1x1024xf32>
    %sqrt3A_613 = math.sqrt %add3A_612 : vector<1x1024xf32>
    %add3A_614 = vector.broadcast %slice3A_598 : vector<1x1xf32> to vector<1x1024xf32>
    %add3A_615 = arith.addf %add3A_614, %sqrt3A_613 : vector<1x1024xf32>
    %div3A_616 = arith.constant 1.000000e+00 : f32
    %div3A_617 = vector.broadcast %div3A_616 : f32 to vector<1x1024xf32>
    %div3A_618 = arith.divf %div3A_617, %add3A_615 : vector<1x1024xf32>
    %mul3A_619 = vector.broadcast %sub3A_600 : vector<1x1xf32> to vector<1x1024xf32>
    %mul3A_620 = arith.mulf %mul3A_619, %div3A_618 : vector<1x1024xf32>
    %mul3A_621 = vector.broadcast %mul3A_620 : vector<1x1024xf32> to vector<16x1024xf32>
    %mul3A_622 = arith.mulf %mul3A_621, %sub3A_605 : vector<16x1024xf32>
    %add3A_623 = arith.addf %add3A_585, %mul3A_622 : vector<16x1024xf32>
    %log1p3A_624 = math.log1p %mul3A_620 : vector<1x1024xf32>
    %mul3A_625 = arith.constant 1.500000e+01 : f32
    %mul3A_626 = vector.broadcast %mul3A_625 : f32 to vector<1x1024xf32>
    %mul3A_627 = arith.mulf %mul3A_626, %log1p3A_624 : vector<1x1024xf32>
    %add3A_628 = arith.addf %add3A_597, %mul3A_627 : vector<1x1024xf32>
    %mul3A_629 = vector.broadcast %sub3A_600 : vector<1x1xf32> to vector<1x1024xf32>
    %mul3A_630 = arith.mulf %mul3A_629, %div3A_618 : vector<1x1024xf32>
    %mul3A_631 = arith.mulf %mul3A_630, %div3A_618 : vector<1x1024xf32>
    %mul3A_632 = arith.mulf %mul3A_631, %sqrt3A_613 : vector<1x1024xf32>
    %sub3A_633 = arith.subf %mul3A_620, %mul3A_632 : vector<1x1024xf32>
    %log1p3A_634 = math.log1p %sub3A_633 : vector<1x1024xf32>
    %add3A_635 = arith.addf %add3A_628, %log1p3A_634 : vector<1x1024xf32>
    %slice3A_636 = vector.extract_strided_slice %select_n3A {offsets = [0, 14], sizes = [1, 1], strides = [1, 1]} : vector<1x64xf32> to vector<1x1xf32>
    %slice3A_637 = vector.extract_strided_slice %select_n3A_53 {offsets = [0, 14], sizes = [1, 1], strides = [1, 1]} : vector<1x64xf32> to vector<1x1xf32>
    %sub3A_638 = arith.subf %slice3A_637, %slice3A_636 : vector<1x1xf32>
    %get3A_639 = arith.constant 0 : index
    %get3A_640 = arith.constant 14 : index
    %get3A_641 = vector.load %arg7[%get3A_639, %get3A_640] : memref<16x64xf32, #tpu.memory_space<vmem>>, vector<16x1xf32>
    %sub3A_642 = vector.broadcast %get3A_641 : vector<16x1xf32> to vector<16x1024xf32>
    %sub3A_643 = arith.subf %add3A_623, %sub3A_642 : vector<16x1024xf32>
    %mul3A_644 = arith.mulf %sub3A_643, %sub3A_643 : vector<16x1024xf32>
    %reduce_sum3A_645 = arith.constant dense<0.000000e+00> : vector<1024xf32>
    %reduce_sum3A_646 = vector.multi_reduction <add>, %mul3A_644, %reduce_sum3A_645 [0] : vector<16x1024xf32> to vector<1024xf32>
    %broadcast_in_dim3A_647 = vector.shape_cast %reduce_sum3A_646 : vector<1024xf32> to vector<1x1024xf32>
    %add3A_648 = arith.constant 9.99999996E-13 : f32
    %add3A_649 = vector.broadcast %add3A_648 : f32 to vector<1x1024xf32>
    %add3A_650 = arith.addf %broadcast_in_dim3A_647, %add3A_649 : vector<1x1024xf32>
    %sqrt3A_651 = math.sqrt %add3A_650 : vector<1x1024xf32>
    %add3A_652 = vector.broadcast %slice3A_636 : vector<1x1xf32> to vector<1x1024xf32>
    %add3A_653 = arith.addf %add3A_652, %sqrt3A_651 : vector<1x1024xf32>
    %div3A_654 = arith.constant 1.000000e+00 : f32
    %div3A_655 = vector.broadcast %div3A_654 : f32 to vector<1x1024xf32>
    %div3A_656 = arith.divf %div3A_655, %add3A_653 : vector<1x1024xf32>
    %mul3A_657 = vector.broadcast %sub3A_638 : vector<1x1xf32> to vector<1x1024xf32>
    %mul3A_658 = arith.mulf %mul3A_657, %div3A_656 : vector<1x1024xf32>
    %mul3A_659 = vector.broadcast %mul3A_658 : vector<1x1024xf32> to vector<16x1024xf32>
    %mul3A_660 = arith.mulf %mul3A_659, %sub3A_643 : vector<16x1024xf32>
    %add3A_661 = arith.addf %add3A_623, %mul3A_660 : vector<16x1024xf32>
    %log1p3A_662 = math.log1p %mul3A_658 : vector<1x1024xf32>
    %mul3A_663 = arith.constant 1.500000e+01 : f32
    %mul3A_664 = vector.broadcast %mul3A_663 : f32 to vector<1x1024xf32>
    %mul3A_665 = arith.mulf %mul3A_664, %log1p3A_662 : vector<1x1024xf32>
    %add3A_666 = arith.addf %add3A_635, %mul3A_665 : vector<1x1024xf32>
    %mul3A_667 = vector.broadcast %sub3A_638 : vector<1x1xf32> to vector<1x1024xf32>
    %mul3A_668 = arith.mulf %mul3A_667, %div3A_656 : vector<1x1024xf32>
    %mul3A_669 = arith.mulf %mul3A_668, %div3A_656 : vector<1x1024xf32>
    %mul3A_670 = arith.mulf %mul3A_669, %sqrt3A_651 : vector<1x1024xf32>
    %sub3A_671 = arith.subf %mul3A_658, %mul3A_670 : vector<1x1024xf32>
    %log1p3A_672 = math.log1p %sub3A_671 : vector<1x1024xf32>
    %add3A_673 = arith.addf %add3A_666, %log1p3A_672 : vector<1x1024xf32>
    %slice3A_674 = vector.extract_strided_slice %select_n3A {offsets = [0, 15], sizes = [1, 1], strides = [1, 1]} : vector<1x64xf32> to vector<1x1xf32>
    %slice3A_675 = vector.extract_strided_slice %select_n3A_53 {offsets = [0, 15], sizes = [1, 1], strides = [1, 1]} : vector<1x64xf32> to vector<1x1xf32>
    %sub3A_676 = arith.subf %slice3A_675, %slice3A_674 : vector<1x1xf32>
    %get3A_677 = arith.constant 0 : index
    %get3A_678 = arith.constant 15 : index
    %get3A_679 = vector.load %arg7[%get3A_677, %get3A_678] : memref<16x64xf32, #tpu.memory_space<vmem>>, vector<16x1xf32>
    %sub3A_680 = vector.broadcast %get3A_679 : vector<16x1xf32> to vector<16x1024xf32>
    %sub3A_681 = arith.subf %add3A_661, %sub3A_680 : vector<16x1024xf32>
    %mul3A_682 = arith.mulf %sub3A_681, %sub3A_681 : vector<16x1024xf32>
    %reduce_sum3A_683 = arith.constant dense<0.000000e+00> : vector<1024xf32>
    %reduce_sum3A_684 = vector.multi_reduction <add>, %mul3A_682, %reduce_sum3A_683 [0] : vector<16x1024xf32> to vector<1024xf32>
    %broadcast_in_dim3A_685 = vector.shape_cast %reduce_sum3A_684 : vector<1024xf32> to vector<1x1024xf32>
    %add3A_686 = arith.constant 9.99999996E-13 : f32
    %add3A_687 = vector.broadcast %add3A_686 : f32 to vector<1x1024xf32>
    %add3A_688 = arith.addf %broadcast_in_dim3A_685, %add3A_687 : vector<1x1024xf32>
    %sqrt3A_689 = math.sqrt %add3A_688 : vector<1x1024xf32>
    %add3A_690 = vector.broadcast %slice3A_674 : vector<1x1xf32> to vector<1x1024xf32>
    %add3A_691 = arith.addf %add3A_690, %sqrt3A_689 : vector<1x1024xf32>
    %div3A_692 = arith.constant 1.000000e+00 : f32
    %div3A_693 = vector.broadcast %div3A_692 : f32 to vector<1x1024xf32>
    %div3A_694 = arith.divf %div3A_693, %add3A_691 : vector<1x1024xf32>
    %mul3A_695 = vector.broadcast %sub3A_676 : vector<1x1xf32> to vector<1x1024xf32>
    %mul3A_696 = arith.mulf %mul3A_695, %div3A_694 : vector<1x1024xf32>
    %mul3A_697 = vector.broadcast %mul3A_696 : vector<1x1024xf32> to vector<16x1024xf32>
    %mul3A_698 = arith.mulf %mul3A_697, %sub3A_681 : vector<16x1024xf32>
    %add3A_699 = arith.addf %add3A_661, %mul3A_698 : vector<16x1024xf32>
    %log1p3A_700 = math.log1p %mul3A_696 : vector<1x1024xf32>
    %mul3A_701 = arith.constant 1.500000e+01 : f32
    %mul3A_702 = vector.broadcast %mul3A_701 : f32 to vector<1x1024xf32>
    %mul3A_703 = arith.mulf %mul3A_702, %log1p3A_700 : vector<1x1024xf32>
    %add3A_704 = arith.addf %add3A_673, %mul3A_703 : vector<1x1024xf32>
    %mul3A_705 = vector.broadcast %sub3A_676 : vector<1x1xf32> to vector<1x1024xf32>
    %mul3A_706 = arith.mulf %mul3A_705, %div3A_694 : vector<1x1024xf32>
    %mul3A_707 = arith.mulf %mul3A_706, %div3A_694 : vector<1x1024xf32>
    %mul3A_708 = arith.mulf %mul3A_707, %sqrt3A_689 : vector<1x1024xf32>
    %sub3A_709 = arith.subf %mul3A_696, %mul3A_708 : vector<1x1024xf32>
    %log1p3A_710 = math.log1p %sub3A_709 : vector<1x1024xf32>
    %add3A_711 = arith.addf %add3A_704, %log1p3A_710 : vector<1x1024xf32>
    %slice3A_712 = vector.extract_strided_slice %select_n3A {offsets = [0, 16], sizes = [1, 1], strides = [1, 1]} : vector<1x64xf32> to vector<1x1xf32>
    %slice3A_713 = vector.extract_strided_slice %select_n3A_53 {offsets = [0, 16], sizes = [1, 1], strides = [1, 1]} : vector<1x64xf32> to vector<1x1xf32>
    %sub3A_714 = arith.subf %slice3A_713, %slice3A_712 : vector<1x1xf32>
    %get3A_715 = arith.constant 0 : index
    %get3A_716 = arith.constant 16 : index
    %get3A_717 = vector.load %arg7[%get3A_715, %get3A_716] : memref<16x64xf32, #tpu.memory_space<vmem>>, vector<16x1xf32>
    %sub3A_718 = vector.broadcast %get3A_717 : vector<16x1xf32> to vector<16x1024xf32>
    %sub3A_719 = arith.subf %add3A_699, %sub3A_718 : vector<16x1024xf32>
    %mul3A_720 = arith.mulf %sub3A_719, %sub3A_719 : vector<16x1024xf32>
    %reduce_sum3A_721 = arith.constant dense<0.000000e+00> : vector<1024xf32>
    %reduce_sum3A_722 = vector.multi_reduction <add>, %mul3A_720, %reduce_sum3A_721 [0] : vector<16x1024xf32> to vector<1024xf32>
    %broadcast_in_dim3A_723 = vector.shape_cast %reduce_sum3A_722 : vector<1024xf32> to vector<1x1024xf32>
    %add3A_724 = arith.constant 9.99999996E-13 : f32
    %add3A_725 = vector.broadcast %add3A_724 : f32 to vector<1x1024xf32>
    %add3A_726 = arith.addf %broadcast_in_dim3A_723, %add3A_725 : vector<1x1024xf32>
    %sqrt3A_727 = math.sqrt %add3A_726 : vector<1x1024xf32>
    %add3A_728 = vector.broadcast %slice3A_712 : vector<1x1xf32> to vector<1x1024xf32>
    %add3A_729 = arith.addf %add3A_728, %sqrt3A_727 : vector<1x1024xf32>
    %div3A_730 = arith.constant 1.000000e+00 : f32
    %div3A_731 = vector.broadcast %div3A_730 : f32 to vector<1x1024xf32>
    %div3A_732 = arith.divf %div3A_731, %add3A_729 : vector<1x1024xf32>
    %mul3A_733 = vector.broadcast %sub3A_714 : vector<1x1xf32> to vector<1x1024xf32>
    %mul3A_734 = arith.mulf %mul3A_733, %div3A_732 : vector<1x1024xf32>
    %mul3A_735 = vector.broadcast %mul3A_734 : vector<1x1024xf32> to vector<16x1024xf32>
    %mul3A_736 = arith.mulf %mul3A_735, %sub3A_719 : vector<16x1024xf32>
    %add3A_737 = arith.addf %add3A_699, %mul3A_736 : vector<16x1024xf32>
    %log1p3A_738 = math.log1p %mul3A_734 : vector<1x1024xf32>
    %mul3A_739 = arith.constant 1.500000e+01 : f32
    %mul3A_740 = vector.broadcast %mul3A_739 : f32 to vector<1x1024xf32>
    %mul3A_741 = arith.mulf %mul3A_740, %log1p3A_738 : vector<1x1024xf32>
    %add3A_742 = arith.addf %add3A_711, %mul3A_741 : vector<1x1024xf32>
    %mul3A_743 = vector.broadcast %sub3A_714 : vector<1x1xf32> to vector<1x1024xf32>
    %mul3A_744 = arith.mulf %mul3A_743, %div3A_732 : vector<1x1024xf32>
    %mul3A_745 = arith.mulf %mul3A_744, %div3A_732 : vector<1x1024xf32>
    %mul3A_746 = arith.mulf %mul3A_745, %sqrt3A_727 : vector<1x1024xf32>
    %sub3A_747 = arith.subf %mul3A_734, %mul3A_746 : vector<1x1024xf32>
    %log1p3A_748 = math.log1p %sub3A_747 : vector<1x1024xf32>
    %add3A_749 = arith.addf %add3A_742, %log1p3A_748 : vector<1x1024xf32>
    %slice3A_750 = vector.extract_strided_slice %select_n3A {offsets = [0, 17], sizes = [1, 1], strides = [1, 1]} : vector<1x64xf32> to vector<1x1xf32>
    %slice3A_751 = vector.extract_strided_slice %select_n3A_53 {offsets = [0, 17], sizes = [1, 1], strides = [1, 1]} : vector<1x64xf32> to vector<1x1xf32>
    %sub3A_752 = arith.subf %slice3A_751, %slice3A_750 : vector<1x1xf32>
    %get3A_753 = arith.constant 0 : index
    %get3A_754 = arith.constant 17 : index
    %get3A_755 = vector.load %arg7[%get3A_753, %get3A_754] : memref<16x64xf32, #tpu.memory_space<vmem>>, vector<16x1xf32>
    %sub3A_756 = vector.broadcast %get3A_755 : vector<16x1xf32> to vector<16x1024xf32>
    %sub3A_757 = arith.subf %add3A_737, %sub3A_756 : vector<16x1024xf32>
    %mul3A_758 = arith.mulf %sub3A_757, %sub3A_757 : vector<16x1024xf32>
    %reduce_sum3A_759 = arith.constant dense<0.000000e+00> : vector<1024xf32>
    %reduce_sum3A_760 = vector.multi_reduction <add>, %mul3A_758, %reduce_sum3A_759 [0] : vector<16x1024xf32> to vector<1024xf32>
    %broadcast_in_dim3A_761 = vector.shape_cast %reduce_sum3A_760 : vector<1024xf32> to vector<1x1024xf32>
    %add3A_762 = arith.constant 9.99999996E-13 : f32
    %add3A_763 = vector.broadcast %add3A_762 : f32 to vector<1x1024xf32>
    %add3A_764 = arith.addf %broadcast_in_dim3A_761, %add3A_763 : vector<1x1024xf32>
    %sqrt3A_765 = math.sqrt %add3A_764 : vector<1x1024xf32>
    %add3A_766 = vector.broadcast %slice3A_750 : vector<1x1xf32> to vector<1x1024xf32>
    %add3A_767 = arith.addf %add3A_766, %sqrt3A_765 : vector<1x1024xf32>
    %div3A_768 = arith.constant 1.000000e+00 : f32
    %div3A_769 = vector.broadcast %div3A_768 : f32 to vector<1x1024xf32>
    %div3A_770 = arith.divf %div3A_769, %add3A_767 : vector<1x1024xf32>
    %mul3A_771 = vector.broadcast %sub3A_752 : vector<1x1xf32> to vector<1x1024xf32>
    %mul3A_772 = arith.mulf %mul3A_771, %div3A_770 : vector<1x1024xf32>
    %mul3A_773 = vector.broadcast %mul3A_772 : vector<1x1024xf32> to vector<16x1024xf32>
    %mul3A_774 = arith.mulf %mul3A_773, %sub3A_757 : vector<16x1024xf32>
    %add3A_775 = arith.addf %add3A_737, %mul3A_774 : vector<16x1024xf32>
    %log1p3A_776 = math.log1p %mul3A_772 : vector<1x1024xf32>
    %mul3A_777 = arith.constant 1.500000e+01 : f32
    %mul3A_778 = vector.broadcast %mul3A_777 : f32 to vector<1x1024xf32>
    %mul3A_779 = arith.mulf %mul3A_778, %log1p3A_776 : vector<1x1024xf32>
    %add3A_780 = arith.addf %add3A_749, %mul3A_779 : vector<1x1024xf32>
    %mul3A_781 = vector.broadcast %sub3A_752 : vector<1x1xf32> to vector<1x1024xf32>
    %mul3A_782 = arith.mulf %mul3A_781, %div3A_770 : vector<1x1024xf32>
    %mul3A_783 = arith.mulf %mul3A_782, %div3A_770 : vector<1x1024xf32>
    %mul3A_784 = arith.mulf %mul3A_783, %sqrt3A_765 : vector<1x1024xf32>
    %sub3A_785 = arith.subf %mul3A_772, %mul3A_784 : vector<1x1024xf32>
    %log1p3A_786 = math.log1p %sub3A_785 : vector<1x1024xf32>
    %add3A_787 = arith.addf %add3A_780, %log1p3A_786 : vector<1x1024xf32>
    %mul3A_788 = arith.mulf %add3A_775, %add3A_775 : vector<16x1024xf32>
    %reduce_sum3A_789 = arith.constant dense<0.000000e+00> : vector<1024xf32>
    %reduce_sum3A_790 = vector.multi_reduction <add>, %mul3A_788, %reduce_sum3A_789 [0] : vector<16x1024xf32> to vector<1024xf32>
    %broadcast_in_dim3A_791 = vector.shape_cast %reduce_sum3A_790 : vector<1024xf32> to vector<1x1024xf32>
    %add3A_792 = arith.constant 29.4060326 : f32
    %add3A_793 = vector.broadcast %add3A_792 : f32 to vector<1x1024xf32>
    %add3A_794 = arith.addf %add3A_793, %broadcast_in_dim3A_791 : vector<1x1024xf32>
    %mul3A_795 = arith.constant -5.000000e-01 : f32
    %mul3A_796 = vector.broadcast %mul3A_795 : f32 to vector<1x1024xf32>
    %mul3A_797 = arith.mulf %mul3A_796, %add3A_794 : vector<1x1024xf32>
    %add3A_798 = arith.addf %mul3A_797, %add3A_787 : vector<1x1024xf32>
    %get3A_799 = arith.constant 0 : index
    %get3A_800 = arith.constant 2 : index
    %get3A_801 = vector.load %arg11[%get3A_799, %get3A_800] : memref<1x128xf32, #tpu.memory_space<vmem>>, vector<1x1xf32>
    %add3A_802 = vector.broadcast %get3A_801 : vector<1x1xf32> to vector<1x1024xf32>
    %add3A_803 = arith.addf %add3A_798, %add3A_802 : vector<1x1024xf32>
    %add3A_804 = arith.constant 20.2481937 : f32
    %add3A_805 = vector.broadcast %add3A_804 : f32 to vector<1x1024xf32>
    %add3A_806 = arith.addf %add3A_803, %add3A_805 : vector<1x1024xf32>
    %jit3A_807 = arith.constant -3.000000e+01 : f32
    %jit3A_808 = arith.constant 3.000000e+01 : f32
    %max3A_809 = vector.broadcast %jit3A_807 : f32 to vector<1x1024xf32>
    %max3A_810 = arith.maximumf %max3A_809, %add3A_806 : vector<1x1024xf32>
    %min3A_811 = vector.broadcast %jit3A_808 : f32 to vector<1x1024xf32>
    %min3A_812 = arith.minimumf %min3A_811, %max3A_810 : vector<1x1024xf32>
    %exp3A_813 = math.exp %min3A_812 : vector<1x1024xf32>
    %broadcast_in_dim3A_814 = arith.constant 0.000000e+00 : f32
    %broadcast_in_dim3A_815 = vector.broadcast %broadcast_in_dim3A_814 : f32 to vector<1x1024xf32>
    %slice3A_816 = vector.extract_strided_slice %select_n3A {offsets = [0, 18], sizes = [1, 1], strides = [1, 1]} : vector<1x64xf32> to vector<1x1xf32>
    %slice3A_817 = vector.extract_strided_slice %select_n3A_53 {offsets = [0, 18], sizes = [1, 1], strides = [1, 1]} : vector<1x64xf32> to vector<1x1xf32>
    %sub3A_818 = arith.subf %slice3A_817, %slice3A_816 : vector<1x1xf32>
    %get3A_819 = arith.constant 0 : index
    %get3A_820 = arith.constant 18 : index
    %get3A_821 = vector.load %arg7[%get3A_819, %get3A_820] : memref<16x64xf32, #tpu.memory_space<vmem>>, vector<16x1xf32>
    %sub3A_822 = vector.broadcast %get3A_821 : vector<16x1xf32> to vector<16x1024xf32>
    %sub3A_823 = arith.subf %add3A_23, %sub3A_822 : vector<16x1024xf32>
    %mul3A_824 = arith.mulf %sub3A_823, %sub3A_823 : vector<16x1024xf32>
    %reduce_sum3A_825 = arith.constant dense<0.000000e+00> : vector<1024xf32>
    %reduce_sum3A_826 = vector.multi_reduction <add>, %mul3A_824, %reduce_sum3A_825 [0] : vector<16x1024xf32> to vector<1024xf32>
    %broadcast_in_dim3A_827 = vector.shape_cast %reduce_sum3A_826 : vector<1024xf32> to vector<1x1024xf32>
    %add3A_828 = arith.constant 9.99999996E-13 : f32
    %add3A_829 = vector.broadcast %add3A_828 : f32 to vector<1x1024xf32>
    %add3A_830 = arith.addf %broadcast_in_dim3A_827, %add3A_829 : vector<1x1024xf32>
    %sqrt3A_831 = math.sqrt %add3A_830 : vector<1x1024xf32>
    %add3A_832 = vector.broadcast %slice3A_816 : vector<1x1xf32> to vector<1x1024xf32>
    %add3A_833 = arith.addf %add3A_832, %sqrt3A_831 : vector<1x1024xf32>
    %div3A_834 = arith.constant 1.000000e+00 : f32
    %div3A_835 = vector.broadcast %div3A_834 : f32 to vector<1x1024xf32>
    %div3A_836 = arith.divf %div3A_835, %add3A_833 : vector<1x1024xf32>
    %mul3A_837 = vector.broadcast %sub3A_818 : vector<1x1xf32> to vector<1x1024xf32>
    %mul3A_838 = arith.mulf %mul3A_837, %div3A_836 : vector<1x1024xf32>
    %mul3A_839 = vector.broadcast %mul3A_838 : vector<1x1024xf32> to vector<16x1024xf32>
    %mul3A_840 = arith.mulf %mul3A_839, %sub3A_823 : vector<16x1024xf32>
    %add3A_841 = arith.addf %add3A_23, %mul3A_840 : vector<16x1024xf32>
    %log1p3A_842 = math.log1p %mul3A_838 : vector<1x1024xf32>
    %mul3A_843 = arith.constant 1.500000e+01 : f32
    %mul3A_844 = vector.broadcast %mul3A_843 : f32 to vector<1x1024xf32>
    %mul3A_845 = arith.mulf %mul3A_844, %log1p3A_842 : vector<1x1024xf32>
    %add3A_846 = arith.addf %broadcast_in_dim3A_815, %mul3A_845 : vector<1x1024xf32>
    %mul3A_847 = vector.broadcast %sub3A_818 : vector<1x1xf32> to vector<1x1024xf32>
    %mul3A_848 = arith.mulf %mul3A_847, %div3A_836 : vector<1x1024xf32>
    %mul3A_849 = arith.mulf %mul3A_848, %div3A_836 : vector<1x1024xf32>
    %mul3A_850 = arith.mulf %mul3A_849, %sqrt3A_831 : vector<1x1024xf32>
    %sub3A_851 = arith.subf %mul3A_838, %mul3A_850 : vector<1x1024xf32>
    %log1p3A_852 = math.log1p %sub3A_851 : vector<1x1024xf32>
    %add3A_853 = arith.addf %add3A_846, %log1p3A_852 : vector<1x1024xf32>
    %slice3A_854 = vector.extract_strided_slice %select_n3A {offsets = [0, 19], sizes = [1, 1], strides = [1, 1]} : vector<1x64xf32> to vector<1x1xf32>
    %slice3A_855 = vector.extract_strided_slice %select_n3A_53 {offsets = [0, 19], sizes = [1, 1], strides = [1, 1]} : vector<1x64xf32> to vector<1x1xf32>
    %sub3A_856 = arith.subf %slice3A_855, %slice3A_854 : vector<1x1xf32>
    %get3A_857 = arith.constant 0 : index
    %get3A_858 = arith.constant 19 : index
    %get3A_859 = vector.load %arg7[%get3A_857, %get3A_858] : memref<16x64xf32, #tpu.memory_space<vmem>>, vector<16x1xf32>
    %sub3A_860 = vector.broadcast %get3A_859 : vector<16x1xf32> to vector<16x1024xf32>
    %sub3A_861 = arith.subf %add3A_841, %sub3A_860 : vector<16x1024xf32>
    %mul3A_862 = arith.mulf %sub3A_861, %sub3A_861 : vector<16x1024xf32>
    %reduce_sum3A_863 = arith.constant dense<0.000000e+00> : vector<1024xf32>
    %reduce_sum3A_864 = vector.multi_reduction <add>, %mul3A_862, %reduce_sum3A_863 [0] : vector<16x1024xf32> to vector<1024xf32>
    %broadcast_in_dim3A_865 = vector.shape_cast %reduce_sum3A_864 : vector<1024xf32> to vector<1x1024xf32>
    %add3A_866 = arith.constant 9.99999996E-13 : f32
    %add3A_867 = vector.broadcast %add3A_866 : f32 to vector<1x1024xf32>
    %add3A_868 = arith.addf %broadcast_in_dim3A_865, %add3A_867 : vector<1x1024xf32>
    %sqrt3A_869 = math.sqrt %add3A_868 : vector<1x1024xf32>
    %add3A_870 = vector.broadcast %slice3A_854 : vector<1x1xf32> to vector<1x1024xf32>
    %add3A_871 = arith.addf %add3A_870, %sqrt3A_869 : vector<1x1024xf32>
    %div3A_872 = arith.constant 1.000000e+00 : f32
    %div3A_873 = vector.broadcast %div3A_872 : f32 to vector<1x1024xf32>
    %div3A_874 = arith.divf %div3A_873, %add3A_871 : vector<1x1024xf32>
    %mul3A_875 = vector.broadcast %sub3A_856 : vector<1x1xf32> to vector<1x1024xf32>
    %mul3A_876 = arith.mulf %mul3A_875, %div3A_874 : vector<1x1024xf32>
    %mul3A_877 = vector.broadcast %mul3A_876 : vector<1x1024xf32> to vector<16x1024xf32>
    %mul3A_878 = arith.mulf %mul3A_877, %sub3A_861 : vector<16x1024xf32>
    %add3A_879 = arith.addf %add3A_841, %mul3A_878 : vector<16x1024xf32>
    %log1p3A_880 = math.log1p %mul3A_876 : vector<1x1024xf32>
    %mul3A_881 = arith.constant 1.500000e+01 : f32
    %mul3A_882 = vector.broadcast %mul3A_881 : f32 to vector<1x1024xf32>
    %mul3A_883 = arith.mulf %mul3A_882, %log1p3A_880 : vector<1x1024xf32>
    %add3A_884 = arith.addf %add3A_853, %mul3A_883 : vector<1x1024xf32>
    %mul3A_885 = vector.broadcast %sub3A_856 : vector<1x1xf32> to vector<1x1024xf32>
    %mul3A_886 = arith.mulf %mul3A_885, %div3A_874 : vector<1x1024xf32>
    %mul3A_887 = arith.mulf %mul3A_886, %div3A_874 : vector<1x1024xf32>
    %mul3A_888 = arith.mulf %mul3A_887, %sqrt3A_869 : vector<1x1024xf32>
    %sub3A_889 = arith.subf %mul3A_876, %mul3A_888 : vector<1x1024xf32>
    %log1p3A_890 = math.log1p %sub3A_889 : vector<1x1024xf32>
    %add3A_891 = arith.addf %add3A_884, %log1p3A_890 : vector<1x1024xf32>
    %slice3A_892 = vector.extract_strided_slice %select_n3A {offsets = [0, 20], sizes = [1, 1], strides = [1, 1]} : vector<1x64xf32> to vector<1x1xf32>
    %slice3A_893 = vector.extract_strided_slice %select_n3A_53 {offsets = [0, 20], sizes = [1, 1], strides = [1, 1]} : vector<1x64xf32> to vector<1x1xf32>
    %sub3A_894 = arith.subf %slice3A_893, %slice3A_892 : vector<1x1xf32>
    %get3A_895 = arith.constant 0 : index
    %get3A_896 = arith.constant 20 : index
    %get3A_897 = vector.load %arg7[%get3A_895, %get3A_896] : memref<16x64xf32, #tpu.memory_space<vmem>>, vector<16x1xf32>
    %sub3A_898 = vector.broadcast %get3A_897 : vector<16x1xf32> to vector<16x1024xf32>
    %sub3A_899 = arith.subf %add3A_879, %sub3A_898 : vector<16x1024xf32>
    %mul3A_900 = arith.mulf %sub3A_899, %sub3A_899 : vector<16x1024xf32>
    %reduce_sum3A_901 = arith.constant dense<0.000000e+00> : vector<1024xf32>
    %reduce_sum3A_902 = vector.multi_reduction <add>, %mul3A_900, %reduce_sum3A_901 [0] : vector<16x1024xf32> to vector<1024xf32>
    %broadcast_in_dim3A_903 = vector.shape_cast %reduce_sum3A_902 : vector<1024xf32> to vector<1x1024xf32>
    %add3A_904 = arith.constant 9.99999996E-13 : f32
    %add3A_905 = vector.broadcast %add3A_904 : f32 to vector<1x1024xf32>
    %add3A_906 = arith.addf %broadcast_in_dim3A_903, %add3A_905 : vector<1x1024xf32>
    %sqrt3A_907 = math.sqrt %add3A_906 : vector<1x1024xf32>
    %add3A_908 = vector.broadcast %slice3A_892 : vector<1x1xf32> to vector<1x1024xf32>
    %add3A_909 = arith.addf %add3A_908, %sqrt3A_907 : vector<1x1024xf32>
    %div3A_910 = arith.constant 1.000000e+00 : f32
    %div3A_911 = vector.broadcast %div3A_910 : f32 to vector<1x1024xf32>
    %div3A_912 = arith.divf %div3A_911, %add3A_909 : vector<1x1024xf32>
    %mul3A_913 = vector.broadcast %sub3A_894 : vector<1x1xf32> to vector<1x1024xf32>
    %mul3A_914 = arith.mulf %mul3A_913, %div3A_912 : vector<1x1024xf32>
    %mul3A_915 = vector.broadcast %mul3A_914 : vector<1x1024xf32> to vector<16x1024xf32>
    %mul3A_916 = arith.mulf %mul3A_915, %sub3A_899 : vector<16x1024xf32>
    %add3A_917 = arith.addf %add3A_879, %mul3A_916 : vector<16x1024xf32>
    %log1p3A_918 = math.log1p %mul3A_914 : vector<1x1024xf32>
    %mul3A_919 = arith.constant 1.500000e+01 : f32
    %mul3A_920 = vector.broadcast %mul3A_919 : f32 to vector<1x1024xf32>
    %mul3A_921 = arith.mulf %mul3A_920, %log1p3A_918 : vector<1x1024xf32>
    %add3A_922 = arith.addf %add3A_891, %mul3A_921 : vector<1x1024xf32>
    %mul3A_923 = vector.broadcast %sub3A_894 : vector<1x1xf32> to vector<1x1024xf32>
    %mul3A_924 = arith.mulf %mul3A_923, %div3A_912 : vector<1x1024xf32>
    %mul3A_925 = arith.mulf %mul3A_924, %div3A_912 : vector<1x1024xf32>
    %mul3A_926 = arith.mulf %mul3A_925, %sqrt3A_907 : vector<1x1024xf32>
    %sub3A_927 = arith.subf %mul3A_914, %mul3A_926 : vector<1x1024xf32>
    %log1p3A_928 = math.log1p %sub3A_927 : vector<1x1024xf32>
    %add3A_929 = arith.addf %add3A_922, %log1p3A_928 : vector<1x1024xf32>
    %slice3A_930 = vector.extract_strided_slice %select_n3A {offsets = [0, 21], sizes = [1, 1], strides = [1, 1]} : vector<1x64xf32> to vector<1x1xf32>
    %slice3A_931 = vector.extract_strided_slice %select_n3A_53 {offsets = [0, 21], sizes = [1, 1], strides = [1, 1]} : vector<1x64xf32> to vector<1x1xf32>
    %sub3A_932 = arith.subf %slice3A_931, %slice3A_930 : vector<1x1xf32>
    %get3A_933 = arith.constant 0 : index
    %get3A_934 = arith.constant 21 : index
    %get3A_935 = vector.load %arg7[%get3A_933, %get3A_934] : memref<16x64xf32, #tpu.memory_space<vmem>>, vector<16x1xf32>
    %sub3A_936 = vector.broadcast %get3A_935 : vector<16x1xf32> to vector<16x1024xf32>
    %sub3A_937 = arith.subf %add3A_917, %sub3A_936 : vector<16x1024xf32>
    %mul3A_938 = arith.mulf %sub3A_937, %sub3A_937 : vector<16x1024xf32>
    %reduce_sum3A_939 = arith.constant dense<0.000000e+00> : vector<1024xf32>
    %reduce_sum3A_940 = vector.multi_reduction <add>, %mul3A_938, %reduce_sum3A_939 [0] : vector<16x1024xf32> to vector<1024xf32>
    %broadcast_in_dim3A_941 = vector.shape_cast %reduce_sum3A_940 : vector<1024xf32> to vector<1x1024xf32>
    %add3A_942 = arith.constant 9.99999996E-13 : f32
    %add3A_943 = vector.broadcast %add3A_942 : f32 to vector<1x1024xf32>
    %add3A_944 = arith.addf %broadcast_in_dim3A_941, %add3A_943 : vector<1x1024xf32>
    %sqrt3A_945 = math.sqrt %add3A_944 : vector<1x1024xf32>
    %add3A_946 = vector.broadcast %slice3A_930 : vector<1x1xf32> to vector<1x1024xf32>
    %add3A_947 = arith.addf %add3A_946, %sqrt3A_945 : vector<1x1024xf32>
    %div3A_948 = arith.constant 1.000000e+00 : f32
    %div3A_949 = vector.broadcast %div3A_948 : f32 to vector<1x1024xf32>
    %div3A_950 = arith.divf %div3A_949, %add3A_947 : vector<1x1024xf32>
    %mul3A_951 = vector.broadcast %sub3A_932 : vector<1x1xf32> to vector<1x1024xf32>
    %mul3A_952 = arith.mulf %mul3A_951, %div3A_950 : vector<1x1024xf32>
    %mul3A_953 = vector.broadcast %mul3A_952 : vector<1x1024xf32> to vector<16x1024xf32>
    %mul3A_954 = arith.mulf %mul3A_953, %sub3A_937 : vector<16x1024xf32>
    %add3A_955 = arith.addf %add3A_917, %mul3A_954 : vector<16x1024xf32>
    %log1p3A_956 = math.log1p %mul3A_952 : vector<1x1024xf32>
    %mul3A_957 = arith.constant 1.500000e+01 : f32
    %mul3A_958 = vector.broadcast %mul3A_957 : f32 to vector<1x1024xf32>
    %mul3A_959 = arith.mulf %mul3A_958, %log1p3A_956 : vector<1x1024xf32>
    %add3A_960 = arith.addf %add3A_929, %mul3A_959 : vector<1x1024xf32>
    %mul3A_961 = vector.broadcast %sub3A_932 : vector<1x1xf32> to vector<1x1024xf32>
    %mul3A_962 = arith.mulf %mul3A_961, %div3A_950 : vector<1x1024xf32>
    %mul3A_963 = arith.mulf %mul3A_962, %div3A_950 : vector<1x1024xf32>
    %mul3A_964 = arith.mulf %mul3A_963, %sqrt3A_945 : vector<1x1024xf32>
    %sub3A_965 = arith.subf %mul3A_952, %mul3A_964 : vector<1x1024xf32>
    %log1p3A_966 = math.log1p %sub3A_965 : vector<1x1024xf32>
    %add3A_967 = arith.addf %add3A_960, %log1p3A_966 : vector<1x1024xf32>
    %slice3A_968 = vector.extract_strided_slice %select_n3A {offsets = [0, 22], sizes = [1, 1], strides = [1, 1]} : vector<1x64xf32> to vector<1x1xf32>
    %slice3A_969 = vector.extract_strided_slice %select_n3A_53 {offsets = [0, 22], sizes = [1, 1], strides = [1, 1]} : vector<1x64xf32> to vector<1x1xf32>
    %sub3A_970 = arith.subf %slice3A_969, %slice3A_968 : vector<1x1xf32>
    %get3A_971 = arith.constant 0 : index
    %get3A_972 = arith.constant 22 : index
    %get3A_973 = vector.load %arg7[%get3A_971, %get3A_972] : memref<16x64xf32, #tpu.memory_space<vmem>>, vector<16x1xf32>
    %sub3A_974 = vector.broadcast %get3A_973 : vector<16x1xf32> to vector<16x1024xf32>
    %sub3A_975 = arith.subf %add3A_955, %sub3A_974 : vector<16x1024xf32>
    %mul3A_976 = arith.mulf %sub3A_975, %sub3A_975 : vector<16x1024xf32>
    %reduce_sum3A_977 = arith.constant dense<0.000000e+00> : vector<1024xf32>
    %reduce_sum3A_978 = vector.multi_reduction <add>, %mul3A_976, %reduce_sum3A_977 [0] : vector<16x1024xf32> to vector<1024xf32>
    %broadcast_in_dim3A_979 = vector.shape_cast %reduce_sum3A_978 : vector<1024xf32> to vector<1x1024xf32>
    %add3A_980 = arith.constant 9.99999996E-13 : f32
    %add3A_981 = vector.broadcast %add3A_980 : f32 to vector<1x1024xf32>
    %add3A_982 = arith.addf %broadcast_in_dim3A_979, %add3A_981 : vector<1x1024xf32>
    %sqrt3A_983 = math.sqrt %add3A_982 : vector<1x1024xf32>
    %add3A_984 = vector.broadcast %slice3A_968 : vector<1x1xf32> to vector<1x1024xf32>
    %add3A_985 = arith.addf %add3A_984, %sqrt3A_983 : vector<1x1024xf32>
    %div3A_986 = arith.constant 1.000000e+00 : f32
    %div3A_987 = vector.broadcast %div3A_986 : f32 to vector<1x1024xf32>
    %div3A_988 = arith.divf %div3A_987, %add3A_985 : vector<1x1024xf32>
    %mul3A_989 = vector.broadcast %sub3A_970 : vector<1x1xf32> to vector<1x1024xf32>
    %mul3A_990 = arith.mulf %mul3A_989, %div3A_988 : vector<1x1024xf32>
    %mul3A_991 = vector.broadcast %mul3A_990 : vector<1x1024xf32> to vector<16x1024xf32>
    %mul3A_992 = arith.mulf %mul3A_991, %sub3A_975 : vector<16x1024xf32>
    %add3A_993 = arith.addf %add3A_955, %mul3A_992 : vector<16x1024xf32>
    %log1p3A_994 = math.log1p %mul3A_990 : vector<1x1024xf32>
    %mul3A_995 = arith.constant 1.500000e+01 : f32
    %mul3A_996 = vector.broadcast %mul3A_995 : f32 to vector<1x1024xf32>
    %mul3A_997 = arith.mulf %mul3A_996, %log1p3A_994 : vector<1x1024xf32>
    %add3A_998 = arith.addf %add3A_967, %mul3A_997 : vector<1x1024xf32>
    %mul3A_999 = vector.broadcast %sub3A_970 : vector<1x1xf32> to vector<1x1024xf32>
    %mul3A_1000 = arith.mulf %mul3A_999, %div3A_988 : vector<1x1024xf32>
    %mul3A_1001 = arith.mulf %mul3A_1000, %div3A_988 : vector<1x1024xf32>
    %mul3A_1002 = arith.mulf %mul3A_1001, %sqrt3A_983 : vector<1x1024xf32>
    %sub3A_1003 = arith.subf %mul3A_990, %mul3A_1002 : vector<1x1024xf32>
    %log1p3A_1004 = math.log1p %sub3A_1003 : vector<1x1024xf32>
    %add3A_1005 = arith.addf %add3A_998, %log1p3A_1004 : vector<1x1024xf32>
    %slice3A_1006 = vector.extract_strided_slice %select_n3A {offsets = [0, 23], sizes = [1, 1], strides = [1, 1]} : vector<1x64xf32> to vector<1x1xf32>
    %slice3A_1007 = vector.extract_strided_slice %select_n3A_53 {offsets = [0, 23], sizes = [1, 1], strides = [1, 1]} : vector<1x64xf32> to vector<1x1xf32>
    %sub3A_1008 = arith.subf %slice3A_1007, %slice3A_1006 : vector<1x1xf32>
    %get3A_1009 = arith.constant 0 : index
    %get3A_1010 = arith.constant 23 : index
    %get3A_1011 = vector.load %arg7[%get3A_1009, %get3A_1010] : memref<16x64xf32, #tpu.memory_space<vmem>>, vector<16x1xf32>
    %sub3A_1012 = vector.broadcast %get3A_1011 : vector<16x1xf32> to vector<16x1024xf32>
    %sub3A_1013 = arith.subf %add3A_993, %sub3A_1012 : vector<16x1024xf32>
    %mul3A_1014 = arith.mulf %sub3A_1013, %sub3A_1013 : vector<16x1024xf32>
    %reduce_sum3A_1015 = arith.constant dense<0.000000e+00> : vector<1024xf32>
    %reduce_sum3A_1016 = vector.multi_reduction <add>, %mul3A_1014, %reduce_sum3A_1015 [0] : vector<16x1024xf32> to vector<1024xf32>
    %broadcast_in_dim3A_1017 = vector.shape_cast %reduce_sum3A_1016 : vector<1024xf32> to vector<1x1024xf32>
    %add3A_1018 = arith.constant 9.99999996E-13 : f32
    %add3A_1019 = vector.broadcast %add3A_1018 : f32 to vector<1x1024xf32>
    %add3A_1020 = arith.addf %broadcast_in_dim3A_1017, %add3A_1019 : vector<1x1024xf32>
    %sqrt3A_1021 = math.sqrt %add3A_1020 : vector<1x1024xf32>
    %add3A_1022 = vector.broadcast %slice3A_1006 : vector<1x1xf32> to vector<1x1024xf32>
    %add3A_1023 = arith.addf %add3A_1022, %sqrt3A_1021 : vector<1x1024xf32>
    %div3A_1024 = arith.constant 1.000000e+00 : f32
    %div3A_1025 = vector.broadcast %div3A_1024 : f32 to vector<1x1024xf32>
    %div3A_1026 = arith.divf %div3A_1025, %add3A_1023 : vector<1x1024xf32>
    %mul3A_1027 = vector.broadcast %sub3A_1008 : vector<1x1xf32> to vector<1x1024xf32>
    %mul3A_1028 = arith.mulf %mul3A_1027, %div3A_1026 : vector<1x1024xf32>
    %mul3A_1029 = vector.broadcast %mul3A_1028 : vector<1x1024xf32> to vector<16x1024xf32>
    %mul3A_1030 = arith.mulf %mul3A_1029, %sub3A_1013 : vector<16x1024xf32>
    %add3A_1031 = arith.addf %add3A_993, %mul3A_1030 : vector<16x1024xf32>
    %log1p3A_1032 = math.log1p %mul3A_1028 : vector<1x1024xf32>
    %mul3A_1033 = arith.constant 1.500000e+01 : f32
    %mul3A_1034 = vector.broadcast %mul3A_1033 : f32 to vector<1x1024xf32>
    %mul3A_1035 = arith.mulf %mul3A_1034, %log1p3A_1032 : vector<1x1024xf32>
    %add3A_1036 = arith.addf %add3A_1005, %mul3A_1035 : vector<1x1024xf32>
    %mul3A_1037 = vector.broadcast %sub3A_1008 : vector<1x1xf32> to vector<1x1024xf32>
    %mul3A_1038 = arith.mulf %mul3A_1037, %div3A_1026 : vector<1x1024xf32>
    %mul3A_1039 = arith.mulf %mul3A_1038, %div3A_1026 : vector<1x1024xf32>
    %mul3A_1040 = arith.mulf %mul3A_1039, %sqrt3A_1021 : vector<1x1024xf32>
    %sub3A_1041 = arith.subf %mul3A_1028, %mul3A_1040 : vector<1x1024xf32>
    %log1p3A_1042 = math.log1p %sub3A_1041 : vector<1x1024xf32>
    %add3A_1043 = arith.addf %add3A_1036, %log1p3A_1042 : vector<1x1024xf32>
    %mul3A_1044 = arith.mulf %add3A_1031, %add3A_1031 : vector<16x1024xf32>
    %reduce_sum3A_1045 = arith.constant dense<0.000000e+00> : vector<1024xf32>
    %reduce_sum3A_1046 = vector.multi_reduction <add>, %mul3A_1044, %reduce_sum3A_1045 [0] : vector<16x1024xf32> to vector<1024xf32>
    %broadcast_in_dim3A_1047 = vector.shape_cast %reduce_sum3A_1046 : vector<1024xf32> to vector<1x1024xf32>
    %add3A_1048 = arith.constant 29.4060326 : f32
    %add3A_1049 = vector.broadcast %add3A_1048 : f32 to vector<1x1024xf32>
    %add3A_1050 = arith.addf %add3A_1049, %broadcast_in_dim3A_1047 : vector<1x1024xf32>
    %mul3A_1051 = arith.constant -5.000000e-01 : f32
    %mul3A_1052 = vector.broadcast %mul3A_1051 : f32 to vector<1x1024xf32>
    %mul3A_1053 = arith.mulf %mul3A_1052, %add3A_1050 : vector<1x1024xf32>
    %add3A_1054 = arith.addf %mul3A_1053, %add3A_1043 : vector<1x1024xf32>
    %get3A_1055 = arith.constant 0 : index
    %get3A_1056 = arith.constant 3 : index
    %get3A_1057 = vector.load %arg11[%get3A_1055, %get3A_1056] : memref<1x128xf32, #tpu.memory_space<vmem>>, vector<1x1xf32>
    %add3A_1058 = vector.broadcast %get3A_1057 : vector<1x1xf32> to vector<1x1024xf32>
    %add3A_1059 = arith.addf %add3A_1054, %add3A_1058 : vector<1x1024xf32>
    %add3A_1060 = arith.constant 20.2481937 : f32
    %add3A_1061 = vector.broadcast %add3A_1060 : f32 to vector<1x1024xf32>
    %add3A_1062 = arith.addf %add3A_1059, %add3A_1061 : vector<1x1024xf32>
    %jit3A_1063 = arith.constant -3.000000e+01 : f32
    %jit3A_1064 = arith.constant 3.000000e+01 : f32
    %max3A_1065 = vector.broadcast %jit3A_1063 : f32 to vector<1x1024xf32>
    %max3A_1066 = arith.maximumf %max3A_1065, %add3A_1062 : vector<1x1024xf32>
    %min3A_1067 = vector.broadcast %jit3A_1064 : f32 to vector<1x1024xf32>
    %min3A_1068 = arith.minimumf %min3A_1067, %max3A_1066 : vector<1x1024xf32>
    %exp3A_1069 = math.exp %min3A_1068 : vector<1x1024xf32>
    %broadcast_in_dim3A_1070 = arith.constant 0.000000e+00 : f32
    %broadcast_in_dim3A_1071 = vector.broadcast %broadcast_in_dim3A_1070 : f32 to vector<1x1024xf32>
    %slice3A_1072 = vector.extract_strided_slice %select_n3A {offsets = [0, 24], sizes = [1, 1], strides = [1, 1]} : vector<1x64xf32> to vector<1x1xf32>
    %slice3A_1073 = vector.extract_strided_slice %select_n3A_53 {offsets = [0, 24], sizes = [1, 1], strides = [1, 1]} : vector<1x64xf32> to vector<1x1xf32>
    %sub3A_1074 = arith.subf %slice3A_1073, %slice3A_1072 : vector<1x1xf32>
    %get3A_1075 = arith.constant 0 : index
    %get3A_1076 = arith.constant 24 : index
    %get3A_1077 = vector.load %arg7[%get3A_1075, %get3A_1076] : memref<16x64xf32, #tpu.memory_space<vmem>>, vector<16x1xf32>
    %sub3A_1078 = vector.broadcast %get3A_1077 : vector<16x1xf32> to vector<16x1024xf32>
    %sub3A_1079 = arith.subf %add3A_23, %sub3A_1078 : vector<16x1024xf32>
    %mul3A_1080 = arith.mulf %sub3A_1079, %sub3A_1079 : vector<16x1024xf32>
    %reduce_sum3A_1081 = arith.constant dense<0.000000e+00> : vector<1024xf32>
    %reduce_sum3A_1082 = vector.multi_reduction <add>, %mul3A_1080, %reduce_sum3A_1081 [0] : vector<16x1024xf32> to vector<1024xf32>
    %broadcast_in_dim3A_1083 = vector.shape_cast %reduce_sum3A_1082 : vector<1024xf32> to vector<1x1024xf32>
    %add3A_1084 = arith.constant 9.99999996E-13 : f32
    %add3A_1085 = vector.broadcast %add3A_1084 : f32 to vector<1x1024xf32>
    %add3A_1086 = arith.addf %broadcast_in_dim3A_1083, %add3A_1085 : vector<1x1024xf32>
    %sqrt3A_1087 = math.sqrt %add3A_1086 : vector<1x1024xf32>
    %add3A_1088 = vector.broadcast %slice3A_1072 : vector<1x1xf32> to vector<1x1024xf32>
    %add3A_1089 = arith.addf %add3A_1088, %sqrt3A_1087 : vector<1x1024xf32>
    %div3A_1090 = arith.constant 1.000000e+00 : f32
    %div3A_1091 = vector.broadcast %div3A_1090 : f32 to vector<1x1024xf32>
    %div3A_1092 = arith.divf %div3A_1091, %add3A_1089 : vector<1x1024xf32>
    %mul3A_1093 = vector.broadcast %sub3A_1074 : vector<1x1xf32> to vector<1x1024xf32>
    %mul3A_1094 = arith.mulf %mul3A_1093, %div3A_1092 : vector<1x1024xf32>
    %mul3A_1095 = vector.broadcast %mul3A_1094 : vector<1x1024xf32> to vector<16x1024xf32>
    %mul3A_1096 = arith.mulf %mul3A_1095, %sub3A_1079 : vector<16x1024xf32>
    %add3A_1097 = arith.addf %add3A_23, %mul3A_1096 : vector<16x1024xf32>
    %log1p3A_1098 = math.log1p %mul3A_1094 : vector<1x1024xf32>
    %mul3A_1099 = arith.constant 1.500000e+01 : f32
    %mul3A_1100 = vector.broadcast %mul3A_1099 : f32 to vector<1x1024xf32>
    %mul3A_1101 = arith.mulf %mul3A_1100, %log1p3A_1098 : vector<1x1024xf32>
    %add3A_1102 = arith.addf %broadcast_in_dim3A_1071, %mul3A_1101 : vector<1x1024xf32>
    %mul3A_1103 = vector.broadcast %sub3A_1074 : vector<1x1xf32> to vector<1x1024xf32>
    %mul3A_1104 = arith.mulf %mul3A_1103, %div3A_1092 : vector<1x1024xf32>
    %mul3A_1105 = arith.mulf %mul3A_1104, %div3A_1092 : vector<1x1024xf32>
    %mul3A_1106 = arith.mulf %mul3A_1105, %sqrt3A_1087 : vector<1x1024xf32>
    %sub3A_1107 = arith.subf %mul3A_1094, %mul3A_1106 : vector<1x1024xf32>
    %log1p3A_1108 = math.log1p %sub3A_1107 : vector<1x1024xf32>
    %add3A_1109 = arith.addf %add3A_1102, %log1p3A_1108 : vector<1x1024xf32>
    %slice3A_1110 = vector.extract_strided_slice %select_n3A {offsets = [0, 25], sizes = [1, 1], strides = [1, 1]} : vector<1x64xf32> to vector<1x1xf32>
    %slice3A_1111 = vector.extract_strided_slice %select_n3A_53 {offsets = [0, 25], sizes = [1, 1], strides = [1, 1]} : vector<1x64xf32> to vector<1x1xf32>
    %sub3A_1112 = arith.subf %slice3A_1111, %slice3A_1110 : vector<1x1xf32>
    %get3A_1113 = arith.constant 0 : index
    %get3A_1114 = arith.constant 25 : index
    %get3A_1115 = vector.load %arg7[%get3A_1113, %get3A_1114] : memref<16x64xf32, #tpu.memory_space<vmem>>, vector<16x1xf32>
    %sub3A_1116 = vector.broadcast %get3A_1115 : vector<16x1xf32> to vector<16x1024xf32>
    %sub3A_1117 = arith.subf %add3A_1097, %sub3A_1116 : vector<16x1024xf32>
    %mul3A_1118 = arith.mulf %sub3A_1117, %sub3A_1117 : vector<16x1024xf32>
    %reduce_sum3A_1119 = arith.constant dense<0.000000e+00> : vector<1024xf32>
    %reduce_sum3A_1120 = vector.multi_reduction <add>, %mul3A_1118, %reduce_sum3A_1119 [0] : vector<16x1024xf32> to vector<1024xf32>
    %broadcast_in_dim3A_1121 = vector.shape_cast %reduce_sum3A_1120 : vector<1024xf32> to vector<1x1024xf32>
    %add3A_1122 = arith.constant 9.99999996E-13 : f32
    %add3A_1123 = vector.broadcast %add3A_1122 : f32 to vector<1x1024xf32>
    %add3A_1124 = arith.addf %broadcast_in_dim3A_1121, %add3A_1123 : vector<1x1024xf32>
    %sqrt3A_1125 = math.sqrt %add3A_1124 : vector<1x1024xf32>
    %add3A_1126 = vector.broadcast %slice3A_1110 : vector<1x1xf32> to vector<1x1024xf32>
    %add3A_1127 = arith.addf %add3A_1126, %sqrt3A_1125 : vector<1x1024xf32>
    %div3A_1128 = arith.constant 1.000000e+00 : f32
    %div3A_1129 = vector.broadcast %div3A_1128 : f32 to vector<1x1024xf32>
    %div3A_1130 = arith.divf %div3A_1129, %add3A_1127 : vector<1x1024xf32>
    %mul3A_1131 = vector.broadcast %sub3A_1112 : vector<1x1xf32> to vector<1x1024xf32>
    %mul3A_1132 = arith.mulf %mul3A_1131, %div3A_1130 : vector<1x1024xf32>
    %mul3A_1133 = vector.broadcast %mul3A_1132 : vector<1x1024xf32> to vector<16x1024xf32>
    %mul3A_1134 = arith.mulf %mul3A_1133, %sub3A_1117 : vector<16x1024xf32>
    %add3A_1135 = arith.addf %add3A_1097, %mul3A_1134 : vector<16x1024xf32>
    %log1p3A_1136 = math.log1p %mul3A_1132 : vector<1x1024xf32>
    %mul3A_1137 = arith.constant 1.500000e+01 : f32
    %mul3A_1138 = vector.broadcast %mul3A_1137 : f32 to vector<1x1024xf32>
    %mul3A_1139 = arith.mulf %mul3A_1138, %log1p3A_1136 : vector<1x1024xf32>
    %add3A_1140 = arith.addf %add3A_1109, %mul3A_1139 : vector<1x1024xf32>
    %mul3A_1141 = vector.broadcast %sub3A_1112 : vector<1x1xf32> to vector<1x1024xf32>
    %mul3A_1142 = arith.mulf %mul3A_1141, %div3A_1130 : vector<1x1024xf32>
    %mul3A_1143 = arith.mulf %mul3A_1142, %div3A_1130 : vector<1x1024xf32>
    %mul3A_1144 = arith.mulf %mul3A_1143, %sqrt3A_1125 : vector<1x1024xf32>
    %sub3A_1145 = arith.subf %mul3A_1132, %mul3A_1144 : vector<1x1024xf32>
    %log1p3A_1146 = math.log1p %sub3A_1145 : vector<1x1024xf32>
    %add3A_1147 = arith.addf %add3A_1140, %log1p3A_1146 : vector<1x1024xf32>
    %slice3A_1148 = vector.extract_strided_slice %select_n3A {offsets = [0, 26], sizes = [1, 1], strides = [1, 1]} : vector<1x64xf32> to vector<1x1xf32>
    %slice3A_1149 = vector.extract_strided_slice %select_n3A_53 {offsets = [0, 26], sizes = [1, 1], strides = [1, 1]} : vector<1x64xf32> to vector<1x1xf32>
    %sub3A_1150 = arith.subf %slice3A_1149, %slice3A_1148 : vector<1x1xf32>
    %get3A_1151 = arith.constant 0 : index
    %get3A_1152 = arith.constant 26 : index
    %get3A_1153 = vector.load %arg7[%get3A_1151, %get3A_1152] : memref<16x64xf32, #tpu.memory_space<vmem>>, vector<16x1xf32>
    %sub3A_1154 = vector.broadcast %get3A_1153 : vector<16x1xf32> to vector<16x1024xf32>
    %sub3A_1155 = arith.subf %add3A_1135, %sub3A_1154 : vector<16x1024xf32>
    %mul3A_1156 = arith.mulf %sub3A_1155, %sub3A_1155 : vector<16x1024xf32>
    %reduce_sum3A_1157 = arith.constant dense<0.000000e+00> : vector<1024xf32>
    %reduce_sum3A_1158 = vector.multi_reduction <add>, %mul3A_1156, %reduce_sum3A_1157 [0] : vector<16x1024xf32> to vector<1024xf32>
    %broadcast_in_dim3A_1159 = vector.shape_cast %reduce_sum3A_1158 : vector<1024xf32> to vector<1x1024xf32>
    %add3A_1160 = arith.constant 9.99999996E-13 : f32
    %add3A_1161 = vector.broadcast %add3A_1160 : f32 to vector<1x1024xf32>
    %add3A_1162 = arith.addf %broadcast_in_dim3A_1159, %add3A_1161 : vector<1x1024xf32>
    %sqrt3A_1163 = math.sqrt %add3A_1162 : vector<1x1024xf32>
    %add3A_1164 = vector.broadcast %slice3A_1148 : vector<1x1xf32> to vector<1x1024xf32>
    %add3A_1165 = arith.addf %add3A_1164, %sqrt3A_1163 : vector<1x1024xf32>
    %div3A_1166 = arith.constant 1.000000e+00 : f32
    %div3A_1167 = vector.broadcast %div3A_1166 : f32 to vector<1x1024xf32>
    %div3A_1168 = arith.divf %div3A_1167, %add3A_1165 : vector<1x1024xf32>
    %mul3A_1169 = vector.broadcast %sub3A_1150 : vector<1x1xf32> to vector<1x1024xf32>
    %mul3A_1170 = arith.mulf %mul3A_1169, %div3A_1168 : vector<1x1024xf32>
    %mul3A_1171 = vector.broadcast %mul3A_1170 : vector<1x1024xf32> to vector<16x1024xf32>
    %mul3A_1172 = arith.mulf %mul3A_1171, %sub3A_1155 : vector<16x1024xf32>
    %add3A_1173 = arith.addf %add3A_1135, %mul3A_1172 : vector<16x1024xf32>
    %log1p3A_1174 = math.log1p %mul3A_1170 : vector<1x1024xf32>
    %mul3A_1175 = arith.constant 1.500000e+01 : f32
    %mul3A_1176 = vector.broadcast %mul3A_1175 : f32 to vector<1x1024xf32>
    %mul3A_1177 = arith.mulf %mul3A_1176, %log1p3A_1174 : vector<1x1024xf32>
    %add3A_1178 = arith.addf %add3A_1147, %mul3A_1177 : vector<1x1024xf32>
    %mul3A_1179 = vector.broadcast %sub3A_1150 : vector<1x1xf32> to vector<1x1024xf32>
    %mul3A_1180 = arith.mulf %mul3A_1179, %div3A_1168 : vector<1x1024xf32>
    %mul3A_1181 = arith.mulf %mul3A_1180, %div3A_1168 : vector<1x1024xf32>
    %mul3A_1182 = arith.mulf %mul3A_1181, %sqrt3A_1163 : vector<1x1024xf32>
    %sub3A_1183 = arith.subf %mul3A_1170, %mul3A_1182 : vector<1x1024xf32>
    %log1p3A_1184 = math.log1p %sub3A_1183 : vector<1x1024xf32>
    %add3A_1185 = arith.addf %add3A_1178, %log1p3A_1184 : vector<1x1024xf32>
    %slice3A_1186 = vector.extract_strided_slice %select_n3A {offsets = [0, 27], sizes = [1, 1], strides = [1, 1]} : vector<1x64xf32> to vector<1x1xf32>
    %slice3A_1187 = vector.extract_strided_slice %select_n3A_53 {offsets = [0, 27], sizes = [1, 1], strides = [1, 1]} : vector<1x64xf32> to vector<1x1xf32>
    %sub3A_1188 = arith.subf %slice3A_1187, %slice3A_1186 : vector<1x1xf32>
    %get3A_1189 = arith.constant 0 : index
    %get3A_1190 = arith.constant 27 : index
    %get3A_1191 = vector.load %arg7[%get3A_1189, %get3A_1190] : memref<16x64xf32, #tpu.memory_space<vmem>>, vector<16x1xf32>
    %sub3A_1192 = vector.broadcast %get3A_1191 : vector<16x1xf32> to vector<16x1024xf32>
    %sub3A_1193 = arith.subf %add3A_1173, %sub3A_1192 : vector<16x1024xf32>
    %mul3A_1194 = arith.mulf %sub3A_1193, %sub3A_1193 : vector<16x1024xf32>
    %reduce_sum3A_1195 = arith.constant dense<0.000000e+00> : vector<1024xf32>
    %reduce_sum3A_1196 = vector.multi_reduction <add>, %mul3A_1194, %reduce_sum3A_1195 [0] : vector<16x1024xf32> to vector<1024xf32>
    %broadcast_in_dim3A_1197 = vector.shape_cast %reduce_sum3A_1196 : vector<1024xf32> to vector<1x1024xf32>
    %add3A_1198 = arith.constant 9.99999996E-13 : f32
    %add3A_1199 = vector.broadcast %add3A_1198 : f32 to vector<1x1024xf32>
    %add3A_1200 = arith.addf %broadcast_in_dim3A_1197, %add3A_1199 : vector<1x1024xf32>
    %sqrt3A_1201 = math.sqrt %add3A_1200 : vector<1x1024xf32>
    %add3A_1202 = vector.broadcast %slice3A_1186 : vector<1x1xf32> to vector<1x1024xf32>
    %add3A_1203 = arith.addf %add3A_1202, %sqrt3A_1201 : vector<1x1024xf32>
    %div3A_1204 = arith.constant 1.000000e+00 : f32
    %div3A_1205 = vector.broadcast %div3A_1204 : f32 to vector<1x1024xf32>
    %div3A_1206 = arith.divf %div3A_1205, %add3A_1203 : vector<1x1024xf32>
    %mul3A_1207 = vector.broadcast %sub3A_1188 : vector<1x1xf32> to vector<1x1024xf32>
    %mul3A_1208 = arith.mulf %mul3A_1207, %div3A_1206 : vector<1x1024xf32>
    %mul3A_1209 = vector.broadcast %mul3A_1208 : vector<1x1024xf32> to vector<16x1024xf32>
    %mul3A_1210 = arith.mulf %mul3A_1209, %sub3A_1193 : vector<16x1024xf32>
    %add3A_1211 = arith.addf %add3A_1173, %mul3A_1210 : vector<16x1024xf32>
    %log1p3A_1212 = math.log1p %mul3A_1208 : vector<1x1024xf32>
    %mul3A_1213 = arith.constant 1.500000e+01 : f32
    %mul3A_1214 = vector.broadcast %mul3A_1213 : f32 to vector<1x1024xf32>
    %mul3A_1215 = arith.mulf %mul3A_1214, %log1p3A_1212 : vector<1x1024xf32>
    %add3A_1216 = arith.addf %add3A_1185, %mul3A_1215 : vector<1x1024xf32>
    %mul3A_1217 = vector.broadcast %sub3A_1188 : vector<1x1xf32> to vector<1x1024xf32>
    %mul3A_1218 = arith.mulf %mul3A_1217, %div3A_1206 : vector<1x1024xf32>
    %mul3A_1219 = arith.mulf %mul3A_1218, %div3A_1206 : vector<1x1024xf32>
    %mul3A_1220 = arith.mulf %mul3A_1219, %sqrt3A_1201 : vector<1x1024xf32>
    %sub3A_1221 = arith.subf %mul3A_1208, %mul3A_1220 : vector<1x1024xf32>
    %log1p3A_1222 = math.log1p %sub3A_1221 : vector<1x1024xf32>
    %add3A_1223 = arith.addf %add3A_1216, %log1p3A_1222 : vector<1x1024xf32>
    %slice3A_1224 = vector.extract_strided_slice %select_n3A {offsets = [0, 28], sizes = [1, 1], strides = [1, 1]} : vector<1x64xf32> to vector<1x1xf32>
    %slice3A_1225 = vector.extract_strided_slice %select_n3A_53 {offsets = [0, 28], sizes = [1, 1], strides = [1, 1]} : vector<1x64xf32> to vector<1x1xf32>
    %sub3A_1226 = arith.subf %slice3A_1225, %slice3A_1224 : vector<1x1xf32>
    %get3A_1227 = arith.constant 0 : index
    %get3A_1228 = arith.constant 28 : index
    %get3A_1229 = vector.load %arg7[%get3A_1227, %get3A_1228] : memref<16x64xf32, #tpu.memory_space<vmem>>, vector<16x1xf32>
    %sub3A_1230 = vector.broadcast %get3A_1229 : vector<16x1xf32> to vector<16x1024xf32>
    %sub3A_1231 = arith.subf %add3A_1211, %sub3A_1230 : vector<16x1024xf32>
    %mul3A_1232 = arith.mulf %sub3A_1231, %sub3A_1231 : vector<16x1024xf32>
    %reduce_sum3A_1233 = arith.constant dense<0.000000e+00> : vector<1024xf32>
    %reduce_sum3A_1234 = vector.multi_reduction <add>, %mul3A_1232, %reduce_sum3A_1233 [0] : vector<16x1024xf32> to vector<1024xf32>
    %broadcast_in_dim3A_1235 = vector.shape_cast %reduce_sum3A_1234 : vector<1024xf32> to vector<1x1024xf32>
    %add3A_1236 = arith.constant 9.99999996E-13 : f32
    %add3A_1237 = vector.broadcast %add3A_1236 : f32 to vector<1x1024xf32>
    %add3A_1238 = arith.addf %broadcast_in_dim3A_1235, %add3A_1237 : vector<1x1024xf32>
    %sqrt3A_1239 = math.sqrt %add3A_1238 : vector<1x1024xf32>
    %add3A_1240 = vector.broadcast %slice3A_1224 : vector<1x1xf32> to vector<1x1024xf32>
    %add3A_1241 = arith.addf %add3A_1240, %sqrt3A_1239 : vector<1x1024xf32>
    %div3A_1242 = arith.constant 1.000000e+00 : f32
    %div3A_1243 = vector.broadcast %div3A_1242 : f32 to vector<1x1024xf32>
    %div3A_1244 = arith.divf %div3A_1243, %add3A_1241 : vector<1x1024xf32>
    %mul3A_1245 = vector.broadcast %sub3A_1226 : vector<1x1xf32> to vector<1x1024xf32>
    %mul3A_1246 = arith.mulf %mul3A_1245, %div3A_1244 : vector<1x1024xf32>
    %mul3A_1247 = vector.broadcast %mul3A_1246 : vector<1x1024xf32> to vector<16x1024xf32>
    %mul3A_1248 = arith.mulf %mul3A_1247, %sub3A_1231 : vector<16x1024xf32>
    %add3A_1249 = arith.addf %add3A_1211, %mul3A_1248 : vector<16x1024xf32>
    %log1p3A_1250 = math.log1p %mul3A_1246 : vector<1x1024xf32>
    %mul3A_1251 = arith.constant 1.500000e+01 : f32
    %mul3A_1252 = vector.broadcast %mul3A_1251 : f32 to vector<1x1024xf32>
    %mul3A_1253 = arith.mulf %mul3A_1252, %log1p3A_1250 : vector<1x1024xf32>
    %add3A_1254 = arith.addf %add3A_1223, %mul3A_1253 : vector<1x1024xf32>
    %mul3A_1255 = vector.broadcast %sub3A_1226 : vector<1x1xf32> to vector<1x1024xf32>
    %mul3A_1256 = arith.mulf %mul3A_1255, %div3A_1244 : vector<1x1024xf32>
    %mul3A_1257 = arith.mulf %mul3A_1256, %div3A_1244 : vector<1x1024xf32>
    %mul3A_1258 = arith.mulf %mul3A_1257, %sqrt3A_1239 : vector<1x1024xf32>
    %sub3A_1259 = arith.subf %mul3A_1246, %mul3A_1258 : vector<1x1024xf32>
    %log1p3A_1260 = math.log1p %sub3A_1259 : vector<1x1024xf32>
    %add3A_1261 = arith.addf %add3A_1254, %log1p3A_1260 : vector<1x1024xf32>
    %slice3A_1262 = vector.extract_strided_slice %select_n3A {offsets = [0, 29], sizes = [1, 1], strides = [1, 1]} : vector<1x64xf32> to vector<1x1xf32>
    %slice3A_1263 = vector.extract_strided_slice %select_n3A_53 {offsets = [0, 29], sizes = [1, 1], strides = [1, 1]} : vector<1x64xf32> to vector<1x1xf32>
    %sub3A_1264 = arith.subf %slice3A_1263, %slice3A_1262 : vector<1x1xf32>
    %get3A_1265 = arith.constant 0 : index
    %get3A_1266 = arith.constant 29 : index
    %get3A_1267 = vector.load %arg7[%get3A_1265, %get3A_1266] : memref<16x64xf32, #tpu.memory_space<vmem>>, vector<16x1xf32>
    %sub3A_1268 = vector.broadcast %get3A_1267 : vector<16x1xf32> to vector<16x1024xf32>
    %sub3A_1269 = arith.subf %add3A_1249, %sub3A_1268 : vector<16x1024xf32>
    %mul3A_1270 = arith.mulf %sub3A_1269, %sub3A_1269 : vector<16x1024xf32>
    %reduce_sum3A_1271 = arith.constant dense<0.000000e+00> : vector<1024xf32>
    %reduce_sum3A_1272 = vector.multi_reduction <add>, %mul3A_1270, %reduce_sum3A_1271 [0] : vector<16x1024xf32> to vector<1024xf32>
    %broadcast_in_dim3A_1273 = vector.shape_cast %reduce_sum3A_1272 : vector<1024xf32> to vector<1x1024xf32>
    %add3A_1274 = arith.constant 9.99999996E-13 : f32
    %add3A_1275 = vector.broadcast %add3A_1274 : f32 to vector<1x1024xf32>
    %add3A_1276 = arith.addf %broadcast_in_dim3A_1273, %add3A_1275 : vector<1x1024xf32>
    %sqrt3A_1277 = math.sqrt %add3A_1276 : vector<1x1024xf32>
    %add3A_1278 = vector.broadcast %slice3A_1262 : vector<1x1xf32> to vector<1x1024xf32>
    %add3A_1279 = arith.addf %add3A_1278, %sqrt3A_1277 : vector<1x1024xf32>
    %div3A_1280 = arith.constant 1.000000e+00 : f32
    %div3A_1281 = vector.broadcast %div3A_1280 : f32 to vector<1x1024xf32>
    %div3A_1282 = arith.divf %div3A_1281, %add3A_1279 : vector<1x1024xf32>
    %mul3A_1283 = vector.broadcast %sub3A_1264 : vector<1x1xf32> to vector<1x1024xf32>
    %mul3A_1284 = arith.mulf %mul3A_1283, %div3A_1282 : vector<1x1024xf32>
    %mul3A_1285 = vector.broadcast %mul3A_1284 : vector<1x1024xf32> to vector<16x1024xf32>
    %mul3A_1286 = arith.mulf %mul3A_1285, %sub3A_1269 : vector<16x1024xf32>
    %add3A_1287 = arith.addf %add3A_1249, %mul3A_1286 : vector<16x1024xf32>
    %log1p3A_1288 = math.log1p %mul3A_1284 : vector<1x1024xf32>
    %mul3A_1289 = arith.constant 1.500000e+01 : f32
    %mul3A_1290 = vector.broadcast %mul3A_1289 : f32 to vector<1x1024xf32>
    %mul3A_1291 = arith.mulf %mul3A_1290, %log1p3A_1288 : vector<1x1024xf32>
    %add3A_1292 = arith.addf %add3A_1261, %mul3A_1291 : vector<1x1024xf32>
    %mul3A_1293 = vector.broadcast %sub3A_1264 : vector<1x1xf32> to vector<1x1024xf32>
    %mul3A_1294 = arith.mulf %mul3A_1293, %div3A_1282 : vector<1x1024xf32>
    %mul3A_1295 = arith.mulf %mul3A_1294, %div3A_1282 : vector<1x1024xf32>
    %mul3A_1296 = arith.mulf %mul3A_1295, %sqrt3A_1277 : vector<1x1024xf32>
    %sub3A_1297 = arith.subf %mul3A_1284, %mul3A_1296 : vector<1x1024xf32>
    %log1p3A_1298 = math.log1p %sub3A_1297 : vector<1x1024xf32>
    %add3A_1299 = arith.addf %add3A_1292, %log1p3A_1298 : vector<1x1024xf32>
    %mul3A_1300 = arith.mulf %add3A_1287, %add3A_1287 : vector<16x1024xf32>
    %reduce_sum3A_1301 = arith.constant dense<0.000000e+00> : vector<1024xf32>
    %reduce_sum3A_1302 = vector.multi_reduction <add>, %mul3A_1300, %reduce_sum3A_1301 [0] : vector<16x1024xf32> to vector<1024xf32>
    %broadcast_in_dim3A_1303 = vector.shape_cast %reduce_sum3A_1302 : vector<1024xf32> to vector<1x1024xf32>
    %add3A_1304 = arith.constant 29.4060326 : f32
    %add3A_1305 = vector.broadcast %add3A_1304 : f32 to vector<1x1024xf32>
    %add3A_1306 = arith.addf %add3A_1305, %broadcast_in_dim3A_1303 : vector<1x1024xf32>
    %mul3A_1307 = arith.constant -5.000000e-01 : f32
    %mul3A_1308 = vector.broadcast %mul3A_1307 : f32 to vector<1x1024xf32>
    %mul3A_1309 = arith.mulf %mul3A_1308, %add3A_1306 : vector<1x1024xf32>
    %add3A_1310 = arith.addf %mul3A_1309, %add3A_1299 : vector<1x1024xf32>
    %get3A_1311 = arith.constant 0 : index
    %get3A_1312 = arith.constant 4 : index
    %get3A_1313 = vector.load %arg11[%get3A_1311, %get3A_1312] : memref<1x128xf32, #tpu.memory_space<vmem>>, vector<1x1xf32>
    %add3A_1314 = vector.broadcast %get3A_1313 : vector<1x1xf32> to vector<1x1024xf32>
    %add3A_1315 = arith.addf %add3A_1310, %add3A_1314 : vector<1x1024xf32>
    %add3A_1316 = arith.constant 20.2481937 : f32
    %add3A_1317 = vector.broadcast %add3A_1316 : f32 to vector<1x1024xf32>
    %add3A_1318 = arith.addf %add3A_1315, %add3A_1317 : vector<1x1024xf32>
    %jit3A_1319 = arith.constant -3.000000e+01 : f32
    %jit3A_1320 = arith.constant 3.000000e+01 : f32
    %max3A_1321 = vector.broadcast %jit3A_1319 : f32 to vector<1x1024xf32>
    %max3A_1322 = arith.maximumf %max3A_1321, %add3A_1318 : vector<1x1024xf32>
    %min3A_1323 = vector.broadcast %jit3A_1320 : f32 to vector<1x1024xf32>
    %min3A_1324 = arith.minimumf %min3A_1323, %max3A_1322 : vector<1x1024xf32>
    %exp3A_1325 = math.exp %min3A_1324 : vector<1x1024xf32>
    %broadcast_in_dim3A_1326 = arith.constant 0.000000e+00 : f32
    %broadcast_in_dim3A_1327 = vector.broadcast %broadcast_in_dim3A_1326 : f32 to vector<1x1024xf32>
    %slice3A_1328 = vector.extract_strided_slice %select_n3A {offsets = [0, 30], sizes = [1, 1], strides = [1, 1]} : vector<1x64xf32> to vector<1x1xf32>
    %slice3A_1329 = vector.extract_strided_slice %select_n3A_53 {offsets = [0, 30], sizes = [1, 1], strides = [1, 1]} : vector<1x64xf32> to vector<1x1xf32>
    %sub3A_1330 = arith.subf %slice3A_1329, %slice3A_1328 : vector<1x1xf32>
    %get3A_1331 = arith.constant 0 : index
    %get3A_1332 = arith.constant 30 : index
    %get3A_1333 = vector.load %arg7[%get3A_1331, %get3A_1332] : memref<16x64xf32, #tpu.memory_space<vmem>>, vector<16x1xf32>
    %sub3A_1334 = vector.broadcast %get3A_1333 : vector<16x1xf32> to vector<16x1024xf32>
    %sub3A_1335 = arith.subf %add3A_23, %sub3A_1334 : vector<16x1024xf32>
    %mul3A_1336 = arith.mulf %sub3A_1335, %sub3A_1335 : vector<16x1024xf32>
    %reduce_sum3A_1337 = arith.constant dense<0.000000e+00> : vector<1024xf32>
    %reduce_sum3A_1338 = vector.multi_reduction <add>, %mul3A_1336, %reduce_sum3A_1337 [0] : vector<16x1024xf32> to vector<1024xf32>
    %broadcast_in_dim3A_1339 = vector.shape_cast %reduce_sum3A_1338 : vector<1024xf32> to vector<1x1024xf32>
    %add3A_1340 = arith.constant 9.99999996E-13 : f32
    %add3A_1341 = vector.broadcast %add3A_1340 : f32 to vector<1x1024xf32>
    %add3A_1342 = arith.addf %broadcast_in_dim3A_1339, %add3A_1341 : vector<1x1024xf32>
    %sqrt3A_1343 = math.sqrt %add3A_1342 : vector<1x1024xf32>
    %add3A_1344 = vector.broadcast %slice3A_1328 : vector<1x1xf32> to vector<1x1024xf32>
    %add3A_1345 = arith.addf %add3A_1344, %sqrt3A_1343 : vector<1x1024xf32>
    %div3A_1346 = arith.constant 1.000000e+00 : f32
    %div3A_1347 = vector.broadcast %div3A_1346 : f32 to vector<1x1024xf32>
    %div3A_1348 = arith.divf %div3A_1347, %add3A_1345 : vector<1x1024xf32>
    %mul3A_1349 = vector.broadcast %sub3A_1330 : vector<1x1xf32> to vector<1x1024xf32>
    %mul3A_1350 = arith.mulf %mul3A_1349, %div3A_1348 : vector<1x1024xf32>
    %mul3A_1351 = vector.broadcast %mul3A_1350 : vector<1x1024xf32> to vector<16x1024xf32>
    %mul3A_1352 = arith.mulf %mul3A_1351, %sub3A_1335 : vector<16x1024xf32>
    %add3A_1353 = arith.addf %add3A_23, %mul3A_1352 : vector<16x1024xf32>
    %log1p3A_1354 = math.log1p %mul3A_1350 : vector<1x1024xf32>
    %mul3A_1355 = arith.constant 1.500000e+01 : f32
    %mul3A_1356 = vector.broadcast %mul3A_1355 : f32 to vector<1x1024xf32>
    %mul3A_1357 = arith.mulf %mul3A_1356, %log1p3A_1354 : vector<1x1024xf32>
    %add3A_1358 = arith.addf %broadcast_in_dim3A_1327, %mul3A_1357 : vector<1x1024xf32>
    %mul3A_1359 = vector.broadcast %sub3A_1330 : vector<1x1xf32> to vector<1x1024xf32>
    %mul3A_1360 = arith.mulf %mul3A_1359, %div3A_1348 : vector<1x1024xf32>
    %mul3A_1361 = arith.mulf %mul3A_1360, %div3A_1348 : vector<1x1024xf32>
    %mul3A_1362 = arith.mulf %mul3A_1361, %sqrt3A_1343 : vector<1x1024xf32>
    %sub3A_1363 = arith.subf %mul3A_1350, %mul3A_1362 : vector<1x1024xf32>
    %log1p3A_1364 = math.log1p %sub3A_1363 : vector<1x1024xf32>
    %add3A_1365 = arith.addf %add3A_1358, %log1p3A_1364 : vector<1x1024xf32>
    %slice3A_1366 = vector.extract_strided_slice %select_n3A {offsets = [0, 31], sizes = [1, 1], strides = [1, 1]} : vector<1x64xf32> to vector<1x1xf32>
    %slice3A_1367 = vector.extract_strided_slice %select_n3A_53 {offsets = [0, 31], sizes = [1, 1], strides = [1, 1]} : vector<1x64xf32> to vector<1x1xf32>
    %sub3A_1368 = arith.subf %slice3A_1367, %slice3A_1366 : vector<1x1xf32>
    %get3A_1369 = arith.constant 0 : index
    %get3A_1370 = arith.constant 31 : index
    %get3A_1371 = vector.load %arg7[%get3A_1369, %get3A_1370] : memref<16x64xf32, #tpu.memory_space<vmem>>, vector<16x1xf32>
    %sub3A_1372 = vector.broadcast %get3A_1371 : vector<16x1xf32> to vector<16x1024xf32>
    %sub3A_1373 = arith.subf %add3A_1353, %sub3A_1372 : vector<16x1024xf32>
    %mul3A_1374 = arith.mulf %sub3A_1373, %sub3A_1373 : vector<16x1024xf32>
    %reduce_sum3A_1375 = arith.constant dense<0.000000e+00> : vector<1024xf32>
    %reduce_sum3A_1376 = vector.multi_reduction <add>, %mul3A_1374, %reduce_sum3A_1375 [0] : vector<16x1024xf32> to vector<1024xf32>
    %broadcast_in_dim3A_1377 = vector.shape_cast %reduce_sum3A_1376 : vector<1024xf32> to vector<1x1024xf32>
    %add3A_1378 = arith.constant 9.99999996E-13 : f32
    %add3A_1379 = vector.broadcast %add3A_1378 : f32 to vector<1x1024xf32>
    %add3A_1380 = arith.addf %broadcast_in_dim3A_1377, %add3A_1379 : vector<1x1024xf32>
    %sqrt3A_1381 = math.sqrt %add3A_1380 : vector<1x1024xf32>
    %add3A_1382 = vector.broadcast %slice3A_1366 : vector<1x1xf32> to vector<1x1024xf32>
    %add3A_1383 = arith.addf %add3A_1382, %sqrt3A_1381 : vector<1x1024xf32>
    %div3A_1384 = arith.constant 1.000000e+00 : f32
    %div3A_1385 = vector.broadcast %div3A_1384 : f32 to vector<1x1024xf32>
    %div3A_1386 = arith.divf %div3A_1385, %add3A_1383 : vector<1x1024xf32>
    %mul3A_1387 = vector.broadcast %sub3A_1368 : vector<1x1xf32> to vector<1x1024xf32>
    %mul3A_1388 = arith.mulf %mul3A_1387, %div3A_1386 : vector<1x1024xf32>
    %mul3A_1389 = vector.broadcast %mul3A_1388 : vector<1x1024xf32> to vector<16x1024xf32>
    %mul3A_1390 = arith.mulf %mul3A_1389, %sub3A_1373 : vector<16x1024xf32>
    %add3A_1391 = arith.addf %add3A_1353, %mul3A_1390 : vector<16x1024xf32>
    %log1p3A_1392 = math.log1p %mul3A_1388 : vector<1x1024xf32>
    %mul3A_1393 = arith.constant 1.500000e+01 : f32
    %mul3A_1394 = vector.broadcast %mul3A_1393 : f32 to vector<1x1024xf32>
    %mul3A_1395 = arith.mulf %mul3A_1394, %log1p3A_1392 : vector<1x1024xf32>
    %add3A_1396 = arith.addf %add3A_1365, %mul3A_1395 : vector<1x1024xf32>
    %mul3A_1397 = vector.broadcast %sub3A_1368 : vector<1x1xf32> to vector<1x1024xf32>
    %mul3A_1398 = arith.mulf %mul3A_1397, %div3A_1386 : vector<1x1024xf32>
    %mul3A_1399 = arith.mulf %mul3A_1398, %div3A_1386 : vector<1x1024xf32>
    %mul3A_1400 = arith.mulf %mul3A_1399, %sqrt3A_1381 : vector<1x1024xf32>
    %sub3A_1401 = arith.subf %mul3A_1388, %mul3A_1400 : vector<1x1024xf32>
    %log1p3A_1402 = math.log1p %sub3A_1401 : vector<1x1024xf32>
    %add3A_1403 = arith.addf %add3A_1396, %log1p3A_1402 : vector<1x1024xf32>
    %slice3A_1404 = vector.extract_strided_slice %select_n3A {offsets = [0, 32], sizes = [1, 1], strides = [1, 1]} : vector<1x64xf32> to vector<1x1xf32>
    %slice3A_1405 = vector.extract_strided_slice %select_n3A_53 {offsets = [0, 32], sizes = [1, 1], strides = [1, 1]} : vector<1x64xf32> to vector<1x1xf32>
    %sub3A_1406 = arith.subf %slice3A_1405, %slice3A_1404 : vector<1x1xf32>
    %get3A_1407 = arith.constant 0 : index
    %get3A_1408 = arith.constant 32 : index
    %get3A_1409 = vector.load %arg7[%get3A_1407, %get3A_1408] : memref<16x64xf32, #tpu.memory_space<vmem>>, vector<16x1xf32>
    %sub3A_1410 = vector.broadcast %get3A_1409 : vector<16x1xf32> to vector<16x1024xf32>
    %sub3A_1411 = arith.subf %add3A_1391, %sub3A_1410 : vector<16x1024xf32>
    %mul3A_1412 = arith.mulf %sub3A_1411, %sub3A_1411 : vector<16x1024xf32>
    %reduce_sum3A_1413 = arith.constant dense<0.000000e+00> : vector<1024xf32>
    %reduce_sum3A_1414 = vector.multi_reduction <add>, %mul3A_1412, %reduce_sum3A_1413 [0] : vector<16x1024xf32> to vector<1024xf32>
    %broadcast_in_dim3A_1415 = vector.shape_cast %reduce_sum3A_1414 : vector<1024xf32> to vector<1x1024xf32>
    %add3A_1416 = arith.constant 9.99999996E-13 : f32
    %add3A_1417 = vector.broadcast %add3A_1416 : f32 to vector<1x1024xf32>
    %add3A_1418 = arith.addf %broadcast_in_dim3A_1415, %add3A_1417 : vector<1x1024xf32>
    %sqrt3A_1419 = math.sqrt %add3A_1418 : vector<1x1024xf32>
    %add3A_1420 = vector.broadcast %slice3A_1404 : vector<1x1xf32> to vector<1x1024xf32>
    %add3A_1421 = arith.addf %add3A_1420, %sqrt3A_1419 : vector<1x1024xf32>
    %div3A_1422 = arith.constant 1.000000e+00 : f32
    %div3A_1423 = vector.broadcast %div3A_1422 : f32 to vector<1x1024xf32>
    %div3A_1424 = arith.divf %div3A_1423, %add3A_1421 : vector<1x1024xf32>
    %mul3A_1425 = vector.broadcast %sub3A_1406 : vector<1x1xf32> to vector<1x1024xf32>
    %mul3A_1426 = arith.mulf %mul3A_1425, %div3A_1424 : vector<1x1024xf32>
    %mul3A_1427 = vector.broadcast %mul3A_1426 : vector<1x1024xf32> to vector<16x1024xf32>
    %mul3A_1428 = arith.mulf %mul3A_1427, %sub3A_1411 : vector<16x1024xf32>
    %add3A_1429 = arith.addf %add3A_1391, %mul3A_1428 : vector<16x1024xf32>
    %log1p3A_1430 = math.log1p %mul3A_1426 : vector<1x1024xf32>
    %mul3A_1431 = arith.constant 1.500000e+01 : f32
    %mul3A_1432 = vector.broadcast %mul3A_1431 : f32 to vector<1x1024xf32>
    %mul3A_1433 = arith.mulf %mul3A_1432, %log1p3A_1430 : vector<1x1024xf32>
    %add3A_1434 = arith.addf %add3A_1403, %mul3A_1433 : vector<1x1024xf32>
    %mul3A_1435 = vector.broadcast %sub3A_1406 : vector<1x1xf32> to vector<1x1024xf32>
    %mul3A_1436 = arith.mulf %mul3A_1435, %div3A_1424 : vector<1x1024xf32>
    %mul3A_1437 = arith.mulf %mul3A_1436, %div3A_1424 : vector<1x1024xf32>
    %mul3A_1438 = arith.mulf %mul3A_1437, %sqrt3A_1419 : vector<1x1024xf32>
    %sub3A_1439 = arith.subf %mul3A_1426, %mul3A_1438 : vector<1x1024xf32>
    %log1p3A_1440 = math.log1p %sub3A_1439 : vector<1x1024xf32>
    %add3A_1441 = arith.addf %add3A_1434, %log1p3A_1440 : vector<1x1024xf32>
    %slice3A_1442 = vector.extract_strided_slice %select_n3A {offsets = [0, 33], sizes = [1, 1], strides = [1, 1]} : vector<1x64xf32> to vector<1x1xf32>
    %slice3A_1443 = vector.extract_strided_slice %select_n3A_53 {offsets = [0, 33], sizes = [1, 1], strides = [1, 1]} : vector<1x64xf32> to vector<1x1xf32>
    %sub3A_1444 = arith.subf %slice3A_1443, %slice3A_1442 : vector<1x1xf32>
    %get3A_1445 = arith.constant 0 : index
    %get3A_1446 = arith.constant 33 : index
    %get3A_1447 = vector.load %arg7[%get3A_1445, %get3A_1446] : memref<16x64xf32, #tpu.memory_space<vmem>>, vector<16x1xf32>
    %sub3A_1448 = vector.broadcast %get3A_1447 : vector<16x1xf32> to vector<16x1024xf32>
    %sub3A_1449 = arith.subf %add3A_1429, %sub3A_1448 : vector<16x1024xf32>
    %mul3A_1450 = arith.mulf %sub3A_1449, %sub3A_1449 : vector<16x1024xf32>
    %reduce_sum3A_1451 = arith.constant dense<0.000000e+00> : vector<1024xf32>
    %reduce_sum3A_1452 = vector.multi_reduction <add>, %mul3A_1450, %reduce_sum3A_1451 [0] : vector<16x1024xf32> to vector<1024xf32>
    %broadcast_in_dim3A_1453 = vector.shape_cast %reduce_sum3A_1452 : vector<1024xf32> to vector<1x1024xf32>
    %add3A_1454 = arith.constant 9.99999996E-13 : f32
    %add3A_1455 = vector.broadcast %add3A_1454 : f32 to vector<1x1024xf32>
    %add3A_1456 = arith.addf %broadcast_in_dim3A_1453, %add3A_1455 : vector<1x1024xf32>
    %sqrt3A_1457 = math.sqrt %add3A_1456 : vector<1x1024xf32>
    %add3A_1458 = vector.broadcast %slice3A_1442 : vector<1x1xf32> to vector<1x1024xf32>
    %add3A_1459 = arith.addf %add3A_1458, %sqrt3A_1457 : vector<1x1024xf32>
    %div3A_1460 = arith.constant 1.000000e+00 : f32
    %div3A_1461 = vector.broadcast %div3A_1460 : f32 to vector<1x1024xf32>
    %div3A_1462 = arith.divf %div3A_1461, %add3A_1459 : vector<1x1024xf32>
    %mul3A_1463 = vector.broadcast %sub3A_1444 : vector<1x1xf32> to vector<1x1024xf32>
    %mul3A_1464 = arith.mulf %mul3A_1463, %div3A_1462 : vector<1x1024xf32>
    %mul3A_1465 = vector.broadcast %mul3A_1464 : vector<1x1024xf32> to vector<16x1024xf32>
    %mul3A_1466 = arith.mulf %mul3A_1465, %sub3A_1449 : vector<16x1024xf32>
    %add3A_1467 = arith.addf %add3A_1429, %mul3A_1466 : vector<16x1024xf32>
    %log1p3A_1468 = math.log1p %mul3A_1464 : vector<1x1024xf32>
    %mul3A_1469 = arith.constant 1.500000e+01 : f32
    %mul3A_1470 = vector.broadcast %mul3A_1469 : f32 to vector<1x1024xf32>
    %mul3A_1471 = arith.mulf %mul3A_1470, %log1p3A_1468 : vector<1x1024xf32>
    %add3A_1472 = arith.addf %add3A_1441, %mul3A_1471 : vector<1x1024xf32>
    %mul3A_1473 = vector.broadcast %sub3A_1444 : vector<1x1xf32> to vector<1x1024xf32>
    %mul3A_1474 = arith.mulf %mul3A_1473, %div3A_1462 : vector<1x1024xf32>
    %mul3A_1475 = arith.mulf %mul3A_1474, %div3A_1462 : vector<1x1024xf32>
    %mul3A_1476 = arith.mulf %mul3A_1475, %sqrt3A_1457 : vector<1x1024xf32>
    %sub3A_1477 = arith.subf %mul3A_1464, %mul3A_1476 : vector<1x1024xf32>
    %log1p3A_1478 = math.log1p %sub3A_1477 : vector<1x1024xf32>
    %add3A_1479 = arith.addf %add3A_1472, %log1p3A_1478 : vector<1x1024xf32>
    %slice3A_1480 = vector.extract_strided_slice %select_n3A {offsets = [0, 34], sizes = [1, 1], strides = [1, 1]} : vector<1x64xf32> to vector<1x1xf32>
    %slice3A_1481 = vector.extract_strided_slice %select_n3A_53 {offsets = [0, 34], sizes = [1, 1], strides = [1, 1]} : vector<1x64xf32> to vector<1x1xf32>
    %sub3A_1482 = arith.subf %slice3A_1481, %slice3A_1480 : vector<1x1xf32>
    %get3A_1483 = arith.constant 0 : index
    %get3A_1484 = arith.constant 34 : index
    %get3A_1485 = vector.load %arg7[%get3A_1483, %get3A_1484] : memref<16x64xf32, #tpu.memory_space<vmem>>, vector<16x1xf32>
    %sub3A_1486 = vector.broadcast %get3A_1485 : vector<16x1xf32> to vector<16x1024xf32>
    %sub3A_1487 = arith.subf %add3A_1467, %sub3A_1486 : vector<16x1024xf32>
    %mul3A_1488 = arith.mulf %sub3A_1487, %sub3A_1487 : vector<16x1024xf32>
    %reduce_sum3A_1489 = arith.constant dense<0.000000e+00> : vector<1024xf32>
    %reduce_sum3A_1490 = vector.multi_reduction <add>, %mul3A_1488, %reduce_sum3A_1489 [0] : vector<16x1024xf32> to vector<1024xf32>
    %broadcast_in_dim3A_1491 = vector.shape_cast %reduce_sum3A_1490 : vector<1024xf32> to vector<1x1024xf32>
    %add3A_1492 = arith.constant 9.99999996E-13 : f32
    %add3A_1493 = vector.broadcast %add3A_1492 : f32 to vector<1x1024xf32>
    %add3A_1494 = arith.addf %broadcast_in_dim3A_1491, %add3A_1493 : vector<1x1024xf32>
    %sqrt3A_1495 = math.sqrt %add3A_1494 : vector<1x1024xf32>
    %add3A_1496 = vector.broadcast %slice3A_1480 : vector<1x1xf32> to vector<1x1024xf32>
    %add3A_1497 = arith.addf %add3A_1496, %sqrt3A_1495 : vector<1x1024xf32>
    %div3A_1498 = arith.constant 1.000000e+00 : f32
    %div3A_1499 = vector.broadcast %div3A_1498 : f32 to vector<1x1024xf32>
    %div3A_1500 = arith.divf %div3A_1499, %add3A_1497 : vector<1x1024xf32>
    %mul3A_1501 = vector.broadcast %sub3A_1482 : vector<1x1xf32> to vector<1x1024xf32>
    %mul3A_1502 = arith.mulf %mul3A_1501, %div3A_1500 : vector<1x1024xf32>
    %mul3A_1503 = vector.broadcast %mul3A_1502 : vector<1x1024xf32> to vector<16x1024xf32>
    %mul3A_1504 = arith.mulf %mul3A_1503, %sub3A_1487 : vector<16x1024xf32>
    %add3A_1505 = arith.addf %add3A_1467, %mul3A_1504 : vector<16x1024xf32>
    %log1p3A_1506 = math.log1p %mul3A_1502 : vector<1x1024xf32>
    %mul3A_1507 = arith.constant 1.500000e+01 : f32
    %mul3A_1508 = vector.broadcast %mul3A_1507 : f32 to vector<1x1024xf32>
    %mul3A_1509 = arith.mulf %mul3A_1508, %log1p3A_1506 : vector<1x1024xf32>
    %add3A_1510 = arith.addf %add3A_1479, %mul3A_1509 : vector<1x1024xf32>
    %mul3A_1511 = vector.broadcast %sub3A_1482 : vector<1x1xf32> to vector<1x1024xf32>
    %mul3A_1512 = arith.mulf %mul3A_1511, %div3A_1500 : vector<1x1024xf32>
    %mul3A_1513 = arith.mulf %mul3A_1512, %div3A_1500 : vector<1x1024xf32>
    %mul3A_1514 = arith.mulf %mul3A_1513, %sqrt3A_1495 : vector<1x1024xf32>
    %sub3A_1515 = arith.subf %mul3A_1502, %mul3A_1514 : vector<1x1024xf32>
    %log1p3A_1516 = math.log1p %sub3A_1515 : vector<1x1024xf32>
    %add3A_1517 = arith.addf %add3A_1510, %log1p3A_1516 : vector<1x1024xf32>
    %slice3A_1518 = vector.extract_strided_slice %select_n3A {offsets = [0, 35], sizes = [1, 1], strides = [1, 1]} : vector<1x64xf32> to vector<1x1xf32>
    %slice3A_1519 = vector.extract_strided_slice %select_n3A_53 {offsets = [0, 35], sizes = [1, 1], strides = [1, 1]} : vector<1x64xf32> to vector<1x1xf32>
    %sub3A_1520 = arith.subf %slice3A_1519, %slice3A_1518 : vector<1x1xf32>
    %get3A_1521 = arith.constant 0 : index
    %get3A_1522 = arith.constant 35 : index
    %get3A_1523 = vector.load %arg7[%get3A_1521, %get3A_1522] : memref<16x64xf32, #tpu.memory_space<vmem>>, vector<16x1xf32>
    %sub3A_1524 = vector.broadcast %get3A_1523 : vector<16x1xf32> to vector<16x1024xf32>
    %sub3A_1525 = arith.subf %add3A_1505, %sub3A_1524 : vector<16x1024xf32>
    %mul3A_1526 = arith.mulf %sub3A_1525, %sub3A_1525 : vector<16x1024xf32>
    %reduce_sum3A_1527 = arith.constant dense<0.000000e+00> : vector<1024xf32>
    %reduce_sum3A_1528 = vector.multi_reduction <add>, %mul3A_1526, %reduce_sum3A_1527 [0] : vector<16x1024xf32> to vector<1024xf32>
    %broadcast_in_dim3A_1529 = vector.shape_cast %reduce_sum3A_1528 : vector<1024xf32> to vector<1x1024xf32>
    %add3A_1530 = arith.constant 9.99999996E-13 : f32
    %add3A_1531 = vector.broadcast %add3A_1530 : f32 to vector<1x1024xf32>
    %add3A_1532 = arith.addf %broadcast_in_dim3A_1529, %add3A_1531 : vector<1x1024xf32>
    %sqrt3A_1533 = math.sqrt %add3A_1532 : vector<1x1024xf32>
    %add3A_1534 = vector.broadcast %slice3A_1518 : vector<1x1xf32> to vector<1x1024xf32>
    %add3A_1535 = arith.addf %add3A_1534, %sqrt3A_1533 : vector<1x1024xf32>
    %div3A_1536 = arith.constant 1.000000e+00 : f32
    %div3A_1537 = vector.broadcast %div3A_1536 : f32 to vector<1x1024xf32>
    %div3A_1538 = arith.divf %div3A_1537, %add3A_1535 : vector<1x1024xf32>
    %mul3A_1539 = vector.broadcast %sub3A_1520 : vector<1x1xf32> to vector<1x1024xf32>
    %mul3A_1540 = arith.mulf %mul3A_1539, %div3A_1538 : vector<1x1024xf32>
    %mul3A_1541 = vector.broadcast %mul3A_1540 : vector<1x1024xf32> to vector<16x1024xf32>
    %mul3A_1542 = arith.mulf %mul3A_1541, %sub3A_1525 : vector<16x1024xf32>
    %add3A_1543 = arith.addf %add3A_1505, %mul3A_1542 : vector<16x1024xf32>
    %log1p3A_1544 = math.log1p %mul3A_1540 : vector<1x1024xf32>
    %mul3A_1545 = arith.constant 1.500000e+01 : f32
    %mul3A_1546 = vector.broadcast %mul3A_1545 : f32 to vector<1x1024xf32>
    %mul3A_1547 = arith.mulf %mul3A_1546, %log1p3A_1544 : vector<1x1024xf32>
    %add3A_1548 = arith.addf %add3A_1517, %mul3A_1547 : vector<1x1024xf32>
    %mul3A_1549 = vector.broadcast %sub3A_1520 : vector<1x1xf32> to vector<1x1024xf32>
    %mul3A_1550 = arith.mulf %mul3A_1549, %div3A_1538 : vector<1x1024xf32>
    %mul3A_1551 = arith.mulf %mul3A_1550, %div3A_1538 : vector<1x1024xf32>
    %mul3A_1552 = arith.mulf %mul3A_1551, %sqrt3A_1533 : vector<1x1024xf32>
    %sub3A_1553 = arith.subf %mul3A_1540, %mul3A_1552 : vector<1x1024xf32>
    %log1p3A_1554 = math.log1p %sub3A_1553 : vector<1x1024xf32>
    %add3A_1555 = arith.addf %add3A_1548, %log1p3A_1554 : vector<1x1024xf32>
    %mul3A_1556 = arith.mulf %add3A_1543, %add3A_1543 : vector<16x1024xf32>
    %reduce_sum3A_1557 = arith.constant dense<0.000000e+00> : vector<1024xf32>
    %reduce_sum3A_1558 = vector.multi_reduction <add>, %mul3A_1556, %reduce_sum3A_1557 [0] : vector<16x1024xf32> to vector<1024xf32>
    %broadcast_in_dim3A_1559 = vector.shape_cast %reduce_sum3A_1558 : vector<1024xf32> to vector<1x1024xf32>
    %add3A_1560 = arith.constant 29.4060326 : f32
    %add3A_1561 = vector.broadcast %add3A_1560 : f32 to vector<1x1024xf32>
    %add3A_1562 = arith.addf %add3A_1561, %broadcast_in_dim3A_1559 : vector<1x1024xf32>
    %mul3A_1563 = arith.constant -5.000000e-01 : f32
    %mul3A_1564 = vector.broadcast %mul3A_1563 : f32 to vector<1x1024xf32>
    %mul3A_1565 = arith.mulf %mul3A_1564, %add3A_1562 : vector<1x1024xf32>
    %add3A_1566 = arith.addf %mul3A_1565, %add3A_1555 : vector<1x1024xf32>
    %get3A_1567 = arith.constant 0 : index
    %get3A_1568 = arith.constant 5 : index
    %get3A_1569 = vector.load %arg11[%get3A_1567, %get3A_1568] : memref<1x128xf32, #tpu.memory_space<vmem>>, vector<1x1xf32>
    %add3A_1570 = vector.broadcast %get3A_1569 : vector<1x1xf32> to vector<1x1024xf32>
    %add3A_1571 = arith.addf %add3A_1566, %add3A_1570 : vector<1x1024xf32>
    %add3A_1572 = arith.constant 20.2481937 : f32
    %add3A_1573 = vector.broadcast %add3A_1572 : f32 to vector<1x1024xf32>
    %add3A_1574 = arith.addf %add3A_1571, %add3A_1573 : vector<1x1024xf32>
    %jit3A_1575 = arith.constant -3.000000e+01 : f32
    %jit3A_1576 = arith.constant 3.000000e+01 : f32
    %max3A_1577 = vector.broadcast %jit3A_1575 : f32 to vector<1x1024xf32>
    %max3A_1578 = arith.maximumf %max3A_1577, %add3A_1574 : vector<1x1024xf32>
    %min3A_1579 = vector.broadcast %jit3A_1576 : f32 to vector<1x1024xf32>
    %min3A_1580 = arith.minimumf %min3A_1579, %max3A_1578 : vector<1x1024xf32>
    %exp3A_1581 = math.exp %min3A_1580 : vector<1x1024xf32>
    %broadcast_in_dim3A_1582 = arith.constant 0.000000e+00 : f32
    %broadcast_in_dim3A_1583 = vector.broadcast %broadcast_in_dim3A_1582 : f32 to vector<1x1024xf32>
    %slice3A_1584 = vector.extract_strided_slice %select_n3A {offsets = [0, 36], sizes = [1, 1], strides = [1, 1]} : vector<1x64xf32> to vector<1x1xf32>
    %slice3A_1585 = vector.extract_strided_slice %select_n3A_53 {offsets = [0, 36], sizes = [1, 1], strides = [1, 1]} : vector<1x64xf32> to vector<1x1xf32>
    %sub3A_1586 = arith.subf %slice3A_1585, %slice3A_1584 : vector<1x1xf32>
    %get3A_1587 = arith.constant 0 : index
    %get3A_1588 = arith.constant 36 : index
    %get3A_1589 = vector.load %arg7[%get3A_1587, %get3A_1588] : memref<16x64xf32, #tpu.memory_space<vmem>>, vector<16x1xf32>
    %sub3A_1590 = vector.broadcast %get3A_1589 : vector<16x1xf32> to vector<16x1024xf32>
    %sub3A_1591 = arith.subf %add3A_23, %sub3A_1590 : vector<16x1024xf32>
    %mul3A_1592 = arith.mulf %sub3A_1591, %sub3A_1591 : vector<16x1024xf32>
    %reduce_sum3A_1593 = arith.constant dense<0.000000e+00> : vector<1024xf32>
    %reduce_sum3A_1594 = vector.multi_reduction <add>, %mul3A_1592, %reduce_sum3A_1593 [0] : vector<16x1024xf32> to vector<1024xf32>
    %broadcast_in_dim3A_1595 = vector.shape_cast %reduce_sum3A_1594 : vector<1024xf32> to vector<1x1024xf32>
    %add3A_1596 = arith.constant 9.99999996E-13 : f32
    %add3A_1597 = vector.broadcast %add3A_1596 : f32 to vector<1x1024xf32>
    %add3A_1598 = arith.addf %broadcast_in_dim3A_1595, %add3A_1597 : vector<1x1024xf32>
    %sqrt3A_1599 = math.sqrt %add3A_1598 : vector<1x1024xf32>
    %add3A_1600 = vector.broadcast %slice3A_1584 : vector<1x1xf32> to vector<1x1024xf32>
    %add3A_1601 = arith.addf %add3A_1600, %sqrt3A_1599 : vector<1x1024xf32>
    %div3A_1602 = arith.constant 1.000000e+00 : f32
    %div3A_1603 = vector.broadcast %div3A_1602 : f32 to vector<1x1024xf32>
    %div3A_1604 = arith.divf %div3A_1603, %add3A_1601 : vector<1x1024xf32>
    %mul3A_1605 = vector.broadcast %sub3A_1586 : vector<1x1xf32> to vector<1x1024xf32>
    %mul3A_1606 = arith.mulf %mul3A_1605, %div3A_1604 : vector<1x1024xf32>
    %mul3A_1607 = vector.broadcast %mul3A_1606 : vector<1x1024xf32> to vector<16x1024xf32>
    %mul3A_1608 = arith.mulf %mul3A_1607, %sub3A_1591 : vector<16x1024xf32>
    %add3A_1609 = arith.addf %add3A_23, %mul3A_1608 : vector<16x1024xf32>
    %log1p3A_1610 = math.log1p %mul3A_1606 : vector<1x1024xf32>
    %mul3A_1611 = arith.constant 1.500000e+01 : f32
    %mul3A_1612 = vector.broadcast %mul3A_1611 : f32 to vector<1x1024xf32>
    %mul3A_1613 = arith.mulf %mul3A_1612, %log1p3A_1610 : vector<1x1024xf32>
    %add3A_1614 = arith.addf %broadcast_in_dim3A_1583, %mul3A_1613 : vector<1x1024xf32>
    %mul3A_1615 = vector.broadcast %sub3A_1586 : vector<1x1xf32> to vector<1x1024xf32>
    %mul3A_1616 = arith.mulf %mul3A_1615, %div3A_1604 : vector<1x1024xf32>
    %mul3A_1617 = arith.mulf %mul3A_1616, %div3A_1604 : vector<1x1024xf32>
    %mul3A_1618 = arith.mulf %mul3A_1617, %sqrt3A_1599 : vector<1x1024xf32>
    %sub3A_1619 = arith.subf %mul3A_1606, %mul3A_1618 : vector<1x1024xf32>
    %log1p3A_1620 = math.log1p %sub3A_1619 : vector<1x1024xf32>
    %add3A_1621 = arith.addf %add3A_1614, %log1p3A_1620 : vector<1x1024xf32>
    %slice3A_1622 = vector.extract_strided_slice %select_n3A {offsets = [0, 37], sizes = [1, 1], strides = [1, 1]} : vector<1x64xf32> to vector<1x1xf32>
    %slice3A_1623 = vector.extract_strided_slice %select_n3A_53 {offsets = [0, 37], sizes = [1, 1], strides = [1, 1]} : vector<1x64xf32> to vector<1x1xf32>
    %sub3A_1624 = arith.subf %slice3A_1623, %slice3A_1622 : vector<1x1xf32>
    %get3A_1625 = arith.constant 0 : index
    %get3A_1626 = arith.constant 37 : index
    %get3A_1627 = vector.load %arg7[%get3A_1625, %get3A_1626] : memref<16x64xf32, #tpu.memory_space<vmem>>, vector<16x1xf32>
    %sub3A_1628 = vector.broadcast %get3A_1627 : vector<16x1xf32> to vector<16x1024xf32>
    %sub3A_1629 = arith.subf %add3A_1609, %sub3A_1628 : vector<16x1024xf32>
    %mul3A_1630 = arith.mulf %sub3A_1629, %sub3A_1629 : vector<16x1024xf32>
    %reduce_sum3A_1631 = arith.constant dense<0.000000e+00> : vector<1024xf32>
    %reduce_sum3A_1632 = vector.multi_reduction <add>, %mul3A_1630, %reduce_sum3A_1631 [0] : vector<16x1024xf32> to vector<1024xf32>
    %broadcast_in_dim3A_1633 = vector.shape_cast %reduce_sum3A_1632 : vector<1024xf32> to vector<1x1024xf32>
    %add3A_1634 = arith.constant 9.99999996E-13 : f32
    %add3A_1635 = vector.broadcast %add3A_1634 : f32 to vector<1x1024xf32>
    %add3A_1636 = arith.addf %broadcast_in_dim3A_1633, %add3A_1635 : vector<1x1024xf32>
    %sqrt3A_1637 = math.sqrt %add3A_1636 : vector<1x1024xf32>
    %add3A_1638 = vector.broadcast %slice3A_1622 : vector<1x1xf32> to vector<1x1024xf32>
    %add3A_1639 = arith.addf %add3A_1638, %sqrt3A_1637 : vector<1x1024xf32>
    %div3A_1640 = arith.constant 1.000000e+00 : f32
    %div3A_1641 = vector.broadcast %div3A_1640 : f32 to vector<1x1024xf32>
    %div3A_1642 = arith.divf %div3A_1641, %add3A_1639 : vector<1x1024xf32>
    %mul3A_1643 = vector.broadcast %sub3A_1624 : vector<1x1xf32> to vector<1x1024xf32>
    %mul3A_1644 = arith.mulf %mul3A_1643, %div3A_1642 : vector<1x1024xf32>
    %mul3A_1645 = vector.broadcast %mul3A_1644 : vector<1x1024xf32> to vector<16x1024xf32>
    %mul3A_1646 = arith.mulf %mul3A_1645, %sub3A_1629 : vector<16x1024xf32>
    %add3A_1647 = arith.addf %add3A_1609, %mul3A_1646 : vector<16x1024xf32>
    %log1p3A_1648 = math.log1p %mul3A_1644 : vector<1x1024xf32>
    %mul3A_1649 = arith.constant 1.500000e+01 : f32
    %mul3A_1650 = vector.broadcast %mul3A_1649 : f32 to vector<1x1024xf32>
    %mul3A_1651 = arith.mulf %mul3A_1650, %log1p3A_1648 : vector<1x1024xf32>
    %add3A_1652 = arith.addf %add3A_1621, %mul3A_1651 : vector<1x1024xf32>
    %mul3A_1653 = vector.broadcast %sub3A_1624 : vector<1x1xf32> to vector<1x1024xf32>
    %mul3A_1654 = arith.mulf %mul3A_1653, %div3A_1642 : vector<1x1024xf32>
    %mul3A_1655 = arith.mulf %mul3A_1654, %div3A_1642 : vector<1x1024xf32>
    %mul3A_1656 = arith.mulf %mul3A_1655, %sqrt3A_1637 : vector<1x1024xf32>
    %sub3A_1657 = arith.subf %mul3A_1644, %mul3A_1656 : vector<1x1024xf32>
    %log1p3A_1658 = math.log1p %sub3A_1657 : vector<1x1024xf32>
    %add3A_1659 = arith.addf %add3A_1652, %log1p3A_1658 : vector<1x1024xf32>
    %slice3A_1660 = vector.extract_strided_slice %select_n3A {offsets = [0, 38], sizes = [1, 1], strides = [1, 1]} : vector<1x64xf32> to vector<1x1xf32>
    %slice3A_1661 = vector.extract_strided_slice %select_n3A_53 {offsets = [0, 38], sizes = [1, 1], strides = [1, 1]} : vector<1x64xf32> to vector<1x1xf32>
    %sub3A_1662 = arith.subf %slice3A_1661, %slice3A_1660 : vector<1x1xf32>
    %get3A_1663 = arith.constant 0 : index
    %get3A_1664 = arith.constant 38 : index
    %get3A_1665 = vector.load %arg7[%get3A_1663, %get3A_1664] : memref<16x64xf32, #tpu.memory_space<vmem>>, vector<16x1xf32>
    %sub3A_1666 = vector.broadcast %get3A_1665 : vector<16x1xf32> to vector<16x1024xf32>
    %sub3A_1667 = arith.subf %add3A_1647, %sub3A_1666 : vector<16x1024xf32>
    %mul3A_1668 = arith.mulf %sub3A_1667, %sub3A_1667 : vector<16x1024xf32>
    %reduce_sum3A_1669 = arith.constant dense<0.000000e+00> : vector<1024xf32>
    %reduce_sum3A_1670 = vector.multi_reduction <add>, %mul3A_1668, %reduce_sum3A_1669 [0] : vector<16x1024xf32> to vector<1024xf32>
    %broadcast_in_dim3A_1671 = vector.shape_cast %reduce_sum3A_1670 : vector<1024xf32> to vector<1x1024xf32>
    %add3A_1672 = arith.constant 9.99999996E-13 : f32
    %add3A_1673 = vector.broadcast %add3A_1672 : f32 to vector<1x1024xf32>
    %add3A_1674 = arith.addf %broadcast_in_dim3A_1671, %add3A_1673 : vector<1x1024xf32>
    %sqrt3A_1675 = math.sqrt %add3A_1674 : vector<1x1024xf32>
    %add3A_1676 = vector.broadcast %slice3A_1660 : vector<1x1xf32> to vector<1x1024xf32>
    %add3A_1677 = arith.addf %add3A_1676, %sqrt3A_1675 : vector<1x1024xf32>
    %div3A_1678 = arith.constant 1.000000e+00 : f32
    %div3A_1679 = vector.broadcast %div3A_1678 : f32 to vector<1x1024xf32>
    %div3A_1680 = arith.divf %div3A_1679, %add3A_1677 : vector<1x1024xf32>
    %mul3A_1681 = vector.broadcast %sub3A_1662 : vector<1x1xf32> to vector<1x1024xf32>
    %mul3A_1682 = arith.mulf %mul3A_1681, %div3A_1680 : vector<1x1024xf32>
    %mul3A_1683 = vector.broadcast %mul3A_1682 : vector<1x1024xf32> to vector<16x1024xf32>
    %mul3A_1684 = arith.mulf %mul3A_1683, %sub3A_1667 : vector<16x1024xf32>
    %add3A_1685 = arith.addf %add3A_1647, %mul3A_1684 : vector<16x1024xf32>
    %log1p3A_1686 = math.log1p %mul3A_1682 : vector<1x1024xf32>
    %mul3A_1687 = arith.constant 1.500000e+01 : f32
    %mul3A_1688 = vector.broadcast %mul3A_1687 : f32 to vector<1x1024xf32>
    %mul3A_1689 = arith.mulf %mul3A_1688, %log1p3A_1686 : vector<1x1024xf32>
    %add3A_1690 = arith.addf %add3A_1659, %mul3A_1689 : vector<1x1024xf32>
    %mul3A_1691 = vector.broadcast %sub3A_1662 : vector<1x1xf32> to vector<1x1024xf32>
    %mul3A_1692 = arith.mulf %mul3A_1691, %div3A_1680 : vector<1x1024xf32>
    %mul3A_1693 = arith.mulf %mul3A_1692, %div3A_1680 : vector<1x1024xf32>
    %mul3A_1694 = arith.mulf %mul3A_1693, %sqrt3A_1675 : vector<1x1024xf32>
    %sub3A_1695 = arith.subf %mul3A_1682, %mul3A_1694 : vector<1x1024xf32>
    %log1p3A_1696 = math.log1p %sub3A_1695 : vector<1x1024xf32>
    %add3A_1697 = arith.addf %add3A_1690, %log1p3A_1696 : vector<1x1024xf32>
    %slice3A_1698 = vector.extract_strided_slice %select_n3A {offsets = [0, 39], sizes = [1, 1], strides = [1, 1]} : vector<1x64xf32> to vector<1x1xf32>
    %slice3A_1699 = vector.extract_strided_slice %select_n3A_53 {offsets = [0, 39], sizes = [1, 1], strides = [1, 1]} : vector<1x64xf32> to vector<1x1xf32>
    %sub3A_1700 = arith.subf %slice3A_1699, %slice3A_1698 : vector<1x1xf32>
    %get3A_1701 = arith.constant 0 : index
    %get3A_1702 = arith.constant 39 : index
    %get3A_1703 = vector.load %arg7[%get3A_1701, %get3A_1702] : memref<16x64xf32, #tpu.memory_space<vmem>>, vector<16x1xf32>
    %sub3A_1704 = vector.broadcast %get3A_1703 : vector<16x1xf32> to vector<16x1024xf32>
    %sub3A_1705 = arith.subf %add3A_1685, %sub3A_1704 : vector<16x1024xf32>
    %mul3A_1706 = arith.mulf %sub3A_1705, %sub3A_1705 : vector<16x1024xf32>
    %reduce_sum3A_1707 = arith.constant dense<0.000000e+00> : vector<1024xf32>
    %reduce_sum3A_1708 = vector.multi_reduction <add>, %mul3A_1706, %reduce_sum3A_1707 [0] : vector<16x1024xf32> to vector<1024xf32>
    %broadcast_in_dim3A_1709 = vector.shape_cast %reduce_sum3A_1708 : vector<1024xf32> to vector<1x1024xf32>
    %add3A_1710 = arith.constant 9.99999996E-13 : f32
    %add3A_1711 = vector.broadcast %add3A_1710 : f32 to vector<1x1024xf32>
    %add3A_1712 = arith.addf %broadcast_in_dim3A_1709, %add3A_1711 : vector<1x1024xf32>
    %sqrt3A_1713 = math.sqrt %add3A_1712 : vector<1x1024xf32>
    %add3A_1714 = vector.broadcast %slice3A_1698 : vector<1x1xf32> to vector<1x1024xf32>
    %add3A_1715 = arith.addf %add3A_1714, %sqrt3A_1713 : vector<1x1024xf32>
    %div3A_1716 = arith.constant 1.000000e+00 : f32
    %div3A_1717 = vector.broadcast %div3A_1716 : f32 to vector<1x1024xf32>
    %div3A_1718 = arith.divf %div3A_1717, %add3A_1715 : vector<1x1024xf32>
    %mul3A_1719 = vector.broadcast %sub3A_1700 : vector<1x1xf32> to vector<1x1024xf32>
    %mul3A_1720 = arith.mulf %mul3A_1719, %div3A_1718 : vector<1x1024xf32>
    %mul3A_1721 = vector.broadcast %mul3A_1720 : vector<1x1024xf32> to vector<16x1024xf32>
    %mul3A_1722 = arith.mulf %mul3A_1721, %sub3A_1705 : vector<16x1024xf32>
    %add3A_1723 = arith.addf %add3A_1685, %mul3A_1722 : vector<16x1024xf32>
    %log1p3A_1724 = math.log1p %mul3A_1720 : vector<1x1024xf32>
    %mul3A_1725 = arith.constant 1.500000e+01 : f32
    %mul3A_1726 = vector.broadcast %mul3A_1725 : f32 to vector<1x1024xf32>
    %mul3A_1727 = arith.mulf %mul3A_1726, %log1p3A_1724 : vector<1x1024xf32>
    %add3A_1728 = arith.addf %add3A_1697, %mul3A_1727 : vector<1x1024xf32>
    %mul3A_1729 = vector.broadcast %sub3A_1700 : vector<1x1xf32> to vector<1x1024xf32>
    %mul3A_1730 = arith.mulf %mul3A_1729, %div3A_1718 : vector<1x1024xf32>
    %mul3A_1731 = arith.mulf %mul3A_1730, %div3A_1718 : vector<1x1024xf32>
    %mul3A_1732 = arith.mulf %mul3A_1731, %sqrt3A_1713 : vector<1x1024xf32>
    %sub3A_1733 = arith.subf %mul3A_1720, %mul3A_1732 : vector<1x1024xf32>
    %log1p3A_1734 = math.log1p %sub3A_1733 : vector<1x1024xf32>
    %add3A_1735 = arith.addf %add3A_1728, %log1p3A_1734 : vector<1x1024xf32>
    %slice3A_1736 = vector.extract_strided_slice %select_n3A {offsets = [0, 40], sizes = [1, 1], strides = [1, 1]} : vector<1x64xf32> to vector<1x1xf32>
    %slice3A_1737 = vector.extract_strided_slice %select_n3A_53 {offsets = [0, 40], sizes = [1, 1], strides = [1, 1]} : vector<1x64xf32> to vector<1x1xf32>
    %sub3A_1738 = arith.subf %slice3A_1737, %slice3A_1736 : vector<1x1xf32>
    %get3A_1739 = arith.constant 0 : index
    %get3A_1740 = arith.constant 40 : index
    %get3A_1741 = vector.load %arg7[%get3A_1739, %get3A_1740] : memref<16x64xf32, #tpu.memory_space<vmem>>, vector<16x1xf32>
    %sub3A_1742 = vector.broadcast %get3A_1741 : vector<16x1xf32> to vector<16x1024xf32>
    %sub3A_1743 = arith.subf %add3A_1723, %sub3A_1742 : vector<16x1024xf32>
    %mul3A_1744 = arith.mulf %sub3A_1743, %sub3A_1743 : vector<16x1024xf32>
    %reduce_sum3A_1745 = arith.constant dense<0.000000e+00> : vector<1024xf32>
    %reduce_sum3A_1746 = vector.multi_reduction <add>, %mul3A_1744, %reduce_sum3A_1745 [0] : vector<16x1024xf32> to vector<1024xf32>
    %broadcast_in_dim3A_1747 = vector.shape_cast %reduce_sum3A_1746 : vector<1024xf32> to vector<1x1024xf32>
    %add3A_1748 = arith.constant 9.99999996E-13 : f32
    %add3A_1749 = vector.broadcast %add3A_1748 : f32 to vector<1x1024xf32>
    %add3A_1750 = arith.addf %broadcast_in_dim3A_1747, %add3A_1749 : vector<1x1024xf32>
    %sqrt3A_1751 = math.sqrt %add3A_1750 : vector<1x1024xf32>
    %add3A_1752 = vector.broadcast %slice3A_1736 : vector<1x1xf32> to vector<1x1024xf32>
    %add3A_1753 = arith.addf %add3A_1752, %sqrt3A_1751 : vector<1x1024xf32>
    %div3A_1754 = arith.constant 1.000000e+00 : f32
    %div3A_1755 = vector.broadcast %div3A_1754 : f32 to vector<1x1024xf32>
    %div3A_1756 = arith.divf %div3A_1755, %add3A_1753 : vector<1x1024xf32>
    %mul3A_1757 = vector.broadcast %sub3A_1738 : vector<1x1xf32> to vector<1x1024xf32>
    %mul3A_1758 = arith.mulf %mul3A_1757, %div3A_1756 : vector<1x1024xf32>
    %mul3A_1759 = vector.broadcast %mul3A_1758 : vector<1x1024xf32> to vector<16x1024xf32>
    %mul3A_1760 = arith.mulf %mul3A_1759, %sub3A_1743 : vector<16x1024xf32>
    %add3A_1761 = arith.addf %add3A_1723, %mul3A_1760 : vector<16x1024xf32>
    %log1p3A_1762 = math.log1p %mul3A_1758 : vector<1x1024xf32>
    %mul3A_1763 = arith.constant 1.500000e+01 : f32
    %mul3A_1764 = vector.broadcast %mul3A_1763 : f32 to vector<1x1024xf32>
    %mul3A_1765 = arith.mulf %mul3A_1764, %log1p3A_1762 : vector<1x1024xf32>
    %add3A_1766 = arith.addf %add3A_1735, %mul3A_1765 : vector<1x1024xf32>
    %mul3A_1767 = vector.broadcast %sub3A_1738 : vector<1x1xf32> to vector<1x1024xf32>
    %mul3A_1768 = arith.mulf %mul3A_1767, %div3A_1756 : vector<1x1024xf32>
    %mul3A_1769 = arith.mulf %mul3A_1768, %div3A_1756 : vector<1x1024xf32>
    %mul3A_1770 = arith.mulf %mul3A_1769, %sqrt3A_1751 : vector<1x1024xf32>
    %sub3A_1771 = arith.subf %mul3A_1758, %mul3A_1770 : vector<1x1024xf32>
    %log1p3A_1772 = math.log1p %sub3A_1771 : vector<1x1024xf32>
    %add3A_1773 = arith.addf %add3A_1766, %log1p3A_1772 : vector<1x1024xf32>
    %slice3A_1774 = vector.extract_strided_slice %select_n3A {offsets = [0, 41], sizes = [1, 1], strides = [1, 1]} : vector<1x64xf32> to vector<1x1xf32>
    %slice3A_1775 = vector.extract_strided_slice %select_n3A_53 {offsets = [0, 41], sizes = [1, 1], strides = [1, 1]} : vector<1x64xf32> to vector<1x1xf32>
    %sub3A_1776 = arith.subf %slice3A_1775, %slice3A_1774 : vector<1x1xf32>
    %get3A_1777 = arith.constant 0 : index
    %get3A_1778 = arith.constant 41 : index
    %get3A_1779 = vector.load %arg7[%get3A_1777, %get3A_1778] : memref<16x64xf32, #tpu.memory_space<vmem>>, vector<16x1xf32>
    %sub3A_1780 = vector.broadcast %get3A_1779 : vector<16x1xf32> to vector<16x1024xf32>
    %sub3A_1781 = arith.subf %add3A_1761, %sub3A_1780 : vector<16x1024xf32>
    %mul3A_1782 = arith.mulf %sub3A_1781, %sub3A_1781 : vector<16x1024xf32>
    %reduce_sum3A_1783 = arith.constant dense<0.000000e+00> : vector<1024xf32>
    %reduce_sum3A_1784 = vector.multi_reduction <add>, %mul3A_1782, %reduce_sum3A_1783 [0] : vector<16x1024xf32> to vector<1024xf32>
    %broadcast_in_dim3A_1785 = vector.shape_cast %reduce_sum3A_1784 : vector<1024xf32> to vector<1x1024xf32>
    %add3A_1786 = arith.constant 9.99999996E-13 : f32
    %add3A_1787 = vector.broadcast %add3A_1786 : f32 to vector<1x1024xf32>
    %add3A_1788 = arith.addf %broadcast_in_dim3A_1785, %add3A_1787 : vector<1x1024xf32>
    %sqrt3A_1789 = math.sqrt %add3A_1788 : vector<1x1024xf32>
    %add3A_1790 = vector.broadcast %slice3A_1774 : vector<1x1xf32> to vector<1x1024xf32>
    %add3A_1791 = arith.addf %add3A_1790, %sqrt3A_1789 : vector<1x1024xf32>
    %div3A_1792 = arith.constant 1.000000e+00 : f32
    %div3A_1793 = vector.broadcast %div3A_1792 : f32 to vector<1x1024xf32>
    %div3A_1794 = arith.divf %div3A_1793, %add3A_1791 : vector<1x1024xf32>
    %mul3A_1795 = vector.broadcast %sub3A_1776 : vector<1x1xf32> to vector<1x1024xf32>
    %mul3A_1796 = arith.mulf %mul3A_1795, %div3A_1794 : vector<1x1024xf32>
    %mul3A_1797 = vector.broadcast %mul3A_1796 : vector<1x1024xf32> to vector<16x1024xf32>
    %mul3A_1798 = arith.mulf %mul3A_1797, %sub3A_1781 : vector<16x1024xf32>
    %add3A_1799 = arith.addf %add3A_1761, %mul3A_1798 : vector<16x1024xf32>
    %log1p3A_1800 = math.log1p %mul3A_1796 : vector<1x1024xf32>
    %mul3A_1801 = arith.constant 1.500000e+01 : f32
    %mul3A_1802 = vector.broadcast %mul3A_1801 : f32 to vector<1x1024xf32>
    %mul3A_1803 = arith.mulf %mul3A_1802, %log1p3A_1800 : vector<1x1024xf32>
    %add3A_1804 = arith.addf %add3A_1773, %mul3A_1803 : vector<1x1024xf32>
    %mul3A_1805 = vector.broadcast %sub3A_1776 : vector<1x1xf32> to vector<1x1024xf32>
    %mul3A_1806 = arith.mulf %mul3A_1805, %div3A_1794 : vector<1x1024xf32>
    %mul3A_1807 = arith.mulf %mul3A_1806, %div3A_1794 : vector<1x1024xf32>
    %mul3A_1808 = arith.mulf %mul3A_1807, %sqrt3A_1789 : vector<1x1024xf32>
    %sub3A_1809 = arith.subf %mul3A_1796, %mul3A_1808 : vector<1x1024xf32>
    %log1p3A_1810 = math.log1p %sub3A_1809 : vector<1x1024xf32>
    %add3A_1811 = arith.addf %add3A_1804, %log1p3A_1810 : vector<1x1024xf32>
    %mul3A_1812 = arith.mulf %add3A_1799, %add3A_1799 : vector<16x1024xf32>
    %reduce_sum3A_1813 = arith.constant dense<0.000000e+00> : vector<1024xf32>
    %reduce_sum3A_1814 = vector.multi_reduction <add>, %mul3A_1812, %reduce_sum3A_1813 [0] : vector<16x1024xf32> to vector<1024xf32>
    %broadcast_in_dim3A_1815 = vector.shape_cast %reduce_sum3A_1814 : vector<1024xf32> to vector<1x1024xf32>
    %add3A_1816 = arith.constant 29.4060326 : f32
    %add3A_1817 = vector.broadcast %add3A_1816 : f32 to vector<1x1024xf32>
    %add3A_1818 = arith.addf %add3A_1817, %broadcast_in_dim3A_1815 : vector<1x1024xf32>
    %mul3A_1819 = arith.constant -5.000000e-01 : f32
    %mul3A_1820 = vector.broadcast %mul3A_1819 : f32 to vector<1x1024xf32>
    %mul3A_1821 = arith.mulf %mul3A_1820, %add3A_1818 : vector<1x1024xf32>
    %add3A_1822 = arith.addf %mul3A_1821, %add3A_1811 : vector<1x1024xf32>
    %get3A_1823 = arith.constant 0 : index
    %get3A_1824 = arith.constant 6 : index
    %get3A_1825 = vector.load %arg11[%get3A_1823, %get3A_1824] : memref<1x128xf32, #tpu.memory_space<vmem>>, vector<1x1xf32>
    %add3A_1826 = vector.broadcast %get3A_1825 : vector<1x1xf32> to vector<1x1024xf32>
    %add3A_1827 = arith.addf %add3A_1822, %add3A_1826 : vector<1x1024xf32>
    %add3A_1828 = arith.constant 20.2481937 : f32
    %add3A_1829 = vector.broadcast %add3A_1828 : f32 to vector<1x1024xf32>
    %add3A_1830 = arith.addf %add3A_1827, %add3A_1829 : vector<1x1024xf32>
    %jit3A_1831 = arith.constant -3.000000e+01 : f32
    %jit3A_1832 = arith.constant 3.000000e+01 : f32
    %max3A_1833 = vector.broadcast %jit3A_1831 : f32 to vector<1x1024xf32>
    %max3A_1834 = arith.maximumf %max3A_1833, %add3A_1830 : vector<1x1024xf32>
    %min3A_1835 = vector.broadcast %jit3A_1832 : f32 to vector<1x1024xf32>
    %min3A_1836 = arith.minimumf %min3A_1835, %max3A_1834 : vector<1x1024xf32>
    %exp3A_1837 = math.exp %min3A_1836 : vector<1x1024xf32>
    %broadcast_in_dim3A_1838 = arith.constant 0.000000e+00 : f32
    %broadcast_in_dim3A_1839 = vector.broadcast %broadcast_in_dim3A_1838 : f32 to vector<1x1024xf32>
    %slice3A_1840 = vector.extract_strided_slice %select_n3A {offsets = [0, 42], sizes = [1, 1], strides = [1, 1]} : vector<1x64xf32> to vector<1x1xf32>
    %slice3A_1841 = vector.extract_strided_slice %select_n3A_53 {offsets = [0, 42], sizes = [1, 1], strides = [1, 1]} : vector<1x64xf32> to vector<1x1xf32>
    %sub3A_1842 = arith.subf %slice3A_1841, %slice3A_1840 : vector<1x1xf32>
    %get3A_1843 = arith.constant 0 : index
    %get3A_1844 = arith.constant 42 : index
    %get3A_1845 = vector.load %arg7[%get3A_1843, %get3A_1844] : memref<16x64xf32, #tpu.memory_space<vmem>>, vector<16x1xf32>
    %sub3A_1846 = vector.broadcast %get3A_1845 : vector<16x1xf32> to vector<16x1024xf32>
    %sub3A_1847 = arith.subf %add3A_23, %sub3A_1846 : vector<16x1024xf32>
    %mul3A_1848 = arith.mulf %sub3A_1847, %sub3A_1847 : vector<16x1024xf32>
    %reduce_sum3A_1849 = arith.constant dense<0.000000e+00> : vector<1024xf32>
    %reduce_sum3A_1850 = vector.multi_reduction <add>, %mul3A_1848, %reduce_sum3A_1849 [0] : vector<16x1024xf32> to vector<1024xf32>
    %broadcast_in_dim3A_1851 = vector.shape_cast %reduce_sum3A_1850 : vector<1024xf32> to vector<1x1024xf32>
    %add3A_1852 = arith.constant 9.99999996E-13 : f32
    %add3A_1853 = vector.broadcast %add3A_1852 : f32 to vector<1x1024xf32>
    %add3A_1854 = arith.addf %broadcast_in_dim3A_1851, %add3A_1853 : vector<1x1024xf32>
    %sqrt3A_1855 = math.sqrt %add3A_1854 : vector<1x1024xf32>
    %add3A_1856 = vector.broadcast %slice3A_1840 : vector<1x1xf32> to vector<1x1024xf32>
    %add3A_1857 = arith.addf %add3A_1856, %sqrt3A_1855 : vector<1x1024xf32>
    %div3A_1858 = arith.constant 1.000000e+00 : f32
    %div3A_1859 = vector.broadcast %div3A_1858 : f32 to vector<1x1024xf32>
    %div3A_1860 = arith.divf %div3A_1859, %add3A_1857 : vector<1x1024xf32>
    %mul3A_1861 = vector.broadcast %sub3A_1842 : vector<1x1xf32> to vector<1x1024xf32>
    %mul3A_1862 = arith.mulf %mul3A_1861, %div3A_1860 : vector<1x1024xf32>
    %mul3A_1863 = vector.broadcast %mul3A_1862 : vector<1x1024xf32> to vector<16x1024xf32>
    %mul3A_1864 = arith.mulf %mul3A_1863, %sub3A_1847 : vector<16x1024xf32>
    %add3A_1865 = arith.addf %add3A_23, %mul3A_1864 : vector<16x1024xf32>
    %log1p3A_1866 = math.log1p %mul3A_1862 : vector<1x1024xf32>
    %mul3A_1867 = arith.constant 1.500000e+01 : f32
    %mul3A_1868 = vector.broadcast %mul3A_1867 : f32 to vector<1x1024xf32>
    %mul3A_1869 = arith.mulf %mul3A_1868, %log1p3A_1866 : vector<1x1024xf32>
    %add3A_1870 = arith.addf %broadcast_in_dim3A_1839, %mul3A_1869 : vector<1x1024xf32>
    %mul3A_1871 = vector.broadcast %sub3A_1842 : vector<1x1xf32> to vector<1x1024xf32>
    %mul3A_1872 = arith.mulf %mul3A_1871, %div3A_1860 : vector<1x1024xf32>
    %mul3A_1873 = arith.mulf %mul3A_1872, %div3A_1860 : vector<1x1024xf32>
    %mul3A_1874 = arith.mulf %mul3A_1873, %sqrt3A_1855 : vector<1x1024xf32>
    %sub3A_1875 = arith.subf %mul3A_1862, %mul3A_1874 : vector<1x1024xf32>
    %log1p3A_1876 = math.log1p %sub3A_1875 : vector<1x1024xf32>
    %add3A_1877 = arith.addf %add3A_1870, %log1p3A_1876 : vector<1x1024xf32>
    %slice3A_1878 = vector.extract_strided_slice %select_n3A {offsets = [0, 43], sizes = [1, 1], strides = [1, 1]} : vector<1x64xf32> to vector<1x1xf32>
    %slice3A_1879 = vector.extract_strided_slice %select_n3A_53 {offsets = [0, 43], sizes = [1, 1], strides = [1, 1]} : vector<1x64xf32> to vector<1x1xf32>
    %sub3A_1880 = arith.subf %slice3A_1879, %slice3A_1878 : vector<1x1xf32>
    %get3A_1881 = arith.constant 0 : index
    %get3A_1882 = arith.constant 43 : index
    %get3A_1883 = vector.load %arg7[%get3A_1881, %get3A_1882] : memref<16x64xf32, #tpu.memory_space<vmem>>, vector<16x1xf32>
    %sub3A_1884 = vector.broadcast %get3A_1883 : vector<16x1xf32> to vector<16x1024xf32>
    %sub3A_1885 = arith.subf %add3A_1865, %sub3A_1884 : vector<16x1024xf32>
    %mul3A_1886 = arith.mulf %sub3A_1885, %sub3A_1885 : vector<16x1024xf32>
    %reduce_sum3A_1887 = arith.constant dense<0.000000e+00> : vector<1024xf32>
    %reduce_sum3A_1888 = vector.multi_reduction <add>, %mul3A_1886, %reduce_sum3A_1887 [0] : vector<16x1024xf32> to vector<1024xf32>
    %broadcast_in_dim3A_1889 = vector.shape_cast %reduce_sum3A_1888 : vector<1024xf32> to vector<1x1024xf32>
    %add3A_1890 = arith.constant 9.99999996E-13 : f32
    %add3A_1891 = vector.broadcast %add3A_1890 : f32 to vector<1x1024xf32>
    %add3A_1892 = arith.addf %broadcast_in_dim3A_1889, %add3A_1891 : vector<1x1024xf32>
    %sqrt3A_1893 = math.sqrt %add3A_1892 : vector<1x1024xf32>
    %add3A_1894 = vector.broadcast %slice3A_1878 : vector<1x1xf32> to vector<1x1024xf32>
    %add3A_1895 = arith.addf %add3A_1894, %sqrt3A_1893 : vector<1x1024xf32>
    %div3A_1896 = arith.constant 1.000000e+00 : f32
    %div3A_1897 = vector.broadcast %div3A_1896 : f32 to vector<1x1024xf32>
    %div3A_1898 = arith.divf %div3A_1897, %add3A_1895 : vector<1x1024xf32>
    %mul3A_1899 = vector.broadcast %sub3A_1880 : vector<1x1xf32> to vector<1x1024xf32>
    %mul3A_1900 = arith.mulf %mul3A_1899, %div3A_1898 : vector<1x1024xf32>
    %mul3A_1901 = vector.broadcast %mul3A_1900 : vector<1x1024xf32> to vector<16x1024xf32>
    %mul3A_1902 = arith.mulf %mul3A_1901, %sub3A_1885 : vector<16x1024xf32>
    %add3A_1903 = arith.addf %add3A_1865, %mul3A_1902 : vector<16x1024xf32>
    %log1p3A_1904 = math.log1p %mul3A_1900 : vector<1x1024xf32>
    %mul3A_1905 = arith.constant 1.500000e+01 : f32
    %mul3A_1906 = vector.broadcast %mul3A_1905 : f32 to vector<1x1024xf32>
    %mul3A_1907 = arith.mulf %mul3A_1906, %log1p3A_1904 : vector<1x1024xf32>
    %add3A_1908 = arith.addf %add3A_1877, %mul3A_1907 : vector<1x1024xf32>
    %mul3A_1909 = vector.broadcast %sub3A_1880 : vector<1x1xf32> to vector<1x1024xf32>
    %mul3A_1910 = arith.mulf %mul3A_1909, %div3A_1898 : vector<1x1024xf32>
    %mul3A_1911 = arith.mulf %mul3A_1910, %div3A_1898 : vector<1x1024xf32>
    %mul3A_1912 = arith.mulf %mul3A_1911, %sqrt3A_1893 : vector<1x1024xf32>
    %sub3A_1913 = arith.subf %mul3A_1900, %mul3A_1912 : vector<1x1024xf32>
    %log1p3A_1914 = math.log1p %sub3A_1913 : vector<1x1024xf32>
    %add3A_1915 = arith.addf %add3A_1908, %log1p3A_1914 : vector<1x1024xf32>
    %slice3A_1916 = vector.extract_strided_slice %select_n3A {offsets = [0, 44], sizes = [1, 1], strides = [1, 1]} : vector<1x64xf32> to vector<1x1xf32>
    %slice3A_1917 = vector.extract_strided_slice %select_n3A_53 {offsets = [0, 44], sizes = [1, 1], strides = [1, 1]} : vector<1x64xf32> to vector<1x1xf32>
    %sub3A_1918 = arith.subf %slice3A_1917, %slice3A_1916 : vector<1x1xf32>
    %get3A_1919 = arith.constant 0 : index
    %get3A_1920 = arith.constant 44 : index
    %get3A_1921 = vector.load %arg7[%get3A_1919, %get3A_1920] : memref<16x64xf32, #tpu.memory_space<vmem>>, vector<16x1xf32>
    %sub3A_1922 = vector.broadcast %get3A_1921 : vector<16x1xf32> to vector<16x1024xf32>
    %sub3A_1923 = arith.subf %add3A_1903, %sub3A_1922 : vector<16x1024xf32>
    %mul3A_1924 = arith.mulf %sub3A_1923, %sub3A_1923 : vector<16x1024xf32>
    %reduce_sum3A_1925 = arith.constant dense<0.000000e+00> : vector<1024xf32>
    %reduce_sum3A_1926 = vector.multi_reduction <add>, %mul3A_1924, %reduce_sum3A_1925 [0] : vector<16x1024xf32> to vector<1024xf32>
    %broadcast_in_dim3A_1927 = vector.shape_cast %reduce_sum3A_1926 : vector<1024xf32> to vector<1x1024xf32>
    %add3A_1928 = arith.constant 9.99999996E-13 : f32
    %add3A_1929 = vector.broadcast %add3A_1928 : f32 to vector<1x1024xf32>
    %add3A_1930 = arith.addf %broadcast_in_dim3A_1927, %add3A_1929 : vector<1x1024xf32>
    %sqrt3A_1931 = math.sqrt %add3A_1930 : vector<1x1024xf32>
    %add3A_1932 = vector.broadcast %slice3A_1916 : vector<1x1xf32> to vector<1x1024xf32>
    %add3A_1933 = arith.addf %add3A_1932, %sqrt3A_1931 : vector<1x1024xf32>
    %div3A_1934 = arith.constant 1.000000e+00 : f32
    %div3A_1935 = vector.broadcast %div3A_1934 : f32 to vector<1x1024xf32>
    %div3A_1936 = arith.divf %div3A_1935, %add3A_1933 : vector<1x1024xf32>
    %mul3A_1937 = vector.broadcast %sub3A_1918 : vector<1x1xf32> to vector<1x1024xf32>
    %mul3A_1938 = arith.mulf %mul3A_1937, %div3A_1936 : vector<1x1024xf32>
    %mul3A_1939 = vector.broadcast %mul3A_1938 : vector<1x1024xf32> to vector<16x1024xf32>
    %mul3A_1940 = arith.mulf %mul3A_1939, %sub3A_1923 : vector<16x1024xf32>
    %add3A_1941 = arith.addf %add3A_1903, %mul3A_1940 : vector<16x1024xf32>
    %log1p3A_1942 = math.log1p %mul3A_1938 : vector<1x1024xf32>
    %mul3A_1943 = arith.constant 1.500000e+01 : f32
    %mul3A_1944 = vector.broadcast %mul3A_1943 : f32 to vector<1x1024xf32>
    %mul3A_1945 = arith.mulf %mul3A_1944, %log1p3A_1942 : vector<1x1024xf32>
    %add3A_1946 = arith.addf %add3A_1915, %mul3A_1945 : vector<1x1024xf32>
    %mul3A_1947 = vector.broadcast %sub3A_1918 : vector<1x1xf32> to vector<1x1024xf32>
    %mul3A_1948 = arith.mulf %mul3A_1947, %div3A_1936 : vector<1x1024xf32>
    %mul3A_1949 = arith.mulf %mul3A_1948, %div3A_1936 : vector<1x1024xf32>
    %mul3A_1950 = arith.mulf %mul3A_1949, %sqrt3A_1931 : vector<1x1024xf32>
    %sub3A_1951 = arith.subf %mul3A_1938, %mul3A_1950 : vector<1x1024xf32>
    %log1p3A_1952 = math.log1p %sub3A_1951 : vector<1x1024xf32>
    %add3A_1953 = arith.addf %add3A_1946, %log1p3A_1952 : vector<1x1024xf32>
    %slice3A_1954 = vector.extract_strided_slice %select_n3A {offsets = [0, 45], sizes = [1, 1], strides = [1, 1]} : vector<1x64xf32> to vector<1x1xf32>
    %slice3A_1955 = vector.extract_strided_slice %select_n3A_53 {offsets = [0, 45], sizes = [1, 1], strides = [1, 1]} : vector<1x64xf32> to vector<1x1xf32>
    %sub3A_1956 = arith.subf %slice3A_1955, %slice3A_1954 : vector<1x1xf32>
    %get3A_1957 = arith.constant 0 : index
    %get3A_1958 = arith.constant 45 : index
    %get3A_1959 = vector.load %arg7[%get3A_1957, %get3A_1958] : memref<16x64xf32, #tpu.memory_space<vmem>>, vector<16x1xf32>
    %sub3A_1960 = vector.broadcast %get3A_1959 : vector<16x1xf32> to vector<16x1024xf32>
    %sub3A_1961 = arith.subf %add3A_1941, %sub3A_1960 : vector<16x1024xf32>
    %mul3A_1962 = arith.mulf %sub3A_1961, %sub3A_1961 : vector<16x1024xf32>
    %reduce_sum3A_1963 = arith.constant dense<0.000000e+00> : vector<1024xf32>
    %reduce_sum3A_1964 = vector.multi_reduction <add>, %mul3A_1962, %reduce_sum3A_1963 [0] : vector<16x1024xf32> to vector<1024xf32>
    %broadcast_in_dim3A_1965 = vector.shape_cast %reduce_sum3A_1964 : vector<1024xf32> to vector<1x1024xf32>
    %add3A_1966 = arith.constant 9.99999996E-13 : f32
    %add3A_1967 = vector.broadcast %add3A_1966 : f32 to vector<1x1024xf32>
    %add3A_1968 = arith.addf %broadcast_in_dim3A_1965, %add3A_1967 : vector<1x1024xf32>
    %sqrt3A_1969 = math.sqrt %add3A_1968 : vector<1x1024xf32>
    %add3A_1970 = vector.broadcast %slice3A_1954 : vector<1x1xf32> to vector<1x1024xf32>
    %add3A_1971 = arith.addf %add3A_1970, %sqrt3A_1969 : vector<1x1024xf32>
    %div3A_1972 = arith.constant 1.000000e+00 : f32
    %div3A_1973 = vector.broadcast %div3A_1972 : f32 to vector<1x1024xf32>
    %div3A_1974 = arith.divf %div3A_1973, %add3A_1971 : vector<1x1024xf32>
    %mul3A_1975 = vector.broadcast %sub3A_1956 : vector<1x1xf32> to vector<1x1024xf32>
    %mul3A_1976 = arith.mulf %mul3A_1975, %div3A_1974 : vector<1x1024xf32>
    %mul3A_1977 = vector.broadcast %mul3A_1976 : vector<1x1024xf32> to vector<16x1024xf32>
    %mul3A_1978 = arith.mulf %mul3A_1977, %sub3A_1961 : vector<16x1024xf32>
    %add3A_1979 = arith.addf %add3A_1941, %mul3A_1978 : vector<16x1024xf32>
    %log1p3A_1980 = math.log1p %mul3A_1976 : vector<1x1024xf32>
    %mul3A_1981 = arith.constant 1.500000e+01 : f32
    %mul3A_1982 = vector.broadcast %mul3A_1981 : f32 to vector<1x1024xf32>
    %mul3A_1983 = arith.mulf %mul3A_1982, %log1p3A_1980 : vector<1x1024xf32>
    %add3A_1984 = arith.addf %add3A_1953, %mul3A_1983 : vector<1x1024xf32>
    %mul3A_1985 = vector.broadcast %sub3A_1956 : vector<1x1xf32> to vector<1x1024xf32>
    %mul3A_1986 = arith.mulf %mul3A_1985, %div3A_1974 : vector<1x1024xf32>
    %mul3A_1987 = arith.mulf %mul3A_1986, %div3A_1974 : vector<1x1024xf32>
    %mul3A_1988 = arith.mulf %mul3A_1987, %sqrt3A_1969 : vector<1x1024xf32>
    %sub3A_1989 = arith.subf %mul3A_1976, %mul3A_1988 : vector<1x1024xf32>
    %log1p3A_1990 = math.log1p %sub3A_1989 : vector<1x1024xf32>
    %add3A_1991 = arith.addf %add3A_1984, %log1p3A_1990 : vector<1x1024xf32>
    %slice3A_1992 = vector.extract_strided_slice %select_n3A {offsets = [0, 46], sizes = [1, 1], strides = [1, 1]} : vector<1x64xf32> to vector<1x1xf32>
    %slice3A_1993 = vector.extract_strided_slice %select_n3A_53 {offsets = [0, 46], sizes = [1, 1], strides = [1, 1]} : vector<1x64xf32> to vector<1x1xf32>
    %sub3A_1994 = arith.subf %slice3A_1993, %slice3A_1992 : vector<1x1xf32>
    %get3A_1995 = arith.constant 0 : index
    %get3A_1996 = arith.constant 46 : index
    %get3A_1997 = vector.load %arg7[%get3A_1995, %get3A_1996] : memref<16x64xf32, #tpu.memory_space<vmem>>, vector<16x1xf32>
    %sub3A_1998 = vector.broadcast %get3A_1997 : vector<16x1xf32> to vector<16x1024xf32>
    %sub3A_1999 = arith.subf %add3A_1979, %sub3A_1998 : vector<16x1024xf32>
    %mul3A_2000 = arith.mulf %sub3A_1999, %sub3A_1999 : vector<16x1024xf32>
    %reduce_sum3A_2001 = arith.constant dense<0.000000e+00> : vector<1024xf32>
    %reduce_sum3A_2002 = vector.multi_reduction <add>, %mul3A_2000, %reduce_sum3A_2001 [0] : vector<16x1024xf32> to vector<1024xf32>
    %broadcast_in_dim3A_2003 = vector.shape_cast %reduce_sum3A_2002 : vector<1024xf32> to vector<1x1024xf32>
    %add3A_2004 = arith.constant 9.99999996E-13 : f32
    %add3A_2005 = vector.broadcast %add3A_2004 : f32 to vector<1x1024xf32>
    %add3A_2006 = arith.addf %broadcast_in_dim3A_2003, %add3A_2005 : vector<1x1024xf32>
    %sqrt3A_2007 = math.sqrt %add3A_2006 : vector<1x1024xf32>
    %add3A_2008 = vector.broadcast %slice3A_1992 : vector<1x1xf32> to vector<1x1024xf32>
    %add3A_2009 = arith.addf %add3A_2008, %sqrt3A_2007 : vector<1x1024xf32>
    %div3A_2010 = arith.constant 1.000000e+00 : f32
    %div3A_2011 = vector.broadcast %div3A_2010 : f32 to vector<1x1024xf32>
    %div3A_2012 = arith.divf %div3A_2011, %add3A_2009 : vector<1x1024xf32>
    %mul3A_2013 = vector.broadcast %sub3A_1994 : vector<1x1xf32> to vector<1x1024xf32>
    %mul3A_2014 = arith.mulf %mul3A_2013, %div3A_2012 : vector<1x1024xf32>
    %mul3A_2015 = vector.broadcast %mul3A_2014 : vector<1x1024xf32> to vector<16x1024xf32>
    %mul3A_2016 = arith.mulf %mul3A_2015, %sub3A_1999 : vector<16x1024xf32>
    %add3A_2017 = arith.addf %add3A_1979, %mul3A_2016 : vector<16x1024xf32>
    %log1p3A_2018 = math.log1p %mul3A_2014 : vector<1x1024xf32>
    %mul3A_2019 = arith.constant 1.500000e+01 : f32
    %mul3A_2020 = vector.broadcast %mul3A_2019 : f32 to vector<1x1024xf32>
    %mul3A_2021 = arith.mulf %mul3A_2020, %log1p3A_2018 : vector<1x1024xf32>
    %add3A_2022 = arith.addf %add3A_1991, %mul3A_2021 : vector<1x1024xf32>
    %mul3A_2023 = vector.broadcast %sub3A_1994 : vector<1x1xf32> to vector<1x1024xf32>
    %mul3A_2024 = arith.mulf %mul3A_2023, %div3A_2012 : vector<1x1024xf32>
    %mul3A_2025 = arith.mulf %mul3A_2024, %div3A_2012 : vector<1x1024xf32>
    %mul3A_2026 = arith.mulf %mul3A_2025, %sqrt3A_2007 : vector<1x1024xf32>
    %sub3A_2027 = arith.subf %mul3A_2014, %mul3A_2026 : vector<1x1024xf32>
    %log1p3A_2028 = math.log1p %sub3A_2027 : vector<1x1024xf32>
    %add3A_2029 = arith.addf %add3A_2022, %log1p3A_2028 : vector<1x1024xf32>
    %slice3A_2030 = vector.extract_strided_slice %select_n3A {offsets = [0, 47], sizes = [1, 1], strides = [1, 1]} : vector<1x64xf32> to vector<1x1xf32>
    %slice3A_2031 = vector.extract_strided_slice %select_n3A_53 {offsets = [0, 47], sizes = [1, 1], strides = [1, 1]} : vector<1x64xf32> to vector<1x1xf32>
    %sub3A_2032 = arith.subf %slice3A_2031, %slice3A_2030 : vector<1x1xf32>
    %get3A_2033 = arith.constant 0 : index
    %get3A_2034 = arith.constant 47 : index
    %get3A_2035 = vector.load %arg7[%get3A_2033, %get3A_2034] : memref<16x64xf32, #tpu.memory_space<vmem>>, vector<16x1xf32>
    %sub3A_2036 = vector.broadcast %get3A_2035 : vector<16x1xf32> to vector<16x1024xf32>
    %sub3A_2037 = arith.subf %add3A_2017, %sub3A_2036 : vector<16x1024xf32>
    %mul3A_2038 = arith.mulf %sub3A_2037, %sub3A_2037 : vector<16x1024xf32>
    %reduce_sum3A_2039 = arith.constant dense<0.000000e+00> : vector<1024xf32>
    %reduce_sum3A_2040 = vector.multi_reduction <add>, %mul3A_2038, %reduce_sum3A_2039 [0] : vector<16x1024xf32> to vector<1024xf32>
    %broadcast_in_dim3A_2041 = vector.shape_cast %reduce_sum3A_2040 : vector<1024xf32> to vector<1x1024xf32>
    %add3A_2042 = arith.constant 9.99999996E-13 : f32
    %add3A_2043 = vector.broadcast %add3A_2042 : f32 to vector<1x1024xf32>
    %add3A_2044 = arith.addf %broadcast_in_dim3A_2041, %add3A_2043 : vector<1x1024xf32>
    %sqrt3A_2045 = math.sqrt %add3A_2044 : vector<1x1024xf32>
    %add3A_2046 = vector.broadcast %slice3A_2030 : vector<1x1xf32> to vector<1x1024xf32>
    %add3A_2047 = arith.addf %add3A_2046, %sqrt3A_2045 : vector<1x1024xf32>
    %div3A_2048 = arith.constant 1.000000e+00 : f32
    %div3A_2049 = vector.broadcast %div3A_2048 : f32 to vector<1x1024xf32>
    %div3A_2050 = arith.divf %div3A_2049, %add3A_2047 : vector<1x1024xf32>
    %mul3A_2051 = vector.broadcast %sub3A_2032 : vector<1x1xf32> to vector<1x1024xf32>
    %mul3A_2052 = arith.mulf %mul3A_2051, %div3A_2050 : vector<1x1024xf32>
    %mul3A_2053 = vector.broadcast %mul3A_2052 : vector<1x1024xf32> to vector<16x1024xf32>
    %mul3A_2054 = arith.mulf %mul3A_2053, %sub3A_2037 : vector<16x1024xf32>
    %add3A_2055 = arith.addf %add3A_2017, %mul3A_2054 : vector<16x1024xf32>
    %log1p3A_2056 = math.log1p %mul3A_2052 : vector<1x1024xf32>
    %mul3A_2057 = arith.constant 1.500000e+01 : f32
    %mul3A_2058 = vector.broadcast %mul3A_2057 : f32 to vector<1x1024xf32>
    %mul3A_2059 = arith.mulf %mul3A_2058, %log1p3A_2056 : vector<1x1024xf32>
    %add3A_2060 = arith.addf %add3A_2029, %mul3A_2059 : vector<1x1024xf32>
    %mul3A_2061 = vector.broadcast %sub3A_2032 : vector<1x1xf32> to vector<1x1024xf32>
    %mul3A_2062 = arith.mulf %mul3A_2061, %div3A_2050 : vector<1x1024xf32>
    %mul3A_2063 = arith.mulf %mul3A_2062, %div3A_2050 : vector<1x1024xf32>
    %mul3A_2064 = arith.mulf %mul3A_2063, %sqrt3A_2045 : vector<1x1024xf32>
    %sub3A_2065 = arith.subf %mul3A_2052, %mul3A_2064 : vector<1x1024xf32>
    %log1p3A_2066 = math.log1p %sub3A_2065 : vector<1x1024xf32>
    %add3A_2067 = arith.addf %add3A_2060, %log1p3A_2066 : vector<1x1024xf32>
    %mul3A_2068 = arith.mulf %add3A_2055, %add3A_2055 : vector<16x1024xf32>
    %reduce_sum3A_2069 = arith.constant dense<0.000000e+00> : vector<1024xf32>
    %reduce_sum3A_2070 = vector.multi_reduction <add>, %mul3A_2068, %reduce_sum3A_2069 [0] : vector<16x1024xf32> to vector<1024xf32>
    %broadcast_in_dim3A_2071 = vector.shape_cast %reduce_sum3A_2070 : vector<1024xf32> to vector<1x1024xf32>
    %add3A_2072 = arith.constant 29.4060326 : f32
    %add3A_2073 = vector.broadcast %add3A_2072 : f32 to vector<1x1024xf32>
    %add3A_2074 = arith.addf %add3A_2073, %broadcast_in_dim3A_2071 : vector<1x1024xf32>
    %mul3A_2075 = arith.constant -5.000000e-01 : f32
    %mul3A_2076 = vector.broadcast %mul3A_2075 : f32 to vector<1x1024xf32>
    %mul3A_2077 = arith.mulf %mul3A_2076, %add3A_2074 : vector<1x1024xf32>
    %add3A_2078 = arith.addf %mul3A_2077, %add3A_2067 : vector<1x1024xf32>
    %get3A_2079 = arith.constant 0 : index
    %get3A_2080 = arith.constant 7 : index
    %get3A_2081 = vector.load %arg11[%get3A_2079, %get3A_2080] : memref<1x128xf32, #tpu.memory_space<vmem>>, vector<1x1xf32>
    %add3A_2082 = vector.broadcast %get3A_2081 : vector<1x1xf32> to vector<1x1024xf32>
    %add3A_2083 = arith.addf %add3A_2078, %add3A_2082 : vector<1x1024xf32>
    %add3A_2084 = arith.constant 20.2481937 : f32
    %add3A_2085 = vector.broadcast %add3A_2084 : f32 to vector<1x1024xf32>
    %add3A_2086 = arith.addf %add3A_2083, %add3A_2085 : vector<1x1024xf32>
    %jit3A_2087 = arith.constant -3.000000e+01 : f32
    %jit3A_2088 = arith.constant 3.000000e+01 : f32
    %max3A_2089 = vector.broadcast %jit3A_2087 : f32 to vector<1x1024xf32>
    %max3A_2090 = arith.maximumf %max3A_2089, %add3A_2086 : vector<1x1024xf32>
    %min3A_2091 = vector.broadcast %jit3A_2088 : f32 to vector<1x1024xf32>
    %min3A_2092 = arith.minimumf %min3A_2091, %max3A_2090 : vector<1x1024xf32>
    %exp3A_2093 = math.exp %min3A_2092 : vector<1x1024xf32>
    %broadcast_in_dim3A_2094 = arith.constant 0.000000e+00 : f32
    %broadcast_in_dim3A_2095 = vector.broadcast %broadcast_in_dim3A_2094 : f32 to vector<1x1024xf32>
    %slice3A_2096 = vector.extract_strided_slice %select_n3A {offsets = [0, 48], sizes = [1, 1], strides = [1, 1]} : vector<1x64xf32> to vector<1x1xf32>
    %slice3A_2097 = vector.extract_strided_slice %select_n3A_53 {offsets = [0, 48], sizes = [1, 1], strides = [1, 1]} : vector<1x64xf32> to vector<1x1xf32>
    %sub3A_2098 = arith.subf %slice3A_2097, %slice3A_2096 : vector<1x1xf32>
    %get3A_2099 = arith.constant 0 : index
    %get3A_2100 = arith.constant 48 : index
    %get3A_2101 = vector.load %arg7[%get3A_2099, %get3A_2100] : memref<16x64xf32, #tpu.memory_space<vmem>>, vector<16x1xf32>
    %sub3A_2102 = vector.broadcast %get3A_2101 : vector<16x1xf32> to vector<16x1024xf32>
    %sub3A_2103 = arith.subf %add3A_23, %sub3A_2102 : vector<16x1024xf32>
    %mul3A_2104 = arith.mulf %sub3A_2103, %sub3A_2103 : vector<16x1024xf32>
    %reduce_sum3A_2105 = arith.constant dense<0.000000e+00> : vector<1024xf32>
    %reduce_sum3A_2106 = vector.multi_reduction <add>, %mul3A_2104, %reduce_sum3A_2105 [0] : vector<16x1024xf32> to vector<1024xf32>
    %broadcast_in_dim3A_2107 = vector.shape_cast %reduce_sum3A_2106 : vector<1024xf32> to vector<1x1024xf32>
    %add3A_2108 = arith.constant 9.99999996E-13 : f32
    %add3A_2109 = vector.broadcast %add3A_2108 : f32 to vector<1x1024xf32>
    %add3A_2110 = arith.addf %broadcast_in_dim3A_2107, %add3A_2109 : vector<1x1024xf32>
    %sqrt3A_2111 = math.sqrt %add3A_2110 : vector<1x1024xf32>
    %add3A_2112 = vector.broadcast %slice3A_2096 : vector<1x1xf32> to vector<1x1024xf32>
    %add3A_2113 = arith.addf %add3A_2112, %sqrt3A_2111 : vector<1x1024xf32>
    %div3A_2114 = arith.constant 1.000000e+00 : f32
    %div3A_2115 = vector.broadcast %div3A_2114 : f32 to vector<1x1024xf32>
    %div3A_2116 = arith.divf %div3A_2115, %add3A_2113 : vector<1x1024xf32>
    %mul3A_2117 = vector.broadcast %sub3A_2098 : vector<1x1xf32> to vector<1x1024xf32>
    %mul3A_2118 = arith.mulf %mul3A_2117, %div3A_2116 : vector<1x1024xf32>
    %mul3A_2119 = vector.broadcast %mul3A_2118 : vector<1x1024xf32> to vector<16x1024xf32>
    %mul3A_2120 = arith.mulf %mul3A_2119, %sub3A_2103 : vector<16x1024xf32>
    %add3A_2121 = arith.addf %add3A_23, %mul3A_2120 : vector<16x1024xf32>
    %log1p3A_2122 = math.log1p %mul3A_2118 : vector<1x1024xf32>
    %mul3A_2123 = arith.constant 1.500000e+01 : f32
    %mul3A_2124 = vector.broadcast %mul3A_2123 : f32 to vector<1x1024xf32>
    %mul3A_2125 = arith.mulf %mul3A_2124, %log1p3A_2122 : vector<1x1024xf32>
    %add3A_2126 = arith.addf %broadcast_in_dim3A_2095, %mul3A_2125 : vector<1x1024xf32>
    %mul3A_2127 = vector.broadcast %sub3A_2098 : vector<1x1xf32> to vector<1x1024xf32>
    %mul3A_2128 = arith.mulf %mul3A_2127, %div3A_2116 : vector<1x1024xf32>
    %mul3A_2129 = arith.mulf %mul3A_2128, %div3A_2116 : vector<1x1024xf32>
    %mul3A_2130 = arith.mulf %mul3A_2129, %sqrt3A_2111 : vector<1x1024xf32>
    %sub3A_2131 = arith.subf %mul3A_2118, %mul3A_2130 : vector<1x1024xf32>
    %log1p3A_2132 = math.log1p %sub3A_2131 : vector<1x1024xf32>
    %add3A_2133 = arith.addf %add3A_2126, %log1p3A_2132 : vector<1x1024xf32>
    %slice3A_2134 = vector.extract_strided_slice %select_n3A {offsets = [0, 49], sizes = [1, 1], strides = [1, 1]} : vector<1x64xf32> to vector<1x1xf32>
    %slice3A_2135 = vector.extract_strided_slice %select_n3A_53 {offsets = [0, 49], sizes = [1, 1], strides = [1, 1]} : vector<1x64xf32> to vector<1x1xf32>
    %sub3A_2136 = arith.subf %slice3A_2135, %slice3A_2134 : vector<1x1xf32>
    %get3A_2137 = arith.constant 0 : index
    %get3A_2138 = arith.constant 49 : index
    %get3A_2139 = vector.load %arg7[%get3A_2137, %get3A_2138] : memref<16x64xf32, #tpu.memory_space<vmem>>, vector<16x1xf32>
    %sub3A_2140 = vector.broadcast %get3A_2139 : vector<16x1xf32> to vector<16x1024xf32>
    %sub3A_2141 = arith.subf %add3A_2121, %sub3A_2140 : vector<16x1024xf32>
    %mul3A_2142 = arith.mulf %sub3A_2141, %sub3A_2141 : vector<16x1024xf32>
    %reduce_sum3A_2143 = arith.constant dense<0.000000e+00> : vector<1024xf32>
    %reduce_sum3A_2144 = vector.multi_reduction <add>, %mul3A_2142, %reduce_sum3A_2143 [0] : vector<16x1024xf32> to vector<1024xf32>
    %broadcast_in_dim3A_2145 = vector.shape_cast %reduce_sum3A_2144 : vector<1024xf32> to vector<1x1024xf32>
    %add3A_2146 = arith.constant 9.99999996E-13 : f32
    %add3A_2147 = vector.broadcast %add3A_2146 : f32 to vector<1x1024xf32>
    %add3A_2148 = arith.addf %broadcast_in_dim3A_2145, %add3A_2147 : vector<1x1024xf32>
    %sqrt3A_2149 = math.sqrt %add3A_2148 : vector<1x1024xf32>
    %add3A_2150 = vector.broadcast %slice3A_2134 : vector<1x1xf32> to vector<1x1024xf32>
    %add3A_2151 = arith.addf %add3A_2150, %sqrt3A_2149 : vector<1x1024xf32>
    %div3A_2152 = arith.constant 1.000000e+00 : f32
    %div3A_2153 = vector.broadcast %div3A_2152 : f32 to vector<1x1024xf32>
    %div3A_2154 = arith.divf %div3A_2153, %add3A_2151 : vector<1x1024xf32>
    %mul3A_2155 = vector.broadcast %sub3A_2136 : vector<1x1xf32> to vector<1x1024xf32>
    %mul3A_2156 = arith.mulf %mul3A_2155, %div3A_2154 : vector<1x1024xf32>
    %mul3A_2157 = vector.broadcast %mul3A_2156 : vector<1x1024xf32> to vector<16x1024xf32>
    %mul3A_2158 = arith.mulf %mul3A_2157, %sub3A_2141 : vector<16x1024xf32>
    %add3A_2159 = arith.addf %add3A_2121, %mul3A_2158 : vector<16x1024xf32>
    %log1p3A_2160 = math.log1p %mul3A_2156 : vector<1x1024xf32>
    %mul3A_2161 = arith.constant 1.500000e+01 : f32
    %mul3A_2162 = vector.broadcast %mul3A_2161 : f32 to vector<1x1024xf32>
    %mul3A_2163 = arith.mulf %mul3A_2162, %log1p3A_2160 : vector<1x1024xf32>
    %add3A_2164 = arith.addf %add3A_2133, %mul3A_2163 : vector<1x1024xf32>
    %mul3A_2165 = vector.broadcast %sub3A_2136 : vector<1x1xf32> to vector<1x1024xf32>
    %mul3A_2166 = arith.mulf %mul3A_2165, %div3A_2154 : vector<1x1024xf32>
    %mul3A_2167 = arith.mulf %mul3A_2166, %div3A_2154 : vector<1x1024xf32>
    %mul3A_2168 = arith.mulf %mul3A_2167, %sqrt3A_2149 : vector<1x1024xf32>
    %sub3A_2169 = arith.subf %mul3A_2156, %mul3A_2168 : vector<1x1024xf32>
    %log1p3A_2170 = math.log1p %sub3A_2169 : vector<1x1024xf32>
    %add3A_2171 = arith.addf %add3A_2164, %log1p3A_2170 : vector<1x1024xf32>
    %slice3A_2172 = vector.extract_strided_slice %select_n3A {offsets = [0, 50], sizes = [1, 1], strides = [1, 1]} : vector<1x64xf32> to vector<1x1xf32>
    %slice3A_2173 = vector.extract_strided_slice %select_n3A_53 {offsets = [0, 50], sizes = [1, 1], strides = [1, 1]} : vector<1x64xf32> to vector<1x1xf32>
    %sub3A_2174 = arith.subf %slice3A_2173, %slice3A_2172 : vector<1x1xf32>
    %get3A_2175 = arith.constant 0 : index
    %get3A_2176 = arith.constant 50 : index
    %get3A_2177 = vector.load %arg7[%get3A_2175, %get3A_2176] : memref<16x64xf32, #tpu.memory_space<vmem>>, vector<16x1xf32>
    %sub3A_2178 = vector.broadcast %get3A_2177 : vector<16x1xf32> to vector<16x1024xf32>
    %sub3A_2179 = arith.subf %add3A_2159, %sub3A_2178 : vector<16x1024xf32>
    %mul3A_2180 = arith.mulf %sub3A_2179, %sub3A_2179 : vector<16x1024xf32>
    %reduce_sum3A_2181 = arith.constant dense<0.000000e+00> : vector<1024xf32>
    %reduce_sum3A_2182 = vector.multi_reduction <add>, %mul3A_2180, %reduce_sum3A_2181 [0] : vector<16x1024xf32> to vector<1024xf32>
    %broadcast_in_dim3A_2183 = vector.shape_cast %reduce_sum3A_2182 : vector<1024xf32> to vector<1x1024xf32>
    %add3A_2184 = arith.constant 9.99999996E-13 : f32
    %add3A_2185 = vector.broadcast %add3A_2184 : f32 to vector<1x1024xf32>
    %add3A_2186 = arith.addf %broadcast_in_dim3A_2183, %add3A_2185 : vector<1x1024xf32>
    %sqrt3A_2187 = math.sqrt %add3A_2186 : vector<1x1024xf32>
    %add3A_2188 = vector.broadcast %slice3A_2172 : vector<1x1xf32> to vector<1x1024xf32>
    %add3A_2189 = arith.addf %add3A_2188, %sqrt3A_2187 : vector<1x1024xf32>
    %div3A_2190 = arith.constant 1.000000e+00 : f32
    %div3A_2191 = vector.broadcast %div3A_2190 : f32 to vector<1x1024xf32>
    %div3A_2192 = arith.divf %div3A_2191, %add3A_2189 : vector<1x1024xf32>
    %mul3A_2193 = vector.broadcast %sub3A_2174 : vector<1x1xf32> to vector<1x1024xf32>
    %mul3A_2194 = arith.mulf %mul3A_2193, %div3A_2192 : vector<1x1024xf32>
    %mul3A_2195 = vector.broadcast %mul3A_2194 : vector<1x1024xf32> to vector<16x1024xf32>
    %mul3A_2196 = arith.mulf %mul3A_2195, %sub3A_2179 : vector<16x1024xf32>
    %add3A_2197 = arith.addf %add3A_2159, %mul3A_2196 : vector<16x1024xf32>
    %log1p3A_2198 = math.log1p %mul3A_2194 : vector<1x1024xf32>
    %mul3A_2199 = arith.constant 1.500000e+01 : f32
    %mul3A_2200 = vector.broadcast %mul3A_2199 : f32 to vector<1x1024xf32>
    %mul3A_2201 = arith.mulf %mul3A_2200, %log1p3A_2198 : vector<1x1024xf32>
    %add3A_2202 = arith.addf %add3A_2171, %mul3A_2201 : vector<1x1024xf32>
    %mul3A_2203 = vector.broadcast %sub3A_2174 : vector<1x1xf32> to vector<1x1024xf32>
    %mul3A_2204 = arith.mulf %mul3A_2203, %div3A_2192 : vector<1x1024xf32>
    %mul3A_2205 = arith.mulf %mul3A_2204, %div3A_2192 : vector<1x1024xf32>
    %mul3A_2206 = arith.mulf %mul3A_2205, %sqrt3A_2187 : vector<1x1024xf32>
    %sub3A_2207 = arith.subf %mul3A_2194, %mul3A_2206 : vector<1x1024xf32>
    %log1p3A_2208 = math.log1p %sub3A_2207 : vector<1x1024xf32>
    %add3A_2209 = arith.addf %add3A_2202, %log1p3A_2208 : vector<1x1024xf32>
    %slice3A_2210 = vector.extract_strided_slice %select_n3A {offsets = [0, 51], sizes = [1, 1], strides = [1, 1]} : vector<1x64xf32> to vector<1x1xf32>
    %slice3A_2211 = vector.extract_strided_slice %select_n3A_53 {offsets = [0, 51], sizes = [1, 1], strides = [1, 1]} : vector<1x64xf32> to vector<1x1xf32>
    %sub3A_2212 = arith.subf %slice3A_2211, %slice3A_2210 : vector<1x1xf32>
    %get3A_2213 = arith.constant 0 : index
    %get3A_2214 = arith.constant 51 : index
    %get3A_2215 = vector.load %arg7[%get3A_2213, %get3A_2214] : memref<16x64xf32, #tpu.memory_space<vmem>>, vector<16x1xf32>
    %sub3A_2216 = vector.broadcast %get3A_2215 : vector<16x1xf32> to vector<16x1024xf32>
    %sub3A_2217 = arith.subf %add3A_2197, %sub3A_2216 : vector<16x1024xf32>
    %mul3A_2218 = arith.mulf %sub3A_2217, %sub3A_2217 : vector<16x1024xf32>
    %reduce_sum3A_2219 = arith.constant dense<0.000000e+00> : vector<1024xf32>
    %reduce_sum3A_2220 = vector.multi_reduction <add>, %mul3A_2218, %reduce_sum3A_2219 [0] : vector<16x1024xf32> to vector<1024xf32>
    %broadcast_in_dim3A_2221 = vector.shape_cast %reduce_sum3A_2220 : vector<1024xf32> to vector<1x1024xf32>
    %add3A_2222 = arith.constant 9.99999996E-13 : f32
    %add3A_2223 = vector.broadcast %add3A_2222 : f32 to vector<1x1024xf32>
    %add3A_2224 = arith.addf %broadcast_in_dim3A_2221, %add3A_2223 : vector<1x1024xf32>
    %sqrt3A_2225 = math.sqrt %add3A_2224 : vector<1x1024xf32>
    %add3A_2226 = vector.broadcast %slice3A_2210 : vector<1x1xf32> to vector<1x1024xf32>
    %add3A_2227 = arith.addf %add3A_2226, %sqrt3A_2225 : vector<1x1024xf32>
    %div3A_2228 = arith.constant 1.000000e+00 : f32
    %div3A_2229 = vector.broadcast %div3A_2228 : f32 to vector<1x1024xf32>
    %div3A_2230 = arith.divf %div3A_2229, %add3A_2227 : vector<1x1024xf32>
    %mul3A_2231 = vector.broadcast %sub3A_2212 : vector<1x1xf32> to vector<1x1024xf32>
    %mul3A_2232 = arith.mulf %mul3A_2231, %div3A_2230 : vector<1x1024xf32>
    %mul3A_2233 = vector.broadcast %mul3A_2232 : vector<1x1024xf32> to vector<16x1024xf32>
    %mul3A_2234 = arith.mulf %mul3A_2233, %sub3A_2217 : vector<16x1024xf32>
    %add3A_2235 = arith.addf %add3A_2197, %mul3A_2234 : vector<16x1024xf32>
    %log1p3A_2236 = math.log1p %mul3A_2232 : vector<1x1024xf32>
    %mul3A_2237 = arith.constant 1.500000e+01 : f32
    %mul3A_2238 = vector.broadcast %mul3A_2237 : f32 to vector<1x1024xf32>
    %mul3A_2239 = arith.mulf %mul3A_2238, %log1p3A_2236 : vector<1x1024xf32>
    %add3A_2240 = arith.addf %add3A_2209, %mul3A_2239 : vector<1x1024xf32>
    %mul3A_2241 = vector.broadcast %sub3A_2212 : vector<1x1xf32> to vector<1x1024xf32>
    %mul3A_2242 = arith.mulf %mul3A_2241, %div3A_2230 : vector<1x1024xf32>
    %mul3A_2243 = arith.mulf %mul3A_2242, %div3A_2230 : vector<1x1024xf32>
    %mul3A_2244 = arith.mulf %mul3A_2243, %sqrt3A_2225 : vector<1x1024xf32>
    %sub3A_2245 = arith.subf %mul3A_2232, %mul3A_2244 : vector<1x1024xf32>
    %log1p3A_2246 = math.log1p %sub3A_2245 : vector<1x1024xf32>
    %add3A_2247 = arith.addf %add3A_2240, %log1p3A_2246 : vector<1x1024xf32>
    %slice3A_2248 = vector.extract_strided_slice %select_n3A {offsets = [0, 52], sizes = [1, 1], strides = [1, 1]} : vector<1x64xf32> to vector<1x1xf32>
    %slice3A_2249 = vector.extract_strided_slice %select_n3A_53 {offsets = [0, 52], sizes = [1, 1], strides = [1, 1]} : vector<1x64xf32> to vector<1x1xf32>
    %sub3A_2250 = arith.subf %slice3A_2249, %slice3A_2248 : vector<1x1xf32>
    %get3A_2251 = arith.constant 0 : index
    %get3A_2252 = arith.constant 52 : index
    %get3A_2253 = vector.load %arg7[%get3A_2251, %get3A_2252] : memref<16x64xf32, #tpu.memory_space<vmem>>, vector<16x1xf32>
    %sub3A_2254 = vector.broadcast %get3A_2253 : vector<16x1xf32> to vector<16x1024xf32>
    %sub3A_2255 = arith.subf %add3A_2235, %sub3A_2254 : vector<16x1024xf32>
    %mul3A_2256 = arith.mulf %sub3A_2255, %sub3A_2255 : vector<16x1024xf32>
    %reduce_sum3A_2257 = arith.constant dense<0.000000e+00> : vector<1024xf32>
    %reduce_sum3A_2258 = vector.multi_reduction <add>, %mul3A_2256, %reduce_sum3A_2257 [0] : vector<16x1024xf32> to vector<1024xf32>
    %broadcast_in_dim3A_2259 = vector.shape_cast %reduce_sum3A_2258 : vector<1024xf32> to vector<1x1024xf32>
    %add3A_2260 = arith.constant 9.99999996E-13 : f32
    %add3A_2261 = vector.broadcast %add3A_2260 : f32 to vector<1x1024xf32>
    %add3A_2262 = arith.addf %broadcast_in_dim3A_2259, %add3A_2261 : vector<1x1024xf32>
    %sqrt3A_2263 = math.sqrt %add3A_2262 : vector<1x1024xf32>
    %add3A_2264 = vector.broadcast %slice3A_2248 : vector<1x1xf32> to vector<1x1024xf32>
    %add3A_2265 = arith.addf %add3A_2264, %sqrt3A_2263 : vector<1x1024xf32>
    %div3A_2266 = arith.constant 1.000000e+00 : f32
    %div3A_2267 = vector.broadcast %div3A_2266 : f32 to vector<1x1024xf32>
    %div3A_2268 = arith.divf %div3A_2267, %add3A_2265 : vector<1x1024xf32>
    %mul3A_2269 = vector.broadcast %sub3A_2250 : vector<1x1xf32> to vector<1x1024xf32>
    %mul3A_2270 = arith.mulf %mul3A_2269, %div3A_2268 : vector<1x1024xf32>
    %mul3A_2271 = vector.broadcast %mul3A_2270 : vector<1x1024xf32> to vector<16x1024xf32>
    %mul3A_2272 = arith.mulf %mul3A_2271, %sub3A_2255 : vector<16x1024xf32>
    %add3A_2273 = arith.addf %add3A_2235, %mul3A_2272 : vector<16x1024xf32>
    %log1p3A_2274 = math.log1p %mul3A_2270 : vector<1x1024xf32>
    %mul3A_2275 = arith.constant 1.500000e+01 : f32
    %mul3A_2276 = vector.broadcast %mul3A_2275 : f32 to vector<1x1024xf32>
    %mul3A_2277 = arith.mulf %mul3A_2276, %log1p3A_2274 : vector<1x1024xf32>
    %add3A_2278 = arith.addf %add3A_2247, %mul3A_2277 : vector<1x1024xf32>
    %mul3A_2279 = vector.broadcast %sub3A_2250 : vector<1x1xf32> to vector<1x1024xf32>
    %mul3A_2280 = arith.mulf %mul3A_2279, %div3A_2268 : vector<1x1024xf32>
    %mul3A_2281 = arith.mulf %mul3A_2280, %div3A_2268 : vector<1x1024xf32>
    %mul3A_2282 = arith.mulf %mul3A_2281, %sqrt3A_2263 : vector<1x1024xf32>
    %sub3A_2283 = arith.subf %mul3A_2270, %mul3A_2282 : vector<1x1024xf32>
    %log1p3A_2284 = math.log1p %sub3A_2283 : vector<1x1024xf32>
    %add3A_2285 = arith.addf %add3A_2278, %log1p3A_2284 : vector<1x1024xf32>
    %slice3A_2286 = vector.extract_strided_slice %select_n3A {offsets = [0, 53], sizes = [1, 1], strides = [1, 1]} : vector<1x64xf32> to vector<1x1xf32>
    %slice3A_2287 = vector.extract_strided_slice %select_n3A_53 {offsets = [0, 53], sizes = [1, 1], strides = [1, 1]} : vector<1x64xf32> to vector<1x1xf32>
    %sub3A_2288 = arith.subf %slice3A_2287, %slice3A_2286 : vector<1x1xf32>
    %get3A_2289 = arith.constant 0 : index
    %get3A_2290 = arith.constant 53 : index
    %get3A_2291 = vector.load %arg7[%get3A_2289, %get3A_2290] : memref<16x64xf32, #tpu.memory_space<vmem>>, vector<16x1xf32>
    %sub3A_2292 = vector.broadcast %get3A_2291 : vector<16x1xf32> to vector<16x1024xf32>
    %sub3A_2293 = arith.subf %add3A_2273, %sub3A_2292 : vector<16x1024xf32>
    %mul3A_2294 = arith.mulf %sub3A_2293, %sub3A_2293 : vector<16x1024xf32>
    %reduce_sum3A_2295 = arith.constant dense<0.000000e+00> : vector<1024xf32>
    %reduce_sum3A_2296 = vector.multi_reduction <add>, %mul3A_2294, %reduce_sum3A_2295 [0] : vector<16x1024xf32> to vector<1024xf32>
    %broadcast_in_dim3A_2297 = vector.shape_cast %reduce_sum3A_2296 : vector<1024xf32> to vector<1x1024xf32>
    %add3A_2298 = arith.constant 9.99999996E-13 : f32
    %add3A_2299 = vector.broadcast %add3A_2298 : f32 to vector<1x1024xf32>
    %add3A_2300 = arith.addf %broadcast_in_dim3A_2297, %add3A_2299 : vector<1x1024xf32>
    %sqrt3A_2301 = math.sqrt %add3A_2300 : vector<1x1024xf32>
    %add3A_2302 = vector.broadcast %slice3A_2286 : vector<1x1xf32> to vector<1x1024xf32>
    %add3A_2303 = arith.addf %add3A_2302, %sqrt3A_2301 : vector<1x1024xf32>
    %div3A_2304 = arith.constant 1.000000e+00 : f32
    %div3A_2305 = vector.broadcast %div3A_2304 : f32 to vector<1x1024xf32>
    %div3A_2306 = arith.divf %div3A_2305, %add3A_2303 : vector<1x1024xf32>
    %mul3A_2307 = vector.broadcast %sub3A_2288 : vector<1x1xf32> to vector<1x1024xf32>
    %mul3A_2308 = arith.mulf %mul3A_2307, %div3A_2306 : vector<1x1024xf32>
    %mul3A_2309 = vector.broadcast %mul3A_2308 : vector<1x1024xf32> to vector<16x1024xf32>
    %mul3A_2310 = arith.mulf %mul3A_2309, %sub3A_2293 : vector<16x1024xf32>
    %add3A_2311 = arith.addf %add3A_2273, %mul3A_2310 : vector<16x1024xf32>
    %log1p3A_2312 = math.log1p %mul3A_2308 : vector<1x1024xf32>
    %mul3A_2313 = arith.constant 1.500000e+01 : f32
    %mul3A_2314 = vector.broadcast %mul3A_2313 : f32 to vector<1x1024xf32>
    %mul3A_2315 = arith.mulf %mul3A_2314, %log1p3A_2312 : vector<1x1024xf32>
    %add3A_2316 = arith.addf %add3A_2285, %mul3A_2315 : vector<1x1024xf32>
    %mul3A_2317 = vector.broadcast %sub3A_2288 : vector<1x1xf32> to vector<1x1024xf32>
    %mul3A_2318 = arith.mulf %mul3A_2317, %div3A_2306 : vector<1x1024xf32>
    %mul3A_2319 = arith.mulf %mul3A_2318, %div3A_2306 : vector<1x1024xf32>
    %mul3A_2320 = arith.mulf %mul3A_2319, %sqrt3A_2301 : vector<1x1024xf32>
    %sub3A_2321 = arith.subf %mul3A_2308, %mul3A_2320 : vector<1x1024xf32>
    %log1p3A_2322 = math.log1p %sub3A_2321 : vector<1x1024xf32>
    %add3A_2323 = arith.addf %add3A_2316, %log1p3A_2322 : vector<1x1024xf32>
    %mul3A_2324 = arith.mulf %add3A_2311, %add3A_2311 : vector<16x1024xf32>
    %reduce_sum3A_2325 = arith.constant dense<0.000000e+00> : vector<1024xf32>
    %reduce_sum3A_2326 = vector.multi_reduction <add>, %mul3A_2324, %reduce_sum3A_2325 [0] : vector<16x1024xf32> to vector<1024xf32>
    %broadcast_in_dim3A_2327 = vector.shape_cast %reduce_sum3A_2326 : vector<1024xf32> to vector<1x1024xf32>
    %add3A_2328 = arith.constant 29.4060326 : f32
    %add3A_2329 = vector.broadcast %add3A_2328 : f32 to vector<1x1024xf32>
    %add3A_2330 = arith.addf %add3A_2329, %broadcast_in_dim3A_2327 : vector<1x1024xf32>
    %mul3A_2331 = arith.constant -5.000000e-01 : f32
    %mul3A_2332 = vector.broadcast %mul3A_2331 : f32 to vector<1x1024xf32>
    %mul3A_2333 = arith.mulf %mul3A_2332, %add3A_2330 : vector<1x1024xf32>
    %add3A_2334 = arith.addf %mul3A_2333, %add3A_2323 : vector<1x1024xf32>
    %get3A_2335 = arith.constant 0 : index
    %get3A_2336 = arith.constant 8 : index
    %get3A_2337 = vector.load %arg11[%get3A_2335, %get3A_2336] : memref<1x128xf32, #tpu.memory_space<vmem>>, vector<1x1xf32>
    %add3A_2338 = vector.broadcast %get3A_2337 : vector<1x1xf32> to vector<1x1024xf32>
    %add3A_2339 = arith.addf %add3A_2334, %add3A_2338 : vector<1x1024xf32>
    %add3A_2340 = arith.constant 20.2481937 : f32
    %add3A_2341 = vector.broadcast %add3A_2340 : f32 to vector<1x1024xf32>
    %add3A_2342 = arith.addf %add3A_2339, %add3A_2341 : vector<1x1024xf32>
    %jit3A_2343 = arith.constant -3.000000e+01 : f32
    %jit3A_2344 = arith.constant 3.000000e+01 : f32
    %max3A_2345 = vector.broadcast %jit3A_2343 : f32 to vector<1x1024xf32>
    %max3A_2346 = arith.maximumf %max3A_2345, %add3A_2342 : vector<1x1024xf32>
    %min3A_2347 = vector.broadcast %jit3A_2344 : f32 to vector<1x1024xf32>
    %min3A_2348 = arith.minimumf %min3A_2347, %max3A_2346 : vector<1x1024xf32>
    %exp3A_2349 = math.exp %min3A_2348 : vector<1x1024xf32>
    %broadcast_in_dim3A_2350 = arith.constant 0.000000e+00 : f32
    %broadcast_in_dim3A_2351 = vector.broadcast %broadcast_in_dim3A_2350 : f32 to vector<1x1024xf32>
    %slice3A_2352 = vector.extract_strided_slice %select_n3A {offsets = [0, 54], sizes = [1, 1], strides = [1, 1]} : vector<1x64xf32> to vector<1x1xf32>
    %slice3A_2353 = vector.extract_strided_slice %select_n3A_53 {offsets = [0, 54], sizes = [1, 1], strides = [1, 1]} : vector<1x64xf32> to vector<1x1xf32>
    %sub3A_2354 = arith.subf %slice3A_2353, %slice3A_2352 : vector<1x1xf32>
    %get3A_2355 = arith.constant 0 : index
    %get3A_2356 = arith.constant 54 : index
    %get3A_2357 = vector.load %arg7[%get3A_2355, %get3A_2356] : memref<16x64xf32, #tpu.memory_space<vmem>>, vector<16x1xf32>
    %sub3A_2358 = vector.broadcast %get3A_2357 : vector<16x1xf32> to vector<16x1024xf32>
    %sub3A_2359 = arith.subf %add3A_23, %sub3A_2358 : vector<16x1024xf32>
    %mul3A_2360 = arith.mulf %sub3A_2359, %sub3A_2359 : vector<16x1024xf32>
    %reduce_sum3A_2361 = arith.constant dense<0.000000e+00> : vector<1024xf32>
    %reduce_sum3A_2362 = vector.multi_reduction <add>, %mul3A_2360, %reduce_sum3A_2361 [0] : vector<16x1024xf32> to vector<1024xf32>
    %broadcast_in_dim3A_2363 = vector.shape_cast %reduce_sum3A_2362 : vector<1024xf32> to vector<1x1024xf32>
    %add3A_2364 = arith.constant 9.99999996E-13 : f32
    %add3A_2365 = vector.broadcast %add3A_2364 : f32 to vector<1x1024xf32>
    %add3A_2366 = arith.addf %broadcast_in_dim3A_2363, %add3A_2365 : vector<1x1024xf32>
    %sqrt3A_2367 = math.sqrt %add3A_2366 : vector<1x1024xf32>
    %add3A_2368 = vector.broadcast %slice3A_2352 : vector<1x1xf32> to vector<1x1024xf32>
    %add3A_2369 = arith.addf %add3A_2368, %sqrt3A_2367 : vector<1x1024xf32>
    %div3A_2370 = arith.constant 1.000000e+00 : f32
    %div3A_2371 = vector.broadcast %div3A_2370 : f32 to vector<1x1024xf32>
    %div3A_2372 = arith.divf %div3A_2371, %add3A_2369 : vector<1x1024xf32>
    %mul3A_2373 = vector.broadcast %sub3A_2354 : vector<1x1xf32> to vector<1x1024xf32>
    %mul3A_2374 = arith.mulf %mul3A_2373, %div3A_2372 : vector<1x1024xf32>
    %mul3A_2375 = vector.broadcast %mul3A_2374 : vector<1x1024xf32> to vector<16x1024xf32>
    %mul3A_2376 = arith.mulf %mul3A_2375, %sub3A_2359 : vector<16x1024xf32>
    %add3A_2377 = arith.addf %add3A_23, %mul3A_2376 : vector<16x1024xf32>
    %log1p3A_2378 = math.log1p %mul3A_2374 : vector<1x1024xf32>
    %mul3A_2379 = arith.constant 1.500000e+01 : f32
    %mul3A_2380 = vector.broadcast %mul3A_2379 : f32 to vector<1x1024xf32>
    %mul3A_2381 = arith.mulf %mul3A_2380, %log1p3A_2378 : vector<1x1024xf32>
    %add3A_2382 = arith.addf %broadcast_in_dim3A_2351, %mul3A_2381 : vector<1x1024xf32>
    %mul3A_2383 = vector.broadcast %sub3A_2354 : vector<1x1xf32> to vector<1x1024xf32>
    %mul3A_2384 = arith.mulf %mul3A_2383, %div3A_2372 : vector<1x1024xf32>
    %mul3A_2385 = arith.mulf %mul3A_2384, %div3A_2372 : vector<1x1024xf32>
    %mul3A_2386 = arith.mulf %mul3A_2385, %sqrt3A_2367 : vector<1x1024xf32>
    %sub3A_2387 = arith.subf %mul3A_2374, %mul3A_2386 : vector<1x1024xf32>
    %log1p3A_2388 = math.log1p %sub3A_2387 : vector<1x1024xf32>
    %add3A_2389 = arith.addf %add3A_2382, %log1p3A_2388 : vector<1x1024xf32>
    %slice3A_2390 = vector.extract_strided_slice %select_n3A {offsets = [0, 55], sizes = [1, 1], strides = [1, 1]} : vector<1x64xf32> to vector<1x1xf32>
    %slice3A_2391 = vector.extract_strided_slice %select_n3A_53 {offsets = [0, 55], sizes = [1, 1], strides = [1, 1]} : vector<1x64xf32> to vector<1x1xf32>
    %sub3A_2392 = arith.subf %slice3A_2391, %slice3A_2390 : vector<1x1xf32>
    %get3A_2393 = arith.constant 0 : index
    %get3A_2394 = arith.constant 55 : index
    %get3A_2395 = vector.load %arg7[%get3A_2393, %get3A_2394] : memref<16x64xf32, #tpu.memory_space<vmem>>, vector<16x1xf32>
    %sub3A_2396 = vector.broadcast %get3A_2395 : vector<16x1xf32> to vector<16x1024xf32>
    %sub3A_2397 = arith.subf %add3A_2377, %sub3A_2396 : vector<16x1024xf32>
    %mul3A_2398 = arith.mulf %sub3A_2397, %sub3A_2397 : vector<16x1024xf32>
    %reduce_sum3A_2399 = arith.constant dense<0.000000e+00> : vector<1024xf32>
    %reduce_sum3A_2400 = vector.multi_reduction <add>, %mul3A_2398, %reduce_sum3A_2399 [0] : vector<16x1024xf32> to vector<1024xf32>
    %broadcast_in_dim3A_2401 = vector.shape_cast %reduce_sum3A_2400 : vector<1024xf32> to vector<1x1024xf32>
    %add3A_2402 = arith.constant 9.99999996E-13 : f32
    %add3A_2403 = vector.broadcast %add3A_2402 : f32 to vector<1x1024xf32>
    %add3A_2404 = arith.addf %broadcast_in_dim3A_2401, %add3A_2403 : vector<1x1024xf32>
    %sqrt3A_2405 = math.sqrt %add3A_2404 : vector<1x1024xf32>
    %add3A_2406 = vector.broadcast %slice3A_2390 : vector<1x1xf32> to vector<1x1024xf32>
    %add3A_2407 = arith.addf %add3A_2406, %sqrt3A_2405 : vector<1x1024xf32>
    %div3A_2408 = arith.constant 1.000000e+00 : f32
    %div3A_2409 = vector.broadcast %div3A_2408 : f32 to vector<1x1024xf32>
    %div3A_2410 = arith.divf %div3A_2409, %add3A_2407 : vector<1x1024xf32>
    %mul3A_2411 = vector.broadcast %sub3A_2392 : vector<1x1xf32> to vector<1x1024xf32>
    %mul3A_2412 = arith.mulf %mul3A_2411, %div3A_2410 : vector<1x1024xf32>
    %mul3A_2413 = vector.broadcast %mul3A_2412 : vector<1x1024xf32> to vector<16x1024xf32>
    %mul3A_2414 = arith.mulf %mul3A_2413, %sub3A_2397 : vector<16x1024xf32>
    %add3A_2415 = arith.addf %add3A_2377, %mul3A_2414 : vector<16x1024xf32>
    %log1p3A_2416 = math.log1p %mul3A_2412 : vector<1x1024xf32>
    %mul3A_2417 = arith.constant 1.500000e+01 : f32
    %mul3A_2418 = vector.broadcast %mul3A_2417 : f32 to vector<1x1024xf32>
    %mul3A_2419 = arith.mulf %mul3A_2418, %log1p3A_2416 : vector<1x1024xf32>
    %add3A_2420 = arith.addf %add3A_2389, %mul3A_2419 : vector<1x1024xf32>
    %mul3A_2421 = vector.broadcast %sub3A_2392 : vector<1x1xf32> to vector<1x1024xf32>
    %mul3A_2422 = arith.mulf %mul3A_2421, %div3A_2410 : vector<1x1024xf32>
    %mul3A_2423 = arith.mulf %mul3A_2422, %div3A_2410 : vector<1x1024xf32>
    %mul3A_2424 = arith.mulf %mul3A_2423, %sqrt3A_2405 : vector<1x1024xf32>
    %sub3A_2425 = arith.subf %mul3A_2412, %mul3A_2424 : vector<1x1024xf32>
    %log1p3A_2426 = math.log1p %sub3A_2425 : vector<1x1024xf32>
    %add3A_2427 = arith.addf %add3A_2420, %log1p3A_2426 : vector<1x1024xf32>
    %slice3A_2428 = vector.extract_strided_slice %select_n3A {offsets = [0, 56], sizes = [1, 1], strides = [1, 1]} : vector<1x64xf32> to vector<1x1xf32>
    %slice3A_2429 = vector.extract_strided_slice %select_n3A_53 {offsets = [0, 56], sizes = [1, 1], strides = [1, 1]} : vector<1x64xf32> to vector<1x1xf32>
    %sub3A_2430 = arith.subf %slice3A_2429, %slice3A_2428 : vector<1x1xf32>
    %get3A_2431 = arith.constant 0 : index
    %get3A_2432 = arith.constant 56 : index
    %get3A_2433 = vector.load %arg7[%get3A_2431, %get3A_2432] : memref<16x64xf32, #tpu.memory_space<vmem>>, vector<16x1xf32>
    %sub3A_2434 = vector.broadcast %get3A_2433 : vector<16x1xf32> to vector<16x1024xf32>
    %sub3A_2435 = arith.subf %add3A_2415, %sub3A_2434 : vector<16x1024xf32>
    %mul3A_2436 = arith.mulf %sub3A_2435, %sub3A_2435 : vector<16x1024xf32>
    %reduce_sum3A_2437 = arith.constant dense<0.000000e+00> : vector<1024xf32>
    %reduce_sum3A_2438 = vector.multi_reduction <add>, %mul3A_2436, %reduce_sum3A_2437 [0] : vector<16x1024xf32> to vector<1024xf32>
    %broadcast_in_dim3A_2439 = vector.shape_cast %reduce_sum3A_2438 : vector<1024xf32> to vector<1x1024xf32>
    %add3A_2440 = arith.constant 9.99999996E-13 : f32
    %add3A_2441 = vector.broadcast %add3A_2440 : f32 to vector<1x1024xf32>
    %add3A_2442 = arith.addf %broadcast_in_dim3A_2439, %add3A_2441 : vector<1x1024xf32>
    %sqrt3A_2443 = math.sqrt %add3A_2442 : vector<1x1024xf32>
    %add3A_2444 = vector.broadcast %slice3A_2428 : vector<1x1xf32> to vector<1x1024xf32>
    %add3A_2445 = arith.addf %add3A_2444, %sqrt3A_2443 : vector<1x1024xf32>
    %div3A_2446 = arith.constant 1.000000e+00 : f32
    %div3A_2447 = vector.broadcast %div3A_2446 : f32 to vector<1x1024xf32>
    %div3A_2448 = arith.divf %div3A_2447, %add3A_2445 : vector<1x1024xf32>
    %mul3A_2449 = vector.broadcast %sub3A_2430 : vector<1x1xf32> to vector<1x1024xf32>
    %mul3A_2450 = arith.mulf %mul3A_2449, %div3A_2448 : vector<1x1024xf32>
    %mul3A_2451 = vector.broadcast %mul3A_2450 : vector<1x1024xf32> to vector<16x1024xf32>
    %mul3A_2452 = arith.mulf %mul3A_2451, %sub3A_2435 : vector<16x1024xf32>
    %add3A_2453 = arith.addf %add3A_2415, %mul3A_2452 : vector<16x1024xf32>
    %log1p3A_2454 = math.log1p %mul3A_2450 : vector<1x1024xf32>
    %mul3A_2455 = arith.constant 1.500000e+01 : f32
    %mul3A_2456 = vector.broadcast %mul3A_2455 : f32 to vector<1x1024xf32>
    %mul3A_2457 = arith.mulf %mul3A_2456, %log1p3A_2454 : vector<1x1024xf32>
    %add3A_2458 = arith.addf %add3A_2427, %mul3A_2457 : vector<1x1024xf32>
    %mul3A_2459 = vector.broadcast %sub3A_2430 : vector<1x1xf32> to vector<1x1024xf32>
    %mul3A_2460 = arith.mulf %mul3A_2459, %div3A_2448 : vector<1x1024xf32>
    %mul3A_2461 = arith.mulf %mul3A_2460, %div3A_2448 : vector<1x1024xf32>
    %mul3A_2462 = arith.mulf %mul3A_2461, %sqrt3A_2443 : vector<1x1024xf32>
    %sub3A_2463 = arith.subf %mul3A_2450, %mul3A_2462 : vector<1x1024xf32>
    %log1p3A_2464 = math.log1p %sub3A_2463 : vector<1x1024xf32>
    %add3A_2465 = arith.addf %add3A_2458, %log1p3A_2464 : vector<1x1024xf32>
    %slice3A_2466 = vector.extract_strided_slice %select_n3A {offsets = [0, 57], sizes = [1, 1], strides = [1, 1]} : vector<1x64xf32> to vector<1x1xf32>
    %slice3A_2467 = vector.extract_strided_slice %select_n3A_53 {offsets = [0, 57], sizes = [1, 1], strides = [1, 1]} : vector<1x64xf32> to vector<1x1xf32>
    %sub3A_2468 = arith.subf %slice3A_2467, %slice3A_2466 : vector<1x1xf32>
    %get3A_2469 = arith.constant 0 : index
    %get3A_2470 = arith.constant 57 : index
    %get3A_2471 = vector.load %arg7[%get3A_2469, %get3A_2470] : memref<16x64xf32, #tpu.memory_space<vmem>>, vector<16x1xf32>
    %sub3A_2472 = vector.broadcast %get3A_2471 : vector<16x1xf32> to vector<16x1024xf32>
    %sub3A_2473 = arith.subf %add3A_2453, %sub3A_2472 : vector<16x1024xf32>
    %mul3A_2474 = arith.mulf %sub3A_2473, %sub3A_2473 : vector<16x1024xf32>
    %reduce_sum3A_2475 = arith.constant dense<0.000000e+00> : vector<1024xf32>
    %reduce_sum3A_2476 = vector.multi_reduction <add>, %mul3A_2474, %reduce_sum3A_2475 [0] : vector<16x1024xf32> to vector<1024xf32>
    %broadcast_in_dim3A_2477 = vector.shape_cast %reduce_sum3A_2476 : vector<1024xf32> to vector<1x1024xf32>
    %add3A_2478 = arith.constant 9.99999996E-13 : f32
    %add3A_2479 = vector.broadcast %add3A_2478 : f32 to vector<1x1024xf32>
    %add3A_2480 = arith.addf %broadcast_in_dim3A_2477, %add3A_2479 : vector<1x1024xf32>
    %sqrt3A_2481 = math.sqrt %add3A_2480 : vector<1x1024xf32>
    %add3A_2482 = vector.broadcast %slice3A_2466 : vector<1x1xf32> to vector<1x1024xf32>
    %add3A_2483 = arith.addf %add3A_2482, %sqrt3A_2481 : vector<1x1024xf32>
    %div3A_2484 = arith.constant 1.000000e+00 : f32
    %div3A_2485 = vector.broadcast %div3A_2484 : f32 to vector<1x1024xf32>
    %div3A_2486 = arith.divf %div3A_2485, %add3A_2483 : vector<1x1024xf32>
    %mul3A_2487 = vector.broadcast %sub3A_2468 : vector<1x1xf32> to vector<1x1024xf32>
    %mul3A_2488 = arith.mulf %mul3A_2487, %div3A_2486 : vector<1x1024xf32>
    %mul3A_2489 = vector.broadcast %mul3A_2488 : vector<1x1024xf32> to vector<16x1024xf32>
    %mul3A_2490 = arith.mulf %mul3A_2489, %sub3A_2473 : vector<16x1024xf32>
    %add3A_2491 = arith.addf %add3A_2453, %mul3A_2490 : vector<16x1024xf32>
    %log1p3A_2492 = math.log1p %mul3A_2488 : vector<1x1024xf32>
    %mul3A_2493 = arith.constant 1.500000e+01 : f32
    %mul3A_2494 = vector.broadcast %mul3A_2493 : f32 to vector<1x1024xf32>
    %mul3A_2495 = arith.mulf %mul3A_2494, %log1p3A_2492 : vector<1x1024xf32>
    %add3A_2496 = arith.addf %add3A_2465, %mul3A_2495 : vector<1x1024xf32>
    %mul3A_2497 = vector.broadcast %sub3A_2468 : vector<1x1xf32> to vector<1x1024xf32>
    %mul3A_2498 = arith.mulf %mul3A_2497, %div3A_2486 : vector<1x1024xf32>
    %mul3A_2499 = arith.mulf %mul3A_2498, %div3A_2486 : vector<1x1024xf32>
    %mul3A_2500 = arith.mulf %mul3A_2499, %sqrt3A_2481 : vector<1x1024xf32>
    %sub3A_2501 = arith.subf %mul3A_2488, %mul3A_2500 : vector<1x1024xf32>
    %log1p3A_2502 = math.log1p %sub3A_2501 : vector<1x1024xf32>
    %add3A_2503 = arith.addf %add3A_2496, %log1p3A_2502 : vector<1x1024xf32>
    %slice3A_2504 = vector.extract_strided_slice %select_n3A {offsets = [0, 58], sizes = [1, 1], strides = [1, 1]} : vector<1x64xf32> to vector<1x1xf32>
    %slice3A_2505 = vector.extract_strided_slice %select_n3A_53 {offsets = [0, 58], sizes = [1, 1], strides = [1, 1]} : vector<1x64xf32> to vector<1x1xf32>
    %sub3A_2506 = arith.subf %slice3A_2505, %slice3A_2504 : vector<1x1xf32>
    %get3A_2507 = arith.constant 0 : index
    %get3A_2508 = arith.constant 58 : index
    %get3A_2509 = vector.load %arg7[%get3A_2507, %get3A_2508] : memref<16x64xf32, #tpu.memory_space<vmem>>, vector<16x1xf32>
    %sub3A_2510 = vector.broadcast %get3A_2509 : vector<16x1xf32> to vector<16x1024xf32>
    %sub3A_2511 = arith.subf %add3A_2491, %sub3A_2510 : vector<16x1024xf32>
    %mul3A_2512 = arith.mulf %sub3A_2511, %sub3A_2511 : vector<16x1024xf32>
    %reduce_sum3A_2513 = arith.constant dense<0.000000e+00> : vector<1024xf32>
    %reduce_sum3A_2514 = vector.multi_reduction <add>, %mul3A_2512, %reduce_sum3A_2513 [0] : vector<16x1024xf32> to vector<1024xf32>
    %broadcast_in_dim3A_2515 = vector.shape_cast %reduce_sum3A_2514 : vector<1024xf32> to vector<1x1024xf32>
    %add3A_2516 = arith.constant 9.99999996E-13 : f32
    %add3A_2517 = vector.broadcast %add3A_2516 : f32 to vector<1x1024xf32>
    %add3A_2518 = arith.addf %broadcast_in_dim3A_2515, %add3A_2517 : vector<1x1024xf32>
    %sqrt3A_2519 = math.sqrt %add3A_2518 : vector<1x1024xf32>
    %add3A_2520 = vector.broadcast %slice3A_2504 : vector<1x1xf32> to vector<1x1024xf32>
    %add3A_2521 = arith.addf %add3A_2520, %sqrt3A_2519 : vector<1x1024xf32>
    %div3A_2522 = arith.constant 1.000000e+00 : f32
    %div3A_2523 = vector.broadcast %div3A_2522 : f32 to vector<1x1024xf32>
    %div3A_2524 = arith.divf %div3A_2523, %add3A_2521 : vector<1x1024xf32>
    %mul3A_2525 = vector.broadcast %sub3A_2506 : vector<1x1xf32> to vector<1x1024xf32>
    %mul3A_2526 = arith.mulf %mul3A_2525, %div3A_2524 : vector<1x1024xf32>
    %mul3A_2527 = vector.broadcast %mul3A_2526 : vector<1x1024xf32> to vector<16x1024xf32>
    %mul3A_2528 = arith.mulf %mul3A_2527, %sub3A_2511 : vector<16x1024xf32>
    %add3A_2529 = arith.addf %add3A_2491, %mul3A_2528 : vector<16x1024xf32>
    %log1p3A_2530 = math.log1p %mul3A_2526 : vector<1x1024xf32>
    %mul3A_2531 = arith.constant 1.500000e+01 : f32
    %mul3A_2532 = vector.broadcast %mul3A_2531 : f32 to vector<1x1024xf32>
    %mul3A_2533 = arith.mulf %mul3A_2532, %log1p3A_2530 : vector<1x1024xf32>
    %add3A_2534 = arith.addf %add3A_2503, %mul3A_2533 : vector<1x1024xf32>
    %mul3A_2535 = vector.broadcast %sub3A_2506 : vector<1x1xf32> to vector<1x1024xf32>
    %mul3A_2536 = arith.mulf %mul3A_2535, %div3A_2524 : vector<1x1024xf32>
    %mul3A_2537 = arith.mulf %mul3A_2536, %div3A_2524 : vector<1x1024xf32>
    %mul3A_2538 = arith.mulf %mul3A_2537, %sqrt3A_2519 : vector<1x1024xf32>
    %sub3A_2539 = arith.subf %mul3A_2526, %mul3A_2538 : vector<1x1024xf32>
    %log1p3A_2540 = math.log1p %sub3A_2539 : vector<1x1024xf32>
    %add3A_2541 = arith.addf %add3A_2534, %log1p3A_2540 : vector<1x1024xf32>
    %slice3A_2542 = vector.extract_strided_slice %select_n3A {offsets = [0, 59], sizes = [1, 1], strides = [1, 1]} : vector<1x64xf32> to vector<1x1xf32>
    %slice3A_2543 = vector.extract_strided_slice %select_n3A_53 {offsets = [0, 59], sizes = [1, 1], strides = [1, 1]} : vector<1x64xf32> to vector<1x1xf32>
    %sub3A_2544 = arith.subf %slice3A_2543, %slice3A_2542 : vector<1x1xf32>
    %get3A_2545 = arith.constant 0 : index
    %get3A_2546 = arith.constant 59 : index
    %get3A_2547 = vector.load %arg7[%get3A_2545, %get3A_2546] : memref<16x64xf32, #tpu.memory_space<vmem>>, vector<16x1xf32>
    %sub3A_2548 = vector.broadcast %get3A_2547 : vector<16x1xf32> to vector<16x1024xf32>
    %sub3A_2549 = arith.subf %add3A_2529, %sub3A_2548 : vector<16x1024xf32>
    %mul3A_2550 = arith.mulf %sub3A_2549, %sub3A_2549 : vector<16x1024xf32>
    %reduce_sum3A_2551 = arith.constant dense<0.000000e+00> : vector<1024xf32>
    %reduce_sum3A_2552 = vector.multi_reduction <add>, %mul3A_2550, %reduce_sum3A_2551 [0] : vector<16x1024xf32> to vector<1024xf32>
    %broadcast_in_dim3A_2553 = vector.shape_cast %reduce_sum3A_2552 : vector<1024xf32> to vector<1x1024xf32>
    %add3A_2554 = arith.constant 9.99999996E-13 : f32
    %add3A_2555 = vector.broadcast %add3A_2554 : f32 to vector<1x1024xf32>
    %add3A_2556 = arith.addf %broadcast_in_dim3A_2553, %add3A_2555 : vector<1x1024xf32>
    %sqrt3A_2557 = math.sqrt %add3A_2556 : vector<1x1024xf32>
    %add3A_2558 = vector.broadcast %slice3A_2542 : vector<1x1xf32> to vector<1x1024xf32>
    %add3A_2559 = arith.addf %add3A_2558, %sqrt3A_2557 : vector<1x1024xf32>
    %div3A_2560 = arith.constant 1.000000e+00 : f32
    %div3A_2561 = vector.broadcast %div3A_2560 : f32 to vector<1x1024xf32>
    %div3A_2562 = arith.divf %div3A_2561, %add3A_2559 : vector<1x1024xf32>
    %mul3A_2563 = vector.broadcast %sub3A_2544 : vector<1x1xf32> to vector<1x1024xf32>
    %mul3A_2564 = arith.mulf %mul3A_2563, %div3A_2562 : vector<1x1024xf32>
    %mul3A_2565 = vector.broadcast %mul3A_2564 : vector<1x1024xf32> to vector<16x1024xf32>
    %mul3A_2566 = arith.mulf %mul3A_2565, %sub3A_2549 : vector<16x1024xf32>
    %add3A_2567 = arith.addf %add3A_2529, %mul3A_2566 : vector<16x1024xf32>
    %log1p3A_2568 = math.log1p %mul3A_2564 : vector<1x1024xf32>
    %mul3A_2569 = arith.constant 1.500000e+01 : f32
    %mul3A_2570 = vector.broadcast %mul3A_2569 : f32 to vector<1x1024xf32>
    %mul3A_2571 = arith.mulf %mul3A_2570, %log1p3A_2568 : vector<1x1024xf32>
    %add3A_2572 = arith.addf %add3A_2541, %mul3A_2571 : vector<1x1024xf32>
    %mul3A_2573 = vector.broadcast %sub3A_2544 : vector<1x1xf32> to vector<1x1024xf32>
    %mul3A_2574 = arith.mulf %mul3A_2573, %div3A_2562 : vector<1x1024xf32>
    %mul3A_2575 = arith.mulf %mul3A_2574, %div3A_2562 : vector<1x1024xf32>
    %mul3A_2576 = arith.mulf %mul3A_2575, %sqrt3A_2557 : vector<1x1024xf32>
    %sub3A_2577 = arith.subf %mul3A_2564, %mul3A_2576 : vector<1x1024xf32>
    %log1p3A_2578 = math.log1p %sub3A_2577 : vector<1x1024xf32>
    %add3A_2579 = arith.addf %add3A_2572, %log1p3A_2578 : vector<1x1024xf32>
    %mul3A_2580 = arith.mulf %add3A_2567, %add3A_2567 : vector<16x1024xf32>
    %reduce_sum3A_2581 = arith.constant dense<0.000000e+00> : vector<1024xf32>
    %reduce_sum3A_2582 = vector.multi_reduction <add>, %mul3A_2580, %reduce_sum3A_2581 [0] : vector<16x1024xf32> to vector<1024xf32>
    %broadcast_in_dim3A_2583 = vector.shape_cast %reduce_sum3A_2582 : vector<1024xf32> to vector<1x1024xf32>
    %add3A_2584 = arith.constant 29.4060326 : f32
    %add3A_2585 = vector.broadcast %add3A_2584 : f32 to vector<1x1024xf32>
    %add3A_2586 = arith.addf %add3A_2585, %broadcast_in_dim3A_2583 : vector<1x1024xf32>
    %mul3A_2587 = arith.constant -5.000000e-01 : f32
    %mul3A_2588 = vector.broadcast %mul3A_2587 : f32 to vector<1x1024xf32>
    %mul3A_2589 = arith.mulf %mul3A_2588, %add3A_2586 : vector<1x1024xf32>
    %add3A_2590 = arith.addf %mul3A_2589, %add3A_2579 : vector<1x1024xf32>
    %get3A_2591 = arith.constant 0 : index
    %get3A_2592 = arith.constant 9 : index
    %get3A_2593 = vector.load %arg11[%get3A_2591, %get3A_2592] : memref<1x128xf32, #tpu.memory_space<vmem>>, vector<1x1xf32>
    %add3A_2594 = vector.broadcast %get3A_2593 : vector<1x1xf32> to vector<1x1024xf32>
    %add3A_2595 = arith.addf %add3A_2590, %add3A_2594 : vector<1x1024xf32>
    %add3A_2596 = arith.constant 20.2481937 : f32
    %add3A_2597 = vector.broadcast %add3A_2596 : f32 to vector<1x1024xf32>
    %add3A_2598 = arith.addf %add3A_2595, %add3A_2597 : vector<1x1024xf32>
    %jit3A_2599 = arith.constant -3.000000e+01 : f32
    %jit3A_2600 = arith.constant 3.000000e+01 : f32
    %max3A_2601 = vector.broadcast %jit3A_2599 : f32 to vector<1x1024xf32>
    %max3A_2602 = arith.maximumf %max3A_2601, %add3A_2598 : vector<1x1024xf32>
    %min3A_2603 = vector.broadcast %jit3A_2600 : f32 to vector<1x1024xf32>
    %min3A_2604 = arith.minimumf %min3A_2603, %max3A_2602 : vector<1x1024xf32>
    %exp3A_2605 = math.exp %min3A_2604 : vector<1x1024xf32>
    %broadcast_in_dim3A_2606 = arith.constant 0.000000e+00 : f32
    %broadcast_in_dim3A_2607 = vector.broadcast %broadcast_in_dim3A_2606 : f32 to vector<6x1024xf32>
    %concatenate3A = tpu.concatenate %exp3A_301, %exp3A_557, %exp3A_813, %exp3A_1069, %exp3A_1325, %exp3A_1581, %exp3A_1837, %exp3A_2093, %exp3A_2349, %exp3A_2605, %broadcast_in_dim3A_2607 in 0 : vector<1x1024xf32>, vector<1x1024xf32>, vector<1x1024xf32>, vector<1x1024xf32>, vector<1x1024xf32>, vector<1x1024xf32>, vector<1x1024xf32>, vector<1x1024xf32>, vector<1x1024xf32>, vector<1x1024xf32>, vector<6x1024xf32> -> vector<16x1024xf32>
    %swap3A = arith.constant 0 : index
    %swap3A_2608 = arith.constant 0 : index
    %swap3A_2609 = vector.load %arg10[%swap3A, %swap3A_2608] : memref<16x1024xf32, #tpu.memory_space<vmem>>, vector<16x1024xf32>
    tpu.vector_store %arg10[%swap3A, %swap3A_2608], %concatenate3A {strides = array<i32>} : memref<16x1024xf32, #tpu.memory_space<vmem>>, vector<16x1024xf32>,
    return
  }
  func.func @transform_0(%arg0: i32) -> (i32, i32) {
    %c0_i32 = arith.constant 0 : i32
    %c0_i32_0 = arith.constant 0 : i32
    %c0_i32_1 = arith.constant 0 : i32
    return %c0_i32, %c0_i32_0 : i32, i32
  }
  func.func @transform_1(%arg0: i32) -> (i32, i32) {
    %c0_i32 = arith.constant 0 : i32
    %c0_i32_0 = arith.constant 0 : i32
    return %arg0, %c0_i32 : i32, i32
  }
  func.func @transform_2(%arg0: i32) -> (i32, i32) {
    %c0_i32 = arith.constant 0 : i32
    %c0_i32_0 = arith.constant 0 : i32
    %c0_i32_1 = arith.constant 0 : i32
    return %c0_i32, %c0_i32_0 : i32, i32
  }
  func.func @transform_3(%arg0: i32) -> (i32, i32) {
    %c0_i32 = arith.constant 0 : i32
    %c0_i32_0 = arith.constant 0 : i32
    %c0_i32_1 = arith.constant 0 : i32
    return %c0_i32, %c0_i32_0 : i32, i32
  }
  func.func @transform_4(%arg0: i32) -> (i32, i32) {
    %c0_i32 = arith.constant 0 : i32
    %c0_i32_0 = arith.constant 0 : i32
    %c0_i32_1 = arith.constant 0 : i32
    return %c0_i32, %c0_i32_0 : i32, i32
  }
  func.func @transform_5(%arg0: i32) -> (i32, i32) {
    %c0_i32 = arith.constant 0 : i32
    %c0_i32_0 = arith.constant 0 : i32
    %c0_i32_1 = arith.constant 0 : i32
    return %c0_i32, %c0_i32_0 : i32, i32
  }
  func.func @transform_6(%arg0: i32) -> (i32, i32) {
    %c0_i32 = arith.constant 0 : i32
    %c0_i32_0 = arith.constant 0 : i32
    %c0_i32_1 = arith.constant 0 : i32
    return %c0_i32, %c0_i32_0 : i32, i32
  }
  func.func @transform_7(%arg0: i32) -> (i32, i32) {
    %c0_i32 = arith.constant 0 : i32
    %c0_i32_0 = arith.constant 0 : i32
    %c0_i32_1 = arith.constant 0 : i32
    return %c0_i32, %c0_i32_0 : i32, i32
  }
  func.func @transform_8(%arg0: i32) -> (i32, i32) {
    %c0_i32 = arith.constant 0 : i32
    %c0_i32_0 = arith.constant 0 : i32
    %c0_i32_1 = arith.constant 0 : i32
    return %c0_i32, %c0_i32_0 : i32, i32
  }
  func.func @transform_9(%arg0: i32) -> (i32, i32) {
    %c0_i32 = arith.constant 0 : i32
    %c0_i32_0 = arith.constant 0 : i32
    return %c0_i32, %arg0 : i32, i32
  }
}

</mosaic_0001>

<sc_bundles>
// kernel: kernel.4.cloned.1.call-start
scs
__scs_entry_jumppad:
0x0: {  	(pc) =	sbr.rel $0x88, $3  }
0x1: {  	(tag) =	ssettag $0x0;
	lr =	simm.s32 $0x1  }
0x2: {  	[smem:$0x3F97] =	sst lr;
	_ =	strace $0xD0000000  }
0x3: {  	_ = 	snop  }
0x4: {  	_ = 	snop  }
0x5: {  	_ = 	snop  }
0x6: {  	_ = 	snop  }
0x7: {  	_ = 	snop  }
__scs_overlays_trampoline_lowered:
0x8: {  	[smem:$0x3FA6] =	sst s0  }
0x9: {  	[smem:$0x3FA7] =	sst s1  }
0xa: {  	[smem:$0x3FA8] =	sst s2  }
0xb: {  	[smem:$0x3FA9] =	sst s3  }
0xc: {  	[smem:$0x3FAA] =	sst s4  }
0xd: {  	[smem:$0x3FAB] =	sst s5  }
0xe: {  	[smem:$0x3FAC] =	sst s6  }
0xf: {  	[smem:$0x3FAD] =	sst s7  }
0x10: {  	[smem:$0x3FAE] =	sst s8  }
0x11: {  	[smem:$0x3FAF] =	sst s9;
	s0 =	simm.s32 @!p0 $0x0  }
0x12: {  	s1 =	sld [smem:$0x3F95];
	s0 =	simm.s32 @p0 $0x1  }
0x13: {  	[smem:$0x3FB0] =	sst s0;
	s0 =	simm.s32 @!p1 $0x0  }
0x14: {  	s2 =	sld [smem:$0x3F94];
	s0 =	simm.s32 @p1 $0x1  }
0x15: {  	[smem:$0x3FB1] =	sst s0;
	s0 =	simm.s32 @!p2 $0x0  }
0x16: {  	s3 =	sld [smem:$0x3FDB];
	s0 =	simm.s32 @p2 $0x1  }
0x17: {  	s4 =	simm.s32 $0x1BF5;
	[smem:$0x3FB3] =	sst s0  }
0x18: {  	s0 =	sld [smem:$0x3F96];
	_ =	swait.ge [sflag:s4], $0x0  }
0x19: {  	s7 =	sld [smem:$0x3F97]  }
0x1a: {  	s8 =	sadd.s32 $0xFFFFE003, lr  }
0x1b: {  	s9 =	sadd.s32 $0xFFFFFEF7, lr;
	s5 =	simm.s32 $0xFFFFFFFF;
	p2 =	slt.u32 s8, $0xFFFFF086  }
0x1c: {  	p1 =	slt.u32 s9, $0xF7A;
	s5 =	simm.s32 @!p2 $0x0  }
0x1d: {  	s5 =	simm.s32 @p1 $0x1;
	p0 =	seq.s32 s7, s2  }
0x1e: {  	s7 =	smul.u32 @!p0 $0xF7A, s2;
	p2 =	seq.s32 @!p0 s5, $0x0  }
0x1f: {  	s9 =	smul.u32 $0xF7A, s1;
	s8 =	simm.s32 @!p0 $0x1BF5;
	p2 =	por !p2, p0  }
0x20: {  	[sflag:s8] =	ssyncset.s32 @!p0 $0xFFFFF086;
	s6 =	sadd.s32 @!p0 s3, s7;
	s7 =	simm.s32 @!p0 $0x108  }
0x21: {  	s3 =	sadd.s32 s3, s9;
	s6 =	sadd.s32 @!p0 $0x88, s6;
	s7 =	simm.s32 @p2 $0x1082  }
0x22: {  	[simem:s7], [sflag:s8] =	dma.local @!p0 [hbm:s6], $0xF7A  }
0x23: {  	s9 =	sor.u32 $0xD0000000, s2;
	s6 =	simm.s32 $0x108;
	_ =	swait.ge @!p0 [sflag:s8], $0x0  }
0x24: {  	s3 =	sadd.s32 $0x88, s3;
	s6 =	simm.s32 @!p1 $0x1082;
	[sflag:s4] =	ssyncset.s32 $0xFFFFF086  }
0x25: {  	[simem:s6], [sflag:s4] =	dma.local [hbm:s3], $0xF7A  }
0x26: {  	[smem:$0x3F97] =	sst s1;
	(tag) =	ssettag s2;
	_ =	strace s9  }
0x27: {  	s1 =	sld [smem:$0x3FA7]  }
0x28: {  	s2 =	sld [smem:$0x3FA8]  }
0x29: {  	s4 =	sld [smem:$0x3FAA]  }
0x2a: {  	p0 =	seq.s32 s5, $0x0;
	s5 =	sld [smem:$0x3FAB]  }
0x2b: {  	s6 =	sld [smem:$0x3FAC]  }
0x2c: {  	s7 =	sld [smem:$0x3FAD]  }
0x2d: {  	s3 =	simm.s32 $0x108;
	s8 =	sld [smem:$0x3FAE]  }
0x2e: {  	s3 =	simm.s32 @!p0 $0x1082;
	s9 =	sld [smem:$0x3FAF]  }
0x2f: {  	lr =	sadd.s32 s0, s3;
	s0 =	sld [smem:$0x3FA6]  }
0x30: {  	s3 =	sld [smem:$0x3FA9]  }
0x31: {  	[smem:$0x3FB2] =	sst s10  }
0x32: {  	s10 =	sld [smem:$0x3FB0];
	_ =	sdelay $0x3  }
0x33: {  	p0 =	seq.s32 s10, $0x1;
	s10 =	sld [smem:$0x3FB2];
	_ =	sdelay $0x3  }
0x34: {  	[smem:$0x3FB2] =	sst s10  }
0x35: {  	s10 =	sld [smem:$0x3FB1];
	_ =	sdelay $0x3  }
0x36: {  	p1 =	seq.s32 s10, $0x1;
	s10 =	sld [smem:$0x3FB2];
	_ =	sdelay $0x3  }
0x37: {  	[smem:$0x3FB2] =	sst s10  }
0x38: {  	s10 =	sld [smem:$0x3FB3]  }
0x39: {  	_ = 	snop;
	(pc) =	sbr.ind lr, $3  }
0x3a: {  	_ = 	snop  }
0x3b: {  	_ = 	snop  }
0x3c: {  	p2 =	seq.s32 s10, $0x1;
	s10 =	sld [smem:$0x3FB2]  }
0x3d: {  	_ =	shalt  }
0x3e: {  	_ =	shalt  }
0x3f: {  	_ =	shalt  }
0x40: {  	_ =	shalt  }
0x41: {  	_ =	shalt  }
0x42: {  	_ =	shalt  }
0x43: {  	_ =	shalt  }
0x44: {  	_ =	shalt  }
0x45: {  	_ =	shalt  }
0x46: {  	_ =	shalt  }
0x47: {  	_ =	shalt  }
0x48: {  	_ =	shalt  }
0x49: {  	_ =	shalt  }
0x4a: {  	_ =	shalt  }
0x4b: {  	_ =	shalt  }
0x4c: {  	_ =	shalt  }
0x4d: {  	_ =	shalt  }
0x4e: {  	_ =	shalt  }
0x4f: {  	_ =	shalt  }
0x50: {  	_ =	shalt  }
0x51: {  	_ =	shalt  }
0x52: {  	_ =	shalt  }
0x53: {  	_ =	shalt  }
0x54: {  	_ =	shalt  }
0x55: {  	_ =	shalt  }
0x56: {  	_ =	shalt  }
0x57: {  	_ =	shalt  }
0x58: {  	_ =	shalt  }
0x59: {  	_ =	shalt  }
0x5a: {  	_ =	shalt  }
0x5b: {  	_ =	shalt  }
0x5c: {  	_ =	shalt  }
0x5d: {  	_ =	shalt  }
0x5e: {  	_ =	shalt  }
0x5f: {  	_ =	shalt  }
0x60: {  	_ =	shalt  }
0x61: {  	_ =	shalt  }
0x62: {  	_ =	shalt  }
0x63: {  	_ =	shalt  }
0x64: {  	_ =	shalt  }
0x65: {  	_ =	shalt  }
0x66: {  	_ =	shalt  }
0x67: {  	_ =	shalt  }
0x68: {  	_ =	shalt  }
0x69: {  	_ =	shalt  }
0x6a: {  	_ =	shalt  }
0x6b: {  	_ =	shalt  }
0x6c: {  	_ =	shalt  }
0x6d: {  	_ =	shalt  }
0x6e: {  	_ =	shalt  }
0x6f: {  	_ =	shalt  }
0x70: {  	_ =	shalt  }
0x71: {  	_ =	shalt  }
0x72: {  	_ =	shalt  }
0x73: {  	_ =	shalt  }
0x74: {  	_ =	shalt  }
0x75: {  	_ =	shalt  }
0x76: {  	_ =	shalt  }
0x77: {  	_ =	shalt  }
0x78: {  	_ =	shalt  }
0x79: {  	_ =	shalt  }
0x7a: {  	_ =	shalt  }
0x7b: {  	_ =	shalt  }
0x7c: {  	_ =	shalt  }
0x7d: {  	_ =	shalt  }
0x7e: {  	_ =	shalt  }
0x7f: {  	_ =	shalt  }
0x80: {  	_ =	shalt  }
0x81: {  	_ =	shalt  }
0x82: {  	_ =	shalt  }
0x83: {  	_ =	shalt  }
0x84: {  	_ =	shalt  }
0x85: {  	_ =	shalt  }
0x86: {  	_ =	shalt  }
0x87: {  	_ =	shalt  }
.Lfunc_end0:
.L_simem_size_0:
called_computation_lowered:
.L_overlay_start_0:
0x88: {  	s0 =	sld [smem:$0x3FD9]  }
0x89: {  	s1 =	sld [smem:$0x3FFE];
	_ =	sdelay $0x3  }
0x8a: {  	s0 =	sadd.s32 s1, s0  }
0x8b: {  	[smem:$0x3FBE] =	sst s0  }
0x8c: {  	_ = 	snop  }
0x8d: {  	s0 =	sld [smem:$0x3FD0];
	(tm) =	ssettm $0x1  }
0x8e: {  	s16 =	sld [smem:$0x3FFB];
	_ =	sdelay $0x3  }
0x8f: {  	_ =	strace s16  }
0x90: {  	s1 =	sld [smem:$0x3FFC];
	_ =	sdelay $0x3  }
0x91: {  	_ =	strace s1  }
0x92: {  	s1 =	sld [smem:$0x3FFD];
	_ =	sdelay $0x3  }
0x93: {  	_ =	strace s1  }
0x94: {  	_ =	strace $0x8FFFFFFF  }
0x95: {  	s17 =	sld [smem:$0x3FDB];
	_ =	sdelay $0x1  }
0x96: {  	s2 =	simm.s32 $_scs_section_size  }
0x97: {  	s3 =	simm.s32 $_size__tile_overlayer_lowered;
	s4 =	simm.s32 $_tile_overlayer_lowered  }
0x98: {  	s20 =	simm.s32 $0x1BFF;
	s19 =	sshll.u32 s4, $0x1;
	s1 =	sadd.s32 s2, s17  }
0x99: {  	s5 =	simm.s32 $0x0;
	s18 =	sshll.u32 s3, $0x1;
	s3 =	sadd.s32 s19, s1  }
0x9a: {  	[timem:s5], [sflag:s20] =	dma.local [hbm:s3], s18  }
0x9b: {  	_ =	swait.ge [sflag:s20], s18  }
0x9c: {  	s2 =	ssub.s32 $0x0, s18;
	[sflag:s20] =	ssyncset.done $0x0  }
0x9d: {  	[sflag:s20] =	ssyncadd.s32 s2;
	_ =	sdelay $0x1  }
0x9e: {  	s21 =	simm.s32 $0x1B8B  }
0x9f: {  	_ =	swait.ge [sflag:s21], $0x1  }
0xa0: {  	[sflag:s21] =	ssyncset.done $0x0  }
0xa1: {  	s23 =	simm.s32 $0x1B8E;
	s22 =	sld [smem:$0x3FFE];
	[sflag:s21] =	ssyncadd.s32 $0xFFFFFFFF  }
0xa2: {  	s24 =	simm.s32 $execute0_lowered;
	[smem:$0x3FD2] =	sst s23  }
0xa3: {  	s3 =	sshll.u32 s24, $0x1;
	_ =	strace $0x80000046;
	[dreg:$0x1] =	wrdreg $0xFFFFFFFF  }
0xa4: {  	s25 =	simm.s32 $_size_execute0_lowered;
	s1 =	sadd.s32 s1, s3;
	[dreg:$0x0] =	wrdreg $0x0  }
0xa5: {  	s3 =	sshll.u32 s25, $0x1;
	[dreg:$0x2] =	wrdreg s1  }
0xa6: {  	[dreg:$0x3] =	wrdreg s3  }
0xa7: {  	[dreg:$0x4] =	wrdreg $0xC0  }
0xa8: {  	_ =	task [dreg:s5], $0x5FFFF  }
0xa9: {  	[dreg:$0x1] =	wrdreg $0xFFFFFFFF  }
0xaa: {  	[dreg:$0x0] =	wrdreg $0x60  }
0xab: {  	[dreg:$0x2] =	wrdreg s22  }
0xac: {  	[dreg:$0x3] =	wrdreg s0  }
0xad: {  	[dreg:$0x4] =	wrdreg $0x1C9700  }
0xae: {  	[dreg:$0x5] =	wrdreg $0x9  }
0xaf: {  	_ =	task.clear_ibuf [dreg:s5], $0x6FFFF;
	_ =	strace $0x90000046  }
0xb0: {  	s26 =	simm.s32 $0x9;
	_ =	strace $0x80000048  }
0xb1: {  	_ =	swait.ge [sflag:s26], $0x1  }
0xb2: {  	[sflag:s26] =	ssyncadd.s32 $0xFFFFFFFF  }
0xb3: {  	_ =	strace $0x90000048  }
0xb4: {  	_ =	sfence  }
0xb5: {  	s28 =	sld [smem:$0x0];
	_ =	sdelay $0x1  }
0xb6: {  	s29 =	srdreg.scid  }
0xb7: {  	s30 =	sshll.u32 s29, $0xD;
	s31 =	sshrl.u32 s29, $0x2  }
0xb8: {  	s2 =	sand.u32 $0x4000, s30;
	s1 =	sand.u32 $0x1, s29;
	s0 =	sadd.s32 s31, s28  }
0xb9: {  	s1 =	sor.u32 s2, s1;
	s0 =	sshll.u32 s0, $0x11  }
0xba: {  	s0 =	sor.u32 s0, s1  }
0xbb: {  	s0 =	sadd.s32 $0x8F2B, s0  }
0xbc: {  	[sflag:s0] =	ssyncadd.remote.s32 $0x1  }
0xbd: {  	_ =	sfence.sel $0xFFFF  }
0xbe: {  	[dreg:$0x0] =	wrdreg $0xFFFFFFFF;
	(pc) =	sbr.abs _section_cstart, $3  }
0xbf: {  	[dreg:$0x1] =	wrdreg $0xFFFFFFFF  }
0xc0: {  	_ =	task.clear_ibuf [dreg:s5], $0x2FFFF;
	_ =	strace $0x9FFFFFFF  }
0xc1: {  	(tm) =	ssettm $0x7FFFFFFF  }
tec
execute0_lowered:
.L_overlay_start_1:
0x0: {  	(tag) =	ssettag $0x1  }
0x1: {  	s4 =	rddreg [dreg:$0x0];
	s1 =	stileid.u32  }
0x2: {  	s5 =	rddreg [dreg:$0x1];
	s0 =	smul.u32 $0x500, s1  }
0x3: {  	s2 =	rddreg [dreg:$0x2];
	s6 =	simm.s32 $0x0  }
0x4: {  	[smem:$0x7FF] =	sst s6;
	s0 =	sadd.s32 s0, s4  }
0x5: {  	s7 =	simm.s32 $0x19;
	_ =	strace $0x80000047;
	s3 =	sadd.s32 $0x5400, s0  }
0x6: {  	[tilespmem:s6], [sflag:$0x19] =	stream.linear.gather [hbm4b:s3+s6], $0x2800, $0x38;
	[tilespmem:$0x1F090] =	vst v63  }
0x7: {  	_ =	swait.ge [sflag:s7], $0x2800  }
0x8: {  	s8 =	simm.s32 $0x2800;
	[sflag:s7] =	ssyncset.done $0x0  }
0x9: {  	s0 =	sadd.s32 $0x400, s0;
	s3 =	smul.u32 $0x2710, s1;
	[sflag:s7] =	ssyncadd.s32 $0xFFFFD800  }
0xa: {  	[tilespmem:s8], [sflag:$0x19] =	stream.linear.gather [hbm4b:s0+s6], $0x2800, $0x38;
	[tilespmem:$0x1F090] =	vst v63  }
0xb: {  	_ =	swait.ge [sflag:s7], $0x2800  }
0xc: {  	s0 =	sshrl.u32 s3, $0x3;
	[sflag:s7] =	ssyncset.done $0x0  }
0xd: {  	s31 =	simm.s32 $0x17350;
	s5 =	sadd.s32 s5, s0;
	[sflag:s7] =	ssyncadd.s32 $0xFFFFD800  }
0xe: {  	[tilespmem:s31], [sflag:$0x19] =	stream.linear.gather [hbm4b:s5+s6], $0x2710, $0x38;
	[tilespmem:$0x1F090] =	vst v63  }
0xf: {  	_ =	swait.ge [sflag:s7], $0x2710  }
0x10: {  	[sflag:s7] =	ssyncset.done $0x0  }
0x11: {  	v0 =	vimm.f32 $1.000000000e+00;
	s5 =	sadd.s32 $0xF400, s4;
	s4 =	sadd.s32 $0xA400, s4;
	[sflag:s7] =	ssyncadd.s32 $0xFFFFD8F0  }
.LBB2_1:
0x12: {  	p0 =	sne.s32 s6, $0x1FC0  }
.Ltmp0:
0x13: {  	_ = 	snop;
	(pc) =	sbr.rel @p0 .LBB2_1-.Ltmp0, $3  }
0x14: {  	_ =	sdelay $0x1  }
0x15: {  	s7 =	sshra.s32 s6, $0x2  }
0x16: {  	s6 =	sadd.s32 $0x40, s6;
	[tilespmem:s7+$0x1C170] =	vst v0  }
0x17: {  	v0 =	vimm.f32 $0.0e+00;
	s6 =	simm.s32 $0x40;
	s7 =	simm.s32 $0x0  }
.LBB2_3:
0x18: {  	p0 =	sne.s32 s6, $0x9C00;
	[tilespmem:s7+$0x19A60] =	vst v0;
	s7 =	smov.u32 s6;
	s6 =	sadd.s32 $0x40, s6  }
.Ltmp1:
0x19: {  	(pc) =	sbr.rel @p0 .LBB2_3-.Ltmp1, $2  }
0x1a: {  	_ =	sdelay $0x2  }
0x1b: {  	s7 =	sshra.s32 s7, $0x2  }
0x1c: {  	[tilespmem:s7+$0x19A60] =	vst v0;
	s3 =	sadd.s32 s3, s2;
	s6 =	simm.s32 $0x19A60;
	s23 =	simm.s32 $0x19  }
0x1d: {  	[spmem:s3] =	stream.linear.scatter [tilespmem:s6], [sflag:$0x19], $0x2710, $0x38;
	[tilespmem:$0x1F090] =	vst v63  }
0x1e: {  	_ =	swait.ge [sflag:s23], $0x2710  }
0x1f: {  	p0 =	sne.s32 s1, $0x0;
	[sflag:s23] =	ssyncset.done $0x0  }
0x20: {  	s1 =	sadd.s32 @!p0 $0x27100, s2;
	s6 =	simm.s32 @!p0 $0x19A60;
	[sflag:s23] =	ssyncadd.s32 $0xFFFFD8F0  }
0x21: {  	[spmem:s1] =	stream.linear.scatter @!p0 [tilespmem:s6], [sflag:$0x19], $0x100, $0x38;
	[tilespmem:$0x1F090] =	vst v63  }
0x22: {  	s8 =	simm.s32 $0x0;
	s1 =	simm.s32 @!p0 $0x19  }
0x23: {  	s26 =	sadd.s32 s5, s0;
	s8 =	smul.u32 $0xAB, s8;
	_ =	swait.ge @!p0 [sflag:s1], $0x100  }
0x24: {  	s5 =	simm.s32 $0x1;
	s7 =	sadd.s32 @!p0 $0x4E20, s4;
	[sflag:s1] =	ssyncset.done @!p0 $0x0  }
0x25: {  	s9 =	simm.s32 @!p0 $0x0;
	s24 =	sshrl.u32 s8, $0xB;
	[sflag:s1] =	ssyncadd.s32 @!p0 $0xFFFFFF00  }
0x26: {  	[hbm4b:s7+s9] =	stream.linear.scatter @!p0 [tilespmem:s6], [sflag:$0x19], $0x100, $0x38;
	[tilespmem:$0x1F090] =	vst v63  }
0x27: {  	s28 =	smul.u32 $0xAB, s5;
	s6 =	sand.u32 $0x1F, s24  }
0x28: {  	s25 =	sadd.s32 s4, s0;
	p1 =	por $0x1, $0x1;
	s6 =	smul.u32 $0xC, s6  }
0x29: {  	s0 =	simm.s32 $0x80;
	s30 =	sshrl.u32 s28, $0xB;
	_ =	swait.ge @!p0 [sflag:s1], $0x100  }
0x2a: {  	[dreg:$0x5] =	wrdreg s25;
	[sflag:s1] =	ssyncset.done @!p0 $0x0;
	s29 =	ssub.s32 $0x0, s6  }
0x2b: {  	[dreg:$0x4] =	wrdreg s26;
	[sflag:s1] =	ssyncadd.s32 @!p0 $0xFFFFFF00;
	s7 =	sand.u32 $0xFF, s29  }
0x2c: {  	s31 =	sand.u32 $0x1F, s30;
	[bflag:$0x0] =	sbarrier.arrive $0xFFFF;
	s10 =	sadd.s32 @!p1 $0xD, s7  }
0x2d: {  	s8 =	simm.s32 $0x2;
	s9 =	smul.u32 $0xC, s31;
	_ =	swait.ge @!p1 [sflag:s10], $0x800  }
0x2e: {  	s6 =	simm.s32 $0x2800;
	s1 =	simm.s32 $0x1C170;
	[sflag:s10] =	ssyncset.done @!p1 $0x0  }
0x2f: {  	[sflag:s10] =	ssyncadd.s32 @!p1 $0xFFFFF800;
	s10 =	sadd.s32 $0xD, s7;
	s7 =	simm.s32 $0x2880  }
.LBB2_5:
0x30: {  	[spmem:s2] =	stream.indirect.scatter.add.f32 [tilespmem:s1], [sflag:s10], $0x10, s6, s0, $0xb8;
	[tilespmem:$0x1F090] =	vst v63  }
0x31: {  	s10 =	smov.u32 s8;
	s6 =	smov.u32 s7;
	s8 =	sadd.s32 $0x1, s8  }
0x32: {  	s9 =	ssub.s32 s5, s9;
	s11 =	smul.u32 $0xAB, s10;
	p2 =	sne.s32 s8, $0x50  }
.Ltmp2:
0x33: {  	p1 =	slt.u32 s5, $0xC;
	s12 =	sand.u32 $0xFF, s9;
	(pc) =	sbr.rel @p2 .LBB2_5-.Ltmp2, $4  }
0x34: {  	s5 =	sshrl.u32 s11, $0xB;
	s11 =	sadd.s32 @!p1 $0xD, s12  }
0x35: {  	s9 =	sand.u32 $0x1F, s5;
	_ =	swait.ge @!p1 [sflag:s11], $0x800;
	s5 =	smov.u32 s10  }
0x36: {  	s9 =	smul.u32 $0xC, s9;
	[sflag:s11] =	ssyncset.done @!p1 $0x0  }
0x37: {  	s7 =	sadd.s32 $0x80, s7;
	s10 =	sadd.s32 $0xD, s12;
	[sflag:s11] =	ssyncadd.s32 @!p1 $0xFFFFF800  }
0x38: {  	[spmem:s2] =	stream.indirect.scatter.add.f32 [tilespmem:s1], [sflag:s10], $0x10, s6, s0, $0xb8;
	[tilespmem:$0x1F090] =	vst v63  }
0x39: {  	s15 =	ssub.s32 s5, s9  }
0x3a: {  	p1 =	slt.u32 s5, $0xC;
	s6 =	sand.u32 $0xFF, s15  }
0x3b: {  	s5 =	sadd.s32 @!p1 $0xD, s6  }
0x3c: {  	_ =	swait.ge @!p1 [sflag:s5], $0x800  }
0x3d: {  	[sflag:s5] =	ssyncset.done @!p1 $0x0  }
0x3e: {  	s17 =	simm.s32 $0xD;
	s16 =	sadd.s32 $0xD, s6;
	[sflag:s5] =	ssyncadd.s32 @!p1 $0xFFFFF800  }
0x3f: {  	[spmem:s2] =	stream.indirect.scatter.add.f32 [tilespmem:s1], [sflag:s16], $0x10, s7, s0, $0xb8;
	[tilespmem:$0x1F090] =	vst v63  }
0x40: {  	_ =	swait.ge [sflag:s17], $0x800  }
0x41: {  	[sflag:s17] =	ssyncset.done $0x0  }
0x42: {  	s18 =	simm.s32 $0xE;
	[sflag:s17] =	ssyncadd.s32 $0xFFFFF800  }
0x43: {  	_ =	swait.ge [sflag:s18], $0x800  }
0x44: {  	[sflag:s18] =	ssyncset.done $0x0  }
0x45: {  	s19 =	simm.s32 $0xF;
	[sflag:s18] =	ssyncadd.s32 $0xFFFFF800  }
0x46: {  	_ =	swait.ge [sflag:s19], $0x800  }
0x47: {  	[sflag:s19] =	ssyncset.done $0x0  }
0x48: {  	s20 =	simm.s32 $0x10;
	[sflag:s19] =	ssyncadd.s32 $0xFFFFF800  }
0x49: {  	_ =	swait.ge [sflag:s20], $0x800  }
0x4a: {  	[sflag:s20] =	ssyncset.done $0x0  }
0x4b: {  	s21 =	simm.s32 $0x11;
	[sflag:s20] =	ssyncadd.s32 $0xFFFFF800  }
0x4c: {  	_ =	swait.ge [sflag:s21], $0x800  }
0x4d: {  	[sflag:s21] =	ssyncset.done $0x0  }
0x4e: {  	s22 =	simm.s32 $0x12;
	[sflag:s21] =	ssyncadd.s32 $0xFFFFF800  }
0x4f: {  	_ =	swait.ge [sflag:s22], $0x800  }
0x50: {  	[sflag:s22] =	ssyncset.done $0x0  }
0x51: {  	s23 =	simm.s32 $0x13;
	[sflag:s22] =	ssyncadd.s32 $0xFFFFF800  }
0x52: {  	_ =	swait.ge [sflag:s23], $0x800  }
0x53: {  	[sflag:s23] =	ssyncset.done $0x0  }
0x54: {  	s24 =	simm.s32 $0x14;
	[sflag:s23] =	ssyncadd.s32 $0xFFFFF800  }
0x55: {  	_ =	swait.ge [sflag:s24], $0x800  }
0x56: {  	[sflag:s24] =	ssyncset.done $0x0  }
0x57: {  	s25 =	simm.s32 $0x15;
	[sflag:s24] =	ssyncadd.s32 $0xFFFFF800  }
0x58: {  	_ =	swait.ge [sflag:s25], $0x800  }
0x59: {  	[sflag:s25] =	ssyncset.done $0x0  }
0x5a: {  	s26 =	simm.s32 $0x16;
	[sflag:s25] =	ssyncadd.s32 $0xFFFFF800  }
0x5b: {  	_ =	swait.ge [sflag:s26], $0x800  }
0x5c: {  	[sflag:s26] =	ssyncset.done $0x0  }
0x5d: {  	s28 =	simm.s32 $0x17;
	[sflag:s26] =	ssyncadd.s32 $0xFFFFF800  }
0x5e: {  	_ =	swait.ge [sflag:s28], $0x800  }
0x5f: {  	[sflag:s28] =	ssyncset.done $0x0  }
0x60: {  	s29 =	simm.s32 $0x18;
	[sflag:s28] =	ssyncadd.s32 $0xFFFFF800  }
0x61: {  	_ =	swait.ge [sflag:s29], $0x800  }
0x62: {  	[sflag:s29] =	ssyncset.done $0x0  }
0x63: {  	[sflag:s29] =	ssyncadd.s32 $0xFFFFF800  }
0x64: {  	s30 =	simm.s32 $0xB000;
	s31 =	simm.s32 $0x19;
	[bflag:$0x0] =	sbarrier.arrive $0xFFFF  }
0x65: {  	[tilespmem:s30], [sflag:$0x19] =	stream.linear.gather [spmem:s3], $0x2710, $0x38;
	[tilespmem:$0x1F090] =	vst v63  }
0x66: {  	_ =	swait.ge [sflag:s31], $0x2710  }
0x67: {  	[sflag:s31] =	ssyncset.done $0x0  }
0x68: {  	s7 =	simm.s32 $0x0;
	[sflag:s31] =	ssyncadd.s32 $0xFFFFD8F0  }
0x69: {  	v0 =	vld [tilespmem:s7+$0xB000];
	_ =	sdelay $0x4  }
0x6a: {  	v0 =	vadd.f32 $1.000000000e+00, v0  }
0x6b: {  	s5 =	simm.s32 $0x10  }
0x6c: {  	v2 =	vld [tilespmem:s5+$0xB000];
	v1 =	vshra.s32 v0, $0x1;
	v0 =	vmul.f32 $5.000000000e-01, v0  }
0x6d: {  	v1 =	vsub.s32 $0x5F3759DF, v1  }
0x6e: {  	v3 =	vmul.f32 v1, v0;
	_ =	sdelay $0x1  }
0x6f: {  	v3 =	vmul.f32 v1, v3  }
0x70: {  	v2 =	vadd.f32 $1.000000000e+00, v2  }
0x71: {  	v3 =	vsub.f32 $1.500000000e+00, v3  }
0x72: {  	v4 =	vshra.s32 v2, $0x1;
	v2 =	vmul.f32 $5.000000000e-01, v2  }
0x73: {  	s0 =	simm.s32 $0x20;
	v4 =	vsub.s32 $0x5F3759DF, v4;
	v3 =	vmul.f32 v1, v3  }
0x74: {  	v5 =	vmul.f32 v4, v2;
	v1 =	vld [tilespmem:s0+$0xB000]  }
0x75: {  	v6 =	vmul.f32 v3, v0  }
0x76: {  	v5 =	vmul.f32 v4, v5  }
0x77: {  	v6 =	vmul.f32 v6, v3  }
0x78: {  	v5 =	vsub.f32 $1.500000000e+00, v5  }
0x79: {  	v1 =	vadd.f32 $1.000000000e+00, v1;
	v6 =	vsub.f32 $1.500000000e+00, v6  }
0x7a: {  	s1 =	simm.s32 $0x30;
	v4 =	vmul.f32 v4, v5  }
0x7b: {  	v5 =	vld [tilespmem:s1+$0xB000];
	v7 =	vshra.s32 v1, $0x1;
	v1 =	vmul.f32 $5.000000000e-01, v1;
	v3 =	vmul.f32 v6, v3  }
0x7c: {  	v8 =	vmul.f32 v4, v2;
	v7 =	vsub.s32 $0x5F3759DF, v7  }
0x7d: {  	v6 =	vmul.f32 v7, v1;
	v0 =	vmul.f32 v3, v0  }
0x7e: {  	v8 =	vmul.f32 v8, v4  }
0x7f: {  	v6 =	vmul.f32 v7, v6;
	v0 =	vmul.f32 v0, v3  }
0x80: {  	v9 =	vld [tilespmem:s7+$0x17350];
	v5 =	vadd.f32 $1.000000000e+00, v5;
	v8 =	vsub.f32 $1.500000000e+00, v8  }
0x81: {  	v6 =	vsub.f32 $1.500000000e+00, v6;
	v10 =	vsub.f32 $1.500000000e+00, v0  }
0x82: {  	s6 =	simm.s32 $0x40;
	v11 =	vshra.s32 v5, $0x1;
	v12 =	vmul.f32 v8, v4;
	v0 =	vmul.f32 $5.000000000e-01, v5  }
0x83: {  	v11 =	vsub.s32 $0x5F3759DF, v11;
	v5 =	vmul.f32 v7, v6;
	v6 =	vld [tilespmem:s6+$0xB000];
	v3 =	vmul.f32 v10, v3  }
0x84: {  	v2 =	vmul.f32 v12, v2;
	v4 =	vmul.f32 v11, v0  }
0x85: {  	v7 =	vmul.f32 v5, v1;
	v8 =	vmul.f32 v3, v9  }
0x86: {  	v4 =	vmul.f32 v11, v4;
	[tilespmem:s7+$0x14C40] =	vst v3  }
0x87: {  	v2 =	vmul.f32 v2, v12;
	v9 =	vmul.f32 v7, v5;
	[tilespmem:s7+$0xD710] =	vst v8  }
0x88: {  	v8 =	vmul.f32 $1.000000010e-01, v8;
	v6 =	vadd.f32 $1.000000000e+00, v6;
	v4 =	vsub.f32 $1.500000000e+00, v4;
	v7 =	vld [tilespmem:s5+$0x17350]  }
0x89: {  	v13 =	vsub.f32 $1.500000000e+00, v2;
	v3 =	vmul.f32 v3, v3;
	v10 =	vsub.f32 $1.500000000e+00, v9  }
0x8a: {  	s8 =	simm.s32 $0x50;
	[tilespmem:s7+$0x12530] =	vst v8;
	v14 =	vshra.s32 v6, $0x1;
	v2 =	vmul.f32 $5.000000000e-01, v6;
	v9 =	vmul.f32 v11, v4  }
0x8b: {  	s9 =	simm.s32 $0x180;
	v8 =	vld [tilespmem:s8+$0xB000];
	v6 =	vsub.s32 $0x5F3759DF, v14;
	v4 =	vmul.f32 v10, v5;
	v5 =	vmul.f32 v13, v12  }
.LBB2_7:
0x8c: {  	p1 =	sne.s32 s9, $0x9C00;
	v10 =	vmul.f32 v6, v2;
	v11 =	vmul.f32 v9, v0;
	v12 =	vmov v9;
	s10 =	smov.u32 s0;
	s0 =	smov.u32 s1  }
0x8d: {  	s1 =	smov.u32 s6;
	s6 =	smov.u32 s8;
	v9 =	vmul.f32 v4, v1;
	v7 =	vmul.f32 v5, v7;
	[tilespmem:s5+$0x14C40] =	vst v5;
	v1 =	vmovc v0;
	v0 =	vmov v2  }
0x8e: {  	v2 =	vmul.f32 v6, v10;
	v10 =	vmul.f32 v11, v12  }
.Ltmp3:
0x8f: {  	v9 =	vmul.f32 v9, v4;
	[tilespmem:s5+$0xD710] =	vst v7;
	v11 =	vmul.f32 $1.000000010e-01, v7;
	(pc) =	sbr.rel @p1 .LBB2_7-.Ltmp3, $4  }
0x90: {  	v5 =	vmul.f32 v5, v5;
	v8 =	vadd.f32 $1.000000000e+00, v8;
	v13 =	vsub.f32 $1.500000000e+00, v2;
	v7 =	vld [tilespmem:s10+$0x17350]  }
0x91: {  	v10 =	vsub.f32 $1.500000000e+00, v10;
	v14 =	vsub.f32 $1.500000000e+00, v9;
	[tilespmem:s5+$0x12530] =	vst v11;
	v11 =	vmul.f32 $8.999999760e-01, v3  }
0x92: {  	s8 =	sshra.s32 s9, $0x2;
	v3 =	vmovc v5;
	v15 =	vshra.s32 v8, $0x1;
	v2 =	vmul.f32 $5.000000000e-01, v8;
	v9 =	vmul.f32 v6, v13  }
0x93: {  	s9 =	sadd.s32 $0x40, s9;
	v8 =	vld [tilespmem:s8+$0xB000];
	v6 =	vsub.s32 $0x5F3759DF, v15;
	v5 =	vmul.f32 v14, v4;
	v4 =	vmul.f32 v10, v12;
	[tilespmem:s7+$0xFE20] =	vst v11;
	s7 =	smov.u32 s5;
	s5 =	smov.u32 s10  }
0x94: {  	v10 =	vmul.f32 v6, v2;
	v11 =	vmul.f32 v9, v0  }
0x95: {  	v1 =	vmul.f32 v4, v1;
	v7 =	vmul.f32 v5, v7  }
0x96: {  	[tilespmem:s5+$0x14C40] =	vst v5;
	v10 =	vmul.f32 v6, v10  }
0x97: {  	v11 =	vmul.f32 v11, v9;
	v1 =	vmul.f32 v1, v4;
	[tilespmem:s5+$0xD710] =	vst v7  }
0x98: {  	v3 =	vmul.f32 $8.999999760e-01, v3;
	v8 =	vadd.f32 $1.000000000e+00, v8;
	v10 =	vsub.f32 $1.500000000e+00, v10;
	v12 =	vld [tilespmem:s0+$0x17350]  }
0x99: {  	v7 =	vmul.f32 $1.000000010e-01, v7;
	v11 =	vsub.f32 $1.500000000e+00, v11;
	v1 =	vsub.f32 $1.500000000e+00, v1  }
0x9a: {  	v47 =	vmul.f32 v6, v10;
	v48 =	vshra.s32 v8, $0x1;
	v8 =	vmul.f32 $5.000000000e-01, v8  }
0x9b: {  	v49 =	vmul.f32 v11, v9;
	v10 =	vsub.s32 $0x5F3759DF, v48;
	v1 =	vmul.f32 v1, v4  }
0x9c: {  	[tilespmem:s5+$0x12530] =	vst v7;
	v50 =	vmul.f32 v10, v8;
	v51 =	vmul.f32 v47, v2  }
0x9d: {  	[tilespmem:s7+$0xFE20] =	vst v3;
	v52 =	vmul.f32 v49, v0;
	v53 =	vmul.f32 v1, v12  }
0x9e: {  	v54 =	vmul.f32 v5, v5;
	[tilespmem:s0+$0x14C40] =	vst v1;
	v4 =	vmul.f32 v10, v50  }
0x9f: {  	v7 =	vmul.f32 v51, v47;
	v0 =	vmul.f32 v52, v49;
	[tilespmem:s0+$0xD710] =	vst v53  }
0xa0: {  	v4 =	vsub.f32 $1.500000000e+00, v4;
	v55 =	vld [tilespmem:s1+$0x17350]  }
0xa1: {  	v5 =	vmul.f32 $8.999999760e-01, v54;
	v7 =	vsub.f32 $1.500000000e+00, v7;
	v0 =	vsub.f32 $1.500000000e+00, v0  }
0xa2: {  	v3 =	vmul.f32 $1.000000010e-01, v53;
	v4 =	vmul.f32 v10, v4  }
0xa3: {  	v6 =	vmul.f32 v7, v47;
	v0 =	vmul.f32 v0, v49  }
0xa4: {  	[tilespmem:s0+$0x12530] =	vst v3;
	v56 =	vmul.f32 v4, v8  }
0xa5: {  	[tilespmem:s5+$0xFE20] =	vst v5;
	v57 =	vmul.f32 v6, v2;
	v58 =	vmul.f32 v0, v55  }
0xa6: {  	[tilespmem:s1+$0x14C40] =	vst v0  }
0xa7: {  	v3 =	vmul.f32 v56, v4;
	v2 =	vmul.f32 v57, v6;
	[tilespmem:s1+$0xD710] =	vst v58  }
0xa8: {  	v1 =	vmul.f32 v1, v1;
	v59 =	vld [tilespmem:s6+$0x17350]  }
0xa9: {  	v3 =	vsub.f32 $1.500000000e+00, v3;
	v2 =	vsub.f32 $1.500000000e+00, v2  }
0xaa: {  	v1 =	vmul.f32 $8.999999760e-01, v1;
	v5 =	vmul.f32 $1.000000010e-01, v58  }
0xab: {  	v3 =	vmul.f32 v3, v4;
	v2 =	vmul.f32 v2, v6  }
0xac: {  	[tilespmem:s1+$0x12530] =	vst v5  }
0xad: {  	[tilespmem:s0+$0xFE20] =	vst v1;
	v60 =	vmul.f32 v3, v8;
	v61 =	vmul.f32 v2, v59  }
0xae: {  	[tilespmem:s6+$0x14C40] =	vst v2  }
0xaf: {  	v1 =	vmul.f32 v60, v3;
	[tilespmem:s6+$0xD710] =	vst v61  }
0xb0: {  	v5 =	vld [tilespmem:s8+$0x17350]  }
0xb1: {  	v1 =	vsub.f32 $1.500000000e+00, v1  }
0xb2: {  	v0 =	vmul.f32 v0, v0  }
0xb3: {  	v4 =	vmul.f32 $1.000000010e-01, v61;
	v1 =	vmul.f32 v1, v3  }
0xb4: {  	v0 =	vmul.f32 $8.999999760e-01, v0  }
0xb5: {  	[tilespmem:s6+$0x12530] =	vst v4;
	v3 =	vmul.f32 v1, v5  }
0xb6: {  	v2 =	vmul.f32 v2, v2;
	[tilespmem:s1+$0xFE20] =	vst v0  }
0xb7: {  	[tilespmem:s8+$0x14C40] =	vst v1;
	v1 =	vmul.f32 v1, v1;
	v62 =	vmul.f32 $1.000000010e-01, v3  }
0xb8: {  	v2 =	vmul.f32 $8.999999760e-01, v2;
	[tilespmem:s8+$0xD710] =	vst v3  }
0xb9: {  	v63 =	vmul.f32 $8.999999760e-01, v1;
	[tilespmem:s8+$0x12530] =	vst v62  }
0xba: {  	s24 =	simm.s32 $0x19A60;
	s25 =	simm.s32 $0xD710;
	s10 =	simm.s32 $0x80;
	[tilespmem:s6+$0xFE20] =	vst v2  }
0xbb: {  	s21 =	simm.s32 $0xD;
	s22 =	simm.s32 $0xE;
	s7 =	simm.s32 $0x19;
	[tilespmem:s8+$0xFE20] =	vst v63  }
0xbc: {  	[spmem:s3] =	stream.linear.scatter [tilespmem:s24], [sflag:$0x19], $0x2710, $0x38;
	[tilespmem:$0x1F090] =	vst v63  }
0xbd: {  	s23 =	simm.s32 $0xF;
	s28 =	simm.s32 $0x13;
	_ =	swait.ge [sflag:s7], $0x2710  }
0xbe: {  	s29 =	simm.s32 $0x14;
	s30 =	simm.s32 $0x15;
	[sflag:s7] =	ssyncset.done $0x0  }
0xbf: {  	s8 =	simm.s32 $0x0;
	s26 =	rddreg [dreg:$0x5];
	[sflag:s7] =	ssyncadd.s32 $0xFFFFD8F0  }
0xc0: {  	[hbm4b:s26+s8] =	stream.linear.scatter [tilespmem:s25], [sflag:$0x19], $0x2710, $0x38;
	[tilespmem:$0x1F090] =	vst v63  }
0xc1: {  	s31 =	simm.s32 $0x16;
	s5 =	simm.s32 $0xB000;
	_ =	swait.ge [sflag:s7], $0x2710  }
0xc2: {  	s0 =	simm.s32 $0x17;
	s1 =	simm.s32 $0x18;
	[sflag:s7] =	ssyncset.done $0x0  }
0xc3: {  	s6 =	simm.s32 $0x0;
	s24 =	simm.s32 $0x10;
	[sflag:s7] =	ssyncadd.s32 $0xFFFFD8F0  }
0xc4: {  	s25 =	simm.s32 $0x11;
	s26 =	simm.s32 $0x12;
	[bflag:$0x0] =	sbarrier.arrive $0xFFFF  }
.LBB2_9:
0xc5: {  	s9 =	simm.s32 $0x5000  }
0xc6: {  	s12 =	simm.s32 $0x5800;
	s13 =	simm.s32 $0x100;
	s18 =	simm.s32 $0x6  }
0xc7: {  	[tilespmem:s9], [sflag:$0x1] =	stream.indirect.gather [hbm4b:s4+s10], $0x10, s8, s10, $0xb8;
	[tilespmem:$0x1F090] =	vst v63  }
0xc8: {  	s11 =	simm.s32 $0x6000;
	s14 =	simm.s32 $0x180;
	s9 =	smul.u32 $0xAB, s18  }
0xc9: {  	[tilespmem:s12], [sflag:$0x2] =	stream.indirect.gather [hbm4b:s4+s10], $0x10, s10, s10, $0xb8;
	[tilespmem:$0x1F090] =	vst v63  }
0xca: {  	s15 =	simm.s32 $0x6800;
	s16 =	simm.s32 $0x200;
	s9 =	sshrl.u32 s9, $0xB  }
0xcb: {  	[tilespmem:s11], [sflag:$0x3] =	stream.indirect.gather [hbm4b:s4+s10], $0x10, s13, s10, $0xb8;
	[tilespmem:$0x1F090] =	vst v63  }
0xcc: {  	s17 =	simm.s32 $0x7000;
	s20 =	smul.u32 $0xAB, s8;
	s9 =	sand.u32 $0x1F, s9  }
0xcd: {  	[tilespmem:s15], [sflag:$0x4] =	stream.indirect.gather [hbm4b:s4+s10], $0x10, s14, s10, $0xb8;
	[tilespmem:$0x1F090] =	vst v63  }
0xce: {  	s19 =	simm.s32 $0x280;
	p1 =	por $0x0, $0x0;
	s9 =	smul.u32 $0xC, s9  }
0xcf: {  	[tilespmem:s17], [sflag:$0x5] =	stream.indirect.gather [hbm4b:s4+s10], $0x10, s16, s10, $0xb8;
	[tilespmem:$0x1F090] =	vst v63  }
0xd0: {  	p2 =	por @!p1 $0x1, $0x1;
	s12 =	simm.s32 $0x7800;
	s9 =	ssub.s32 $0x6, s9  }
0xd1: {  	[tilespmem:s12], [sflag:$0x6] =	stream.indirect.gather [hbm4b:s4+s10], $0x10, s19, s10, $0xb8;
	[tilespmem:$0x1F090] =	vst v63  }
0xd2: {  	p2 =	por p2, p1;
	s9 =	sand.u32 $0xFF, s9;
	s12 =	sshrl.u32 s20, $0xB  }
0xd3: {  	s15 =	simm.s32 $0x300;
	s16 =	sadd.s32 @!p2 $0xD, s9;
	s12 =	sand.u32 $0x1F, s12  }
0xd4: {  	s17 =	sshll.u32 @!p1 s9, $0xB;
	_ =	swait.ge @!p2 [sflag:s16], $0x800;
	s12 =	smul.u32 $0xC, s12  }
0xd5: {  	s9 =	sadd.s32 @!p1 $0x1, s9;
	s19 =	simm.s32 @!p1 $0x80;
	[sflag:s16] =	ssyncset.done @!p2 $0x0  }
0xd6: {  	[sflag:s16] =	ssyncadd.s32 @!p2 $0xFFFFF800;
	s16 =	sadd.s32 @!p1 $0x5000, s17;
	s18 =	ssub.s32 $0x0, s12  }
0xd7: {  	[tilespmem:s16], [sflag:s9] =	stream.indirect.gather @!p1 [hbm4b:s4+s19], $0x10, s15, s19, $0xb8;
	[tilespmem:$0x1F090] =	vst v63  }
0xd8: {  	s13 =	simm.s32 $0x2800;
	s11 =	simm.s32 $0x1;
	s18 =	sand.u32 $0xFF, s18  }
0xd9: {  	s14 =	simm.s32 $0x2;
	s12 =	simm.s32 $0x380;
	s20 =	sadd.s32 $0x1, s18  }
0xda: {  	s9 =	simm.s32 $0x2880;
	s15 =	simm.s32 $0x7;
	_ =	swait.ge [sflag:s20], $0x800  }
0xdb: {  	s16 =	smul.u32 $0xAB, s15;
	s19 =	sshll.u32 s18, $0xB;
	[sflag:s20] =	ssyncset.done $0x0  }
0xdc: {  	s17 =	sadd.s32 $0xD, s18;
	s18 =	sadd.s32 $0x5000, s19;
	[sflag:s20] =	ssyncadd.s32 $0xFFFFF800  }
.LBB2_10:
0xdd: {  	[spmem:s2] =	stream.indirect.scatter.add.f32 [tilespmem:s18], [sflag:s17], $0x10, s13, s10, $0xb8;
	[tilespmem:$0x1F090] =	vst v63  }
0xde: {  	s17 =	smov.u32 s11;
	s11 =	smov.u32 s14;
	s18 =	smov.u32 s12  }
0xdf: {  	s14 =	sadd.s32 $0x1, s14;
	s13 =	smov.u32 s9;
	s16 =	sshrl.u32 s16, $0xB  }
0xe0: {  	p1 =	sne.s32 s14, $0x50;
	s19 =	smul.u32 $0xAB, s17;
	s16 =	sand.u32 $0x1F, s16  }
0xe1: {  	s16 =	smul.u32 $0xC, s16  }
0xe2: {  	p2 =	sgt.u32 s17, $0x49;
	s19 =	sshrl.u32 s19, $0xB  }
0xe3: {  	p3 =	slt.u32 @!p2 s17, $0x6;
	s15 =	ssub.s32 s15, s16;
	s16 =	sand.u32 $0x1F, s19  }
0xe4: {  	p3 =	por p3, p2;
	s15 =	sand.u32 $0xFF, s15;
	s16 =	smul.u32 $0xC, s16  }
0xe5: {  	s19 =	sadd.s32 @!p3 $0xD, s15;
	s20 =	sshll.u32 @!p2 s15, $0xB;
	s15 =	sadd.s32 @!p2 $0x1, s15  }
0xe6: {  	s12 =	sadd.s32 $0x80, s12;
	_ =	swait.ge @!p3 [sflag:s19], $0x800;
	s16 =	ssub.s32 s17, s16  }
0xe7: {  	s17 =	simm.s32 @!p2 $0x80;
	[sflag:s19] =	ssyncset.done @!p3 $0x0;
	s16 =	sand.u32 $0xFF, s16  }
0xe8: {  	[sflag:s19] =	ssyncadd.s32 @!p3 $0xFFFFF800  }
.Ltmp4:
0xe9: {  	s19 =	sadd.s32 @!p2 $0x5000, s20;
	s20 =	sadd.s32 $0x1, s16;
	(pc) =	sbr.rel @p1 .LBB2_10-.Ltmp4, $4  }
0xea: {  	[tilespmem:s19], [sflag:s15] =	stream.indirect.gather @!p2 [hbm4b:s4+s17], $0x10, s18, s17, $0xb8;
	[tilespmem:$0x1F090] =	vst v63  }
0xeb: {  	s9 =	sadd.s32 $0x80, s9;
	s18 =	sshll.u32 s16, $0xB;
	_ =	swait.ge [sflag:s20], $0x800  }
0xec: {  	s15 =	sadd.s32 $0x6, s11;
	s17 =	sadd.s32 $0xD, s16;
	[sflag:s20] =	ssyncset.done $0x0  }
0xed: {  	s16 =	smul.u32 $0xAB, s15;
	s18 =	sadd.s32 $0x5000, s18;
	[sflag:s20] =	ssyncadd.s32 $0xFFFFF800  }
0xee: {  	[spmem:s2] =	stream.indirect.scatter.add.f32 [tilespmem:s18], [sflag:s17], $0x10, s13, s10, $0xb8;
	[tilespmem:$0x1F090] =	vst v63  }
0xef: {  	s14 =	sshrl.u32 s16, $0xB  }
0xf0: {  	s13 =	sand.u32 $0x1F, s14  }
0xf1: {  	s13 =	smul.u32 $0xC, s13  }
0xf2: {  	p1 =	sgt.u32 s11, $0x49;
	s14 =	smul.u32 $0xAB, s11  }
0xf3: {  	p2 =	slt.u32 @!p1 s11, $0x6;
	s13 =	ssub.s32 s15, s13  }
0xf4: {  	p2 =	por p2, p1;
	s14 =	sshrl.u32 s14, $0xB;
	s13 =	sand.u32 $0xFF, s13  }
0xf5: {  	s14 =	sand.u32 $0x1F, s14;
	s15 =	sadd.s32 @!p2 $0xD, s13  }
0xf6: {  	s14 =	smul.u32 $0xC, s14;
	_ =	swait.ge @!p2 [sflag:s15], $0x800  }
0xf7: {  	s16 =	sshll.u32 @!p1 s13, $0xB;
	s13 =	sadd.s32 @!p1 $0x1, s13;
	[sflag:s15] =	ssyncset.done @!p2 $0x0  }
0xf8: {  	s16 =	sadd.s32 @!p1 $0x5000, s16;
	[sflag:s15] =	ssyncadd.s32 @!p2 $0xFFFFF800;
	s15 =	simm.s32 @!p1 $0x80  }
0xf9: {  	[tilespmem:s16], [sflag:s13] =	stream.indirect.gather @!p1 [hbm4b:s4+s15], $0x10, s12, s15, $0xb8;
	[tilespmem:$0x1F090] =	vst v63  }
0xfa: {  	s16 =	ssub.s32 s11, s14  }
0xfb: {  	s11 =	sand.u32 $0xFF, s16  }
0xfc: {  	s17 =	sadd.s32 $0x1, s11  }
0xfd: {  	_ =	swait.ge [sflag:s17], $0x800  }
0xfe: {  	s18 =	sshll.u32 s11, $0xB;
	[sflag:s17] =	ssyncset.done $0x0  }
0xff: {  	s11 =	sadd.s32 $0xD, s11;
	s19 =	sadd.s32 $0x5000, s18;
	[sflag:s17] =	ssyncadd.s32 $0xFFFFF800  }
0x100: {  	[spmem:s2] =	stream.indirect.scatter.add.f32 [tilespmem:s19], [sflag:s11], $0x10, s9, s10, $0xb8;
	[tilespmem:$0x1F090] =	vst v63  }
0x101: {  	_ =	swait.ge [sflag:s21], $0x800  }
0x102: {  	[sflag:s21] =	ssyncset.done $0x0  }
0x103: {  	[sflag:s21] =	ssyncadd.s32 $0xFFFFF800  }
0x104: {  	_ =	swait.ge [sflag:s22], $0x800  }
0x105: {  	[sflag:s22] =	ssyncset.done $0x0  }
0x106: {  	[sflag:s22] =	ssyncadd.s32 $0xFFFFF800  }
0x107: {  	_ =	swait.ge [sflag:s23], $0x800  }
0x108: {  	[sflag:s23] =	ssyncset.done $0x0  }
0x109: {  	[sflag:s23] =	ssyncadd.s32 $0xFFFFF800  }
0x10a: {  	_ =	swait.ge [sflag:s24], $0x800  }
0x10b: {  	[sflag:s24] =	ssyncset.done $0x0  }
0x10c: {  	[sflag:s24] =	ssyncadd.s32 $0xFFFFF800  }
0x10d: {  	_ =	swait.ge [sflag:s25], $0x800  }
0x10e: {  	[sflag:s25] =	ssyncset.done $0x0  }
0x10f: {  	[sflag:s25] =	ssyncadd.s32 $0xFFFFF800  }
0x110: {  	_ =	swait.ge [sflag:s26], $0x800  }
0x111: {  	[sflag:s26] =	ssyncset.done $0x0  }
0x112: {  	[sflag:s26] =	ssyncadd.s32 $0xFFFFF800  }
0x113: {  	_ =	swait.ge [sflag:s28], $0x800  }
0x114: {  	[sflag:s28] =	ssyncset.done $0x0  }
0x115: {  	[sflag:s28] =	ssyncadd.s32 $0xFFFFF800  }
0x116: {  	_ =	swait.ge [sflag:s29], $0x800  }
0x117: {  	[sflag:s29] =	ssyncset.done $0x0  }
0x118: {  	[sflag:s29] =	ssyncadd.s32 $0xFFFFF800  }
0x119: {  	_ =	swait.ge [sflag:s30], $0x800  }
0x11a: {  	[sflag:s30] =	ssyncset.done $0x0  }
0x11b: {  	[sflag:s30] =	ssyncadd.s32 $0xFFFFF800  }
0x11c: {  	_ =	swait.ge [sflag:s31], $0x800  }
0x11d: {  	[sflag:s31] =	ssyncset.done $0x0  }
0x11e: {  	[sflag:s31] =	ssyncadd.s32 $0xFFFFF800  }
0x11f: {  	_ =	swait.ge [sflag:s0], $0x800  }
0x120: {  	[sflag:s0] =	ssyncset.done $0x0  }
0x121: {  	[sflag:s0] =	ssyncadd.s32 $0xFFFFF800  }
0x122: {  	_ =	swait.ge [sflag:s1], $0x800  }
0x123: {  	[sflag:s1] =	ssyncset.done $0x0  }
0x124: {  	[sflag:s1] =	ssyncadd.s32 $0xFFFFF800  }
0x125: {  	[bflag:$0x0] =	sbarrier.arrive $0xFFFF  }
0x126: {  	[tilespmem:s5], [sflag:$0x19] =	stream.linear.gather [spmem:s3], $0x2710, $0x38;
	[tilespmem:$0x1F090] =	vst v63  }
0x127: {  	_ =	swait.ge [sflag:s7], $0x2710  }
0x128: {  	[sflag:s7] =	ssyncset.done $0x0  }
0x129: {  	s20 =	simm.s32 $0x19A60;
	[sflag:s7] =	ssyncadd.s32 $0xFFFFD8F0  }
0x12a: {  	[spmem:s3] =	stream.linear.scatter [tilespmem:s20], [sflag:$0x19], $0x2710, $0x38;
	[tilespmem:$0x1F090] =	vst v63  }
0x12b: {  	_ =	swait.ge [sflag:s7], $0x2710  }
0x12c: {  	[sflag:s7] =	ssyncset.done $0x0  }
0x12d: {  	s9 =	simm.s32 $0x0;
	[sflag:s7] =	ssyncadd.s32 $0xFFFFD8F0  }
0x12e: {  	s11 =	simm.s32 $0x40;
	v0 =	vld [tilespmem:s9+$0xB000]  }
.LBB2_12:
0x12f: {  	p1 =	sne.s32 s11, $0x9C00;
	v1 =	vld [tilespmem:s9+$0xD710];
	_ =	sdelay $0x1  }
0x130: {  	v2 =	vld [tilespmem:s9+$0xFE20];
	_ =	sdelay $0x1  }
0x131: {  	v3 =	vld [tilespmem:s9+$0x12530]  }
0x132: {  	v0 =	vadd.f32 v1, v0;
	_ =	sdelay $0x1  }
.Ltmp5:
0x133: {  	v0 =	vmul.f32 v0, v2;
	(pc) =	sbr.rel @p1 .LBB2_12-.Ltmp5, $4  }
0x134: {  	_ = 	snop  }
0x135: {  	v1 =	vadd.f32 v0, v3  }
0x136: {  	s12 =	sshra.s32 s11, $0x2  }
0x137: {  	s11 =	sadd.s32 $0x40, s11;
	v0 =	vld [tilespmem:s12+$0xB000];
	[tilespmem:s9+$0xD710] =	vst v1;
	s9 =	smov.u32 s12  }
0x138: {  	v1 =	vld [tilespmem:s9+$0xD710];
	_ =	sdelay $0x1  }
0x139: {  	v2 =	vld [tilespmem:s9+$0xFE20];
	_ =	sdelay $0x1  }
0x13a: {  	v3 =	vld [tilespmem:s9+$0x12530]  }
0x13b: {  	v0 =	vadd.f32 v1, v0;
	_ =	sdelay $0x1  }
0x13c: {  	v0 =	vmul.f32 v0, v2;
	_ =	sdelay $0x1  }
0x13d: {  	v0 =	vadd.f32 v0, v3  }
0x13e: {  	s6 =	sadd.s32 $0x1, s6  }
0x13f: {  	s20 =	rddreg [dreg:$0x5];
	s11 =	simm.s32 $0xD710;
	p1 =	sne.s32 s6, $0x9;
	[tilespmem:s9+$0xD710] =	vst v0  }
0x140: {  	[hbm4b:s20+s8] =	stream.linear.scatter [tilespmem:s11], [sflag:$0x19], $0x2710, $0x38;
	[tilespmem:$0x1F090] =	vst v63  }
.Ltmp6:
0x141: {  	_ =	swait.ge [sflag:s7], $0x2710;
	(pc) =	sbr.rel @p1 .LBB2_9-.Ltmp6, $3  }
0x142: {  	[sflag:s7] =	ssyncset.done $0x0  }
0x143: {  	[sflag:s7] =	ssyncadd.s32 $0xFFFFD8F0  }
0x144: {  	[bflag:$0x0] =	sbarrier.arrive $0xFFFF;
	_ =	sdelay $0x1  }
0x145: {  	s0 =	simm.s32 $0x80;
	s1 =	simm.s32 $0x0;
	s5 =	simm.s32 $0x5000  }
0x146: {  	s21 =	simm.s32 $0x5800;
	s22 =	simm.s32 $0x100;
	s6 =	simm.s32 $0x6000  }
0x147: {  	s23 =	simm.s32 $0x180;
	s24 =	simm.s32 $0x6800;
	s25 =	simm.s32 $0x200  }
0x148: {  	s26 =	simm.s32 $0x7000;
	s28 =	simm.s32 $0x6;
	s29 =	simm.s32 $0x280  }
0x149: {  	[tilespmem:s5], [sflag:$0x1] =	stream.indirect.gather [hbm4b:s4+s0], $0x10, s1, s0, $0xb8;
	[tilespmem:$0x1F090] =	vst v63  }
0x14a: {  	s7 =	simm.s32 $0x7800;
	s9 =	simm.s32 $0x300;
	s5 =	smul.u32 $0xAB, s28  }
0x14b: {  	[tilespmem:s21], [sflag:$0x2] =	stream.indirect.gather [hbm4b:s4+s0], $0x10, s0, s0, $0xb8;
	[tilespmem:$0x1F090] =	vst v63  }
0x14c: {  	s8 =	simm.s32 $0x2;
	p1 =	por $0x0, $0x0;
	s5 =	sshrl.u32 s5, $0xB  }
0x14d: {  	s30 =	smul.u32 $0xAB, s1;
	s1 =	simm.s32 $0x1;
	s5 =	sand.u32 $0x1F, s5  }
0x14e: {  	[tilespmem:s6], [sflag:$0x3] =	stream.indirect.gather [hbm4b:s4+s0], $0x10, s22, s0, $0xb8;
	[tilespmem:$0x1F090] =	vst v63  }
0x14f: {  	p2 =	por @!p1 $0x1, $0x1;
	s5 =	smul.u32 $0xC, s5;
	s6 =	sshrl.u32 s30, $0xB  }
0x150: {  	[tilespmem:s24], [sflag:$0x4] =	stream.indirect.gather [hbm4b:s4+s0], $0x10, s23, s0, $0xb8;
	[tilespmem:$0x1F090] =	vst v63  }
0x151: {  	s13 =	simm.s32 @!p1 $0x80;
	s6 =	sand.u32 $0x1F, s6;
	s5 =	ssub.s32 $0x6, s5  }
0x152: {  	p2 =	por p2, p1;
	s6 =	smul.u32 $0xC, s6;
	s5 =	sand.u32 $0xFF, s5  }
0x153: {  	[tilespmem:s26], [sflag:$0x5] =	stream.indirect.gather [hbm4b:s4+s0], $0x10, s25, s0, $0xb8;
	[tilespmem:$0x1F090] =	vst v63  }
0x154: {  	s10 =	sadd.s32 @!p2 $0xD, s5;
	s11 =	sshll.u32 @!p1 s5, $0xB;
	s12 =	sadd.s32 @!p1 $0x1, s5  }
0x155: {  	[tilespmem:s7], [sflag:$0x6] =	stream.indirect.gather [hbm4b:s4+s0], $0x10, s29, s0, $0xb8;
	[tilespmem:$0x1F090] =	vst v63  }
0x156: {  	s6 =	ssub.s32 $0x0, s6;
	s5 =	simm.s32 $0x380;
	_ =	swait.ge @!p2 [sflag:s10], $0x800  }
0x157: {  	s14 =	sand.u32 $0xFF, s6;
	s6 =	sadd.s32 @!p1 $0x5000, s11;
	[sflag:s10] =	ssyncset.done @!p2 $0x0  }
0x158: {  	s7 =	simm.s32 $0x2800;
	s15 =	sadd.s32 $0x1, s14;
	[sflag:s10] =	ssyncadd.s32 @!p2 $0xFFFFF800  }
0x159: {  	[tilespmem:s6], [sflag:s12] =	stream.indirect.gather @!p1 [hbm4b:s4+s13], $0x10, s9, s13, $0xb8;
	[tilespmem:$0x1F090] =	vst v63  }
0x15a: {  	s31 =	sshll.u32 s14, $0xB;
	s11 =	sadd.s32 $0xD, s14;
	_ =	swait.ge [sflag:s15], $0x800  }
0x15b: {  	s6 =	simm.s32 $0x2880;
	s9 =	simm.s32 $0x7;
	[sflag:s15] =	ssyncset.done $0x0  }
0x15c: {  	s12 =	sadd.s32 $0x5000, s31;
	s10 =	smul.u32 $0xAB, s9;
	[sflag:s15] =	ssyncadd.s32 $0xFFFFF800  }
.LBB2_15:
0x15d: {  	[spmem:s2] =	stream.indirect.scatter.add.f32 [tilespmem:s12], [sflag:s11], $0x10, s7, s0, $0xb8;
	[tilespmem:$0x1F090] =	vst v63  }
0x15e: {  	s11 =	smov.u32 s1;
	s1 =	smov.u32 s8;
	s12 =	smov.u32 s5  }
0x15f: {  	s8 =	sadd.s32 $0x1, s8;
	s7 =	smov.u32 s6;
	s10 =	sshrl.u32 s10, $0xB  }
0x160: {  	p1 =	sne.s32 s8, $0x50;
	s13 =	smul.u32 $0xAB, s11;
	s10 =	sand.u32 $0x1F, s10  }
0x161: {  	s10 =	smul.u32 $0xC, s10  }
0x162: {  	p2 =	sgt.u32 s11, $0x49;
	s13 =	sshrl.u32 s13, $0xB  }
0x163: {  	p3 =	slt.u32 @!p2 s11, $0x6;
	s9 =	ssub.s32 s9, s10;
	s10 =	sand.u32 $0x1F, s13  }
0x164: {  	p3 =	por p3, p2;
	s9 =	sand.u32 $0xFF, s9;
	s10 =	smul.u32 $0xC, s10  }
0x165: {  	s13 =	sadd.s32 @!p3 $0xD, s9;
	s14 =	sshll.u32 @!p2 s9, $0xB;
	s9 =	sadd.s32 @!p2 $0x1, s9  }
0x166: {  	s5 =	sadd.s32 $0x80, s5;
	_ =	swait.ge @!p3 [sflag:s13], $0x800;
	s10 =	ssub.s32 s11, s10  }
0x167: {  	s11 =	simm.s32 @!p2 $0x80;
	[sflag:s13] =	ssyncset.done @!p3 $0x0;
	s10 =	sand.u32 $0xFF, s10  }
0x168: {  	[sflag:s13] =	ssyncadd.s32 @!p3 $0xFFFFF800  }
.Ltmp7:
0x169: {  	s13 =	sadd.s32 @!p2 $0x5000, s14;
	s14 =	sadd.s32 $0x1, s10;
	(pc) =	sbr.rel @p1 .LBB2_15-.Ltmp7, $4  }
0x16a: {  	[tilespmem:s13], [sflag:s9] =	stream.indirect.gather @!p2 [hbm4b:s4+s11], $0x10, s12, s11, $0xb8;
	[tilespmem:$0x1F090] =	vst v63  }
0x16b: {  	s6 =	sadd.s32 $0x80, s6;
	s12 =	sshll.u32 s10, $0xB;
	_ =	swait.ge [sflag:s14], $0x800  }
0x16c: {  	s9 =	sadd.s32 $0x6, s1;
	s11 =	sadd.s32 $0xD, s10;
	[sflag:s14] =	ssyncset.done $0x0  }
0x16d: {  	s10 =	smul.u32 $0xAB, s9;
	s12 =	sadd.s32 $0x5000, s12;
	[sflag:s14] =	ssyncadd.s32 $0xFFFFF800  }
0x16e: {  	[spmem:s2] =	stream.indirect.scatter.add.f32 [tilespmem:s12], [sflag:s11], $0x10, s7, s0, $0xb8;
	[tilespmem:$0x1F090] =	vst v63  }
0x16f: {  	s8 =	smul.u32 $0xAB, s1;
	s13 =	sshrl.u32 s10, $0xB  }
0x170: {  	s7 =	sand.u32 $0x1F, s13  }
0x171: {  	s8 =	sshrl.u32 s8, $0xB;
	s7 =	smul.u32 $0xC, s7  }
0x172: {  	p1 =	sgt.u32 s1, $0x49;
	s8 =	sand.u32 $0x1F, s8  }
0x173: {  	p2 =	slt.u32 @!p1 s1, $0x6;
	s8 =	smul.u32 $0xC, s8;
	s7 =	ssub.s32 s9, s7  }
0x174: {  	p2 =	por p2, p1;
	s7 =	sand.u32 $0xFF, s7  }
0x175: {  	s14 =	ssub.s32 s1, s8;
	s9 =	sadd.s32 @!p2 $0xD, s7  }
0x176: {  	s8 =	simm.s32 @!p1 $0x80;
	s10 =	sshll.u32 @!p1 s7, $0xB;
	_ =	swait.ge @!p2 [sflag:s9], $0x800  }
0x177: {  	s7 =	sadd.s32 @!p1 $0x1, s7;
	s1 =	sand.u32 $0xFF, s14;
	[sflag:s9] =	ssyncset.done @!p2 $0x0  }
0x178: {  	s15 =	sadd.s32 $0x1, s1;
	[sflag:s9] =	ssyncadd.s32 @!p2 $0xFFFFF800;
	s9 =	sadd.s32 @!p1 $0x5000, s10  }
0x179: {  	[tilespmem:s9], [sflag:s7] =	stream.indirect.gather @!p1 [hbm4b:s4+s8], $0x10, s5, s8, $0xb8;
	[tilespmem:$0x1F090] =	vst v63  }
0x17a: {  	_ =	swait.ge [sflag:s15], $0x800  }
0x17b: {  	s17 =	simm.s32 $0xD;
	s16 =	sshll.u32 s1, $0xB;
	[sflag:s15] =	ssyncset.done $0x0  }
0x17c: {  	s1 =	sadd.s32 $0xD, s1;
	s4 =	sadd.s32 $0x5000, s16;
	[sflag:s15] =	ssyncadd.s32 $0xFFFFF800  }
0x17d: {  	[spmem:s2] =	stream.indirect.scatter.add.f32 [tilespmem:s4], [sflag:s1], $0x10, s6, s0, $0xb8;
	[tilespmem:$0x1F090] =	vst v63  }
0x17e: {  	_ =	swait.ge [sflag:s17], $0x800  }
0x17f: {  	[sflag:s17] =	ssyncset.done $0x0  }
0x180: {  	s18 =	simm.s32 $0xE;
	[sflag:s17] =	ssyncadd.s32 $0xFFFFF800  }
0x181: {  	_ =	swait.ge [sflag:s18], $0x800  }
0x182: {  	[sflag:s18] =	ssyncset.done $0x0  }
0x183: {  	s19 =	simm.s32 $0xF;
	[sflag:s18] =	ssyncadd.s32 $0xFFFFF800  }
0x184: {  	_ =	swait.ge [sflag:s19], $0x800  }
0x185: {  	[sflag:s19] =	ssyncset.done $0x0  }
0x186: {  	s20 =	simm.s32 $0x10;
	[sflag:s19] =	ssyncadd.s32 $0xFFFFF800  }
0x187: {  	_ =	swait.ge [sflag:s20], $0x800  }
0x188: {  	[sflag:s20] =	ssyncset.done $0x0  }
0x189: {  	s21 =	simm.s32 $0x11;
	[sflag:s20] =	ssyncadd.s32 $0xFFFFF800  }
0x18a: {  	_ =	swait.ge [sflag:s21], $0x800  }
0x18b: {  	[sflag:s21] =	ssyncset.done $0x0  }
0x18c: {  	s22 =	simm.s32 $0x12;
	[sflag:s21] =	ssyncadd.s32 $0xFFFFF800  }
0x18d: {  	_ =	swait.ge [sflag:s22], $0x800  }
0x18e: {  	[sflag:s22] =	ssyncset.done $0x0  }
0x18f: {  	s23 =	simm.s32 $0x13;
	[sflag:s22] =	ssyncadd.s32 $0xFFFFF800  }
0x190: {  	_ =	swait.ge [sflag:s23], $0x800  }
0x191: {  	[sflag:s23] =	ssyncset.done $0x0  }
0x192: {  	s24 =	simm.s32 $0x14;
	[sflag:s23] =	ssyncadd.s32 $0xFFFFF800  }
0x193: {  	_ =	swait.ge [sflag:s24], $0x800  }
0x194: {  	[sflag:s24] =	ssyncset.done $0x0  }
0x195: {  	s25 =	simm.s32 $0x15;
	[sflag:s24] =	ssyncadd.s32 $0xFFFFF800  }
0x196: {  	_ =	swait.ge [sflag:s25], $0x800  }
0x197: {  	[sflag:s25] =	ssyncset.done $0x0  }
0x198: {  	s26 =	simm.s32 $0x16;
	[sflag:s25] =	ssyncadd.s32 $0xFFFFF800  }
0x199: {  	_ =	swait.ge [sflag:s26], $0x800  }
0x19a: {  	[sflag:s26] =	ssyncset.done $0x0  }
0x19b: {  	s28 =	simm.s32 $0x17;
	[sflag:s26] =	ssyncadd.s32 $0xFFFFF800  }
0x19c: {  	_ =	swait.ge [sflag:s28], $0x800  }
0x19d: {  	[sflag:s28] =	ssyncset.done $0x0  }
0x19e: {  	s29 =	simm.s32 $0x18;
	[sflag:s28] =	ssyncadd.s32 $0xFFFFF800  }
0x19f: {  	_ =	swait.ge [sflag:s29], $0x800  }
0x1a0: {  	[sflag:s29] =	ssyncset.done $0x0  }
0x1a1: {  	[sflag:s29] =	ssyncadd.s32 $0xFFFFF800  }
0x1a2: {  	s30 =	simm.s32 $0xB000;
	s31 =	simm.s32 $0x19;
	[bflag:$0x0] =	sbarrier.arrive $0xFFFF  }
0x1a3: {  	[tilespmem:s30], [sflag:$0x19] =	stream.linear.gather [spmem:s3], $0x2710, $0x38;
	[tilespmem:$0x1F090] =	vst v63  }
0x1a4: {  	_ =	swait.ge [sflag:s31], $0x2710  }
0x1a5: {  	[sflag:s31] =	ssyncset.done $0x0  }
0x1a6: {  	s0 =	simm.s32 $0x0;
	[sflag:s31] =	ssyncadd.s32 $0xFFFFD8F0  }
0x1a7: {  	v0 =	vld [tilespmem:s0+$0x14C40]  }
0x1a8: {  	s1 =	simm.s32 $0x40;
	v1 =	vld [tilespmem:s0+$0xD710]  }
.LBB2_17:
0x1a9: {  	p1 =	sne.s32 s1, $0x9C00;
	v2 =	vld [tilespmem:s0+$0xB000];
	_ =	sdelay $0x1  }
0x1aa: {  	v3 =	vld [tilespmem:s0+$0x17350];
	_ =	sdelay $0x2  }
0x1ab: {  	v0 =	vmul.f32 $8.999999760e-01, v0;
	v1 =	vadd.f32 v1, v2;
	_ =	sdelay $0x1  }
0x1ac: {  	v0 =	vmul.f32 v1, v0;
	v1 =	vmul.f32 $1.000000010e-01, v3;
	_ =	sdelay $0x1  }
0x1ad: {  	v0 =	vadd.f32 v1, v0;
	_ =	sdelay $0x1  }
0x1ae: {  	(xrf2) =	vadd.scan.msk.f32 $0xffff, v0;
	_ =	sdelay $0x9  }
0x1af: {  	v1, _, _ =	vpop (xrf2)  }
0x1b0: {  	(v2sf) =	vpush v1, $0xF;
	_ =	sdelay $0xe  }
0x1b1: {  	s2 =	spop (v2sf)  }
0x1b2: {  	s2 =	sadd.f32 $1.000000000e+01, s2;
	_ =	sdelay $0x1  }
0x1b3: {  	v1 =	vmov s2  }
0x1b4: {  	(erf) = vrcp.f32 v1;
	_ =	sdelay $0x7  }
.Ltmp8:
0x1b5: {  	v0 =	vadd.f32 $1.000000000e+00, v0;
	(pc) =	sbr.rel @p1 .LBB2_17-.Ltmp8, $4  }
0x1b6: {  	v1 =	vpop (erf)  }
0x1b7: {  	s2 =	sshra.s32 s1, $0x2;
	v2 =	vmul.f32 v1, v0  }
0x1b8: {  	v0 =	vld [tilespmem:s2+$0x14C40]  }
0x1b9: {  	s1 =	sadd.s32 $0x40, s1;
	v1 =	vld [tilespmem:s2+$0xD710];
	[tilespmem:s0+$0xB000] =	vst v2;
	s0 =	smov.u32 s2  }
0x1ba: {  	v2 =	vld [tilespmem:s0+$0xB000];
	_ =	sdelay $0x1  }
0x1bb: {  	v3 =	vld [tilespmem:s0+$0x17350];
	_ =	sdelay $0x2  }
0x1bc: {  	v0 =	vmul.f32 $8.999999760e-01, v0;
	v1 =	vadd.f32 v1, v2;
	_ =	sdelay $0x1  }
0x1bd: {  	v61 =	vmul.f32 $1.000000010e-01, v3;
	v0 =	vmul.f32 v1, v0;
	_ =	sdelay $0x1  }
0x1be: {  	v0 =	vadd.f32 v61, v0;
	_ =	sdelay $0x1  }
0x1bf: {  	(xrf2) =	vadd.scan.msk.f32 $0xffff, v0;
	_ =	sdelay $0x9  }
0x1c0: {  	v62, _, _ =	vpop (xrf2)  }
0x1c1: {  	(v2sf) =	vpush v62, $0xF;
	_ =	sdelay $0xe  }
0x1c2: {  	s1 =	spop (v2sf)  }
0x1c3: {  	s1 =	sadd.f32 $1.000000000e+01, s1;
	_ =	sdelay $0x1  }
0x1c4: {  	v63 =	vmov s1  }
0x1c5: {  	(erf) = vrcp.f32 v63;
	_ =	sdelay $0x7  }
0x1c6: {  	v0 =	vadd.f32 $1.000000000e+00, v0  }
0x1c7: {  	v1 =	vpop (erf)  }
0x1c8: {  	v0 =	vmul.f32 v1, v0  }
0x1c9: {  	s29 =	simm.s32 $0x0  }
0x1ca: {  	s30 =	simm.s32 $0xB000;
	s2 =	rddreg [dreg:$0x4];
	s31 =	simm.s32 $0x19;
	[tilespmem:s0+$0xB000] =	vst v0  }
0x1cb: {  	[hbm4b:s2+s29] =	stream.linear.scatter [tilespmem:s30], [sflag:$0x19], $0x2710, $0x38;
	[tilespmem:$0x1F090] =	vst v63  }
0x1cc: {  	_ =	swait.ge [sflag:s31], $0x2710  }
0x1cd: {  	[sflag:s31] =	ssyncset.done $0x0  }
0x1ce: {  	[sflag:s31] =	ssyncadd.s32 $0xFFFFD8F0  }
0x1cf: {  	_ =	sfence.sel $0x180000  }
0x1d0: {  	[bflag:$0x0] =	sbarrier.arrive $0xFFFF  }
0x1d1: {  	_ =	strace $0x90000047  }
0x1d2: {  	[bflag:$0x2] =	sbarrier.arrive $0xFFFF  }
0x1d3: {  	s0 =	rddreg [dreg:$0x3]  }
0x1d4: {  	s0 =	sadd.s32 @!p0 $0x100000, s0  }
0x1d5: {  	[sflag:s0] =	ssyncadd.tile.s32 @!p0 $0x1;
	_ =	shalt  }
.Lfunc_end2:
_tile_overlayer_lowered:
.L_overlay_start_2:
0x1d6: {  	(tag) =	ssettag $0x2  }
0x1d7: {  	s0 =	rddreg [dreg:$0x0];
	s2 =	stileid.u32  }
0x1d8: {  	s1 =	rddreg [dreg:$0x1];
	p0 =	sne.s32 s2, $0x0  }
0x1d9: {  	s3 =	rddreg [dreg:$0x2];
	[bflag:$0x3] =	sbarrier.arrive $0xFFFF;
	s2 =	simm.s32 @!p0 $0x1C19  }
0x1da: {  	[timem:s3], [sflag:s2] =	dma.local @!p0 [hbm:s0], s1  }
0x1db: {  	s0 =	simm.s32 @!p0 $0x19  }
0x1dc: {  	_ =	swait.ge @!p0 [sflag:s0], s1  }
0x1dd: {  	s1 =	ssub.s32 @!p0 $0x0, s1;
	[sflag:s0] =	ssyncset.done @!p0 $0x0  }
0x1de: {  	[sflag:s0] =	ssyncadd.s32 @!p0 s1  }
0x1df: {  	[bflag:$0x3] =	sbarrier.arrive $0xFFFF  }
0x1e0: {  	_ =	shalt  }

</sc_bundles>
